<compile_context>
chip_gen: v7x
topology: tpu7x:2x2x1
jax: 0.10.2.dev20260603
libtpu: 0.0.44.dev20260713+nightly
codegen_flags: <defaults>
</compile_context>

<pallas_src>
import functools
import math

import jax
import jax.numpy as jnp
import numpy as np
from jax import lax
from jax.experimental import pallas as pl
from jax.experimental.pallas import tpu as pltpu
from jax.experimental.pallas import tpu_sc as plsc

NC = 2
NS = 16
NW = NC * NS
LANES = 16
CHUNK = 128


def _round_up(x, m):
    return ((x + m - 1) // m) * m



def _t1_body(x_ref, nt_ref, lutW_ref, lutb_ref, Wk_ref, bk_ref, Wq_ref,
             bq_ref, Wv_ref, bv_ref, KBD_ref, VBD_ref,
             q_out, krot_out, vrot_out, h_out):
    T = lutW_ref.shape[0]
    R = KBD_ref.shape[0]
    xb = x_ref[...]
    nt = nt_ref[...]
    masks = [(1 - jnp.minimum(jnp.abs(nt - t), 1)).astype(jnp.float32)
             for t in range(T)]
    h = xb * masks[0]
    for t in range(1, T):
        m = jnp.dot(xb, lutW_ref[t], preferred_element_type=jnp.float32)
        m = m + lutb_ref[t]
        h = h + m * masks[t]
    h_out[...] = h

    def sel_proj(W_ref, b_ref):
        out = None
        for t in range(T):
            m = jnp.dot(h, W_ref[t], preferred_element_type=jnp.float32)
            m = (m + b_ref[t]) * masks[t]
            out = m if out is None else out + m
        return out

    k = sel_proj(Wk_ref, bk_ref)
    q = sel_proj(Wq_ref, bq_ref)
    v = sel_proj(Wv_ref, bv_ref)
    q_out[...] = q
    for r in range(R):
        krot_out[r] = jnp.dot(k, KBD_ref[r], preferred_element_type=jnp.float32)
        vrot_out[r] = jnp.dot(v, VBD_ref[r], preferred_element_type=jnp.float32)


def _t1_call(x, nt2, lutW, lutb, Wk, bk, Wq, bq, Wv, bv, KBD, VBD):
    N, DIN = x.shape
    R = KBD.shape[0]
    F = KBD.shape[2]
    B = 1000 if N % 1000 == 0 else N
    grid = (N // B,)
    full = lambda a: pl.BlockSpec(a.shape, lambda i: (0,) * a.ndim)
    return pl.pallas_call(
        _t1_body,
        grid=grid,
        in_specs=[
            pl.BlockSpec((B, DIN), lambda i: (i, 0)),
            pl.BlockSpec((B, 1), lambda i: (i, 0)),
            full(lutW), full(lutb), full(Wk), full(bk), full(Wq), full(bq),
            full(Wv), full(bv), full(KBD), full(VBD),
        ],
        out_specs=[
            pl.BlockSpec((B, F), lambda i: (i, 0)),
            pl.BlockSpec((R, B, F), lambda i: (0, i, 0)),
            pl.BlockSpec((R, B, F), lambda i: (0, i, 0)),
            pl.BlockSpec((B, DIN), lambda i: (i, 0)),
        ],
        out_shape=[
            jax.ShapeDtypeStruct((N, F), jnp.float32),
            jax.ShapeDtypeStruct((R, N, F), jnp.float32),
            jax.ShapeDtypeStruct((R, N, F), jnp.float32),
            jax.ShapeDtypeStruct((N, DIN), jnp.float32),
        ],
    )(x, nt2, lutW, lutb, Wk, bk, Wq, bq, Wv, bv, KBD, VBD)



VW = 128


def _make_sc_edge(N, NPAD, E, F, H, CHUNK=CHUNK):
    Dh = F // H
    assert Dh % LANES == 0 and F % LANES == 0
    split_den = F + LANES > VW
    assert E % CHUNK == 0
    nch = E // CHUNK
    base_ch, extra_ch = nch // NW, nch % NW
    zrows = NPAD // NS
    assert NPAD % (NS * 8) == 0
    NP8 = NPAD // 8
    wrows = NP8 // NS
    mesh = plsc.VectorSubcoreMesh(
        core_axis_name="c", subcore_axis_name="s", num_cores=NC,
        num_subcores=NS)

    out_type = [jax.ShapeDtypeStruct((NC, NPAD, VW), jnp.float32)]
    scratch = [
        pltpu.VMEM((CHUNK,), jnp.int32),
        pltpu.VMEM((CHUNK,), jnp.int32),
        pltpu.VMEM((CHUNK,), jnp.int32),
        pltpu.VMEM((CHUNK,), jnp.int32),
        pltpu.VMEM((CHUNK, F), jnp.float32),
        pltpu.VMEM((CHUNK, F), jnp.float32),
    ] + ([] if split_den else [
        pltpu.VMEM((CHUNK, F), jnp.float32),
    ]) + [
        pltpu.VMEM((CHUNK, VW), jnp.float32),
        pltpu.VMEM_SHARED((NPAD, VW), jnp.float32),
        pltpu.SemaphoreType.DMA,
        pltpu.SemaphoreType.DMA,
        pltpu.SemaphoreType.DMA,
    ]
    if split_den:
        assert F == VW and NP8 % (NS * 8) == 0
        out_type.append(jax.ShapeDtypeStruct((NC, NP8, VW), jnp.float32))
        scratch += [
            pltpu.VMEM((CHUNK,), jnp.int32),
            pltpu.VMEM((CHUNK, LANES), jnp.float32),
            pltpu.VMEM_SHARED((NP8, VW), jnp.float32),
        ]
    else:
        assert F + LANES <= VW

    @functools.partial(pl.kernel, out_type=out_type, mesh=mesh,
                       scratch_types=scratch)
    def edge_kernel(*refs):
        krot_hbm, vrot_hbm, q_hbm, src_hbm, dst_hbm, et_hbm, zeros_hbm = \
            refs[:7]
        if split_den:
            out_hbm, outw_hbm = refs[7:9]
            (srcv, dstv, etv, gidxv, krv, qdv, rowsv, acc_sh,
             sem1, sem2, sem3, dst8v, wbuf, accw_sh) = refs[9:]
            vrv = rowsv
        else:
            out_hbm = refs[7]
            (srcv, dstv, etv, gidxv, krv, qdv, vrv, rowsv, acc_sh,
             sem1, sem2, sem3) = refs[8:]

        cid = lax.axis_index("c")
        sid = lax.axis_index("s")
        wid = sid * NC + cid
        pltpu.sync_copy(zeros_hbm.at[pl.ds(0, zrows)],
                        acc_sh.at[pl.ds(sid * zrows, zrows)])
        if split_den:
            pltpu.sync_copy(zeros_hbm.at[pl.ds(0, wrows)],
                            accw_sh.at[pl.ds(sid * wrows, wrows)])
        else:
            pltpu.sync_copy(zeros_hbm.at[pl.ds(0, CHUNK)], rowsv)
        plsc.subcore_barrier()

        iota = lax.iota(jnp.int32, LANES)
        perms = [iota ^ k for k in (8, 4, 2, 1)]
        onehots = [(1 - jnp.minimum(jnp.abs(iota - h), 1)).astype(jnp.float32)
                   for h in range(H)]

        def hsum(v):
            for p in perms:
                v = v + v.at[p].get(mode='promise_in_bounds')
            return v

        nchunks = base_ch + jnp.where(wid < extra_ch, 1, 0)

        def chunk_body(j, carry):
            base = (wid + j * NW) * CHUNK
            base = pl.multiple_of(base, 8)
            pltpu.sync_copy(src_hbm.at[pl.ds(base, CHUNK)], srcv)
            pltpu.sync_copy(dst_hbm.at[pl.ds(base, CHUNK)], dstv)
            pltpu.sync_copy(et_hbm.at[pl.ds(base, CHUNK)], etv)
            for i in range(CHUNK // LANES):
                sl = pl.ds(i * LANES, LANES)
                gidxv[sl] = etv[sl] * N + srcv[sl]
                if split_den:
                    dst8v[sl] = dstv[sl] >> 3
            cp1 = pltpu.async_copy(krot_hbm.at[gidxv], krv, sem1)
            cp2 = pltpu.async_copy(q_hbm.at[dstv], qdv, sem2)
            cp3 = pltpu.async_copy(vrot_hbm.at[gidxv], vrv, sem3)
            cp1.wait()
            cp2.wait()
            cp3.wait()

            def edge_body(e, c2):
                whs = []
                for h in range(H):
                    acc = None
                    for c in range(h * Dh // LANES, (h + 1) * Dh // LANES):
                        p = (krv[e, pl.ds(c * LANES, LANES)] *
                             qdv[e, pl.ds(c * LANES, LANES)])
                        acc = p if acc is None else acc + p
                    whs.append(jnp.exp(hsum(acc)))
                for c in range(F // LANES):
                    vv = vrv[e, pl.ds(c * LANES, LANES)]
                    rowsv[e, pl.ds(c * LANES, LANES)] = (
                        vv * whs[(c * LANES) // Dh])
                wcol = None
                for h in range(H):
                    term = whs[h] * onehots[h]
                    wcol = term if wcol is None else wcol + term
                if split_den:
                    wbuf[e, pl.ds(0, LANES)] = wcol
                else:
                    rowsv[e, pl.ds(F, LANES)] = wcol
                return c2

            lax.fori_loop(0, CHUNK, edge_body, 0)
            pltpu.sync_copy(rowsv, acc_sh.at[dstv], add=True)
            if split_den:
                def den_body(e, c2):
                    wcol = wbuf[e, pl.ds(0, LANES)]
                    ge = (e >> 4) * LANES
                    dv = dstv[pl.ds(ge, LANES)]
                    bc = dv.at[jnp.full((LANES,), e & (LANES - 1),
                                        jnp.int32)].get(
                        mode='promise_in_bounds')
                    slotv = bc & 7
                    for s in range(8):
                        m = (1 - jnp.minimum(jnp.abs(slotv - s), 1)
                             ).astype(jnp.float32)
                        rowsv[e, pl.ds(s * LANES, LANES)] = wcol * m
                    return c2

                lax.fori_loop(0, CHUNK, den_body, 0)
                pltpu.sync_copy(rowsv, accw_sh.at[dst8v], add=True)
            return carry

        lax.fori_loop(0, nchunks, chunk_body, 0)
        plsc.subcore_barrier()
        pltpu.sync_copy(acc_sh.at[pl.ds(sid * zrows, zrows)],
                        out_hbm.at[cid].at[pl.ds(sid * zrows, zrows)])
        if split_den:
            pltpu.sync_copy(accw_sh.at[pl.ds(sid * wrows, wrows)],
                            outw_hbm.at[cid].at[pl.ds(sid * wrows, wrows)])

    return edge_kernel


def _make_sc_edge_packed(N, NPAD, E, F, H, CHUNK=CHUNK):
    Dh = F // H
    assert Dh % LANES == 0 and 2 * F + LANES <= VW
    assert E % CHUNK == 0
    nch = E // CHUNK
    base_ch, extra_ch = nch // NW, nch % NW
    zrows = NPAD // NS
    mesh = plsc.VectorSubcoreMesh(
        core_axis_name="c", subcore_axis_name="s", num_cores=NC,
        num_subcores=NS)

    out_type = [jax.ShapeDtypeStruct((NC, NPAD, VW), jnp.float32)]
    scratch = [
        pltpu.VMEM((CHUNK,), jnp.int32),
        pltpu.VMEM((CHUNK,), jnp.int32),
        pltpu.VMEM((CHUNK,), jnp.int32),
        pltpu.VMEM((CHUNK,), jnp.int32),
        pltpu.VMEM((CHUNK, VW), jnp.float32),
        pltpu.VMEM((CHUNK, VW), jnp.float32),
        pltpu.VMEM((CHUNK, VW), jnp.float32),
        pltpu.VMEM_SHARED((NPAD, VW), jnp.float32),
        pltpu.SemaphoreType.DMA,
        pltpu.SemaphoreType.DMA,
    ]

    @functools.partial(pl.kernel, out_type=out_type, mesh=mesh,
                       scratch_types=scratch)
    def edge_kernel(kv_hbm, q_hbm, src_hbm, dst_hbm, et_hbm, zeros_hbm,
                    out_hbm, srcv, dstv, etv, gidxv, kvv, qdv, rowsv, acc_sh,
                    sem1, sem2):
        cid = lax.axis_index("c")
        sid = lax.axis_index("s")
        wid = sid * NC + cid
        pltpu.sync_copy(zeros_hbm.at[pl.ds(0, zrows)],
                        acc_sh.at[pl.ds(sid * zrows, zrows)])
        pltpu.sync_copy(zeros_hbm.at[pl.ds(0, CHUNK)], rowsv)
        plsc.subcore_barrier()

        iota = lax.iota(jnp.int32, LANES)
        perms = [iota ^ k for k in (8, 4, 2, 1)]
        onehots = [(1 - jnp.minimum(jnp.abs(iota - h), 1)).astype(jnp.float32)
                   for h in range(H)]

        def hsum(v):
            for p in perms:
                v = v + v.at[p].get(mode='promise_in_bounds')
            return v

        nchunks = base_ch + jnp.where(wid < extra_ch, 1, 0)

        def chunk_body(j, carry):
            base = (wid + j * NW) * CHUNK
            base = pl.multiple_of(base, 8)
            pltpu.sync_copy(src_hbm.at[pl.ds(base, CHUNK)], srcv)
            pltpu.sync_copy(dst_hbm.at[pl.ds(base, CHUNK)], dstv)
            pltpu.sync_copy(et_hbm.at[pl.ds(base, CHUNK)], etv)
            for i in range(CHUNK // LANES):
                sl = pl.ds(i * LANES, LANES)
                gidxv[sl] = etv[sl] * N + srcv[sl]
            cp1 = pltpu.async_copy(kv_hbm.at[gidxv], kvv, sem1)
            cp2 = pltpu.async_copy(q_hbm.at[dstv], qdv, sem2)
            cp1.wait()
            cp2.wait()

            def edge_body(e, c2):
                whs = []
                for h in range(H):
                    acc = None
                    for c in range(h * Dh // LANES, (h + 1) * Dh // LANES):
                        p = (kvv[e, pl.ds(c * LANES, LANES)] *
                             qdv[e, pl.ds(c * LANES, LANES)])
                        acc = p if acc is None else acc + p
                    whs.append(jnp.exp(hsum(acc)))
                for c in range(F // LANES):
                    vv = kvv[e, pl.ds(F + c * LANES, LANES)]
                    rowsv[e, pl.ds(c * LANES, LANES)] = (
                        vv * whs[(c * LANES) // Dh])
                wcol = None
                for h in range(H):
                    term = whs[h] * onehots[h]
                    wcol = term if wcol is None else wcol + term
                rowsv[e, pl.ds(F, LANES)] = wcol
                return c2

            lax.fori_loop(0, CHUNK, edge_body, 0)
            pltpu.sync_copy(rowsv, acc_sh.at[dstv], add=True)
            return carry

        lax.fori_loop(0, nchunks, chunk_body, 0)
        plsc.subcore_barrier()
        pltpu.sync_copy(acc_sh.at[pl.ds(sid * zrows, zrows)],
                        out_hbm.at[cid].at[pl.ds(sid * zrows, zrows)])

    return edge_kernel



def _t2_body(parts_ref, wn_ref, h0_ref, nt_ref, EXP_ref, Wa_ref, ba_ref,
             skip_ref, Wk_ref, bk_ref, Wq_ref, bq_ref, Wv_ref, bv_ref,
             K1_ref, V1_ref, q1_out, kv1_out):
    T = Wa_ref.shape[0]
    R = K1_ref.shape[0]
    F = EXP_ref.shape[1]
    p = parts_ref[0] + parts_ref[1]
    w = wn_ref[0] + wn_ref[1]
    den = jnp.dot(w, EXP_ref[...], preferred_element_type=jnp.float32) + 1e-9
    agg = p[:, :F] / den
    nt = nt_ref[...]
    masks = [(1 - jnp.minimum(jnp.abs(nt - t), 1)).astype(jnp.float32)
             for t in range(T)]

    def sel_proj(hin, W_ref, b_ref):
        out = None
        for t in range(T):
            m = jnp.dot(hin, W_ref[t], preferred_element_type=jnp.float32)
            m = (m + b_ref[t]) * masks[t]
            out = m if out is None else out + m
        return out

    out0 = sel_proj(agg, Wa_ref, ba_ref)
    sig = jax.nn.sigmoid(skip_ref[...])
    a = None
    for t in range(T):
        at = masks[t] * sig[t]
        a = at if a is None else a + at
    h1 = out0 * a + h0_ref[...] * (1.0 - a)

    k1 = sel_proj(h1, Wk_ref, bk_ref)
    q1 = sel_proj(h1, Wq_ref, bq_ref)
    v1 = sel_proj(h1, Wv_ref, bv_ref)
    B = q1.shape[0]
    F1 = K1_ref.shape[2]
    q1_out[...] = jnp.concatenate(
        [q1, jnp.zeros((B, VW - F1), jnp.float32)], axis=-1)
    zkv = jnp.zeros((B, VW - 2 * F1), jnp.float32)
    for r in range(R):
        kr = jnp.dot(k1, K1_ref[r], preferred_element_type=jnp.float32)
        vr = jnp.dot(v1, V1_ref[r], preferred_element_type=jnp.float32)
        kv1_out[r] = jnp.concatenate([kr, vr, zkv], axis=-1)


def _t2_call(parts, wn, h0, nt2, EXP, Wa, ba, skip2, Wk1, bk1, Wq1, bq1,
             Wv1, bv1, K1, V1):
    N = h0.shape[0]
    DIN = h0.shape[1]
    R = K1.shape[0]
    F1 = K1.shape[2]
    B = 1000 if N % 1000 == 0 else N
    grid = (N // B,)
    full = lambda a: pl.BlockSpec(a.shape, lambda i: (0,) * a.ndim)
    return pl.pallas_call(
        _t2_body,
        grid=grid,
        in_specs=[
            pl.BlockSpec((2, B, VW), lambda i: (0, i, 0)),
            pl.BlockSpec((2, B, LANES), lambda i: (0, i, 0)),
            pl.BlockSpec((B, DIN), lambda i: (i, 0)),
            pl.BlockSpec((B, 1), lambda i: (i, 0)),
            full(EXP), full(Wa), full(ba), full(skip2),
            full(Wk1), full(bk1), full(Wq1), full(bq1), full(Wv1), full(bv1),
            full(K1), full(V1),
        ],
        out_specs=[
            pl.BlockSpec((B, VW), lambda i: (i, 0)),
            pl.BlockSpec((R, B, VW), lambda i: (0, i, 0)),
        ],
        out_shape=[
            jax.ShapeDtypeStruct((N, VW), jnp.float32),
            jax.ShapeDtypeStruct((R, N, VW), jnp.float32),
        ],
    )(parts, wn, h0, nt2, EXP, Wa, ba, skip2, Wk1, bk1, Wq1, bq1, Wv1, bv1,
      K1, V1)



def _t3_body(parts_ref, nt_ref, SEL_ref, Wa_ref, ba_ref, out_ref):
    T = Wa_ref.shape[0]
    F = SEL_ref.shape[1]
    p = parts_ref[0] + parts_ref[1]
    den = jnp.dot(p, SEL_ref[...], preferred_element_type=jnp.float32) + 1e-9
    agg = p[:, :F] / den
    nt = nt_ref[...]
    out = None
    for t in range(T):
        mt = (1 - jnp.minimum(jnp.abs(nt - t), 1)).astype(jnp.float32)
        m = jnp.dot(agg, Wa_ref[t], preferred_element_type=jnp.float32)
        m = (m + ba_ref[t]) * mt
        out = m if out is None else out + m
    out_ref[...] = out


def _t3_call(parts, nt2, SEL, Wa, ba):
    N = nt2.shape[0]
    OUTF = Wa.shape[2]
    B = 1000 if N % 1000 == 0 else N
    grid = (N // B,)
    full = lambda a: pl.BlockSpec(a.shape, lambda i: (0,) * a.ndim)
    return pl.pallas_call(
        _t3_body,
        grid=grid,
        in_specs=[
            pl.BlockSpec((2, B, VW), lambda i: (0, i, 0)),
            pl.BlockSpec((B, 1), lambda i: (i, 0)),
            full(SEL), full(Wa), full(ba),
        ],
        out_specs=pl.BlockSpec((B, OUTF), lambda i: (i, 0)),
        out_shape=jax.ShapeDtypeStruct((N, OUTF), jnp.float32),
    )(parts, nt2, SEL, Wa, ba)



def _block_diag(W):
    R, H, D, _ = W.shape
    eye = jnp.eye(H, dtype=W.dtype)
    bd = W[:, :, :, None, :] * eye[None, :, None, :, None]
    return bd.reshape(R, H * D, H * D)


def _den_selector(F, H, rowW):
    Dh = F // H
    col_head = jnp.arange(F, dtype=jnp.int32) // Dh
    rows = jnp.arange(rowW, dtype=jnp.int32)
    sel = (rows[:, None] == (F + col_head[None, :])).astype(jnp.float32)
    return sel


def _den_expander(F, H):
    Dh = F // H
    col_head = jnp.arange(F, dtype=jnp.int32) // Dh
    rows = jnp.arange(LANES, dtype=jnp.int32)
    return (rows[:, None] == col_head[None, :]).astype(jnp.float32)



def kernel(x, node_type, edge_index, edge_type, lut_W, lut_b,
           Wk0, bk0, Wq0, bq0, Wv0, bv0, Watt0, Wmsg0, pri0, Wa0, ba0, skip0,
           Wk1, bk1, Wq1, bq1, Wv1, bv1, Watt1, Wmsg1, pri1, Wa1, ba1, skip1):
    N, DIN = x.shape
    E = edge_index.shape[1]
    R, H0_, D0_, _ = Watt0.shape
    _, H1_, D1_, _ = Watt1.shape
    F0 = H0_ * D0_
    F1 = H1_ * D1_

    nt2 = node_type.reshape(N, 1)
    src = edge_index[0]
    dst = edge_index[1]

    KBD0 = _block_diag(Watt0 * (pri0 / math.sqrt(D0_))[:, :, None, None])
    VBD0 = _block_diag(Wmsg0)
    K1 = _block_diag(Watt1 * (pri1 / math.sqrt(D1_))[:, :, None, None])
    V1 = _block_diag(Wmsg1)

    r3 = lambda b: b[:, None, :]
    q0, krot0, vrot0, h0 = _t1_call(
        x, nt2, lut_W, r3(lut_b), Wk0, r3(bk0), Wq0, r3(bq0), Wv0, r3(bv0),
        KBD0, VBD0)

    NPAD = _round_up(N, NS * 8 * 8)
    zeros = jnp.zeros((max(CHUNK, NPAD // NS), VW), jnp.float32)
    s1 = _make_sc_edge(N, NPAD, E, F0, H0_, CHUNK=64)
    sc1_out = s1(krot0.reshape(R * N, F0), vrot0.reshape(R * N, F0), q0,
                 src, dst, edge_type, zeros)
    if F0 + LANES > VW:
        parts1, wparts1 = sc1_out
        wn1 = wparts1.reshape(NC, NPAD, LANES)
    else:
        (parts1,) = sc1_out
        wn1 = parts1[:, :, F0:F0 + LANES]

    EXP0 = _den_expander(F0, H0_)
    q1p, kv1 = _t2_call(
        parts1[:, :N], wn1[:, :N], h0, nt2, EXP0, Wa0, r3(ba0),
        skip0[:, None], Wk1, r3(bk1), Wq1, r3(bq1), Wv1, r3(bv1), K1, V1)

    s2 = _make_sc_edge_packed(N, NPAD, E, F1, H1_, CHUNK=80)
    (parts2,) = s2(kv1.reshape(R * N, VW), q1p, src, dst, edge_type, zeros)

    SEL1 = _den_selector(F1, H1_, VW)
    out = _t3_call(parts2[:, :N], nt2, SEL1, Wa1, r3(ba1))
    return out

# --- scband reference (transcript-rebuilt; emitter-appended) ---
"""Pipeline reference for scband-hgt-aug-10823317586008 (READ-ONLY COPY).

The authoritative reference and input builder live on the scoring server;
editing this copy changes nothing except your own understanding.
"""

import jax, jax.numpy as jnp
import numpy as np

N = 10000
E = 160000
DIN = 128
T = 3
R = 4
H0, D0 = 4, 32
H1, D1 = 1, 16
OUT = 16


def setup_inputs(seed: int = 0) -> dict:
    key = jax.random.key(seed)
    ks = jax.random.split(key, 40)
    s = 0.05
    inp = {}
    inp['x'] = jax.random.normal(ks[0], (N, DIN), dtype=jnp.float32)
    inp['node_type'] = jnp.sort(jax.random.randint(ks[1], (N,), 0, T, dtype=jnp.int32))
    inp['edge_index'] = jax.random.randint(ks[2], (2, E), 0, N, dtype=jnp.int32)
    inp['edge_type'] = jax.random.randint(ks[3], (E,), 0, R, dtype=jnp.int32)
    # look-up-table linears (identity for target ntype 0, applied only to others)
    inp['lut_W'] = jax.random.normal(ks[4], (T, DIN, DIN), dtype=jnp.float32) * s
    inp['lut_b'] = jnp.zeros((T, DIN), dtype=jnp.float32)
    # HGT layer 0: in=128 -> heads=4 x d_head=32 (out 128)
    inp['Wk0'] = jax.random.normal(ks[5], (T, DIN, H0 * D0), dtype=jnp.float32) * s
    inp['bk0'] = jnp.zeros((T, H0 * D0), dtype=jnp.float32)
    inp['Wq0'] = jax.random.normal(ks[6], (T, DIN, H0 * D0), dtype=jnp.float32) * s
    inp['bq0'] = jnp.zeros((T, H0 * D0), dtype=jnp.float32)
    inp['Wv0'] = jax.random.normal(ks[7], (T, DIN, H0 * D0), dtype=jnp.float32) * s
    inp['bv0'] = jnp.zeros((T, H0 * D0), dtype=jnp.float32)
    inp['Watt0'] = jax.random.normal(ks[8], (R, H0, D0, D0), dtype=jnp.float32) * s
    inp['Wmsg0'] = jax.random.normal(ks[9], (R, H0, D0, D0), dtype=jnp.float32) * s
    inp['pri0'] = jnp.ones((R, H0), dtype=jnp.float32)
    inp['Wa0'] = jax.random.normal(ks[10], (T, H0 * D0, H0 * D0), dtype=jnp.float32) * s
    inp['ba0'] = jnp.zeros((T, H0 * D0), dtype=jnp.float32)
    inp['skip0'] = jnp.ones((T,), dtype=jnp.float32)
    # HGT layer 1: in=128 -> heads=1 x d_head=16 (out 16 = label_num)
    inp['Wk1'] = jax.random.normal(ks[11], (T, H0 * D0, H1 * D1), dtype=jnp.float32) * s
    inp['bk1'] = jnp.zeros((T, H1 * D1), dtype=jnp.float32)
    inp['Wq1'] = jax.random.normal(ks[12], (T, H0 * D0, H1 * D1), dtype=jnp.float32) * s
    inp['bq1'] = jnp.zeros((T, H1 * D1), dtype=jnp.float32)
    inp['Wv1'] = jax.random.normal(ks[13], (T, H0 * D0, H1 * D1), dtype=jnp.float32) * s
    inp['bv1'] = jnp.zeros((T, H1 * D1), dtype=jnp.float32)
    inp['Watt1'] = jax.random.normal(ks[14], (R, H1, D1, D1), dtype=jnp.float32) * s
    inp['Wmsg1'] = jax.random.normal(ks[15], (R, H1, D1, D1), dtype=jnp.float32) * s
    inp['pri1'] = jnp.ones((R, H1), dtype=jnp.float32)
    inp['Wa1'] = jax.random.normal(ks[16], (T, H1 * D1, OUT), dtype=jnp.float32) * s
    inp['ba1'] = jnp.zeros((T, OUT), dtype=jnp.float32)
    inp['skip1'] = jnp.ones((T,), dtype=jnp.float32)
    return inp


def _hgt_layer(h, node_type, src, dst, etype, Wk, bk, Wq, bq, Wv, bv, Watt, Wmsg, pri, Wa, ba, skip, H, D):
    n = h.shape[0]
    ar = jnp.arange(n)
    # per-ntype K/Q/V projections (compute for all ntypes, select per node)
    k = (jnp.einsum('ni,tio->tno', h, Wk) + bk[:, None, :])[node_type, ar].reshape(n, H, D)
    q = (jnp.einsum('ni,tio->tno', h, Wq) + bq[:, None, :])[node_type, ar].reshape(n, H, D)
    v = (jnp.einsum('ni,tio->tno', h, Wv) + bv[:, None, :])[node_type, ar].reshape(n, H, D)
    # relation-specific rotations (compute per etype over all nodes, gather per edge)
    k_rot = jnp.einsum('nhd,rhde->rnhe', k, Watt)[etype, src]  # [E, H, D]
    v_rot = jnp.einsum('nhd,rhde->rnhe', v, Wmsg)[etype, src]  # [E, H, D]
    t = (k_rot * q[dst]).sum(-1) / jnp.sqrt(jnp.float32(D)) * pri[etype]  # [E, H]
    # edge softmax over incoming edges per destination node
    m = jax.ops.segment_max(t, dst, num_segments=n)
    m = jnp.where(jnp.isfinite(m), m, 0.0)
    e = jnp.exp(t - m[dst])
    ssum = jax.ops.segment_sum(e, dst, num_segments=n)
    alpha = e / (ssum[dst] + 1e-9)
    agg = jax.ops.segment_sum(alpha[..., None] * v_rot, dst, num_segments=n).reshape(n, H * D)
    out = (jnp.einsum('no,tof->tnf', agg, Wa) + ba[:, None, :])[node_type, ar]
    if out.shape[-1] == h.shape[-1]:
        a = jax.nn.sigmoid(skip)[node_type][:, None]
        out = out * a + h * (1.0 - a)
    return out


def reference(x, node_type, edge_index, edge_type, lut_W, lut_b,
              Wk0, bk0, Wq0, bq0, Wv0, bv0, Watt0, Wmsg0, pri0, Wa0, ba0, skip0,
              Wk1, bk1, Wq1, bq1, Wv1, bv1, Watt1, Wmsg1, pri1, Wa1, ba1, skip1):
    n = x.shape[0]
    ar = jnp.arange(n)
    # look_up_table: identity map for target ntype (0), Linear for others
    h_lut = (jnp.einsum('ni,tio->tno', x, lut_W) + lut_b[:, None, :])[node_type, ar]
    h = jnp.where((node_type == 0)[:, None], x, h_lut)
    src, dst = edge_index[0], edge_index[1]
    h = _hgt_layer(h, node_type, src, dst, edge_type, Wk0, bk0, Wq0, bq0, Wv0, bv0,
                   Watt0, Wmsg0, pri0, Wa0, ba0, skip0, H0, D0)
    h = _hgt_layer(h, node_type, src, dst, edge_type, Wk1, bk1, Wq1, bq1, Wv1, bv1,
                   Watt1, Wmsg1, pri1, Wa1, ba1, skip1, H1, D1)
    return h

if __name__ == "__main__":
    import jax
    _d = setup_inputs()
    print(jax.jit(kernel)(*tuple(_d.values())))

</pallas_src>

<mosaic_0001>
#map = affine_map<(d0, d1) -> (0, 0)>
#map1 = affine_map<(d0, d1) -> (0)>
#map2 = affine_map<(d0, d1) -> (0, 0, 0)>
module attributes {stable_mosaic.version = 14 : i64} {
  func.func @edge_kernel(%arg0: i32, %arg1: i32, %arg2: memref<40000x128xf32, #tpu.memory_space<hbm>>, %arg3: memref<40000x128xf32, #tpu.memory_space<hbm>>, %arg4: memref<10000x128xf32, #tpu.memory_space<hbm>>, %arg5: memref<160000xi32, #tpu.memory_space<hbm>>, %arg6: memref<160000xi32, #tpu.memory_space<hbm>>, %arg7: memref<160000xi32, #tpu.memory_space<hbm>>, %arg8: memref<640x128xf32, #tpu.memory_space<hbm>>, %arg9: memref<2x10240x128xf32, #tpu.memory_space<hbm>>, %arg10: memref<2x1280x128xf32, #tpu.memory_space<hbm>>, %arg11: memref<64xi32, #tpu.memory_space<vmem>>, %arg12: memref<64xi32, #tpu.memory_space<vmem>>, %arg13: memref<64xi32, #tpu.memory_space<vmem>>, %arg14: memref<64xi32, #tpu.memory_space<vmem>>, %arg15: memref<64x128xf32, #tpu.memory_space<vmem>>, %arg16: memref<64x128xf32, #tpu.memory_space<vmem>>, %arg17: memref<64x128xf32, #tpu.memory_space<vmem>>, %arg18: memref<10240x128xf32, #tpu.memory_space<vmem_shared>>, %arg19: memref<!tpu.dma_semaphore, #tpu.memory_space<semaphore_mem>>, %arg20: memref<!tpu.dma_semaphore, #tpu.memory_space<semaphore_mem>>, %arg21: memref<!tpu.dma_semaphore, #tpu.memory_space<semaphore_mem>>, %arg22: memref<64xi32, #tpu.memory_space<vmem>>, %arg23: memref<64x16xf32, #tpu.memory_space<vmem>>, %arg24: memref<1280x128xf32, #tpu.memory_space<vmem_shared>>) attributes {dimension_semantics = [#tpu.dimension_semantics<core_parallel>, #tpu.dimension_semantics<subcore_parallel>], iteration_bounds = array<i64: 2, 16>, scalar_prefetch = 0 : i64, scratch_operands = 14 : i64, tpu.core_type = #tpu.core_type<sc_vector_subcore>, window_params = [{transform_indices = #map}, {transform_indices = #map}, {transform_indices = #map}, {transform_indices = #map1}, {transform_indices = #map1}, {transform_indices = #map1}, {transform_indices = #map}, {transform_indices = #map2}, {transform_indices = #map2}]} {
    %mul3A = arith.constant 2 : i32
    %mul3A_0 = arith.muli %arg1, %mul3A : i32
    %add3A = arith.addi %mul3A_0, %arg0 : i32
    %mul3A_1 = arith.constant 640 : i32
    %mul3A_2 = arith.muli %arg1, %mul3A_1 : i32
    "tpu.region"() ({
      %run_scoped3A = tpu.sem_alloc : memref<!tpu.dma_semaphore, #tpu.memory_space<semaphore_mem>>
      %dma_start3A = arith.constant 0 : i32
      %dma_start3A_78 = tpu.memref_slice %arg18[%mul3A_2, %dma_start3A] : memref<10240x128xf32, #tpu.memory_space<vmem_shared>> -> memref<640x128xf32, #tpu.memory_space<vmem_shared>>
      %dma_start3A_79 = arith.constant 0 : i32
      %dma_start3A_80 = arith.constant 0 : i32
      %dma_start3A_81 = tpu.memref_slice %arg8[%dma_start3A_79, %dma_start3A_80] : memref<640x128xf32, #tpu.memory_space<hbm>> -> memref<640x128xf32, #tpu.memory_space<hbm>>
      tpu.enqueue_dma source(%dma_start3A_81 : memref<640x128xf32, #tpu.memory_space<hbm>>) target(%dma_start3A_78 : memref<640x128xf32, #tpu.memory_space<vmem_shared>>) target_semaphore(%run_scoped3A : memref<!tpu.dma_semaphore, #tpu.memory_space<semaphore_mem>>)
      %dma_wait3A = arith.constant 0 : i32
      %dma_wait3A_82 = tpu.memref_slice %arg18[%mul3A_2, %dma_wait3A] : memref<10240x128xf32, #tpu.memory_space<vmem_shared>> -> memref<640x128xf32, #tpu.memory_space<vmem_shared>>
      %dma_wait3A_83 = arith.constant 0 : i32
      %dma_wait3A_84 = arith.constant 0 : i32
      %dma_wait3A_85 = tpu.memref_slice %arg8[%dma_wait3A_83, %dma_wait3A_84] : memref<640x128xf32, #tpu.memory_space<hbm>> -> memref<640x128xf32, #tpu.memory_space<hbm>>
      tpu.wait_dma2 semaphore(%run_scoped3A : memref<!tpu.dma_semaphore, #tpu.memory_space<semaphore_mem>>) src(%dma_wait3A_85 : memref<640x128xf32, #tpu.memory_space<hbm>>) dst(%dma_wait3A_82 : memref<640x128xf32, #tpu.memory_space<vmem_shared>>)
      tpu.yield
    }) : () -> ()
    %mul3A_3 = arith.constant 80 : i32
    %mul3A_4 = arith.muli %arg1, %mul3A_3 : i32
    "tpu.region"() ({
      %run_scoped3A = tpu.sem_alloc : memref<!tpu.dma_semaphore, #tpu.memory_space<semaphore_mem>>
      %dma_start3A = arith.constant 0 : i32
      %dma_start3A_78 = tpu.memref_slice %arg24[%mul3A_4, %dma_start3A] : memref<1280x128xf32, #tpu.memory_space<vmem_shared>> -> memref<80x128xf32, #tpu.memory_space<vmem_shared>>
      %dma_start3A_79 = arith.constant 0 : i32
      %dma_start3A_80 = arith.constant 0 : i32
      %dma_start3A_81 = tpu.memref_slice %arg8[%dma_start3A_79, %dma_start3A_80] : memref<640x128xf32, #tpu.memory_space<hbm>> -> memref<80x128xf32, #tpu.memory_space<hbm>>
      tpu.enqueue_dma source(%dma_start3A_81 : memref<80x128xf32, #tpu.memory_space<hbm>>) target(%dma_start3A_78 : memref<80x128xf32, #tpu.memory_space<vmem_shared>>) target_semaphore(%run_scoped3A : memref<!tpu.dma_semaphore, #tpu.memory_space<semaphore_mem>>)
      %dma_wait3A = arith.constant 0 : i32
      %dma_wait3A_82 = tpu.memref_slice %arg24[%mul3A_4, %dma_wait3A] : memref<1280x128xf32, #tpu.memory_space<vmem_shared>> -> memref<80x128xf32, #tpu.memory_space<vmem_shared>>
      %dma_wait3A_83 = arith.constant 0 : i32
      %dma_wait3A_84 = arith.constant 0 : i32
      %dma_wait3A_85 = tpu.memref_slice %arg8[%dma_wait3A_83, %dma_wait3A_84] : memref<640x128xf32, #tpu.memory_space<hbm>> -> memref<80x128xf32, #tpu.memory_space<hbm>>
      tpu.wait_dma2 semaphore(%run_scoped3A : memref<!tpu.dma_semaphore, #tpu.memory_space<semaphore_mem>>) src(%dma_wait3A_85 : memref<80x128xf32, #tpu.memory_space<hbm>>) dst(%dma_wait3A_82 : memref<80x128xf32, #tpu.memory_space<vmem_shared>>)
      tpu.yield
    }) : () -> ()
    %barrier3A = arith.constant 0 : index
    tpu.barrier barrier_id(%barrier3A)
    %iota3A = tpu.iota {dimensions = array<i32: 0>} : vector<16xi32>
    %xor3A = arith.constant 8 : i32
    %xor3A_5 = vector.broadcast %xor3A : i32 to vector<16xi32>
    %xor3A_6 = arith.xori %iota3A, %xor3A_5 : vector<16xi32>
    %xor3A_7 = arith.constant 4 : i32
    %xor3A_8 = vector.broadcast %xor3A_7 : i32 to vector<16xi32>
    %xor3A_9 = arith.xori %iota3A, %xor3A_8 : vector<16xi32>
    %xor3A_10 = arith.constant 2 : i32
    %xor3A_11 = vector.broadcast %xor3A_10 : i32 to vector<16xi32>
    %xor3A_12 = arith.xori %iota3A, %xor3A_11 : vector<16xi32>
    %xor3A_13 = arith.constant 1 : i32
    %xor3A_14 = vector.broadcast %xor3A_13 : i32 to vector<16xi32>
    %xor3A_15 = arith.xori %iota3A, %xor3A_14 : vector<16xi32>
    %sub3A = arith.constant 0 : i32
    %sub3A_16 = vector.broadcast %sub3A : i32 to vector<16xi32>
    %sub3A_17 = arith.subi %iota3A, %sub3A_16 : vector<16xi32>
    %abs3A = math.absi %sub3A_17 : vector<16xi32>
    %min3A = arith.constant 1 : i32
    %min3A_18 = vector.broadcast %min3A : i32 to vector<16xi32>
    %min3A_19 = arith.minsi %abs3A, %min3A_18 : vector<16xi32>
    %sub3A_20 = arith.constant 1 : i32
    %sub3A_21 = vector.broadcast %sub3A_20 : i32 to vector<16xi32>
    %sub3A_22 = arith.subi %sub3A_21, %min3A_19 : vector<16xi32>
    %convert_element_type3A = arith.sitofp %sub3A_22 : vector<16xi32> to vector<16xf32>
    %sub3A_23 = arith.constant 1 : i32
    %sub3A_24 = vector.broadcast %sub3A_23 : i32 to vector<16xi32>
    %sub3A_25 = arith.subi %iota3A, %sub3A_24 : vector<16xi32>
    %abs3A_26 = math.absi %sub3A_25 : vector<16xi32>
    %min3A_27 = arith.constant 1 : i32
    %min3A_28 = vector.broadcast %min3A_27 : i32 to vector<16xi32>
    %min3A_29 = arith.minsi %abs3A_26, %min3A_28 : vector<16xi32>
    %sub3A_30 = arith.constant 1 : i32
    %sub3A_31 = vector.broadcast %sub3A_30 : i32 to vector<16xi32>
    %sub3A_32 = arith.subi %sub3A_31, %min3A_29 : vector<16xi32>
    %convert_element_type3A_33 = arith.sitofp %sub3A_32 : vector<16xi32> to vector<16xf32>
    %sub3A_34 = arith.constant 2 : i32
    %sub3A_35 = vector.broadcast %sub3A_34 : i32 to vector<16xi32>
    %sub3A_36 = arith.subi %iota3A, %sub3A_35 : vector<16xi32>
    %abs3A_37 = math.absi %sub3A_36 : vector<16xi32>
    %min3A_38 = arith.constant 1 : i32
    %min3A_39 = vector.broadcast %min3A_38 : i32 to vector<16xi32>
    %min3A_40 = arith.minsi %abs3A_37, %min3A_39 : vector<16xi32>
    %sub3A_41 = arith.constant 1 : i32
    %sub3A_42 = vector.broadcast %sub3A_41 : i32 to vector<16xi32>
    %sub3A_43 = arith.subi %sub3A_42, %min3A_40 : vector<16xi32>
    %convert_element_type3A_44 = arith.sitofp %sub3A_43 : vector<16xi32> to vector<16xf32>
    %sub3A_45 = arith.constant 3 : i32
    %sub3A_46 = vector.broadcast %sub3A_45 : i32 to vector<16xi32>
    %sub3A_47 = arith.subi %iota3A, %sub3A_46 : vector<16xi32>
    %abs3A_48 = math.absi %sub3A_47 : vector<16xi32>
    %min3A_49 = arith.constant 1 : i32
    %min3A_50 = vector.broadcast %min3A_49 : i32 to vector<16xi32>
    %min3A_51 = arith.minsi %abs3A_48, %min3A_50 : vector<16xi32>
    %sub3A_52 = arith.constant 1 : i32
    %sub3A_53 = vector.broadcast %sub3A_52 : i32 to vector<16xi32>
    %sub3A_54 = arith.subi %sub3A_53, %min3A_51 : vector<16xi32>
    %convert_element_type3A_55 = arith.sitofp %sub3A_54 : vector<16xi32> to vector<16xf32>
    %lt3A = arith.constant 4 : i32
    %lt3A_56 = arith.cmpi slt, %add3A, %lt3A : i32
    %jit3A = arith.constant 1 : i32
    %jit3A_57 = arith.constant 0 : i32
    %select_n3A = arith.select %lt3A_56, %jit3A, %jit3A_57 : i32
    %add3A_58 = arith.constant 78 : i32
    %add3A_59 = arith.addi %add3A_58, %select_n3A : i32
    %while3A = arith.constant 0 : i32
    %while3A_60 = arith.constant 0 : i32
    %while3A_61 = arith.subi %add3A_59, %while3A_60 : i32
    %while3A_62 = arith.addi %while3A_60, %while3A_61 : i32
    %while3A_63 = arith.constant 1 : i32
    %while3A_64 = arith.divsi %while3A_61, %while3A_63 : i32
    %while3A_65 = arith.muli %while3A_64, %while3A_63 : i32
    %while3A_66 = arith.addi %while3A_60, %while3A_65 : i32
    %while3A_67 = arith.constant 1 : i32
    scf.for %while3A_78 = %while3A_60 to %while3A_66 step %while3A_67  : i32 {
      %mul3A_79 = arith.constant 32 : i32
      %mul3A_80 = arith.muli %while3A_78, %mul3A_79 : i32
      %add3A_81 = arith.addi %add3A, %mul3A_80 : i32
      %mul3A_82 = arith.constant 64 : i32
      %mul3A_83 = arith.muli %add3A_81, %mul3A_82 : i32
      %multiple_of3A = tpu.assume_multiple %mul3A_83, 8 : i32
      "tpu.region"() ({
        %run_scoped3A = tpu.sem_alloc : memref<!tpu.dma_semaphore, #tpu.memory_space<semaphore_mem>>
        %dma_start3A_204 = tpu.memref_slice %arg5[%multiple_of3A] : memref<160000xi32, #tpu.memory_space<hbm>> -> memref<64xi32, #tpu.memory_space<hbm>>
        %dma_start3A_205 = tpu.memref_slice %arg5[%multiple_of3A] : memref<160000xi32, #tpu.memory_space<hbm>> -> memref<64xi32, #tpu.memory_space<hbm>>
        tpu.enqueue_dma source(%dma_start3A_205 : memref<64xi32, #tpu.memory_space<hbm>>) target(%arg11 : memref<64xi32, #tpu.memory_space<vmem>>) target_semaphore(%run_scoped3A : memref<!tpu.dma_semaphore, #tpu.memory_space<semaphore_mem>>)
        %dma_wait3A_206 = tpu.memref_slice %arg5[%multiple_of3A] : memref<160000xi32, #tpu.memory_space<hbm>> -> memref<64xi32, #tpu.memory_space<hbm>>
        %dma_wait3A_207 = tpu.memref_slice %arg5[%multiple_of3A] : memref<160000xi32, #tpu.memory_space<hbm>> -> memref<64xi32, #tpu.memory_space<hbm>>
        tpu.wait_dma2 semaphore(%run_scoped3A : memref<!tpu.dma_semaphore, #tpu.memory_space<semaphore_mem>>) src(%dma_wait3A_207 : memref<64xi32, #tpu.memory_space<hbm>>) dst(%arg11 : memref<64xi32, #tpu.memory_space<vmem>>)
        tpu.yield
      }) : () -> ()
      "tpu.region"() ({
        %run_scoped3A = tpu.sem_alloc : memref<!tpu.dma_semaphore, #tpu.memory_space<semaphore_mem>>
        %dma_start3A_204 = tpu.memref_slice %arg6[%multiple_of3A] : memref<160000xi32, #tpu.memory_space<hbm>> -> memref<64xi32, #tpu.memory_space<hbm>>
        %dma_start3A_205 = tpu.memref_slice %arg6[%multiple_of3A] : memref<160000xi32, #tpu.memory_space<hbm>> -> memref<64xi32, #tpu.memory_space<hbm>>
        tpu.enqueue_dma source(%dma_start3A_205 : memref<64xi32, #tpu.memory_space<hbm>>) target(%arg12 : memref<64xi32, #tpu.memory_space<vmem>>) target_semaphore(%run_scoped3A : memref<!tpu.dma_semaphore, #tpu.memory_space<semaphore_mem>>)
        %dma_wait3A_206 = tpu.memref_slice %arg6[%multiple_of3A] : memref<160000xi32, #tpu.memory_space<hbm>> -> memref<64xi32, #tpu.memory_space<hbm>>
        %dma_wait3A_207 = tpu.memref_slice %arg6[%multiple_of3A] : memref<160000xi32, #tpu.memory_space<hbm>> -> memref<64xi32, #tpu.memory_space<hbm>>
        tpu.wait_dma2 semaphore(%run_scoped3A : memref<!tpu.dma_semaphore, #tpu.memory_space<semaphore_mem>>) src(%dma_wait3A_207 : memref<64xi32, #tpu.memory_space<hbm>>) dst(%arg12 : memref<64xi32, #tpu.memory_space<vmem>>)
        tpu.yield
      }) : () -> ()
      "tpu.region"() ({
        %run_scoped3A = tpu.sem_alloc : memref<!tpu.dma_semaphore, #tpu.memory_space<semaphore_mem>>
        %dma_start3A_204 = tpu.memref_slice %arg7[%multiple_of3A] : memref<160000xi32, #tpu.memory_space<hbm>> -> memref<64xi32, #tpu.memory_space<hbm>>
        %dma_start3A_205 = tpu.memref_slice %arg7[%multiple_of3A] : memref<160000xi32, #tpu.memory_space<hbm>> -> memref<64xi32, #tpu.memory_space<hbm>>
        tpu.enqueue_dma source(%dma_start3A_205 : memref<64xi32, #tpu.memory_space<hbm>>) target(%arg13 : memref<64xi32, #tpu.memory_space<vmem>>) target_semaphore(%run_scoped3A : memref<!tpu.dma_semaphore, #tpu.memory_space<semaphore_mem>>)
        %dma_wait3A_206 = tpu.memref_slice %arg7[%multiple_of3A] : memref<160000xi32, #tpu.memory_space<hbm>> -> memref<64xi32, #tpu.memory_space<hbm>>
        %dma_wait3A_207 = tpu.memref_slice %arg7[%multiple_of3A] : memref<160000xi32, #tpu.memory_space<hbm>> -> memref<64xi32, #tpu.memory_space<hbm>>
        tpu.wait_dma2 semaphore(%run_scoped3A : memref<!tpu.dma_semaphore, #tpu.memory_space<semaphore_mem>>) src(%dma_wait3A_207 : memref<64xi32, #tpu.memory_space<hbm>>) dst(%arg13 : memref<64xi32, #tpu.memory_space<vmem>>)
        tpu.yield
      }) : () -> ()
      %get3A = arith.constant 0 : index
      %get3A_84 = tpu.vector_load %arg13[%get3A] {strides = array<i32>} : memref<64xi32, #tpu.memory_space<vmem>>, vector<16xi32>,
      %get3A_85 = vector.shape_cast %get3A_84 : vector<16xi32> to vector<16xi32>
      %mul3A_86 = arith.constant 10000 : i32
      %mul3A_87 = vector.broadcast %mul3A_86 : i32 to vector<16xi32>
      %mul3A_88 = arith.muli %get3A_85, %mul3A_87 : vector<16xi32>
      %get3A_89 = arith.constant 0 : index
      %get3A_90 = tpu.vector_load %arg11[%get3A_89] {strides = array<i32>} : memref<64xi32, #tpu.memory_space<vmem>>, vector<16xi32>,
      %get3A_91 = vector.shape_cast %get3A_90 : vector<16xi32> to vector<16xi32>
      %add3A_92 = arith.addi %mul3A_88, %get3A_91 : vector<16xi32>
      %swap3A = arith.constant 0 : index
      %swap3A_93 = tpu.vector_load %arg14[%swap3A] {strides = array<i32>} : memref<64xi32, #tpu.memory_space<vmem>>, vector<16xi32>,
      %swap3A_94 = vector.shape_cast %swap3A_93 : vector<16xi32> to vector<16xi32>
      %swap3A_95 = vector.shape_cast %add3A_92 : vector<16xi32> to vector<16xi32>
      tpu.vector_store %arg14[%swap3A], %swap3A_95 {strides = array<i32>} : memref<64xi32, #tpu.memory_space<vmem>>, vector<16xi32>,
      %get3A_96 = arith.constant 0 : index
      %get3A_97 = tpu.vector_load %arg12[%get3A_96] {strides = array<i32>} : memref<64xi32, #tpu.memory_space<vmem>>, vector<16xi32>,
      %get3A_98 = vector.shape_cast %get3A_97 : vector<16xi32> to vector<16xi32>
      %shift_right_arithmetic3A = arith.constant 3 : i32
      %shift_right_arithmetic3A_99 = vector.broadcast %shift_right_arithmetic3A : i32 to vector<16xi32>
      %shift_right_arithmetic3A_100 = arith.shrsi %get3A_98, %shift_right_arithmetic3A_99 : vector<16xi32>
      %swap3A_101 = arith.constant 0 : index
      %swap3A_102 = tpu.vector_load %arg22[%swap3A_101] {strides = array<i32>} : memref<64xi32, #tpu.memory_space<vmem>>, vector<16xi32>,
      %swap3A_103 = vector.shape_cast %swap3A_102 : vector<16xi32> to vector<16xi32>
      %swap3A_104 = vector.shape_cast %shift_right_arithmetic3A_100 : vector<16xi32> to vector<16xi32>
      tpu.vector_store %arg22[%swap3A_101], %swap3A_104 {strides = array<i32>} : memref<64xi32, #tpu.memory_space<vmem>>, vector<16xi32>,
      %get3A_105 = arith.constant 16 : index
      %get3A_106 = tpu.vector_load %arg13[%get3A_105] {strides = array<i32>} : memref<64xi32, #tpu.memory_space<vmem>>, vector<16xi32>,
      %get3A_107 = vector.shape_cast %get3A_106 : vector<16xi32> to vector<16xi32>
      %mul3A_108 = arith.constant 10000 : i32
      %mul3A_109 = vector.broadcast %mul3A_108 : i32 to vector<16xi32>
      %mul3A_110 = arith.muli %get3A_107, %mul3A_109 : vector<16xi32>
      %get3A_111 = arith.constant 16 : index
      %get3A_112 = tpu.vector_load %arg11[%get3A_111] {strides = array<i32>} : memref<64xi32, #tpu.memory_space<vmem>>, vector<16xi32>,
      %get3A_113 = vector.shape_cast %get3A_112 : vector<16xi32> to vector<16xi32>
      %add3A_114 = arith.addi %mul3A_110, %get3A_113 : vector<16xi32>
      %swap3A_115 = arith.constant 16 : index
      %swap3A_116 = tpu.vector_load %arg14[%swap3A_115] {strides = array<i32>} : memref<64xi32, #tpu.memory_space<vmem>>, vector<16xi32>,
      %swap3A_117 = vector.shape_cast %swap3A_116 : vector<16xi32> to vector<16xi32>
      %swap3A_118 = vector.shape_cast %add3A_114 : vector<16xi32> to vector<16xi32>
      tpu.vector_store %arg14[%swap3A_115], %swap3A_118 {strides = array<i32>} : memref<64xi32, #tpu.memory_space<vmem>>, vector<16xi32>,
      %get3A_119 = arith.constant 16 : index
      %get3A_120 = tpu.vector_load %arg12[%get3A_119] {strides = array<i32>} : memref<64xi32, #tpu.memory_space<vmem>>, vector<16xi32>,
      %get3A_121 = vector.shape_cast %get3A_120 : vector<16xi32> to vector<16xi32>
      %shift_right_arithmetic3A_122 = arith.constant 3 : i32
      %shift_right_arithmetic3A_123 = vector.broadcast %shift_right_arithmetic3A_122 : i32 to vector<16xi32>
      %shift_right_arithmetic3A_124 = arith.shrsi %get3A_121, %shift_right_arithmetic3A_123 : vector<16xi32>
      %swap3A_125 = arith.constant 16 : index
      %swap3A_126 = tpu.vector_load %arg22[%swap3A_125] {strides = array<i32>} : memref<64xi32, #tpu.memory_space<vmem>>, vector<16xi32>,
      %swap3A_127 = vector.shape_cast %swap3A_126 : vector<16xi32> to vector<16xi32>
      %swap3A_128 = vector.shape_cast %shift_right_arithmetic3A_124 : vector<16xi32> to vector<16xi32>
      tpu.vector_store %arg22[%swap3A_125], %swap3A_128 {strides = array<i32>} : memref<64xi32, #tpu.memory_space<vmem>>, vector<16xi32>,
      %get3A_129 = arith.constant 32 : index
      %get3A_130 = tpu.vector_load %arg13[%get3A_129] {strides = array<i32>} : memref<64xi32, #tpu.memory_space<vmem>>, vector<16xi32>,
      %get3A_131 = vector.shape_cast %get3A_130 : vector<16xi32> to vector<16xi32>
      %mul3A_132 = arith.constant 10000 : i32
      %mul3A_133 = vector.broadcast %mul3A_132 : i32 to vector<16xi32>
      %mul3A_134 = arith.muli %get3A_131, %mul3A_133 : vector<16xi32>
      %get3A_135 = arith.constant 32 : index
      %get3A_136 = tpu.vector_load %arg11[%get3A_135] {strides = array<i32>} : memref<64xi32, #tpu.memory_space<vmem>>, vector<16xi32>,
      %get3A_137 = vector.shape_cast %get3A_136 : vector<16xi32> to vector<16xi32>
      %add3A_138 = arith.addi %mul3A_134, %get3A_137 : vector<16xi32>
      %swap3A_139 = arith.constant 32 : index
      %swap3A_140 = tpu.vector_load %arg14[%swap3A_139] {strides = array<i32>} : memref<64xi32, #tpu.memory_space<vmem>>, vector<16xi32>,
      %swap3A_141 = vector.shape_cast %swap3A_140 : vector<16xi32> to vector<16xi32>
      %swap3A_142 = vector.shape_cast %add3A_138 : vector<16xi32> to vector<16xi32>
      tpu.vector_store %arg14[%swap3A_139], %swap3A_142 {strides = array<i32>} : memref<64xi32, #tpu.memory_space<vmem>>, vector<16xi32>,
      %get3A_143 = arith.constant 32 : index
      %get3A_144 = tpu.vector_load %arg12[%get3A_143] {strides = array<i32>} : memref<64xi32, #tpu.memory_space<vmem>>, vector<16xi32>,
      %get3A_145 = vector.shape_cast %get3A_144 : vector<16xi32> to vector<16xi32>
      %shift_right_arithmetic3A_146 = arith.constant 3 : i32
      %shift_right_arithmetic3A_147 = vector.broadcast %shift_right_arithmetic3A_146 : i32 to vector<16xi32>
      %shift_right_arithmetic3A_148 = arith.shrsi %get3A_145, %shift_right_arithmetic3A_147 : vector<16xi32>
      %swap3A_149 = arith.constant 32 : index
      %swap3A_150 = tpu.vector_load %arg22[%swap3A_149] {strides = array<i32>} : memref<64xi32, #tpu.memory_space<vmem>>, vector<16xi32>,
      %swap3A_151 = vector.shape_cast %swap3A_150 : vector<16xi32> to vector<16xi32>
      %swap3A_152 = vector.shape_cast %shift_right_arithmetic3A_148 : vector<16xi32> to vector<16xi32>
      tpu.vector_store %arg22[%swap3A_149], %swap3A_152 {strides = array<i32>} : memref<64xi32, #tpu.memory_space<vmem>>, vector<16xi32>,
      %get3A_153 = arith.constant 48 : index
      %get3A_154 = tpu.vector_load %arg13[%get3A_153] {strides = array<i32>} : memref<64xi32, #tpu.memory_space<vmem>>, vector<16xi32>,
      %get3A_155 = vector.shape_cast %get3A_154 : vector<16xi32> to vector<16xi32>
      %mul3A_156 = arith.constant 10000 : i32
      %mul3A_157 = vector.broadcast %mul3A_156 : i32 to vector<16xi32>
      %mul3A_158 = arith.muli %get3A_155, %mul3A_157 : vector<16xi32>
      %get3A_159 = arith.constant 48 : index
      %get3A_160 = tpu.vector_load %arg11[%get3A_159] {strides = array<i32>} : memref<64xi32, #tpu.memory_space<vmem>>, vector<16xi32>,
      %get3A_161 = vector.shape_cast %get3A_160 : vector<16xi32> to vector<16xi32>
      %add3A_162 = arith.addi %mul3A_158, %get3A_161 : vector<16xi32>
      %swap3A_163 = arith.constant 48 : index
      %swap3A_164 = tpu.vector_load %arg14[%swap3A_163] {strides = array<i32>} : memref<64xi32, #tpu.memory_space<vmem>>, vector<16xi32>,
      %swap3A_165 = vector.shape_cast %swap3A_164 : vector<16xi32> to vector<16xi32>
      %swap3A_166 = vector.shape_cast %add3A_162 : vector<16xi32> to vector<16xi32>
      tpu.vector_store %arg14[%swap3A_163], %swap3A_166 {strides = array<i32>} : memref<64xi32, #tpu.memory_space<vmem>>, vector<16xi32>,
      %get3A_167 = arith.constant 48 : index
      %get3A_168 = tpu.vector_load %arg12[%get3A_167] {strides = array<i32>} : memref<64xi32, #tpu.memory_space<vmem>>, vector<16xi32>,
      %get3A_169 = vector.shape_cast %get3A_168 : vector<16xi32> to vector<16xi32>
      %shift_right_arithmetic3A_170 = arith.constant 3 : i32
      %shift_right_arithmetic3A_171 = vector.broadcast %shift_right_arithmetic3A_170 : i32 to vector<16xi32>
      %shift_right_arithmetic3A_172 = arith.shrsi %get3A_169, %shift_right_arithmetic3A_171 : vector<16xi32>
      %swap3A_173 = arith.constant 48 : index
      %swap3A_174 = tpu.vector_load %arg22[%swap3A_173] {strides = array<i32>} : memref<64xi32, #tpu.memory_space<vmem>>, vector<16xi32>,
      %swap3A_175 = vector.shape_cast %swap3A_174 : vector<16xi32> to vector<16xi32>
      %swap3A_176 = vector.shape_cast %shift_right_arithmetic3A_172 : vector<16xi32> to vector<16xi32>
      tpu.vector_store %arg22[%swap3A_173], %swap3A_176 {strides = array<i32>} : memref<64xi32, #tpu.memory_space<vmem>>, vector<16xi32>,
      %dma_start3A = arith.constant 0 : i32
      %dma_start3A_177 = arith.constant 0 : i32
      %dma_start3A_178 = tpu.memref_slice %arg2[%dma_start3A, %dma_start3A_177] : memref<40000x128xf32, #tpu.memory_space<hbm>> -> memref<40000x128xf32, #tpu.memory_space<hbm>>
      tpu.enqueue_indirect_dma source(%dma_start3A_178 : memref<40000x128xf32, #tpu.memory_space<hbm>>) target(%arg15 : memref<64x128xf32, #tpu.memory_space<vmem>>) offsets(%arg14 : memref<64xi32, #tpu.memory_space<vmem>>) semaphore(%arg19 : memref<!tpu.dma_semaphore, #tpu.memory_space<semaphore_mem>>)
      %dma_start3A_179 = arith.constant 0 : i32
      %dma_start3A_180 = arith.constant 0 : i32
      %dma_start3A_181 = tpu.memref_slice %arg4[%dma_start3A_179, %dma_start3A_180] : memref<10000x128xf32, #tpu.memory_space<hbm>> -> memref<10000x128xf32, #tpu.memory_space<hbm>>
      tpu.enqueue_indirect_dma source(%dma_start3A_181 : memref<10000x128xf32, #tpu.memory_space<hbm>>) target(%arg16 : memref<64x128xf32, #tpu.memory_space<vmem>>) offsets(%arg12 : memref<64xi32, #tpu.memory_space<vmem>>) semaphore(%arg20 : memref<!tpu.dma_semaphore, #tpu.memory_space<semaphore_mem>>)
      %dma_start3A_182 = arith.constant 0 : i32
      %dma_start3A_183 = arith.constant 0 : i32
      %dma_start3A_184 = tpu.memref_slice %arg3[%dma_start3A_182, %dma_start3A_183] : memref<40000x128xf32, #tpu.memory_space<hbm>> -> memref<40000x128xf32, #tpu.memory_space<hbm>>
      tpu.enqueue_indirect_dma source(%dma_start3A_184 : memref<40000x128xf32, #tpu.memory_space<hbm>>) target(%arg17 : memref<64x128xf32, #tpu.memory_space<vmem>>) offsets(%arg14 : memref<64xi32, #tpu.memory_space<vmem>>) semaphore(%arg21 : memref<!tpu.dma_semaphore, #tpu.memory_space<semaphore_mem>>)
      %dma_wait3A = arith.constant 0 : i32
      %dma_wait3A_185 = arith.constant 0 : i32
      %dma_wait3A_186 = tpu.memref_slice %arg2[%dma_wait3A, %dma_wait3A_185] : memref<40000x128xf32, #tpu.memory_space<hbm>> -> memref<40000x128xf32, #tpu.memory_space<hbm>>
      tpu.wait_indirect_dma semaphore(%arg19 : memref<!tpu.dma_semaphore, #tpu.memory_space<semaphore_mem>>) src(%dma_wait3A_186 : memref<40000x128xf32, #tpu.memory_space<hbm>>) dst(%arg15 : memref<64x128xf32, #tpu.memory_space<vmem>>)
      %dma_wait3A_187 = arith.constant 0 : i32
      %dma_wait3A_188 = arith.constant 0 : i32
      %dma_wait3A_189 = tpu.memref_slice %arg4[%dma_wait3A_187, %dma_wait3A_188] : memref<10000x128xf32, #tpu.memory_space<hbm>> -> memref<10000x128xf32, #tpu.memory_space<hbm>>
      tpu.wait_indirect_dma semaphore(%arg20 : memref<!tpu.dma_semaphore, #tpu.memory_space<semaphore_mem>>) src(%dma_wait3A_189 : memref<10000x128xf32, #tpu.memory_space<hbm>>) dst(%arg16 : memref<64x128xf32, #tpu.memory_space<vmem>>)
      %dma_wait3A_190 = arith.constant 0 : i32
      %dma_wait3A_191 = arith.constant 0 : i32
      %dma_wait3A_192 = tpu.memref_slice %arg3[%dma_wait3A_190, %dma_wait3A_191] : memref<40000x128xf32, #tpu.memory_space<hbm>> -> memref<40000x128xf32, #tpu.memory_space<hbm>>
      tpu.wait_indirect_dma semaphore(%arg21 : memref<!tpu.dma_semaphore, #tpu.memory_space<semaphore_mem>>) src(%dma_wait3A_192 : memref<40000x128xf32, #tpu.memory_space<hbm>>) dst(%arg17 : memref<64x128xf32, #tpu.memory_space<vmem>>)
      %scan3A = arith.constant 0 : i32
      %scan3A_193 = arith.constant 0 : i32
      %scan3A_194 = arith.constant 64 : i32
      %scan3A_195 = arith.addi %scan3A_193, %scan3A_194 : i32
      %scan3A_196 = arith.constant 1 : i32
      scf.for %scan3A_204 = %scan3A_193 to %scan3A_195 step %scan3A_196  : i32 {
        %get3A_205 = arith.index_cast %scan3A_204 : i32 to index
        %get3A_206 = arith.constant 0 : index
        %get3A_207 = tpu.vector_load %arg15[%get3A_205, %get3A_206] {strides = array<i32>} : memref<64x128xf32, #tpu.memory_space<vmem>>, vector<1x16xf32>,
        %get3A_208 = vector.shape_cast %get3A_207 : vector<1x16xf32> to vector<16xf32>
        %get3A_209 = arith.index_cast %scan3A_204 : i32 to index
        %get3A_210 = arith.constant 0 : index
        %get3A_211 = tpu.vector_load %arg16[%get3A_209, %get3A_210] {strides = array<i32>} : memref<64x128xf32, #tpu.memory_space<vmem>>, vector<1x16xf32>,
        %get3A_212 = vector.shape_cast %get3A_211 : vector<1x16xf32> to vector<16xf32>
        %mul3A_213 = arith.mulf %get3A_208, %get3A_212 : vector<16xf32>
        %get3A_214 = arith.index_cast %scan3A_204 : i32 to index
        %get3A_215 = arith.constant 16 : index
        %get3A_216 = tpu.vector_load %arg15[%get3A_214, %get3A_215] {strides = array<i32>} : memref<64x128xf32, #tpu.memory_space<vmem>>, vector<1x16xf32>,
        %get3A_217 = vector.shape_cast %get3A_216 : vector<1x16xf32> to vector<16xf32>
        %get3A_218 = arith.index_cast %scan3A_204 : i32 to index
        %get3A_219 = arith.constant 16 : index
        %get3A_220 = tpu.vector_load %arg16[%get3A_218, %get3A_219] {strides = array<i32>} : memref<64x128xf32, #tpu.memory_space<vmem>>, vector<1x16xf32>,
        %get3A_221 = vector.shape_cast %get3A_220 : vector<1x16xf32> to vector<16xf32>
        %mul3A_222 = arith.mulf %get3A_217, %get3A_221 : vector<16xf32>
        %add3A_223 = arith.addf %mul3A_213, %mul3A_222 : vector<16xf32>
        %lt3A_224 = arith.constant 0 : i32
        %lt3A_225 = vector.broadcast %lt3A_224 : i32 to vector<16xi32>
        %lt3A_226 = arith.cmpi slt, %xor3A_6, %lt3A_225 : vector<16xi32>
        %add3A_227 = arith.constant 16 : i32
        %add3A_228 = vector.broadcast %add3A_227 : i32 to vector<16xi32>
        %add3A_229 = arith.addi %xor3A_6, %add3A_228 : vector<16xi32>
        %select_n3A_230 = arith.select %lt3A_226, %add3A_229, %xor3A_6 : vector<16xi1>, vector<16xi32>
        %broadcast_in_dim3A = vector.shape_cast %select_n3A_230 : vector<16xi32> to vector<16x1xi32>
        %gather3A = vector.shape_cast %broadcast_in_dim3A : vector<16x1xi32> to vector<16xi32>
        %gather3A_231 = tpu.dynamic_gather %add3A_223[%gather3A] in [0] : vector<16xf32>, vector<16xi32> -> vector<16xf32>
        %add3A_232 = arith.addf %add3A_223, %gather3A_231 : vector<16xf32>
        %lt3A_233 = arith.constant 0 : i32
        %lt3A_234 = vector.broadcast %lt3A_233 : i32 to vector<16xi32>
        %lt3A_235 = arith.cmpi slt, %xor3A_9, %lt3A_234 : vector<16xi32>
        %add3A_236 = arith.constant 16 : i32
        %add3A_237 = vector.broadcast %add3A_236 : i32 to vector<16xi32>
        %add3A_238 = arith.addi %xor3A_9, %add3A_237 : vector<16xi32>
        %select_n3A_239 = arith.select %lt3A_235, %add3A_238, %xor3A_9 : vector<16xi1>, vector<16xi32>
        %broadcast_in_dim3A_240 = vector.shape_cast %select_n3A_239 : vector<16xi32> to vector<16x1xi32>
        %gather3A_241 = vector.shape_cast %broadcast_in_dim3A_240 : vector<16x1xi32> to vector<16xi32>
        %gather3A_242 = tpu.dynamic_gather %add3A_232[%gather3A_241] in [0] : vector<16xf32>, vector<16xi32> -> vector<16xf32>
        %add3A_243 = arith.addf %add3A_232, %gather3A_242 : vector<16xf32>
        %lt3A_244 = arith.constant 0 : i32
        %lt3A_245 = vector.broadcast %lt3A_244 : i32 to vector<16xi32>
        %lt3A_246 = arith.cmpi slt, %xor3A_12, %lt3A_245 : vector<16xi32>
        %add3A_247 = arith.constant 16 : i32
        %add3A_248 = vector.broadcast %add3A_247 : i32 to vector<16xi32>
        %add3A_249 = arith.addi %xor3A_12, %add3A_248 : vector<16xi32>
        %select_n3A_250 = arith.select %lt3A_246, %add3A_249, %xor3A_12 : vector<16xi1>, vector<16xi32>
        %broadcast_in_dim3A_251 = vector.shape_cast %select_n3A_250 : vector<16xi32> to vector<16x1xi32>
        %gather3A_252 = vector.shape_cast %broadcast_in_dim3A_251 : vector<16x1xi32> to vector<16xi32>
        %gather3A_253 = tpu.dynamic_gather %add3A_243[%gather3A_252] in [0] : vector<16xf32>, vector<16xi32> -> vector<16xf32>
        %add3A_254 = arith.addf %add3A_243, %gather3A_253 : vector<16xf32>
        %lt3A_255 = arith.constant 0 : i32
        %lt3A_256 = vector.broadcast %lt3A_255 : i32 to vector<16xi32>
        %lt3A_257 = arith.cmpi slt, %xor3A_15, %lt3A_256 : vector<16xi32>
        %add3A_258 = arith.constant 16 : i32
        %add3A_259 = vector.broadcast %add3A_258 : i32 to vector<16xi32>
        %add3A_260 = arith.addi %xor3A_15, %add3A_259 : vector<16xi32>
        %select_n3A_261 = arith.select %lt3A_257, %add3A_260, %xor3A_15 : vector<16xi1>, vector<16xi32>
        %broadcast_in_dim3A_262 = vector.shape_cast %select_n3A_261 : vector<16xi32> to vector<16x1xi32>
        %gather3A_263 = vector.shape_cast %broadcast_in_dim3A_262 : vector<16x1xi32> to vector<16xi32>
        %gather3A_264 = tpu.dynamic_gather %add3A_254[%gather3A_263] in [0] : vector<16xf32>, vector<16xi32> -> vector<16xf32>
        %add3A_265 = arith.addf %add3A_254, %gather3A_264 : vector<16xf32>
        %exp3A = math.exp %add3A_265 : vector<16xf32>
        %get3A_266 = arith.index_cast %scan3A_204 : i32 to index
        %get3A_267 = arith.constant 32 : index
        %get3A_268 = tpu.vector_load %arg15[%get3A_266, %get3A_267] {strides = array<i32>} : memref<64x128xf32, #tpu.memory_space<vmem>>, vector<1x16xf32>,
        %get3A_269 = vector.shape_cast %get3A_268 : vector<1x16xf32> to vector<16xf32>
        %get3A_270 = arith.index_cast %scan3A_204 : i32 to index
        %get3A_271 = arith.constant 32 : index
        %get3A_272 = tpu.vector_load %arg16[%get3A_270, %get3A_271] {strides = array<i32>} : memref<64x128xf32, #tpu.memory_space<vmem>>, vector<1x16xf32>,
        %get3A_273 = vector.shape_cast %get3A_272 : vector<1x16xf32> to vector<16xf32>
        %mul3A_274 = arith.mulf %get3A_269, %get3A_273 : vector<16xf32>
        %get3A_275 = arith.index_cast %scan3A_204 : i32 to index
        %get3A_276 = arith.constant 48 : index
        %get3A_277 = tpu.vector_load %arg15[%get3A_275, %get3A_276] {strides = array<i32>} : memref<64x128xf32, #tpu.memory_space<vmem>>, vector<1x16xf32>,
        %get3A_278 = vector.shape_cast %get3A_277 : vector<1x16xf32> to vector<16xf32>
        %get3A_279 = arith.index_cast %scan3A_204 : i32 to index
        %get3A_280 = arith.constant 48 : index
        %get3A_281 = tpu.vector_load %arg16[%get3A_279, %get3A_280] {strides = array<i32>} : memref<64x128xf32, #tpu.memory_space<vmem>>, vector<1x16xf32>,
        %get3A_282 = vector.shape_cast %get3A_281 : vector<1x16xf32> to vector<16xf32>
        %mul3A_283 = arith.mulf %get3A_278, %get3A_282 : vector<16xf32>
        %add3A_284 = arith.addf %mul3A_274, %mul3A_283 : vector<16xf32>
        %lt3A_285 = arith.constant 0 : i32
        %lt3A_286 = vector.broadcast %lt3A_285 : i32 to vector<16xi32>
        %lt3A_287 = arith.cmpi slt, %xor3A_6, %lt3A_286 : vector<16xi32>
        %add3A_288 = arith.constant 16 : i32
        %add3A_289 = vector.broadcast %add3A_288 : i32 to vector<16xi32>
        %add3A_290 = arith.addi %xor3A_6, %add3A_289 : vector<16xi32>
        %select_n3A_291 = arith.select %lt3A_287, %add3A_290, %xor3A_6 : vector<16xi1>, vector<16xi32>
        %broadcast_in_dim3A_292 = vector.shape_cast %select_n3A_291 : vector<16xi32> to vector<16x1xi32>
        %gather3A_293 = vector.shape_cast %broadcast_in_dim3A_292 : vector<16x1xi32> to vector<16xi32>
        %gather3A_294 = tpu.dynamic_gather %add3A_284[%gather3A_293] in [0] : vector<16xf32>, vector<16xi32> -> vector<16xf32>
        %add3A_295 = arith.addf %add3A_284, %gather3A_294 : vector<16xf32>
        %lt3A_296 = arith.constant 0 : i32
        %lt3A_297 = vector.broadcast %lt3A_296 : i32 to vector<16xi32>
        %lt3A_298 = arith.cmpi slt, %xor3A_9, %lt3A_297 : vector<16xi32>
        %add3A_299 = arith.constant 16 : i32
        %add3A_300 = vector.broadcast %add3A_299 : i32 to vector<16xi32>
        %add3A_301 = arith.addi %xor3A_9, %add3A_300 : vector<16xi32>
        %select_n3A_302 = arith.select %lt3A_298, %add3A_301, %xor3A_9 : vector<16xi1>, vector<16xi32>
        %broadcast_in_dim3A_303 = vector.shape_cast %select_n3A_302 : vector<16xi32> to vector<16x1xi32>
        %gather3A_304 = vector.shape_cast %broadcast_in_dim3A_303 : vector<16x1xi32> to vector<16xi32>
        %gather3A_305 = tpu.dynamic_gather %add3A_295[%gather3A_304] in [0] : vector<16xf32>, vector<16xi32> -> vector<16xf32>
        %add3A_306 = arith.addf %add3A_295, %gather3A_305 : vector<16xf32>
        %lt3A_307 = arith.constant 0 : i32
        %lt3A_308 = vector.broadcast %lt3A_307 : i32 to vector<16xi32>
        %lt3A_309 = arith.cmpi slt, %xor3A_12, %lt3A_308 : vector<16xi32>
        %add3A_310 = arith.constant 16 : i32
        %add3A_311 = vector.broadcast %add3A_310 : i32 to vector<16xi32>
        %add3A_312 = arith.addi %xor3A_12, %add3A_311 : vector<16xi32>
        %select_n3A_313 = arith.select %lt3A_309, %add3A_312, %xor3A_12 : vector<16xi1>, vector<16xi32>
        %broadcast_in_dim3A_314 = vector.shape_cast %select_n3A_313 : vector<16xi32> to vector<16x1xi32>
        %gather3A_315 = vector.shape_cast %broadcast_in_dim3A_314 : vector<16x1xi32> to vector<16xi32>
        %gather3A_316 = tpu.dynamic_gather %add3A_306[%gather3A_315] in [0] : vector<16xf32>, vector<16xi32> -> vector<16xf32>
        %add3A_317 = arith.addf %add3A_306, %gather3A_316 : vector<16xf32>
        %lt3A_318 = arith.constant 0 : i32
        %lt3A_319 = vector.broadcast %lt3A_318 : i32 to vector<16xi32>
        %lt3A_320 = arith.cmpi slt, %xor3A_15, %lt3A_319 : vector<16xi32>
        %add3A_321 = arith.constant 16 : i32
        %add3A_322 = vector.broadcast %add3A_321 : i32 to vector<16xi32>
        %add3A_323 = arith.addi %xor3A_15, %add3A_322 : vector<16xi32>
        %select_n3A_324 = arith.select %lt3A_320, %add3A_323, %xor3A_15 : vector<16xi1>, vector<16xi32>
        %broadcast_in_dim3A_325 = vector.shape_cast %select_n3A_324 : vector<16xi32> to vector<16x1xi32>
        %gather3A_326 = vector.shape_cast %broadcast_in_dim3A_325 : vector<16x1xi32> to vector<16xi32>
        %gather3A_327 = tpu.dynamic_gather %add3A_317[%gather3A_326] in [0] : vector<16xf32>, vector<16xi32> -> vector<16xf32>
        %add3A_328 = arith.addf %add3A_317, %gather3A_327 : vector<16xf32>
        %exp3A_329 = math.exp %add3A_328 : vector<16xf32>
        %get3A_330 = arith.index_cast %scan3A_204 : i32 to index
        %get3A_331 = arith.constant 64 : index
        %get3A_332 = tpu.vector_load %arg15[%get3A_330, %get3A_331] {strides = array<i32>} : memref<64x128xf32, #tpu.memory_space<vmem>>, vector<1x16xf32>,
        %get3A_333 = vector.shape_cast %get3A_332 : vector<1x16xf32> to vector<16xf32>
        %get3A_334 = arith.index_cast %scan3A_204 : i32 to index
        %get3A_335 = arith.constant 64 : index
        %get3A_336 = tpu.vector_load %arg16[%get3A_334, %get3A_335] {strides = array<i32>} : memref<64x128xf32, #tpu.memory_space<vmem>>, vector<1x16xf32>,
        %get3A_337 = vector.shape_cast %get3A_336 : vector<1x16xf32> to vector<16xf32>
        %mul3A_338 = arith.mulf %get3A_333, %get3A_337 : vector<16xf32>
        %get3A_339 = arith.index_cast %scan3A_204 : i32 to index
        %get3A_340 = arith.constant 80 : index
        %get3A_341 = tpu.vector_load %arg15[%get3A_339, %get3A_340] {strides = array<i32>} : memref<64x128xf32, #tpu.memory_space<vmem>>, vector<1x16xf32>,
        %get3A_342 = vector.shape_cast %get3A_341 : vector<1x16xf32> to vector<16xf32>
        %get3A_343 = arith.index_cast %scan3A_204 : i32 to index
        %get3A_344 = arith.constant 80 : index
        %get3A_345 = tpu.vector_load %arg16[%get3A_343, %get3A_344] {strides = array<i32>} : memref<64x128xf32, #tpu.memory_space<vmem>>, vector<1x16xf32>,
        %get3A_346 = vector.shape_cast %get3A_345 : vector<1x16xf32> to vector<16xf32>
        %mul3A_347 = arith.mulf %get3A_342, %get3A_346 : vector<16xf32>
        %add3A_348 = arith.addf %mul3A_338, %mul3A_347 : vector<16xf32>
        %lt3A_349 = arith.constant 0 : i32
        %lt3A_350 = vector.broadcast %lt3A_349 : i32 to vector<16xi32>
        %lt3A_351 = arith.cmpi slt, %xor3A_6, %lt3A_350 : vector<16xi32>
        %add3A_352 = arith.constant 16 : i32
        %add3A_353 = vector.broadcast %add3A_352 : i32 to vector<16xi32>
        %add3A_354 = arith.addi %xor3A_6, %add3A_353 : vector<16xi32>
        %select_n3A_355 = arith.select %lt3A_351, %add3A_354, %xor3A_6 : vector<16xi1>, vector<16xi32>
        %broadcast_in_dim3A_356 = vector.shape_cast %select_n3A_355 : vector<16xi32> to vector<16x1xi32>
        %gather3A_357 = vector.shape_cast %broadcast_in_dim3A_356 : vector<16x1xi32> to vector<16xi32>
        %gather3A_358 = tpu.dynamic_gather %add3A_348[%gather3A_357] in [0] : vector<16xf32>, vector<16xi32> -> vector<16xf32>
        %add3A_359 = arith.addf %add3A_348, %gather3A_358 : vector<16xf32>
        %lt3A_360 = arith.constant 0 : i32
        %lt3A_361 = vector.broadcast %lt3A_360 : i32 to vector<16xi32>
        %lt3A_362 = arith.cmpi slt, %xor3A_9, %lt3A_361 : vector<16xi32>
        %add3A_363 = arith.constant 16 : i32
        %add3A_364 = vector.broadcast %add3A_363 : i32 to vector<16xi32>
        %add3A_365 = arith.addi %xor3A_9, %add3A_364 : vector<16xi32>
        %select_n3A_366 = arith.select %lt3A_362, %add3A_365, %xor3A_9 : vector<16xi1>, vector<16xi32>
        %broadcast_in_dim3A_367 = vector.shape_cast %select_n3A_366 : vector<16xi32> to vector<16x1xi32>
        %gather3A_368 = vector.shape_cast %broadcast_in_dim3A_367 : vector<16x1xi32> to vector<16xi32>
        %gather3A_369 = tpu.dynamic_gather %add3A_359[%gather3A_368] in [0] : vector<16xf32>, vector<16xi32> -> vector<16xf32>
        %add3A_370 = arith.addf %add3A_359, %gather3A_369 : vector<16xf32>
        %lt3A_371 = arith.constant 0 : i32
        %lt3A_372 = vector.broadcast %lt3A_371 : i32 to vector<16xi32>
        %lt3A_373 = arith.cmpi slt, %xor3A_12, %lt3A_372 : vector<16xi32>
        %add3A_374 = arith.constant 16 : i32
        %add3A_375 = vector.broadcast %add3A_374 : i32 to vector<16xi32>
        %add3A_376 = arith.addi %xor3A_12, %add3A_375 : vector<16xi32>
        %select_n3A_377 = arith.select %lt3A_373, %add3A_376, %xor3A_12 : vector<16xi1>, vector<16xi32>
        %broadcast_in_dim3A_378 = vector.shape_cast %select_n3A_377 : vector<16xi32> to vector<16x1xi32>
        %gather3A_379 = vector.shape_cast %broadcast_in_dim3A_378 : vector<16x1xi32> to vector<16xi32>
        %gather3A_380 = tpu.dynamic_gather %add3A_370[%gather3A_379] in [0] : vector<16xf32>, vector<16xi32> -> vector<16xf32>
        %add3A_381 = arith.addf %add3A_370, %gather3A_380 : vector<16xf32>
        %lt3A_382 = arith.constant 0 : i32
        %lt3A_383 = vector.broadcast %lt3A_382 : i32 to vector<16xi32>
        %lt3A_384 = arith.cmpi slt, %xor3A_15, %lt3A_383 : vector<16xi32>
        %add3A_385 = arith.constant 16 : i32
        %add3A_386 = vector.broadcast %add3A_385 : i32 to vector<16xi32>
        %add3A_387 = arith.addi %xor3A_15, %add3A_386 : vector<16xi32>
        %select_n3A_388 = arith.select %lt3A_384, %add3A_387, %xor3A_15 : vector<16xi1>, vector<16xi32>
        %broadcast_in_dim3A_389 = vector.shape_cast %select_n3A_388 : vector<16xi32> to vector<16x1xi32>
        %gather3A_390 = vector.shape_cast %broadcast_in_dim3A_389 : vector<16x1xi32> to vector<16xi32>
        %gather3A_391 = tpu.dynamic_gather %add3A_381[%gather3A_390] in [0] : vector<16xf32>, vector<16xi32> -> vector<16xf32>
        %add3A_392 = arith.addf %add3A_381, %gather3A_391 : vector<16xf32>
        %exp3A_393 = math.exp %add3A_392 : vector<16xf32>
        %get3A_394 = arith.index_cast %scan3A_204 : i32 to index
        %get3A_395 = arith.constant 96 : index
        %get3A_396 = tpu.vector_load %arg15[%get3A_394, %get3A_395] {strides = array<i32>} : memref<64x128xf32, #tpu.memory_space<vmem>>, vector<1x16xf32>,
        %get3A_397 = vector.shape_cast %get3A_396 : vector<1x16xf32> to vector<16xf32>
        %get3A_398 = arith.index_cast %scan3A_204 : i32 to index
        %get3A_399 = arith.constant 96 : index
        %get3A_400 = tpu.vector_load %arg16[%get3A_398, %get3A_399] {strides = array<i32>} : memref<64x128xf32, #tpu.memory_space<vmem>>, vector<1x16xf32>,
        %get3A_401 = vector.shape_cast %get3A_400 : vector<1x16xf32> to vector<16xf32>
        %mul3A_402 = arith.mulf %get3A_397, %get3A_401 : vector<16xf32>
        %get3A_403 = arith.index_cast %scan3A_204 : i32 to index
        %get3A_404 = arith.constant 112 : index
        %get3A_405 = tpu.vector_load %arg15[%get3A_403, %get3A_404] {strides = array<i32>} : memref<64x128xf32, #tpu.memory_space<vmem>>, vector<1x16xf32>,
        %get3A_406 = vector.shape_cast %get3A_405 : vector<1x16xf32> to vector<16xf32>
        %get3A_407 = arith.index_cast %scan3A_204 : i32 to index
        %get3A_408 = arith.constant 112 : index
        %get3A_409 = tpu.vector_load %arg16[%get3A_407, %get3A_408] {strides = array<i32>} : memref<64x128xf32, #tpu.memory_space<vmem>>, vector<1x16xf32>,
        %get3A_410 = vector.shape_cast %get3A_409 : vector<1x16xf32> to vector<16xf32>
        %mul3A_411 = arith.mulf %get3A_406, %get3A_410 : vector<16xf32>
        %add3A_412 = arith.addf %mul3A_402, %mul3A_411 : vector<16xf32>
        %lt3A_413 = arith.constant 0 : i32
        %lt3A_414 = vector.broadcast %lt3A_413 : i32 to vector<16xi32>
        %lt3A_415 = arith.cmpi slt, %xor3A_6, %lt3A_414 : vector<16xi32>
        %add3A_416 = arith.constant 16 : i32
        %add3A_417 = vector.broadcast %add3A_416 : i32 to vector<16xi32>
        %add3A_418 = arith.addi %xor3A_6, %add3A_417 : vector<16xi32>
        %select_n3A_419 = arith.select %lt3A_415, %add3A_418, %xor3A_6 : vector<16xi1>, vector<16xi32>
        %broadcast_in_dim3A_420 = vector.shape_cast %select_n3A_419 : vector<16xi32> to vector<16x1xi32>
        %gather3A_421 = vector.shape_cast %broadcast_in_dim3A_420 : vector<16x1xi32> to vector<16xi32>
        %gather3A_422 = tpu.dynamic_gather %add3A_412[%gather3A_421] in [0] : vector<16xf32>, vector<16xi32> -> vector<16xf32>
        %add3A_423 = arith.addf %add3A_412, %gather3A_422 : vector<16xf32>
        %lt3A_424 = arith.constant 0 : i32
        %lt3A_425 = vector.broadcast %lt3A_424 : i32 to vector<16xi32>
        %lt3A_426 = arith.cmpi slt, %xor3A_9, %lt3A_425 : vector<16xi32>
        %add3A_427 = arith.constant 16 : i32
        %add3A_428 = vector.broadcast %add3A_427 : i32 to vector<16xi32>
        %add3A_429 = arith.addi %xor3A_9, %add3A_428 : vector<16xi32>
        %select_n3A_430 = arith.select %lt3A_426, %add3A_429, %xor3A_9 : vector<16xi1>, vector<16xi32>
        %broadcast_in_dim3A_431 = vector.shape_cast %select_n3A_430 : vector<16xi32> to vector<16x1xi32>
        %gather3A_432 = vector.shape_cast %broadcast_in_dim3A_431 : vector<16x1xi32> to vector<16xi32>
        %gather3A_433 = tpu.dynamic_gather %add3A_423[%gather3A_432] in [0] : vector<16xf32>, vector<16xi32> -> vector<16xf32>
        %add3A_434 = arith.addf %add3A_423, %gather3A_433 : vector<16xf32>
        %lt3A_435 = arith.constant 0 : i32
        %lt3A_436 = vector.broadcast %lt3A_435 : i32 to vector<16xi32>
        %lt3A_437 = arith.cmpi slt, %xor3A_12, %lt3A_436 : vector<16xi32>
        %add3A_438 = arith.constant 16 : i32
        %add3A_439 = vector.broadcast %add3A_438 : i32 to vector<16xi32>
        %add3A_440 = arith.addi %xor3A_12, %add3A_439 : vector<16xi32>
        %select_n3A_441 = arith.select %lt3A_437, %add3A_440, %xor3A_12 : vector<16xi1>, vector<16xi32>
        %broadcast_in_dim3A_442 = vector.shape_cast %select_n3A_441 : vector<16xi32> to vector<16x1xi32>
        %gather3A_443 = vector.shape_cast %broadcast_in_dim3A_442 : vector<16x1xi32> to vector<16xi32>
        %gather3A_444 = tpu.dynamic_gather %add3A_434[%gather3A_443] in [0] : vector<16xf32>, vector<16xi32> -> vector<16xf32>
        %add3A_445 = arith.addf %add3A_434, %gather3A_444 : vector<16xf32>
        %lt3A_446 = arith.constant 0 : i32
        %lt3A_447 = vector.broadcast %lt3A_446 : i32 to vector<16xi32>
        %lt3A_448 = arith.cmpi slt, %xor3A_15, %lt3A_447 : vector<16xi32>
        %add3A_449 = arith.constant 16 : i32
        %add3A_450 = vector.broadcast %add3A_449 : i32 to vector<16xi32>
        %add3A_451 = arith.addi %xor3A_15, %add3A_450 : vector<16xi32>
        %select_n3A_452 = arith.select %lt3A_448, %add3A_451, %xor3A_15 : vector<16xi1>, vector<16xi32>
        %broadcast_in_dim3A_453 = vector.shape_cast %select_n3A_452 : vector<16xi32> to vector<16x1xi32>
        %gather3A_454 = vector.shape_cast %broadcast_in_dim3A_453 : vector<16x1xi32> to vector<16xi32>
        %gather3A_455 = tpu.dynamic_gather %add3A_445[%gather3A_454] in [0] : vector<16xf32>, vector<16xi32> -> vector<16xf32>
        %add3A_456 = arith.addf %add3A_445, %gather3A_455 : vector<16xf32>
        %exp3A_457 = math.exp %add3A_456 : vector<16xf32>
        %get3A_458 = arith.index_cast %scan3A_204 : i32 to index
        %get3A_459 = arith.constant 0 : index
        %get3A_460 = tpu.vector_load %arg17[%get3A_458, %get3A_459] {strides = array<i32>} : memref<64x128xf32, #tpu.memory_space<vmem>>, vector<1x16xf32>,
        %get3A_461 = vector.shape_cast %get3A_460 : vector<1x16xf32> to vector<16xf32>
        %mul3A_462 = arith.mulf %get3A_461, %exp3A : vector<16xf32>
        %swap3A_463 = arith.index_cast %scan3A_204 : i32 to index
        %swap3A_464 = arith.constant 0 : index
        %swap3A_465 = tpu.vector_load %arg17[%swap3A_463, %swap3A_464] {strides = array<i32>} : memref<64x128xf32, #tpu.memory_space<vmem>>, vector<1x16xf32>,
        %swap3A_466 = vector.shape_cast %swap3A_465 : vector<1x16xf32> to vector<16xf32>
        %swap3A_467 = vector.shape_cast %mul3A_462 : vector<16xf32> to vector<1x16xf32>
        tpu.vector_store %arg17[%swap3A_463, %swap3A_464], %swap3A_467 {strides = array<i32>} : memref<64x128xf32, #tpu.memory_space<vmem>>, vector<1x16xf32>,
        %get3A_468 = arith.index_cast %scan3A_204 : i32 to index
        %get3A_469 = arith.constant 16 : index
        %get3A_470 = tpu.vector_load %arg17[%get3A_468, %get3A_469] {strides = array<i32>} : memref<64x128xf32, #tpu.memory_space<vmem>>, vector<1x16xf32>,
        %get3A_471 = vector.shape_cast %get3A_470 : vector<1x16xf32> to vector<16xf32>
        %mul3A_472 = arith.mulf %get3A_471, %exp3A : vector<16xf32>
        %swap3A_473 = arith.index_cast %scan3A_204 : i32 to index
        %swap3A_474 = arith.constant 16 : index
        %swap3A_475 = tpu.vector_load %arg17[%swap3A_473, %swap3A_474] {strides = array<i32>} : memref<64x128xf32, #tpu.memory_space<vmem>>, vector<1x16xf32>,
        %swap3A_476 = vector.shape_cast %swap3A_475 : vector<1x16xf32> to vector<16xf32>
        %swap3A_477 = vector.shape_cast %mul3A_472 : vector<16xf32> to vector<1x16xf32>
        tpu.vector_store %arg17[%swap3A_473, %swap3A_474], %swap3A_477 {strides = array<i32>} : memref<64x128xf32, #tpu.memory_space<vmem>>, vector<1x16xf32>,
        %get3A_478 = arith.index_cast %scan3A_204 : i32 to index
        %get3A_479 = arith.constant 32 : index
        %get3A_480 = tpu.vector_load %arg17[%get3A_478, %get3A_479] {strides = array<i32>} : memref<64x128xf32, #tpu.memory_space<vmem>>, vector<1x16xf32>,
        %get3A_481 = vector.shape_cast %get3A_480 : vector<1x16xf32> to vector<16xf32>
        %mul3A_482 = arith.mulf %get3A_481, %exp3A_329 : vector<16xf32>
        %swap3A_483 = arith.index_cast %scan3A_204 : i32 to index
        %swap3A_484 = arith.constant 32 : index
        %swap3A_485 = tpu.vector_load %arg17[%swap3A_483, %swap3A_484] {strides = array<i32>} : memref<64x128xf32, #tpu.memory_space<vmem>>, vector<1x16xf32>,
        %swap3A_486 = vector.shape_cast %swap3A_485 : vector<1x16xf32> to vector<16xf32>
        %swap3A_487 = vector.shape_cast %mul3A_482 : vector<16xf32> to vector<1x16xf32>
        tpu.vector_store %arg17[%swap3A_483, %swap3A_484], %swap3A_487 {strides = array<i32>} : memref<64x128xf32, #tpu.memory_space<vmem>>, vector<1x16xf32>,
        %get3A_488 = arith.index_cast %scan3A_204 : i32 to index
        %get3A_489 = arith.constant 48 : index
        %get3A_490 = tpu.vector_load %arg17[%get3A_488, %get3A_489] {strides = array<i32>} : memref<64x128xf32, #tpu.memory_space<vmem>>, vector<1x16xf32>,
        %get3A_491 = vector.shape_cast %get3A_490 : vector<1x16xf32> to vector<16xf32>
        %mul3A_492 = arith.mulf %get3A_491, %exp3A_329 : vector<16xf32>
        %swap3A_493 = arith.index_cast %scan3A_204 : i32 to index
        %swap3A_494 = arith.constant 48 : index
        %swap3A_495 = tpu.vector_load %arg17[%swap3A_493, %swap3A_494] {strides = array<i32>} : memref<64x128xf32, #tpu.memory_space<vmem>>, vector<1x16xf32>,
        %swap3A_496 = vector.shape_cast %swap3A_495 : vector<1x16xf32> to vector<16xf32>
        %swap3A_497 = vector.shape_cast %mul3A_492 : vector<16xf32> to vector<1x16xf32>
        tpu.vector_store %arg17[%swap3A_493, %swap3A_494], %swap3A_497 {strides = array<i32>} : memref<64x128xf32, #tpu.memory_space<vmem>>, vector<1x16xf32>,
        %get3A_498 = arith.index_cast %scan3A_204 : i32 to index
        %get3A_499 = arith.constant 64 : index
        %get3A_500 = tpu.vector_load %arg17[%get3A_498, %get3A_499] {strides = array<i32>} : memref<64x128xf32, #tpu.memory_space<vmem>>, vector<1x16xf32>,
        %get3A_501 = vector.shape_cast %get3A_500 : vector<1x16xf32> to vector<16xf32>
        %mul3A_502 = arith.mulf %get3A_501, %exp3A_393 : vector<16xf32>
        %swap3A_503 = arith.index_cast %scan3A_204 : i32 to index
        %swap3A_504 = arith.constant 64 : index
        %swap3A_505 = tpu.vector_load %arg17[%swap3A_503, %swap3A_504] {strides = array<i32>} : memref<64x128xf32, #tpu.memory_space<vmem>>, vector<1x16xf32>,
        %swap3A_506 = vector.shape_cast %swap3A_505 : vector<1x16xf32> to vector<16xf32>
        %swap3A_507 = vector.shape_cast %mul3A_502 : vector<16xf32> to vector<1x16xf32>
        tpu.vector_store %arg17[%swap3A_503, %swap3A_504], %swap3A_507 {strides = array<i32>} : memref<64x128xf32, #tpu.memory_space<vmem>>, vector<1x16xf32>,
        %get3A_508 = arith.index_cast %scan3A_204 : i32 to index
        %get3A_509 = arith.constant 80 : index
        %get3A_510 = tpu.vector_load %arg17[%get3A_508, %get3A_509] {strides = array<i32>} : memref<64x128xf32, #tpu.memory_space<vmem>>, vector<1x16xf32>,
        %get3A_511 = vector.shape_cast %get3A_510 : vector<1x16xf32> to vector<16xf32>
        %mul3A_512 = arith.mulf %get3A_511, %exp3A_393 : vector<16xf32>
        %swap3A_513 = arith.index_cast %scan3A_204 : i32 to index
        %swap3A_514 = arith.constant 80 : index
        %swap3A_515 = tpu.vector_load %arg17[%swap3A_513, %swap3A_514] {strides = array<i32>} : memref<64x128xf32, #tpu.memory_space<vmem>>, vector<1x16xf32>,
        %swap3A_516 = vector.shape_cast %swap3A_515 : vector<1x16xf32> to vector<16xf32>
        %swap3A_517 = vector.shape_cast %mul3A_512 : vector<16xf32> to vector<1x16xf32>
        tpu.vector_store %arg17[%swap3A_513, %swap3A_514], %swap3A_517 {strides = array<i32>} : memref<64x128xf32, #tpu.memory_space<vmem>>, vector<1x16xf32>,
        %get3A_518 = arith.index_cast %scan3A_204 : i32 to index
        %get3A_519 = arith.constant 96 : index
        %get3A_520 = tpu.vector_load %arg17[%get3A_518, %get3A_519] {strides = array<i32>} : memref<64x128xf32, #tpu.memory_space<vmem>>, vector<1x16xf32>,
        %get3A_521 = vector.shape_cast %get3A_520 : vector<1x16xf32> to vector<16xf32>
        %mul3A_522 = arith.mulf %get3A_521, %exp3A_457 : vector<16xf32>
        %swap3A_523 = arith.index_cast %scan3A_204 : i32 to index
        %swap3A_524 = arith.constant 96 : index
        %swap3A_525 = tpu.vector_load %arg17[%swap3A_523, %swap3A_524] {strides = array<i32>} : memref<64x128xf32, #tpu.memory_space<vmem>>, vector<1x16xf32>,
        %swap3A_526 = vector.shape_cast %swap3A_525 : vector<1x16xf32> to vector<16xf32>
        %swap3A_527 = vector.shape_cast %mul3A_522 : vector<16xf32> to vector<1x16xf32>
        tpu.vector_store %arg17[%swap3A_523, %swap3A_524], %swap3A_527 {strides = array<i32>} : memref<64x128xf32, #tpu.memory_space<vmem>>, vector<1x16xf32>,
        %get3A_528 = arith.index_cast %scan3A_204 : i32 to index
        %get3A_529 = arith.constant 112 : index
        %get3A_530 = tpu.vector_load %arg17[%get3A_528, %get3A_529] {strides = array<i32>} : memref<64x128xf32, #tpu.memory_space<vmem>>, vector<1x16xf32>,
        %get3A_531 = vector.shape_cast %get3A_530 : vector<1x16xf32> to vector<16xf32>
        %mul3A_532 = arith.mulf %get3A_531, %exp3A_457 : vector<16xf32>
        %swap3A_533 = arith.index_cast %scan3A_204 : i32 to index
        %swap3A_534 = arith.constant 112 : index
        %swap3A_535 = tpu.vector_load %arg17[%swap3A_533, %swap3A_534] {strides = array<i32>} : memref<64x128xf32, #tpu.memory_space<vmem>>, vector<1x16xf32>,
        %swap3A_536 = vector.shape_cast %swap3A_535 : vector<1x16xf32> to vector<16xf32>
        %swap3A_537 = vector.shape_cast %mul3A_532 : vector<16xf32> to vector<1x16xf32>
        tpu.vector_store %arg17[%swap3A_533, %swap3A_534], %swap3A_537 {strides = array<i32>} : memref<64x128xf32, #tpu.memory_space<vmem>>, vector<1x16xf32>,
        %mul3A_538 = arith.mulf %exp3A, %convert_element_type3A : vector<16xf32>
        %mul3A_539 = arith.mulf %exp3A_329, %convert_element_type3A_33 : vector<16xf32>
        %add3A_540 = arith.addf %mul3A_538, %mul3A_539 : vector<16xf32>
        %mul3A_541 = arith.mulf %exp3A_393, %convert_element_type3A_44 : vector<16xf32>
        %add3A_542 = arith.addf %add3A_540, %mul3A_541 : vector<16xf32>
        %mul3A_543 = arith.mulf %exp3A_457, %convert_element_type3A_55 : vector<16xf32>
        %add3A_544 = arith.addf %add3A_542, %mul3A_543 : vector<16xf32>
        %swap3A_545 = arith.index_cast %scan3A_204 : i32 to index
        %swap3A_546 = arith.constant 0 : index
        %swap3A_547 = tpu.vector_load %arg23[%swap3A_545, %swap3A_546] {strides = array<i32>} : memref<64x16xf32, #tpu.memory_space<vmem>>, vector<1x16xf32>,
        %swap3A_548 = vector.shape_cast %swap3A_547 : vector<1x16xf32> to vector<16xf32>
        %swap3A_549 = vector.shape_cast %add3A_544 : vector<16xf32> to vector<1x16xf32>
        tpu.vector_store %arg23[%swap3A_545, %swap3A_546], %swap3A_549 {strides = array<i32>} : memref<64x16xf32, #tpu.memory_space<vmem>>, vector<1x16xf32>,
      }
      %scan3A_197 = arith.constant 64 : i32
      "tpu.region"() ({
        %run_scoped3A = tpu.sem_alloc : memref<!tpu.dma_semaphore, #tpu.memory_space<semaphore_mem>>
        %dma_start3A_204 = arith.constant 0 : i32
        %dma_start3A_205 = arith.constant 0 : i32
        %dma_start3A_206 = tpu.memref_slice %arg18[%dma_start3A_204, %dma_start3A_205] : memref<10240x128xf32, #tpu.memory_space<vmem_shared>> -> memref<10240x128xf32, #tpu.memory_space<vmem_shared>>
        tpu.enqueue_indirect_dma source(%arg17 : memref<64x128xf32, #tpu.memory_space<vmem>>) target(%dma_start3A_206 : memref<10240x128xf32, #tpu.memory_space<vmem_shared>>) offsets(%arg12 : memref<64xi32, #tpu.memory_space<vmem>>) semaphore(%run_scoped3A : memref<!tpu.dma_semaphore, #tpu.memory_space<semaphore_mem>>) {add = true}
        %dma_wait3A_207 = arith.constant 0 : i32
        %dma_wait3A_208 = arith.constant 0 : i32
        %dma_wait3A_209 = tpu.memref_slice %arg18[%dma_wait3A_207, %dma_wait3A_208] : memref<10240x128xf32, #tpu.memory_space<vmem_shared>> -> memref<10240x128xf32, #tpu.memory_space<vmem_shared>>
        tpu.wait_indirect_dma semaphore(%run_scoped3A : memref<!tpu.dma_semaphore, #tpu.memory_space<semaphore_mem>>) src(%arg17 : memref<64x128xf32, #tpu.memory_space<vmem>>) dst(%dma_wait3A_209 : memref<10240x128xf32, #tpu.memory_space<vmem_shared>>)
        tpu.yield
      }) : () -> ()
      %scan3A_198 = arith.constant 0 : i32
      %scan3A_199 = arith.constant 0 : i32
      %scan3A_200 = arith.constant 64 : i32
      %scan3A_201 = arith.addi %scan3A_199, %scan3A_200 : i32
      %scan3A_202 = arith.constant 1 : i32
      scf.for %scan3A_204 = %scan3A_199 to %scan3A_201 step %scan3A_202  : i32 {
        %get3A_205 = arith.index_cast %scan3A_204 : i32 to index
        %get3A_206 = arith.constant 0 : index
        %get3A_207 = tpu.vector_load %arg23[%get3A_205, %get3A_206] {strides = array<i32>} : memref<64x16xf32, #tpu.memory_space<vmem>>, vector<1x16xf32>,
        %get3A_208 = vector.shape_cast %get3A_207 : vector<1x16xf32> to vector<16xf32>
        %shift_right_arithmetic3A_209 = arith.constant 4 : i32
        %shift_right_arithmetic3A_210 = arith.shrsi %scan3A_204, %shift_right_arithmetic3A_209 : i32
        %mul3A_211 = arith.constant 16 : i32
        %mul3A_212 = arith.muli %shift_right_arithmetic3A_210, %mul3A_211 : i32
        %get3A_213 = arith.index_cast %mul3A_212 : i32 to index
        %get3A_214 = tpu.vector_load %arg12[%get3A_213] {strides = array<i32>} : memref<64xi32, #tpu.memory_space<vmem>>, vector<16xi32>,
        %get3A_215 = vector.shape_cast %get3A_214 : vector<16xi32> to vector<16xi32>
        %and3A = arith.constant 15 : i32
        %and3A_216 = arith.andi %scan3A_204, %and3A : i32
        %broadcast_in_dim3A = vector.broadcast %and3A_216 : i32 to vector<16xi32>
        %lt3A_217 = arith.constant 0 : i32
        %lt3A_218 = vector.broadcast %lt3A_217 : i32 to vector<16xi32>
        %lt3A_219 = arith.cmpi slt, %broadcast_in_dim3A, %lt3A_218 : vector<16xi32>
        %add3A_220 = arith.constant 16 : i32
        %add3A_221 = vector.broadcast %add3A_220 : i32 to vector<16xi32>
        %add3A_222 = arith.addi %broadcast_in_dim3A, %add3A_221 : vector<16xi32>
        %select_n3A_223 = arith.select %lt3A_219, %add3A_222, %broadcast_in_dim3A : vector<16xi1>, vector<16xi32>
        %broadcast_in_dim3A_224 = vector.shape_cast %select_n3A_223 : vector<16xi32> to vector<16x1xi32>
        %gather3A = vector.shape_cast %broadcast_in_dim3A_224 : vector<16x1xi32> to vector<16xi32>
        %gather3A_225 = tpu.dynamic_gather %get3A_215[%gather3A] in [0] : vector<16xi32>, vector<16xi32> -> vector<16xi32>
        %and3A_226 = arith.constant 7 : i32
        %and3A_227 = vector.broadcast %and3A_226 : i32 to vector<16xi32>
        %and3A_228 = arith.andi %gather3A_225, %and3A_227 : vector<16xi32>
        %sub3A_229 = arith.constant 0 : i32
        %sub3A_230 = vector.broadcast %sub3A_229 : i32 to vector<16xi32>
        %sub3A_231 = arith.subi %and3A_228, %sub3A_230 : vector<16xi32>
        %abs3A_232 = math.absi %sub3A_231 : vector<16xi32>
        %min3A_233 = arith.constant 1 : i32
        %min3A_234 = vector.broadcast %min3A_233 : i32 to vector<16xi32>
        %min3A_235 = arith.minsi %abs3A_232, %min3A_234 : vector<16xi32>
        %sub3A_236 = arith.constant 1 : i32
        %sub3A_237 = vector.broadcast %sub3A_236 : i32 to vector<16xi32>
        %sub3A_238 = arith.subi %sub3A_237, %min3A_235 : vector<16xi32>
        %convert_element_type3A_239 = arith.sitofp %sub3A_238 : vector<16xi32> to vector<16xf32>
        %mul3A_240 = arith.mulf %get3A_208, %convert_element_type3A_239 : vector<16xf32>
        %swap3A_241 = arith.index_cast %scan3A_204 : i32 to index
        %swap3A_242 = arith.constant 0 : index
        %swap3A_243 = tpu.vector_load %arg17[%swap3A_241, %swap3A_242] {strides = array<i32>} : memref<64x128xf32, #tpu.memory_space<vmem>>, vector<1x16xf32>,
        %swap3A_244 = vector.shape_cast %swap3A_243 : vector<1x16xf32> to vector<16xf32>
        %swap3A_245 = vector.shape_cast %mul3A_240 : vector<16xf32> to vector<1x16xf32>
        tpu.vector_store %arg17[%swap3A_241, %swap3A_242], %swap3A_245 {strides = array<i32>} : memref<64x128xf32, #tpu.memory_space<vmem>>, vector<1x16xf32>,
        %sub3A_246 = arith.constant 1 : i32
        %sub3A_247 = vector.broadcast %sub3A_246 : i32 to vector<16xi32>
        %sub3A_248 = arith.subi %and3A_228, %sub3A_247 : vector<16xi32>
        %abs3A_249 = math.absi %sub3A_248 : vector<16xi32>
        %min3A_250 = arith.constant 1 : i32
        %min3A_251 = vector.broadcast %min3A_250 : i32 to vector<16xi32>
        %min3A_252 = arith.minsi %abs3A_249, %min3A_251 : vector<16xi32>
        %sub3A_253 = arith.constant 1 : i32
        %sub3A_254 = vector.broadcast %sub3A_253 : i32 to vector<16xi32>
        %sub3A_255 = arith.subi %sub3A_254, %min3A_252 : vector<16xi32>
        %convert_element_type3A_256 = arith.sitofp %sub3A_255 : vector<16xi32> to vector<16xf32>
        %mul3A_257 = arith.mulf %get3A_208, %convert_element_type3A_256 : vector<16xf32>
        %swap3A_258 = arith.index_cast %scan3A_204 : i32 to index
        %swap3A_259 = arith.constant 16 : index
        %swap3A_260 = tpu.vector_load %arg17[%swap3A_258, %swap3A_259] {strides = array<i32>} : memref<64x128xf32, #tpu.memory_space<vmem>>, vector<1x16xf32>,
        %swap3A_261 = vector.shape_cast %swap3A_260 : vector<1x16xf32> to vector<16xf32>
        %swap3A_262 = vector.shape_cast %mul3A_257 : vector<16xf32> to vector<1x16xf32>
        tpu.vector_store %arg17[%swap3A_258, %swap3A_259], %swap3A_262 {strides = array<i32>} : memref<64x128xf32, #tpu.memory_space<vmem>>, vector<1x16xf32>,
        %sub3A_263 = arith.constant 2 : i32
        %sub3A_264 = vector.broadcast %sub3A_263 : i32 to vector<16xi32>
        %sub3A_265 = arith.subi %and3A_228, %sub3A_264 : vector<16xi32>
        %abs3A_266 = math.absi %sub3A_265 : vector<16xi32>
        %min3A_267 = arith.constant 1 : i32
        %min3A_268 = vector.broadcast %min3A_267 : i32 to vector<16xi32>
        %min3A_269 = arith.minsi %abs3A_266, %min3A_268 : vector<16xi32>
        %sub3A_270 = arith.constant 1 : i32
        %sub3A_271 = vector.broadcast %sub3A_270 : i32 to vector<16xi32>
        %sub3A_272 = arith.subi %sub3A_271, %min3A_269 : vector<16xi32>
        %convert_element_type3A_273 = arith.sitofp %sub3A_272 : vector<16xi32> to vector<16xf32>
        %mul3A_274 = arith.mulf %get3A_208, %convert_element_type3A_273 : vector<16xf32>
        %swap3A_275 = arith.index_cast %scan3A_204 : i32 to index
        %swap3A_276 = arith.constant 32 : index
        %swap3A_277 = tpu.vector_load %arg17[%swap3A_275, %swap3A_276] {strides = array<i32>} : memref<64x128xf32, #tpu.memory_space<vmem>>, vector<1x16xf32>,
        %swap3A_278 = vector.shape_cast %swap3A_277 : vector<1x16xf32> to vector<16xf32>
        %swap3A_279 = vector.shape_cast %mul3A_274 : vector<16xf32> to vector<1x16xf32>
        tpu.vector_store %arg17[%swap3A_275, %swap3A_276], %swap3A_279 {strides = array<i32>} : memref<64x128xf32, #tpu.memory_space<vmem>>, vector<1x16xf32>,
        %sub3A_280 = arith.constant 3 : i32
        %sub3A_281 = vector.broadcast %sub3A_280 : i32 to vector<16xi32>
        %sub3A_282 = arith.subi %and3A_228, %sub3A_281 : vector<16xi32>
        %abs3A_283 = math.absi %sub3A_282 : vector<16xi32>
        %min3A_284 = arith.constant 1 : i32
        %min3A_285 = vector.broadcast %min3A_284 : i32 to vector<16xi32>
        %min3A_286 = arith.minsi %abs3A_283, %min3A_285 : vector<16xi32>
        %sub3A_287 = arith.constant 1 : i32
        %sub3A_288 = vector.broadcast %sub3A_287 : i32 to vector<16xi32>
        %sub3A_289 = arith.subi %sub3A_288, %min3A_286 : vector<16xi32>
        %convert_element_type3A_290 = arith.sitofp %sub3A_289 : vector<16xi32> to vector<16xf32>
        %mul3A_291 = arith.mulf %get3A_208, %convert_element_type3A_290 : vector<16xf32>
        %swap3A_292 = arith.index_cast %scan3A_204 : i32 to index
        %swap3A_293 = arith.constant 48 : index
        %swap3A_294 = tpu.vector_load %arg17[%swap3A_292, %swap3A_293] {strides = array<i32>} : memref<64x128xf32, #tpu.memory_space<vmem>>, vector<1x16xf32>,
        %swap3A_295 = vector.shape_cast %swap3A_294 : vector<1x16xf32> to vector<16xf32>
        %swap3A_296 = vector.shape_cast %mul3A_291 : vector<16xf32> to vector<1x16xf32>
        tpu.vector_store %arg17[%swap3A_292, %swap3A_293], %swap3A_296 {strides = array<i32>} : memref<64x128xf32, #tpu.memory_space<vmem>>, vector<1x16xf32>,
        %sub3A_297 = arith.constant 4 : i32
        %sub3A_298 = vector.broadcast %sub3A_297 : i32 to vector<16xi32>
        %sub3A_299 = arith.subi %and3A_228, %sub3A_298 : vector<16xi32>
        %abs3A_300 = math.absi %sub3A_299 : vector<16xi32>
        %min3A_301 = arith.constant 1 : i32
        %min3A_302 = vector.broadcast %min3A_301 : i32 to vector<16xi32>
        %min3A_303 = arith.minsi %abs3A_300, %min3A_302 : vector<16xi32>
        %sub3A_304 = arith.constant 1 : i32
        %sub3A_305 = vector.broadcast %sub3A_304 : i32 to vector<16xi32>
        %sub3A_306 = arith.subi %sub3A_305, %min3A_303 : vector<16xi32>
        %convert_element_type3A_307 = arith.sitofp %sub3A_306 : vector<16xi32> to vector<16xf32>
        %mul3A_308 = arith.mulf %get3A_208, %convert_element_type3A_307 : vector<16xf32>
        %swap3A_309 = arith.index_cast %scan3A_204 : i32 to index
        %swap3A_310 = arith.constant 64 : index
        %swap3A_311 = tpu.vector_load %arg17[%swap3A_309, %swap3A_310] {strides = array<i32>} : memref<64x128xf32, #tpu.memory_space<vmem>>, vector<1x16xf32>,
        %swap3A_312 = vector.shape_cast %swap3A_311 : vector<1x16xf32> to vector<16xf32>
        %swap3A_313 = vector.shape_cast %mul3A_308 : vector<16xf32> to vector<1x16xf32>
        tpu.vector_store %arg17[%swap3A_309, %swap3A_310], %swap3A_313 {strides = array<i32>} : memref<64x128xf32, #tpu.memory_space<vmem>>, vector<1x16xf32>,
        %sub3A_314 = arith.constant 5 : i32
        %sub3A_315 = vector.broadcast %sub3A_314 : i32 to vector<16xi32>
        %sub3A_316 = arith.subi %and3A_228, %sub3A_315 : vector<16xi32>
        %abs3A_317 = math.absi %sub3A_316 : vector<16xi32>
        %min3A_318 = arith.constant 1 : i32
        %min3A_319 = vector.broadcast %min3A_318 : i32 to vector<16xi32>
        %min3A_320 = arith.minsi %abs3A_317, %min3A_319 : vector<16xi32>
        %sub3A_321 = arith.constant 1 : i32
        %sub3A_322 = vector.broadcast %sub3A_321 : i32 to vector<16xi32>
        %sub3A_323 = arith.subi %sub3A_322, %min3A_320 : vector<16xi32>
        %convert_element_type3A_324 = arith.sitofp %sub3A_323 : vector<16xi32> to vector<16xf32>
        %mul3A_325 = arith.mulf %get3A_208, %convert_element_type3A_324 : vector<16xf32>
        %swap3A_326 = arith.index_cast %scan3A_204 : i32 to index
        %swap3A_327 = arith.constant 80 : index
        %swap3A_328 = tpu.vector_load %arg17[%swap3A_326, %swap3A_327] {strides = array<i32>} : memref<64x128xf32, #tpu.memory_space<vmem>>, vector<1x16xf32>,
        %swap3A_329 = vector.shape_cast %swap3A_328 : vector<1x16xf32> to vector<16xf32>
        %swap3A_330 = vector.shape_cast %mul3A_325 : vector<16xf32> to vector<1x16xf32>
        tpu.vector_store %arg17[%swap3A_326, %swap3A_327], %swap3A_330 {strides = array<i32>} : memref<64x128xf32, #tpu.memory_space<vmem>>, vector<1x16xf32>,
        %sub3A_331 = arith.constant 6 : i32
        %sub3A_332 = vector.broadcast %sub3A_331 : i32 to vector<16xi32>
        %sub3A_333 = arith.subi %and3A_228, %sub3A_332 : vector<16xi32>
        %abs3A_334 = math.absi %sub3A_333 : vector<16xi32>
        %min3A_335 = arith.constant 1 : i32
        %min3A_336 = vector.broadcast %min3A_335 : i32 to vector<16xi32>
        %min3A_337 = arith.minsi %abs3A_334, %min3A_336 : vector<16xi32>
        %sub3A_338 = arith.constant 1 : i32
        %sub3A_339 = vector.broadcast %sub3A_338 : i32 to vector<16xi32>
        %sub3A_340 = arith.subi %sub3A_339, %min3A_337 : vector<16xi32>
        %convert_element_type3A_341 = arith.sitofp %sub3A_340 : vector<16xi32> to vector<16xf32>
        %mul3A_342 = arith.mulf %get3A_208, %convert_element_type3A_341 : vector<16xf32>
        %swap3A_343 = arith.index_cast %scan3A_204 : i32 to index
        %swap3A_344 = arith.constant 96 : index
        %swap3A_345 = tpu.vector_load %arg17[%swap3A_343, %swap3A_344] {strides = array<i32>} : memref<64x128xf32, #tpu.memory_space<vmem>>, vector<1x16xf32>,
        %swap3A_346 = vector.shape_cast %swap3A_345 : vector<1x16xf32> to vector<16xf32>
        %swap3A_347 = vector.shape_cast %mul3A_342 : vector<16xf32> to vector<1x16xf32>
        tpu.vector_store %arg17[%swap3A_343, %swap3A_344], %swap3A_347 {strides = array<i32>} : memref<64x128xf32, #tpu.memory_space<vmem>>, vector<1x16xf32>,
        %sub3A_348 = arith.constant 7 : i32
        %sub3A_349 = vector.broadcast %sub3A_348 : i32 to vector<16xi32>
        %sub3A_350 = arith.subi %and3A_228, %sub3A_349 : vector<16xi32>
        %abs3A_351 = math.absi %sub3A_350 : vector<16xi32>
        %min3A_352 = arith.constant 1 : i32
        %min3A_353 = vector.broadcast %min3A_352 : i32 to vector<16xi32>
        %min3A_354 = arith.minsi %abs3A_351, %min3A_353 : vector<16xi32>
        %sub3A_355 = arith.constant 1 : i32
        %sub3A_356 = vector.broadcast %sub3A_355 : i32 to vector<16xi32>
        %sub3A_357 = arith.subi %sub3A_356, %min3A_354 : vector<16xi32>
        %convert_element_type3A_358 = arith.sitofp %sub3A_357 : vector<16xi32> to vector<16xf32>
        %mul3A_359 = arith.mulf %get3A_208, %convert_element_type3A_358 : vector<16xf32>
        %swap3A_360 = arith.index_cast %scan3A_204 : i32 to index
        %swap3A_361 = arith.constant 112 : index
        %swap3A_362 = tpu.vector_load %arg17[%swap3A_360, %swap3A_361] {strides = array<i32>} : memref<64x128xf32, #tpu.memory_space<vmem>>, vector<1x16xf32>,
        %swap3A_363 = vector.shape_cast %swap3A_362 : vector<1x16xf32> to vector<16xf32>
        %swap3A_364 = vector.shape_cast %mul3A_359 : vector<16xf32> to vector<1x16xf32>
        tpu.vector_store %arg17[%swap3A_360, %swap3A_361], %swap3A_364 {strides = array<i32>} : memref<64x128xf32, #tpu.memory_space<vmem>>, vector<1x16xf32>,
      }
      %scan3A_203 = arith.constant 64 : i32
      "tpu.region"() ({
        %run_scoped3A = tpu.sem_alloc : memref<!tpu.dma_semaphore, #tpu.memory_space<semaphore_mem>>
        %dma_start3A_204 = arith.constant 0 : i32
        %dma_start3A_205 = arith.constant 0 : i32
        %dma_start3A_206 = tpu.memref_slice %arg24[%dma_start3A_204, %dma_start3A_205] : memref<1280x128xf32, #tpu.memory_space<vmem_shared>> -> memref<1280x128xf32, #tpu.memory_space<vmem_shared>>
        tpu.enqueue_indirect_dma source(%arg17 : memref<64x128xf32, #tpu.memory_space<vmem>>) target(%dma_start3A_206 : memref<1280x128xf32, #tpu.memory_space<vmem_shared>>) offsets(%arg22 : memref<64xi32, #tpu.memory_space<vmem>>) semaphore(%run_scoped3A : memref<!tpu.dma_semaphore, #tpu.memory_space<semaphore_mem>>) {add = true}
        %dma_wait3A_207 = arith.constant 0 : i32
        %dma_wait3A_208 = arith.constant 0 : i32
        %dma_wait3A_209 = tpu.memref_slice %arg24[%dma_wait3A_207, %dma_wait3A_208] : memref<1280x128xf32, #tpu.memory_space<vmem_shared>> -> memref<1280x128xf32, #tpu.memory_space<vmem_shared>>
        tpu.wait_indirect_dma semaphore(%run_scoped3A : memref<!tpu.dma_semaphore, #tpu.memory_space<semaphore_mem>>) src(%arg17 : memref<64x128xf32, #tpu.memory_space<vmem>>) dst(%dma_wait3A_209 : memref<1280x128xf32, #tpu.memory_space<vmem_shared>>)
        tpu.yield
      }) : () -> ()
    }
    %while3A_68 = arith.constant 1 : i32
    scf.for %while3A_78 = %while3A_66 to %while3A_62 step %while3A_68  : i32 {
      %mul3A_79 = arith.constant 32 : i32
      %mul3A_80 = arith.muli %while3A_78, %mul3A_79 : i32
      %add3A_81 = arith.addi %add3A, %mul3A_80 : i32
      %mul3A_82 = arith.constant 64 : i32
      %mul3A_83 = arith.muli %add3A_81, %mul3A_82 : i32
      %multiple_of3A = tpu.assume_multiple %mul3A_83, 8 : i32
      "tpu.region"() ({
        %run_scoped3A = tpu.sem_alloc : memref<!tpu.dma_semaphore, #tpu.memory_space<semaphore_mem>>
        %dma_start3A_204 = tpu.memref_slice %arg5[%multiple_of3A] : memref<160000xi32, #tpu.memory_space<hbm>> -> memref<64xi32, #tpu.memory_space<hbm>>
        %dma_start3A_205 = tpu.memref_slice %arg5[%multiple_of3A] : memref<160000xi32, #tpu.memory_space<hbm>> -> memref<64xi32, #tpu.memory_space<hbm>>
        tpu.enqueue_dma source(%dma_start3A_205 : memref<64xi32, #tpu.memory_space<hbm>>) target(%arg11 : memref<64xi32, #tpu.memory_space<vmem>>) target_semaphore(%run_scoped3A : memref<!tpu.dma_semaphore, #tpu.memory_space<semaphore_mem>>)
        %dma_wait3A_206 = tpu.memref_slice %arg5[%multiple_of3A] : memref<160000xi32, #tpu.memory_space<hbm>> -> memref<64xi32, #tpu.memory_space<hbm>>
        %dma_wait3A_207 = tpu.memref_slice %arg5[%multiple_of3A] : memref<160000xi32, #tpu.memory_space<hbm>> -> memref<64xi32, #tpu.memory_space<hbm>>
        tpu.wait_dma2 semaphore(%run_scoped3A : memref<!tpu.dma_semaphore, #tpu.memory_space<semaphore_mem>>) src(%dma_wait3A_207 : memref<64xi32, #tpu.memory_space<hbm>>) dst(%arg11 : memref<64xi32, #tpu.memory_space<vmem>>)
        tpu.yield
      }) : () -> ()
      "tpu.region"() ({
        %run_scoped3A = tpu.sem_alloc : memref<!tpu.dma_semaphore, #tpu.memory_space<semaphore_mem>>
        %dma_start3A_204 = tpu.memref_slice %arg6[%multiple_of3A] : memref<160000xi32, #tpu.memory_space<hbm>> -> memref<64xi32, #tpu.memory_space<hbm>>
        %dma_start3A_205 = tpu.memref_slice %arg6[%multiple_of3A] : memref<160000xi32, #tpu.memory_space<hbm>> -> memref<64xi32, #tpu.memory_space<hbm>>
        tpu.enqueue_dma source(%dma_start3A_205 : memref<64xi32, #tpu.memory_space<hbm>>) target(%arg12 : memref<64xi32, #tpu.memory_space<vmem>>) target_semaphore(%run_scoped3A : memref<!tpu.dma_semaphore, #tpu.memory_space<semaphore_mem>>)
        %dma_wait3A_206 = tpu.memref_slice %arg6[%multiple_of3A] : memref<160000xi32, #tpu.memory_space<hbm>> -> memref<64xi32, #tpu.memory_space<hbm>>
        %dma_wait3A_207 = tpu.memref_slice %arg6[%multiple_of3A] : memref<160000xi32, #tpu.memory_space<hbm>> -> memref<64xi32, #tpu.memory_space<hbm>>
        tpu.wait_dma2 semaphore(%run_scoped3A : memref<!tpu.dma_semaphore, #tpu.memory_space<semaphore_mem>>) src(%dma_wait3A_207 : memref<64xi32, #tpu.memory_space<hbm>>) dst(%arg12 : memref<64xi32, #tpu.memory_space<vmem>>)
        tpu.yield
      }) : () -> ()
      "tpu.region"() ({
        %run_scoped3A = tpu.sem_alloc : memref<!tpu.dma_semaphore, #tpu.memory_space<semaphore_mem>>
        %dma_start3A_204 = tpu.memref_slice %arg7[%multiple_of3A] : memref<160000xi32, #tpu.memory_space<hbm>> -> memref<64xi32, #tpu.memory_space<hbm>>
        %dma_start3A_205 = tpu.memref_slice %arg7[%multiple_of3A] : memref<160000xi32, #tpu.memory_space<hbm>> -> memref<64xi32, #tpu.memory_space<hbm>>
        tpu.enqueue_dma source(%dma_start3A_205 : memref<64xi32, #tpu.memory_space<hbm>>) target(%arg13 : memref<64xi32, #tpu.memory_space<vmem>>) target_semaphore(%run_scoped3A : memref<!tpu.dma_semaphore, #tpu.memory_space<semaphore_mem>>)
        %dma_wait3A_206 = tpu.memref_slice %arg7[%multiple_of3A] : memref<160000xi32, #tpu.memory_space<hbm>> -> memref<64xi32, #tpu.memory_space<hbm>>
        %dma_wait3A_207 = tpu.memref_slice %arg7[%multiple_of3A] : memref<160000xi32, #tpu.memory_space<hbm>> -> memref<64xi32, #tpu.memory_space<hbm>>
        tpu.wait_dma2 semaphore(%run_scoped3A : memref<!tpu.dma_semaphore, #tpu.memory_space<semaphore_mem>>) src(%dma_wait3A_207 : memref<64xi32, #tpu.memory_space<hbm>>) dst(%arg13 : memref<64xi32, #tpu.memory_space<vmem>>)
        tpu.yield
      }) : () -> ()
      %get3A = arith.constant 0 : index
      %get3A_84 = tpu.vector_load %arg13[%get3A] {strides = array<i32>} : memref<64xi32, #tpu.memory_space<vmem>>, vector<16xi32>,
      %get3A_85 = vector.shape_cast %get3A_84 : vector<16xi32> to vector<16xi32>
      %mul3A_86 = arith.constant 10000 : i32
      %mul3A_87 = vector.broadcast %mul3A_86 : i32 to vector<16xi32>
      %mul3A_88 = arith.muli %get3A_85, %mul3A_87 : vector<16xi32>
      %get3A_89 = arith.constant 0 : index
      %get3A_90 = tpu.vector_load %arg11[%get3A_89] {strides = array<i32>} : memref<64xi32, #tpu.memory_space<vmem>>, vector<16xi32>,
      %get3A_91 = vector.shape_cast %get3A_90 : vector<16xi32> to vector<16xi32>
      %add3A_92 = arith.addi %mul3A_88, %get3A_91 : vector<16xi32>
      %swap3A = arith.constant 0 : index
      %swap3A_93 = tpu.vector_load %arg14[%swap3A] {strides = array<i32>} : memref<64xi32, #tpu.memory_space<vmem>>, vector<16xi32>,
      %swap3A_94 = vector.shape_cast %swap3A_93 : vector<16xi32> to vector<16xi32>
      %swap3A_95 = vector.shape_cast %add3A_92 : vector<16xi32> to vector<16xi32>
      tpu.vector_store %arg14[%swap3A], %swap3A_95 {strides = array<i32>} : memref<64xi32, #tpu.memory_space<vmem>>, vector<16xi32>,
      %get3A_96 = arith.constant 0 : index
      %get3A_97 = tpu.vector_load %arg12[%get3A_96] {strides = array<i32>} : memref<64xi32, #tpu.memory_space<vmem>>, vector<16xi32>,
      %get3A_98 = vector.shape_cast %get3A_97 : vector<16xi32> to vector<16xi32>
      %shift_right_arithmetic3A = arith.constant 3 : i32
      %shift_right_arithmetic3A_99 = vector.broadcast %shift_right_arithmetic3A : i32 to vector<16xi32>
      %shift_right_arithmetic3A_100 = arith.shrsi %get3A_98, %shift_right_arithmetic3A_99 : vector<16xi32>
      %swap3A_101 = arith.constant 0 : index
      %swap3A_102 = tpu.vector_load %arg22[%swap3A_101] {strides = array<i32>} : memref<64xi32, #tpu.memory_space<vmem>>, vector<16xi32>,
      %swap3A_103 = vector.shape_cast %swap3A_102 : vector<16xi32> to vector<16xi32>
      %swap3A_104 = vector.shape_cast %shift_right_arithmetic3A_100 : vector<16xi32> to vector<16xi32>
      tpu.vector_store %arg22[%swap3A_101], %swap3A_104 {strides = array<i32>} : memref<64xi32, #tpu.memory_space<vmem>>, vector<16xi32>,
      %get3A_105 = arith.constant 16 : index
      %get3A_106 = tpu.vector_load %arg13[%get3A_105] {strides = array<i32>} : memref<64xi32, #tpu.memory_space<vmem>>, vector<16xi32>,
      %get3A_107 = vector.shape_cast %get3A_106 : vector<16xi32> to vector<16xi32>
      %mul3A_108 = arith.constant 10000 : i32
      %mul3A_109 = vector.broadcast %mul3A_108 : i32 to vector<16xi32>
      %mul3A_110 = arith.muli %get3A_107, %mul3A_109 : vector<16xi32>
      %get3A_111 = arith.constant 16 : index
      %get3A_112 = tpu.vector_load %arg11[%get3A_111] {strides = array<i32>} : memref<64xi32, #tpu.memory_space<vmem>>, vector<16xi32>,
      %get3A_113 = vector.shape_cast %get3A_112 : vector<16xi32> to vector<16xi32>
      %add3A_114 = arith.addi %mul3A_110, %get3A_113 : vector<16xi32>
      %swap3A_115 = arith.constant 16 : index
      %swap3A_116 = tpu.vector_load %arg14[%swap3A_115] {strides = array<i32>} : memref<64xi32, #tpu.memory_space<vmem>>, vector<16xi32>,
      %swap3A_117 = vector.shape_cast %swap3A_116 : vector<16xi32> to vector<16xi32>
      %swap3A_118 = vector.shape_cast %add3A_114 : vector<16xi32> to vector<16xi32>
      tpu.vector_store %arg14[%swap3A_115], %swap3A_118 {strides = array<i32>} : memref<64xi32, #tpu.memory_space<vmem>>, vector<16xi32>,
      %get3A_119 = arith.constant 16 : index
      %get3A_120 = tpu.vector_load %arg12[%get3A_119] {strides = array<i32>} : memref<64xi32, #tpu.memory_space<vmem>>, vector<16xi32>,
      %get3A_121 = vector.shape_cast %get3A_120 : vector<16xi32> to vector<16xi32>
      %shift_right_arithmetic3A_122 = arith.constant 3 : i32
      %shift_right_arithmetic3A_123 = vector.broadcast %shift_right_arithmetic3A_122 : i32 to vector<16xi32>
      %shift_right_arithmetic3A_124 = arith.shrsi %get3A_121, %shift_right_arithmetic3A_123 : vector<16xi32>
      %swap3A_125 = arith.constant 16 : index
      %swap3A_126 = tpu.vector_load %arg22[%swap3A_125] {strides = array<i32>} : memref<64xi32, #tpu.memory_space<vmem>>, vector<16xi32>,
      %swap3A_127 = vector.shape_cast %swap3A_126 : vector<16xi32> to vector<16xi32>
      %swap3A_128 = vector.shape_cast %shift_right_arithmetic3A_124 : vector<16xi32> to vector<16xi32>
      tpu.vector_store %arg22[%swap3A_125], %swap3A_128 {strides = array<i32>} : memref<64xi32, #tpu.memory_space<vmem>>, vector<16xi32>,
      %get3A_129 = arith.constant 32 : index
      %get3A_130 = tpu.vector_load %arg13[%get3A_129] {strides = array<i32>} : memref<64xi32, #tpu.memory_space<vmem>>, vector<16xi32>,
      %get3A_131 = vector.shape_cast %get3A_130 : vector<16xi32> to vector<16xi32>
      %mul3A_132 = arith.constant 10000 : i32
      %mul3A_133 = vector.broadcast %mul3A_132 : i32 to vector<16xi32>
      %mul3A_134 = arith.muli %get3A_131, %mul3A_133 : vector<16xi32>
      %get3A_135 = arith.constant 32 : index
      %get3A_136 = tpu.vector_load %arg11[%get3A_135] {strides = array<i32>} : memref<64xi32, #tpu.memory_space<vmem>>, vector<16xi32>,
      %get3A_137 = vector.shape_cast %get3A_136 : vector<16xi32> to vector<16xi32>
      %add3A_138 = arith.addi %mul3A_134, %get3A_137 : vector<16xi32>
      %swap3A_139 = arith.constant 32 : index
      %swap3A_140 = tpu.vector_load %arg14[%swap3A_139] {strides = array<i32>} : memref<64xi32, #tpu.memory_space<vmem>>, vector<16xi32>,
      %swap3A_141 = vector.shape_cast %swap3A_140 : vector<16xi32> to vector<16xi32>
      %swap3A_142 = vector.shape_cast %add3A_138 : vector<16xi32> to vector<16xi32>
      tpu.vector_store %arg14[%swap3A_139], %swap3A_142 {strides = array<i32>} : memref<64xi32, #tpu.memory_space<vmem>>, vector<16xi32>,
      %get3A_143 = arith.constant 32 : index
      %get3A_144 = tpu.vector_load %arg12[%get3A_143] {strides = array<i32>} : memref<64xi32, #tpu.memory_space<vmem>>, vector<16xi32>,
      %get3A_145 = vector.shape_cast %get3A_144 : vector<16xi32> to vector<16xi32>
      %shift_right_arithmetic3A_146 = arith.constant 3 : i32
      %shift_right_arithmetic3A_147 = vector.broadcast %shift_right_arithmetic3A_146 : i32 to vector<16xi32>
      %shift_right_arithmetic3A_148 = arith.shrsi %get3A_145, %shift_right_arithmetic3A_147 : vector<16xi32>
      %swap3A_149 = arith.constant 32 : index
      %swap3A_150 = tpu.vector_load %arg22[%swap3A_149] {strides = array<i32>} : memref<64xi32, #tpu.memory_space<vmem>>, vector<16xi32>,
      %swap3A_151 = vector.shape_cast %swap3A_150 : vector<16xi32> to vector<16xi32>
      %swap3A_152 = vector.shape_cast %shift_right_arithmetic3A_148 : vector<16xi32> to vector<16xi32>
      tpu.vector_store %arg22[%swap3A_149], %swap3A_152 {strides = array<i32>} : memref<64xi32, #tpu.memory_space<vmem>>, vector<16xi32>,
      %get3A_153 = arith.constant 48 : index
      %get3A_154 = tpu.vector_load %arg13[%get3A_153] {strides = array<i32>} : memref<64xi32, #tpu.memory_space<vmem>>, vector<16xi32>,
      %get3A_155 = vector.shape_cast %get3A_154 : vector<16xi32> to vector<16xi32>
      %mul3A_156 = arith.constant 10000 : i32
      %mul3A_157 = vector.broadcast %mul3A_156 : i32 to vector<16xi32>
      %mul3A_158 = arith.muli %get3A_155, %mul3A_157 : vector<16xi32>
      %get3A_159 = arith.constant 48 : index
      %get3A_160 = tpu.vector_load %arg11[%get3A_159] {strides = array<i32>} : memref<64xi32, #tpu.memory_space<vmem>>, vector<16xi32>,
      %get3A_161 = vector.shape_cast %get3A_160 : vector<16xi32> to vector<16xi32>
      %add3A_162 = arith.addi %mul3A_158, %get3A_161 : vector<16xi32>
      %swap3A_163 = arith.constant 48 : index
      %swap3A_164 = tpu.vector_load %arg14[%swap3A_163] {strides = array<i32>} : memref<64xi32, #tpu.memory_space<vmem>>, vector<16xi32>,
      %swap3A_165 = vector.shape_cast %swap3A_164 : vector<16xi32> to vector<16xi32>
      %swap3A_166 = vector.shape_cast %add3A_162 : vector<16xi32> to vector<16xi32>
      tpu.vector_store %arg14[%swap3A_163], %swap3A_166 {strides = array<i32>} : memref<64xi32, #tpu.memory_space<vmem>>, vector<16xi32>,
      %get3A_167 = arith.constant 48 : index
      %get3A_168 = tpu.vector_load %arg12[%get3A_167] {strides = array<i32>} : memref<64xi32, #tpu.memory_space<vmem>>, vector<16xi32>,
      %get3A_169 = vector.shape_cast %get3A_168 : vector<16xi32> to vector<16xi32>
      %shift_right_arithmetic3A_170 = arith.constant 3 : i32
      %shift_right_arithmetic3A_171 = vector.broadcast %shift_right_arithmetic3A_170 : i32 to vector<16xi32>
      %shift_right_arithmetic3A_172 = arith.shrsi %get3A_169, %shift_right_arithmetic3A_171 : vector<16xi32>
      %swap3A_173 = arith.constant 48 : index
      %swap3A_174 = tpu.vector_load %arg22[%swap3A_173] {strides = array<i32>} : memref<64xi32, #tpu.memory_space<vmem>>, vector<16xi32>,
      %swap3A_175 = vector.shape_cast %swap3A_174 : vector<16xi32> to vector<16xi32>
      %swap3A_176 = vector.shape_cast %shift_right_arithmetic3A_172 : vector<16xi32> to vector<16xi32>
      tpu.vector_store %arg22[%swap3A_173], %swap3A_176 {strides = array<i32>} : memref<64xi32, #tpu.memory_space<vmem>>, vector<16xi32>,
      %dma_start3A = arith.constant 0 : i32
      %dma_start3A_177 = arith.constant 0 : i32
      %dma_start3A_178 = tpu.memref_slice %arg2[%dma_start3A, %dma_start3A_177] : memref<40000x128xf32, #tpu.memory_space<hbm>> -> memref<40000x128xf32, #tpu.memory_space<hbm>>
      tpu.enqueue_indirect_dma source(%dma_start3A_178 : memref<40000x128xf32, #tpu.memory_space<hbm>>) target(%arg15 : memref<64x128xf32, #tpu.memory_space<vmem>>) offsets(%arg14 : memref<64xi32, #tpu.memory_space<vmem>>) semaphore(%arg19 : memref<!tpu.dma_semaphore, #tpu.memory_space<semaphore_mem>>)
      %dma_start3A_179 = arith.constant 0 : i32
      %dma_start3A_180 = arith.constant 0 : i32
      %dma_start3A_181 = tpu.memref_slice %arg4[%dma_start3A_179, %dma_start3A_180] : memref<10000x128xf32, #tpu.memory_space<hbm>> -> memref<10000x128xf32, #tpu.memory_space<hbm>>
      tpu.enqueue_indirect_dma source(%dma_start3A_181 : memref<10000x128xf32, #tpu.memory_space<hbm>>) target(%arg16 : memref<64x128xf32, #tpu.memory_space<vmem>>) offsets(%arg12 : memref<64xi32, #tpu.memory_space<vmem>>) semaphore(%arg20 : memref<!tpu.dma_semaphore, #tpu.memory_space<semaphore_mem>>)
      %dma_start3A_182 = arith.constant 0 : i32
      %dma_start3A_183 = arith.constant 0 : i32
      %dma_start3A_184 = tpu.memref_slice %arg3[%dma_start3A_182, %dma_start3A_183] : memref<40000x128xf32, #tpu.memory_space<hbm>> -> memref<40000x128xf32, #tpu.memory_space<hbm>>
      tpu.enqueue_indirect_dma source(%dma_start3A_184 : memref<40000x128xf32, #tpu.memory_space<hbm>>) target(%arg17 : memref<64x128xf32, #tpu.memory_space<vmem>>) offsets(%arg14 : memref<64xi32, #tpu.memory_space<vmem>>) semaphore(%arg21 : memref<!tpu.dma_semaphore, #tpu.memory_space<semaphore_mem>>)
      %dma_wait3A = arith.constant 0 : i32
      %dma_wait3A_185 = arith.constant 0 : i32
      %dma_wait3A_186 = tpu.memref_slice %arg2[%dma_wait3A, %dma_wait3A_185] : memref<40000x128xf32, #tpu.memory_space<hbm>> -> memref<40000x128xf32, #tpu.memory_space<hbm>>
      tpu.wait_indirect_dma semaphore(%arg19 : memref<!tpu.dma_semaphore, #tpu.memory_space<semaphore_mem>>) src(%dma_wait3A_186 : memref<40000x128xf32, #tpu.memory_space<hbm>>) dst(%arg15 : memref<64x128xf32, #tpu.memory_space<vmem>>)
      %dma_wait3A_187 = arith.constant 0 : i32
      %dma_wait3A_188 = arith.constant 0 : i32
      %dma_wait3A_189 = tpu.memref_slice %arg4[%dma_wait3A_187, %dma_wait3A_188] : memref<10000x128xf32, #tpu.memory_space<hbm>> -> memref<10000x128xf32, #tpu.memory_space<hbm>>
      tpu.wait_indirect_dma semaphore(%arg20 : memref<!tpu.dma_semaphore, #tpu.memory_space<semaphore_mem>>) src(%dma_wait3A_189 : memref<10000x128xf32, #tpu.memory_space<hbm>>) dst(%arg16 : memref<64x128xf32, #tpu.memory_space<vmem>>)
      %dma_wait3A_190 = arith.constant 0 : i32
      %dma_wait3A_191 = arith.constant 0 : i32
      %dma_wait3A_192 = tpu.memref_slice %arg3[%dma_wait3A_190, %dma_wait3A_191] : memref<40000x128xf32, #tpu.memory_space<hbm>> -> memref<40000x128xf32, #tpu.memory_space<hbm>>
      tpu.wait_indirect_dma semaphore(%arg21 : memref<!tpu.dma_semaphore, #tpu.memory_space<semaphore_mem>>) src(%dma_wait3A_192 : memref<40000x128xf32, #tpu.memory_space<hbm>>) dst(%arg17 : memref<64x128xf32, #tpu.memory_space<vmem>>)
      %scan3A = arith.constant 0 : i32
      %scan3A_193 = arith.constant 0 : i32
      %scan3A_194 = arith.constant 64 : i32
      %scan3A_195 = arith.addi %scan3A_193, %scan3A_194 : i32
      %scan3A_196 = arith.constant 1 : i32
      scf.for %scan3A_204 = %scan3A_193 to %scan3A_195 step %scan3A_196  : i32 {
        %get3A_205 = arith.index_cast %scan3A_204 : i32 to index
        %get3A_206 = arith.constant 0 : index
        %get3A_207 = tpu.vector_load %arg15[%get3A_205, %get3A_206] {strides = array<i32>} : memref<64x128xf32, #tpu.memory_space<vmem>>, vector<1x16xf32>,
        %get3A_208 = vector.shape_cast %get3A_207 : vector<1x16xf32> to vector<16xf32>
        %get3A_209 = arith.index_cast %scan3A_204 : i32 to index
        %get3A_210 = arith.constant 0 : index
        %get3A_211 = tpu.vector_load %arg16[%get3A_209, %get3A_210] {strides = array<i32>} : memref<64x128xf32, #tpu.memory_space<vmem>>, vector<1x16xf32>,
        %get3A_212 = vector.shape_cast %get3A_211 : vector<1x16xf32> to vector<16xf32>
        %mul3A_213 = arith.mulf %get3A_208, %get3A_212 : vector<16xf32>
        %get3A_214 = arith.index_cast %scan3A_204 : i32 to index
        %get3A_215 = arith.constant 16 : index
        %get3A_216 = tpu.vector_load %arg15[%get3A_214, %get3A_215] {strides = array<i32>} : memref<64x128xf32, #tpu.memory_space<vmem>>, vector<1x16xf32>,
        %get3A_217 = vector.shape_cast %get3A_216 : vector<1x16xf32> to vector<16xf32>
        %get3A_218 = arith.index_cast %scan3A_204 : i32 to index
        %get3A_219 = arith.constant 16 : index
        %get3A_220 = tpu.vector_load %arg16[%get3A_218, %get3A_219] {strides = array<i32>} : memref<64x128xf32, #tpu.memory_space<vmem>>, vector<1x16xf32>,
        %get3A_221 = vector.shape_cast %get3A_220 : vector<1x16xf32> to vector<16xf32>
        %mul3A_222 = arith.mulf %get3A_217, %get3A_221 : vector<16xf32>
        %add3A_223 = arith.addf %mul3A_213, %mul3A_222 : vector<16xf32>
        %lt3A_224 = arith.constant 0 : i32
        %lt3A_225 = vector.broadcast %lt3A_224 : i32 to vector<16xi32>
        %lt3A_226 = arith.cmpi slt, %xor3A_6, %lt3A_225 : vector<16xi32>
        %add3A_227 = arith.constant 16 : i32
        %add3A_228 = vector.broadcast %add3A_227 : i32 to vector<16xi32>
        %add3A_229 = arith.addi %xor3A_6, %add3A_228 : vector<16xi32>
        %select_n3A_230 = arith.select %lt3A_226, %add3A_229, %xor3A_6 : vector<16xi1>, vector<16xi32>
        %broadcast_in_dim3A = vector.shape_cast %select_n3A_230 : vector<16xi32> to vector<16x1xi32>
        %gather3A = vector.shape_cast %broadcast_in_dim3A : vector<16x1xi32> to vector<16xi32>
        %gather3A_231 = tpu.dynamic_gather %add3A_223[%gather3A] in [0] : vector<16xf32>, vector<16xi32> -> vector<16xf32>
        %add3A_232 = arith.addf %add3A_223, %gather3A_231 : vector<16xf32>
        %lt3A_233 = arith.constant 0 : i32
        %lt3A_234 = vector.broadcast %lt3A_233 : i32 to vector<16xi32>
        %lt3A_235 = arith.cmpi slt, %xor3A_9, %lt3A_234 : vector<16xi32>
        %add3A_236 = arith.constant 16 : i32
        %add3A_237 = vector.broadcast %add3A_236 : i32 to vector<16xi32>
        %add3A_238 = arith.addi %xor3A_9, %add3A_237 : vector<16xi32>
        %select_n3A_239 = arith.select %lt3A_235, %add3A_238, %xor3A_9 : vector<16xi1>, vector<16xi32>
        %broadcast_in_dim3A_240 = vector.shape_cast %select_n3A_239 : vector<16xi32> to vector<16x1xi32>
        %gather3A_241 = vector.shape_cast %broadcast_in_dim3A_240 : vector<16x1xi32> to vector<16xi32>
        %gather3A_242 = tpu.dynamic_gather %add3A_232[%gather3A_241] in [0] : vector<16xf32>, vector<16xi32> -> vector<16xf32>
        %add3A_243 = arith.addf %add3A_232, %gather3A_242 : vector<16xf32>
        %lt3A_244 = arith.constant 0 : i32
        %lt3A_245 = vector.broadcast %lt3A_244 : i32 to vector<16xi32>
        %lt3A_246 = arith.cmpi slt, %xor3A_12, %lt3A_245 : vector<16xi32>
        %add3A_247 = arith.constant 16 : i32
        %add3A_248 = vector.broadcast %add3A_247 : i32 to vector<16xi32>
        %add3A_249 = arith.addi %xor3A_12, %add3A_248 : vector<16xi32>
        %select_n3A_250 = arith.select %lt3A_246, %add3A_249, %xor3A_12 : vector<16xi1>, vector<16xi32>
        %broadcast_in_dim3A_251 = vector.shape_cast %select_n3A_250 : vector<16xi32> to vector<16x1xi32>
        %gather3A_252 = vector.shape_cast %broadcast_in_dim3A_251 : vector<16x1xi32> to vector<16xi32>
        %gather3A_253 = tpu.dynamic_gather %add3A_243[%gather3A_252] in [0] : vector<16xf32>, vector<16xi32> -> vector<16xf32>
        %add3A_254 = arith.addf %add3A_243, %gather3A_253 : vector<16xf32>
        %lt3A_255 = arith.constant 0 : i32
        %lt3A_256 = vector.broadcast %lt3A_255 : i32 to vector<16xi32>
        %lt3A_257 = arith.cmpi slt, %xor3A_15, %lt3A_256 : vector<16xi32>
        %add3A_258 = arith.constant 16 : i32
        %add3A_259 = vector.broadcast %add3A_258 : i32 to vector<16xi32>
        %add3A_260 = arith.addi %xor3A_15, %add3A_259 : vector<16xi32>
        %select_n3A_261 = arith.select %lt3A_257, %add3A_260, %xor3A_15 : vector<16xi1>, vector<16xi32>
        %broadcast_in_dim3A_262 = vector.shape_cast %select_n3A_261 : vector<16xi32> to vector<16x1xi32>
        %gather3A_263 = vector.shape_cast %broadcast_in_dim3A_262 : vector<16x1xi32> to vector<16xi32>
        %gather3A_264 = tpu.dynamic_gather %add3A_254[%gather3A_263] in [0] : vector<16xf32>, vector<16xi32> -> vector<16xf32>
        %add3A_265 = arith.addf %add3A_254, %gather3A_264 : vector<16xf32>
        %exp3A = math.exp %add3A_265 : vector<16xf32>
        %get3A_266 = arith.index_cast %scan3A_204 : i32 to index
        %get3A_267 = arith.constant 32 : index
        %get3A_268 = tpu.vector_load %arg15[%get3A_266, %get3A_267] {strides = array<i32>} : memref<64x128xf32, #tpu.memory_space<vmem>>, vector<1x16xf32>,
        %get3A_269 = vector.shape_cast %get3A_268 : vector<1x16xf32> to vector<16xf32>
        %get3A_270 = arith.index_cast %scan3A_204 : i32 to index
        %get3A_271 = arith.constant 32 : index
        %get3A_272 = tpu.vector_load %arg16[%get3A_270, %get3A_271] {strides = array<i32>} : memref<64x128xf32, #tpu.memory_space<vmem>>, vector<1x16xf32>,
        %get3A_273 = vector.shape_cast %get3A_272 : vector<1x16xf32> to vector<16xf32>
        %mul3A_274 = arith.mulf %get3A_269, %get3A_273 : vector<16xf32>
        %get3A_275 = arith.index_cast %scan3A_204 : i32 to index
        %get3A_276 = arith.constant 48 : index
        %get3A_277 = tpu.vector_load %arg15[%get3A_275, %get3A_276] {strides = array<i32>} : memref<64x128xf32, #tpu.memory_space<vmem>>, vector<1x16xf32>,
        %get3A_278 = vector.shape_cast %get3A_277 : vector<1x16xf32> to vector<16xf32>
        %get3A_279 = arith.index_cast %scan3A_204 : i32 to index
        %get3A_280 = arith.constant 48 : index
        %get3A_281 = tpu.vector_load %arg16[%get3A_279, %get3A_280] {strides = array<i32>} : memref<64x128xf32, #tpu.memory_space<vmem>>, vector<1x16xf32>,
        %get3A_282 = vector.shape_cast %get3A_281 : vector<1x16xf32> to vector<16xf32>
        %mul3A_283 = arith.mulf %get3A_278, %get3A_282 : vector<16xf32>
        %add3A_284 = arith.addf %mul3A_274, %mul3A_283 : vector<16xf32>
        %lt3A_285 = arith.constant 0 : i32
        %lt3A_286 = vector.broadcast %lt3A_285 : i32 to vector<16xi32>
        %lt3A_287 = arith.cmpi slt, %xor3A_6, %lt3A_286 : vector<16xi32>
        %add3A_288 = arith.constant 16 : i32
        %add3A_289 = vector.broadcast %add3A_288 : i32 to vector<16xi32>
        %add3A_290 = arith.addi %xor3A_6, %add3A_289 : vector<16xi32>
        %select_n3A_291 = arith.select %lt3A_287, %add3A_290, %xor3A_6 : vector<16xi1>, vector<16xi32>
        %broadcast_in_dim3A_292 = vector.shape_cast %select_n3A_291 : vector<16xi32> to vector<16x1xi32>
        %gather3A_293 = vector.shape_cast %broadcast_in_dim3A_292 : vector<16x1xi32> to vector<16xi32>
        %gather3A_294 = tpu.dynamic_gather %add3A_284[%gather3A_293] in [0] : vector<16xf32>, vector<16xi32> -> vector<16xf32>
        %add3A_295 = arith.addf %add3A_284, %gather3A_294 : vector<16xf32>
        %lt3A_296 = arith.constant 0 : i32
        %lt3A_297 = vector.broadcast %lt3A_296 : i32 to vector<16xi32>
        %lt3A_298 = arith.cmpi slt, %xor3A_9, %lt3A_297 : vector<16xi32>
        %add3A_299 = arith.constant 16 : i32
        %add3A_300 = vector.broadcast %add3A_299 : i32 to vector<16xi32>
        %add3A_301 = arith.addi %xor3A_9, %add3A_300 : vector<16xi32>
        %select_n3A_302 = arith.select %lt3A_298, %add3A_301, %xor3A_9 : vector<16xi1>, vector<16xi32>
        %broadcast_in_dim3A_303 = vector.shape_cast %select_n3A_302 : vector<16xi32> to vector<16x1xi32>
        %gather3A_304 = vector.shape_cast %broadcast_in_dim3A_303 : vector<16x1xi32> to vector<16xi32>
        %gather3A_305 = tpu.dynamic_gather %add3A_295[%gather3A_304] in [0] : vector<16xf32>, vector<16xi32> -> vector<16xf32>
        %add3A_306 = arith.addf %add3A_295, %gather3A_305 : vector<16xf32>
        %lt3A_307 = arith.constant 0 : i32
        %lt3A_308 = vector.broadcast %lt3A_307 : i32 to vector<16xi32>
        %lt3A_309 = arith.cmpi slt, %xor3A_12, %lt3A_308 : vector<16xi32>
        %add3A_310 = arith.constant 16 : i32
        %add3A_311 = vector.broadcast %add3A_310 : i32 to vector<16xi32>
        %add3A_312 = arith.addi %xor3A_12, %add3A_311 : vector<16xi32>
        %select_n3A_313 = arith.select %lt3A_309, %add3A_312, %xor3A_12 : vector<16xi1>, vector<16xi32>
        %broadcast_in_dim3A_314 = vector.shape_cast %select_n3A_313 : vector<16xi32> to vector<16x1xi32>
        %gather3A_315 = vector.shape_cast %broadcast_in_dim3A_314 : vector<16x1xi32> to vector<16xi32>
        %gather3A_316 = tpu.dynamic_gather %add3A_306[%gather3A_315] in [0] : vector<16xf32>, vector<16xi32> -> vector<16xf32>
        %add3A_317 = arith.addf %add3A_306, %gather3A_316 : vector<16xf32>
        %lt3A_318 = arith.constant 0 : i32
        %lt3A_319 = vector.broadcast %lt3A_318 : i32 to vector<16xi32>
        %lt3A_320 = arith.cmpi slt, %xor3A_15, %lt3A_319 : vector<16xi32>
        %add3A_321 = arith.constant 16 : i32
        %add3A_322 = vector.broadcast %add3A_321 : i32 to vector<16xi32>
        %add3A_323 = arith.addi %xor3A_15, %add3A_322 : vector<16xi32>
        %select_n3A_324 = arith.select %lt3A_320, %add3A_323, %xor3A_15 : vector<16xi1>, vector<16xi32>
        %broadcast_in_dim3A_325 = vector.shape_cast %select_n3A_324 : vector<16xi32> to vector<16x1xi32>
        %gather3A_326 = vector.shape_cast %broadcast_in_dim3A_325 : vector<16x1xi32> to vector<16xi32>
        %gather3A_327 = tpu.dynamic_gather %add3A_317[%gather3A_326] in [0] : vector<16xf32>, vector<16xi32> -> vector<16xf32>
        %add3A_328 = arith.addf %add3A_317, %gather3A_327 : vector<16xf32>
        %exp3A_329 = math.exp %add3A_328 : vector<16xf32>
        %get3A_330 = arith.index_cast %scan3A_204 : i32 to index
        %get3A_331 = arith.constant 64 : index
        %get3A_332 = tpu.vector_load %arg15[%get3A_330, %get3A_331] {strides = array<i32>} : memref<64x128xf32, #tpu.memory_space<vmem>>, vector<1x16xf32>,
        %get3A_333 = vector.shape_cast %get3A_332 : vector<1x16xf32> to vector<16xf32>
        %get3A_334 = arith.index_cast %scan3A_204 : i32 to index
        %get3A_335 = arith.constant 64 : index
        %get3A_336 = tpu.vector_load %arg16[%get3A_334, %get3A_335] {strides = array<i32>} : memref<64x128xf32, #tpu.memory_space<vmem>>, vector<1x16xf32>,
        %get3A_337 = vector.shape_cast %get3A_336 : vector<1x16xf32> to vector<16xf32>
        %mul3A_338 = arith.mulf %get3A_333, %get3A_337 : vector<16xf32>
        %get3A_339 = arith.index_cast %scan3A_204 : i32 to index
        %get3A_340 = arith.constant 80 : index
        %get3A_341 = tpu.vector_load %arg15[%get3A_339, %get3A_340] {strides = array<i32>} : memref<64x128xf32, #tpu.memory_space<vmem>>, vector<1x16xf32>,
        %get3A_342 = vector.shape_cast %get3A_341 : vector<1x16xf32> to vector<16xf32>
        %get3A_343 = arith.index_cast %scan3A_204 : i32 to index
        %get3A_344 = arith.constant 80 : index
        %get3A_345 = tpu.vector_load %arg16[%get3A_343, %get3A_344] {strides = array<i32>} : memref<64x128xf32, #tpu.memory_space<vmem>>, vector<1x16xf32>,
        %get3A_346 = vector.shape_cast %get3A_345 : vector<1x16xf32> to vector<16xf32>
        %mul3A_347 = arith.mulf %get3A_342, %get3A_346 : vector<16xf32>
        %add3A_348 = arith.addf %mul3A_338, %mul3A_347 : vector<16xf32>
        %lt3A_349 = arith.constant 0 : i32
        %lt3A_350 = vector.broadcast %lt3A_349 : i32 to vector<16xi32>
        %lt3A_351 = arith.cmpi slt, %xor3A_6, %lt3A_350 : vector<16xi32>
        %add3A_352 = arith.constant 16 : i32
        %add3A_353 = vector.broadcast %add3A_352 : i32 to vector<16xi32>
        %add3A_354 = arith.addi %xor3A_6, %add3A_353 : vector<16xi32>
        %select_n3A_355 = arith.select %lt3A_351, %add3A_354, %xor3A_6 : vector<16xi1>, vector<16xi32>
        %broadcast_in_dim3A_356 = vector.shape_cast %select_n3A_355 : vector<16xi32> to vector<16x1xi32>
        %gather3A_357 = vector.shape_cast %broadcast_in_dim3A_356 : vector<16x1xi32> to vector<16xi32>
        %gather3A_358 = tpu.dynamic_gather %add3A_348[%gather3A_357] in [0] : vector<16xf32>, vector<16xi32> -> vector<16xf32>
        %add3A_359 = arith.addf %add3A_348, %gather3A_358 : vector<16xf32>
        %lt3A_360 = arith.constant 0 : i32
        %lt3A_361 = vector.broadcast %lt3A_360 : i32 to vector<16xi32>
        %lt3A_362 = arith.cmpi slt, %xor3A_9, %lt3A_361 : vector<16xi32>
        %add3A_363 = arith.constant 16 : i32
        %add3A_364 = vector.broadcast %add3A_363 : i32 to vector<16xi32>
        %add3A_365 = arith.addi %xor3A_9, %add3A_364 : vector<16xi32>
        %select_n3A_366 = arith.select %lt3A_362, %add3A_365, %xor3A_9 : vector<16xi1>, vector<16xi32>
        %broadcast_in_dim3A_367 = vector.shape_cast %select_n3A_366 : vector<16xi32> to vector<16x1xi32>
        %gather3A_368 = vector.shape_cast %broadcast_in_dim3A_367 : vector<16x1xi32> to vector<16xi32>
        %gather3A_369 = tpu.dynamic_gather %add3A_359[%gather3A_368] in [0] : vector<16xf32>, vector<16xi32> -> vector<16xf32>
        %add3A_370 = arith.addf %add3A_359, %gather3A_369 : vector<16xf32>
        %lt3A_371 = arith.constant 0 : i32
        %lt3A_372 = vector.broadcast %lt3A_371 : i32 to vector<16xi32>
        %lt3A_373 = arith.cmpi slt, %xor3A_12, %lt3A_372 : vector<16xi32>
        %add3A_374 = arith.constant 16 : i32
        %add3A_375 = vector.broadcast %add3A_374 : i32 to vector<16xi32>
        %add3A_376 = arith.addi %xor3A_12, %add3A_375 : vector<16xi32>
        %select_n3A_377 = arith.select %lt3A_373, %add3A_376, %xor3A_12 : vector<16xi1>, vector<16xi32>
        %broadcast_in_dim3A_378 = vector.shape_cast %select_n3A_377 : vector<16xi32> to vector<16x1xi32>
        %gather3A_379 = vector.shape_cast %broadcast_in_dim3A_378 : vector<16x1xi32> to vector<16xi32>
        %gather3A_380 = tpu.dynamic_gather %add3A_370[%gather3A_379] in [0] : vector<16xf32>, vector<16xi32> -> vector<16xf32>
        %add3A_381 = arith.addf %add3A_370, %gather3A_380 : vector<16xf32>
        %lt3A_382 = arith.constant 0 : i32
        %lt3A_383 = vector.broadcast %lt3A_382 : i32 to vector<16xi32>
        %lt3A_384 = arith.cmpi slt, %xor3A_15, %lt3A_383 : vector<16xi32>
        %add3A_385 = arith.constant 16 : i32
        %add3A_386 = vector.broadcast %add3A_385 : i32 to vector<16xi32>
        %add3A_387 = arith.addi %xor3A_15, %add3A_386 : vector<16xi32>
        %select_n3A_388 = arith.select %lt3A_384, %add3A_387, %xor3A_15 : vector<16xi1>, vector<16xi32>
        %broadcast_in_dim3A_389 = vector.shape_cast %select_n3A_388 : vector<16xi32> to vector<16x1xi32>
        %gather3A_390 = vector.shape_cast %broadcast_in_dim3A_389 : vector<16x1xi32> to vector<16xi32>
        %gather3A_391 = tpu.dynamic_gather %add3A_381[%gather3A_390] in [0] : vector<16xf32>, vector<16xi32> -> vector<16xf32>
        %add3A_392 = arith.addf %add3A_381, %gather3A_391 : vector<16xf32>
        %exp3A_393 = math.exp %add3A_392 : vector<16xf32>
        %get3A_394 = arith.index_cast %scan3A_204 : i32 to index
        %get3A_395 = arith.constant 96 : index
        %get3A_396 = tpu.vector_load %arg15[%get3A_394, %get3A_395] {strides = array<i32>} : memref<64x128xf32, #tpu.memory_space<vmem>>, vector<1x16xf32>,
        %get3A_397 = vector.shape_cast %get3A_396 : vector<1x16xf32> to vector<16xf32>
        %get3A_398 = arith.index_cast %scan3A_204 : i32 to index
        %get3A_399 = arith.constant 96 : index
        %get3A_400 = tpu.vector_load %arg16[%get3A_398, %get3A_399] {strides = array<i32>} : memref<64x128xf32, #tpu.memory_space<vmem>>, vector<1x16xf32>,
        %get3A_401 = vector.shape_cast %get3A_400 : vector<1x16xf32> to vector<16xf32>
        %mul3A_402 = arith.mulf %get3A_397, %get3A_401 : vector<16xf32>
        %get3A_403 = arith.index_cast %scan3A_204 : i32 to index
        %get3A_404 = arith.constant 112 : index
        %get3A_405 = tpu.vector_load %arg15[%get3A_403, %get3A_404] {strides = array<i32>} : memref<64x128xf32, #tpu.memory_space<vmem>>, vector<1x16xf32>,
        %get3A_406 = vector.shape_cast %get3A_405 : vector<1x16xf32> to vector<16xf32>
        %get3A_407 = arith.index_cast %scan3A_204 : i32 to index
        %get3A_408 = arith.constant 112 : index
        %get3A_409 = tpu.vector_load %arg16[%get3A_407, %get3A_408] {strides = array<i32>} : memref<64x128xf32, #tpu.memory_space<vmem>>, vector<1x16xf32>,
        %get3A_410 = vector.shape_cast %get3A_409 : vector<1x16xf32> to vector<16xf32>
        %mul3A_411 = arith.mulf %get3A_406, %get3A_410 : vector<16xf32>
        %add3A_412 = arith.addf %mul3A_402, %mul3A_411 : vector<16xf32>
        %lt3A_413 = arith.constant 0 : i32
        %lt3A_414 = vector.broadcast %lt3A_413 : i32 to vector<16xi32>
        %lt3A_415 = arith.cmpi slt, %xor3A_6, %lt3A_414 : vector<16xi32>
        %add3A_416 = arith.constant 16 : i32
        %add3A_417 = vector.broadcast %add3A_416 : i32 to vector<16xi32>
        %add3A_418 = arith.addi %xor3A_6, %add3A_417 : vector<16xi32>
        %select_n3A_419 = arith.select %lt3A_415, %add3A_418, %xor3A_6 : vector<16xi1>, vector<16xi32>
        %broadcast_in_dim3A_420 = vector.shape_cast %select_n3A_419 : vector<16xi32> to vector<16x1xi32>
        %gather3A_421 = vector.shape_cast %broadcast_in_dim3A_420 : vector<16x1xi32> to vector<16xi32>
        %gather3A_422 = tpu.dynamic_gather %add3A_412[%gather3A_421] in [0] : vector<16xf32>, vector<16xi32> -> vector<16xf32>
        %add3A_423 = arith.addf %add3A_412, %gather3A_422 : vector<16xf32>
        %lt3A_424 = arith.constant 0 : i32
        %lt3A_425 = vector.broadcast %lt3A_424 : i32 to vector<16xi32>
        %lt3A_426 = arith.cmpi slt, %xor3A_9, %lt3A_425 : vector<16xi32>
        %add3A_427 = arith.constant 16 : i32
        %add3A_428 = vector.broadcast %add3A_427 : i32 to vector<16xi32>
        %add3A_429 = arith.addi %xor3A_9, %add3A_428 : vector<16xi32>
        %select_n3A_430 = arith.select %lt3A_426, %add3A_429, %xor3A_9 : vector<16xi1>, vector<16xi32>
        %broadcast_in_dim3A_431 = vector.shape_cast %select_n3A_430 : vector<16xi32> to vector<16x1xi32>
        %gather3A_432 = vector.shape_cast %broadcast_in_dim3A_431 : vector<16x1xi32> to vector<16xi32>
        %gather3A_433 = tpu.dynamic_gather %add3A_423[%gather3A_432] in [0] : vector<16xf32>, vector<16xi32> -> vector<16xf32>
        %add3A_434 = arith.addf %add3A_423, %gather3A_433 : vector<16xf32>
        %lt3A_435 = arith.constant 0 : i32
        %lt3A_436 = vector.broadcast %lt3A_435 : i32 to vector<16xi32>
        %lt3A_437 = arith.cmpi slt, %xor3A_12, %lt3A_436 : vector<16xi32>
        %add3A_438 = arith.constant 16 : i32
        %add3A_439 = vector.broadcast %add3A_438 : i32 to vector<16xi32>
        %add3A_440 = arith.addi %xor3A_12, %add3A_439 : vector<16xi32>
        %select_n3A_441 = arith.select %lt3A_437, %add3A_440, %xor3A_12 : vector<16xi1>, vector<16xi32>
        %broadcast_in_dim3A_442 = vector.shape_cast %select_n3A_441 : vector<16xi32> to vector<16x1xi32>
        %gather3A_443 = vector.shape_cast %broadcast_in_dim3A_442 : vector<16x1xi32> to vector<16xi32>
        %gather3A_444 = tpu.dynamic_gather %add3A_434[%gather3A_443] in [0] : vector<16xf32>, vector<16xi32> -> vector<16xf32>
        %add3A_445 = arith.addf %add3A_434, %gather3A_444 : vector<16xf32>
        %lt3A_446 = arith.constant 0 : i32
        %lt3A_447 = vector.broadcast %lt3A_446 : i32 to vector<16xi32>
        %lt3A_448 = arith.cmpi slt, %xor3A_15, %lt3A_447 : vector<16xi32>
        %add3A_449 = arith.constant 16 : i32
        %add3A_450 = vector.broadcast %add3A_449 : i32 to vector<16xi32>
        %add3A_451 = arith.addi %xor3A_15, %add3A_450 : vector<16xi32>
        %select_n3A_452 = arith.select %lt3A_448, %add3A_451, %xor3A_15 : vector<16xi1>, vector<16xi32>
        %broadcast_in_dim3A_453 = vector.shape_cast %select_n3A_452 : vector<16xi32> to vector<16x1xi32>
        %gather3A_454 = vector.shape_cast %broadcast_in_dim3A_453 : vector<16x1xi32> to vector<16xi32>
        %gather3A_455 = tpu.dynamic_gather %add3A_445[%gather3A_454] in [0] : vector<16xf32>, vector<16xi32> -> vector<16xf32>
        %add3A_456 = arith.addf %add3A_445, %gather3A_455 : vector<16xf32>
        %exp3A_457 = math.exp %add3A_456 : vector<16xf32>
        %get3A_458 = arith.index_cast %scan3A_204 : i32 to index
        %get3A_459 = arith.constant 0 : index
        %get3A_460 = tpu.vector_load %arg17[%get3A_458, %get3A_459] {strides = array<i32>} : memref<64x128xf32, #tpu.memory_space<vmem>>, vector<1x16xf32>,
        %get3A_461 = vector.shape_cast %get3A_460 : vector<1x16xf32> to vector<16xf32>
        %mul3A_462 = arith.mulf %get3A_461, %exp3A : vector<16xf32>
        %swap3A_463 = arith.index_cast %scan3A_204 : i32 to index
        %swap3A_464 = arith.constant 0 : index
        %swap3A_465 = tpu.vector_load %arg17[%swap3A_463, %swap3A_464] {strides = array<i32>} : memref<64x128xf32, #tpu.memory_space<vmem>>, vector<1x16xf32>,
        %swap3A_466 = vector.shape_cast %swap3A_465 : vector<1x16xf32> to vector<16xf32>
        %swap3A_467 = vector.shape_cast %mul3A_462 : vector<16xf32> to vector<1x16xf32>
        tpu.vector_store %arg17[%swap3A_463, %swap3A_464], %swap3A_467 {strides = array<i32>} : memref<64x128xf32, #tpu.memory_space<vmem>>, vector<1x16xf32>,
        %get3A_468 = arith.index_cast %scan3A_204 : i32 to index
        %get3A_469 = arith.constant 16 : index
        %get3A_470 = tpu.vector_load %arg17[%get3A_468, %get3A_469] {strides = array<i32>} : memref<64x128xf32, #tpu.memory_space<vmem>>, vector<1x16xf32>,
        %get3A_471 = vector.shape_cast %get3A_470 : vector<1x16xf32> to vector<16xf32>
        %mul3A_472 = arith.mulf %get3A_471, %exp3A : vector<16xf32>
        %swap3A_473 = arith.index_cast %scan3A_204 : i32 to index
        %swap3A_474 = arith.constant 16 : index
        %swap3A_475 = tpu.vector_load %arg17[%swap3A_473, %swap3A_474] {strides = array<i32>} : memref<64x128xf32, #tpu.memory_space<vmem>>, vector<1x16xf32>,
        %swap3A_476 = vector.shape_cast %swap3A_475 : vector<1x16xf32> to vector<16xf32>
        %swap3A_477 = vector.shape_cast %mul3A_472 : vector<16xf32> to vector<1x16xf32>
        tpu.vector_store %arg17[%swap3A_473, %swap3A_474], %swap3A_477 {strides = array<i32>} : memref<64x128xf32, #tpu.memory_space<vmem>>, vector<1x16xf32>,
        %get3A_478 = arith.index_cast %scan3A_204 : i32 to index
        %get3A_479 = arith.constant 32 : index
        %get3A_480 = tpu.vector_load %arg17[%get3A_478, %get3A_479] {strides = array<i32>} : memref<64x128xf32, #tpu.memory_space<vmem>>, vector<1x16xf32>,
        %get3A_481 = vector.shape_cast %get3A_480 : vector<1x16xf32> to vector<16xf32>
        %mul3A_482 = arith.mulf %get3A_481, %exp3A_329 : vector<16xf32>
        %swap3A_483 = arith.index_cast %scan3A_204 : i32 to index
        %swap3A_484 = arith.constant 32 : index
        %swap3A_485 = tpu.vector_load %arg17[%swap3A_483, %swap3A_484] {strides = array<i32>} : memref<64x128xf32, #tpu.memory_space<vmem>>, vector<1x16xf32>,
        %swap3A_486 = vector.shape_cast %swap3A_485 : vector<1x16xf32> to vector<16xf32>
        %swap3A_487 = vector.shape_cast %mul3A_482 : vector<16xf32> to vector<1x16xf32>
        tpu.vector_store %arg17[%swap3A_483, %swap3A_484], %swap3A_487 {strides = array<i32>} : memref<64x128xf32, #tpu.memory_space<vmem>>, vector<1x16xf32>,
        %get3A_488 = arith.index_cast %scan3A_204 : i32 to index
        %get3A_489 = arith.constant 48 : index
        %get3A_490 = tpu.vector_load %arg17[%get3A_488, %get3A_489] {strides = array<i32>} : memref<64x128xf32, #tpu.memory_space<vmem>>, vector<1x16xf32>,
        %get3A_491 = vector.shape_cast %get3A_490 : vector<1x16xf32> to vector<16xf32>
        %mul3A_492 = arith.mulf %get3A_491, %exp3A_329 : vector<16xf32>
        %swap3A_493 = arith.index_cast %scan3A_204 : i32 to index
        %swap3A_494 = arith.constant 48 : index
        %swap3A_495 = tpu.vector_load %arg17[%swap3A_493, %swap3A_494] {strides = array<i32>} : memref<64x128xf32, #tpu.memory_space<vmem>>, vector<1x16xf32>,
        %swap3A_496 = vector.shape_cast %swap3A_495 : vector<1x16xf32> to vector<16xf32>
        %swap3A_497 = vector.shape_cast %mul3A_492 : vector<16xf32> to vector<1x16xf32>
        tpu.vector_store %arg17[%swap3A_493, %swap3A_494], %swap3A_497 {strides = array<i32>} : memref<64x128xf32, #tpu.memory_space<vmem>>, vector<1x16xf32>,
        %get3A_498 = arith.index_cast %scan3A_204 : i32 to index
        %get3A_499 = arith.constant 64 : index
        %get3A_500 = tpu.vector_load %arg17[%get3A_498, %get3A_499] {strides = array<i32>} : memref<64x128xf32, #tpu.memory_space<vmem>>, vector<1x16xf32>,
        %get3A_501 = vector.shape_cast %get3A_500 : vector<1x16xf32> to vector<16xf32>
        %mul3A_502 = arith.mulf %get3A_501, %exp3A_393 : vector<16xf32>
        %swap3A_503 = arith.index_cast %scan3A_204 : i32 to index
        %swap3A_504 = arith.constant 64 : index
        %swap3A_505 = tpu.vector_load %arg17[%swap3A_503, %swap3A_504] {strides = array<i32>} : memref<64x128xf32, #tpu.memory_space<vmem>>, vector<1x16xf32>,
        %swap3A_506 = vector.shape_cast %swap3A_505 : vector<1x16xf32> to vector<16xf32>
        %swap3A_507 = vector.shape_cast %mul3A_502 : vector<16xf32> to vector<1x16xf32>
        tpu.vector_store %arg17[%swap3A_503, %swap3A_504], %swap3A_507 {strides = array<i32>} : memref<64x128xf32, #tpu.memory_space<vmem>>, vector<1x16xf32>,
        %get3A_508 = arith.index_cast %scan3A_204 : i32 to index
        %get3A_509 = arith.constant 80 : index
        %get3A_510 = tpu.vector_load %arg17[%get3A_508, %get3A_509] {strides = array<i32>} : memref<64x128xf32, #tpu.memory_space<vmem>>, vector<1x16xf32>,
        %get3A_511 = vector.shape_cast %get3A_510 : vector<1x16xf32> to vector<16xf32>
        %mul3A_512 = arith.mulf %get3A_511, %exp3A_393 : vector<16xf32>
        %swap3A_513 = arith.index_cast %scan3A_204 : i32 to index
        %swap3A_514 = arith.constant 80 : index
        %swap3A_515 = tpu.vector_load %arg17[%swap3A_513, %swap3A_514] {strides = array<i32>} : memref<64x128xf32, #tpu.memory_space<vmem>>, vector<1x16xf32>,
        %swap3A_516 = vector.shape_cast %swap3A_515 : vector<1x16xf32> to vector<16xf32>
        %swap3A_517 = vector.shape_cast %mul3A_512 : vector<16xf32> to vector<1x16xf32>
        tpu.vector_store %arg17[%swap3A_513, %swap3A_514], %swap3A_517 {strides = array<i32>} : memref<64x128xf32, #tpu.memory_space<vmem>>, vector<1x16xf32>,
        %get3A_518 = arith.index_cast %scan3A_204 : i32 to index
        %get3A_519 = arith.constant 96 : index
        %get3A_520 = tpu.vector_load %arg17[%get3A_518, %get3A_519] {strides = array<i32>} : memref<64x128xf32, #tpu.memory_space<vmem>>, vector<1x16xf32>,
        %get3A_521 = vector.shape_cast %get3A_520 : vector<1x16xf32> to vector<16xf32>
        %mul3A_522 = arith.mulf %get3A_521, %exp3A_457 : vector<16xf32>
        %swap3A_523 = arith.index_cast %scan3A_204 : i32 to index
        %swap3A_524 = arith.constant 96 : index
        %swap3A_525 = tpu.vector_load %arg17[%swap3A_523, %swap3A_524] {strides = array<i32>} : memref<64x128xf32, #tpu.memory_space<vmem>>, vector<1x16xf32>,
        %swap3A_526 = vector.shape_cast %swap3A_525 : vector<1x16xf32> to vector<16xf32>
        %swap3A_527 = vector.shape_cast %mul3A_522 : vector<16xf32> to vector<1x16xf32>
        tpu.vector_store %arg17[%swap3A_523, %swap3A_524], %swap3A_527 {strides = array<i32>} : memref<64x128xf32, #tpu.memory_space<vmem>>, vector<1x16xf32>,
        %get3A_528 = arith.index_cast %scan3A_204 : i32 to index
        %get3A_529 = arith.constant 112 : index
        %get3A_530 = tpu.vector_load %arg17[%get3A_528, %get3A_529] {strides = array<i32>} : memref<64x128xf32, #tpu.memory_space<vmem>>, vector<1x16xf32>,
        %get3A_531 = vector.shape_cast %get3A_530 : vector<1x16xf32> to vector<16xf32>
        %mul3A_532 = arith.mulf %get3A_531, %exp3A_457 : vector<16xf32>
        %swap3A_533 = arith.index_cast %scan3A_204 : i32 to index
        %swap3A_534 = arith.constant 112 : index
        %swap3A_535 = tpu.vector_load %arg17[%swap3A_533, %swap3A_534] {strides = array<i32>} : memref<64x128xf32, #tpu.memory_space<vmem>>, vector<1x16xf32>,
        %swap3A_536 = vector.shape_cast %swap3A_535 : vector<1x16xf32> to vector<16xf32>
        %swap3A_537 = vector.shape_cast %mul3A_532 : vector<16xf32> to vector<1x16xf32>
        tpu.vector_store %arg17[%swap3A_533, %swap3A_534], %swap3A_537 {strides = array<i32>} : memref<64x128xf32, #tpu.memory_space<vmem>>, vector<1x16xf32>,
        %mul3A_538 = arith.mulf %exp3A, %convert_element_type3A : vector<16xf32>
        %mul3A_539 = arith.mulf %exp3A_329, %convert_element_type3A_33 : vector<16xf32>
        %add3A_540 = arith.addf %mul3A_538, %mul3A_539 : vector<16xf32>
        %mul3A_541 = arith.mulf %exp3A_393, %convert_element_type3A_44 : vector<16xf32>
        %add3A_542 = arith.addf %add3A_540, %mul3A_541 : vector<16xf32>
        %mul3A_543 = arith.mulf %exp3A_457, %convert_element_type3A_55 : vector<16xf32>
        %add3A_544 = arith.addf %add3A_542, %mul3A_543 : vector<16xf32>
        %swap3A_545 = arith.index_cast %scan3A_204 : i32 to index
        %swap3A_546 = arith.constant 0 : index
        %swap3A_547 = tpu.vector_load %arg23[%swap3A_545, %swap3A_546] {strides = array<i32>} : memref<64x16xf32, #tpu.memory_space<vmem>>, vector<1x16xf32>,
        %swap3A_548 = vector.shape_cast %swap3A_547 : vector<1x16xf32> to vector<16xf32>
        %swap3A_549 = vector.shape_cast %add3A_544 : vector<16xf32> to vector<1x16xf32>
        tpu.vector_store %arg23[%swap3A_545, %swap3A_546], %swap3A_549 {strides = array<i32>} : memref<64x16xf32, #tpu.memory_space<vmem>>, vector<1x16xf32>,
      }
      %scan3A_197 = arith.constant 64 : i32
      "tpu.region"() ({
        %run_scoped3A = tpu.sem_alloc : memref<!tpu.dma_semaphore, #tpu.memory_space<semaphore_mem>>
        %dma_start3A_204 = arith.constant 0 : i32
        %dma_start3A_205 = arith.constant 0 : i32
        %dma_start3A_206 = tpu.memref_slice %arg18[%dma_start3A_204, %dma_start3A_205] : memref<10240x128xf32, #tpu.memory_space<vmem_shared>> -> memref<10240x128xf32, #tpu.memory_space<vmem_shared>>
        tpu.enqueue_indirect_dma source(%arg17 : memref<64x128xf32, #tpu.memory_space<vmem>>) target(%dma_start3A_206 : memref<10240x128xf32, #tpu.memory_space<vmem_shared>>) offsets(%arg12 : memref<64xi32, #tpu.memory_space<vmem>>) semaphore(%run_scoped3A : memref<!tpu.dma_semaphore, #tpu.memory_space<semaphore_mem>>) {add = true}
        %dma_wait3A_207 = arith.constant 0 : i32
        %dma_wait3A_208 = arith.constant 0 : i32
        %dma_wait3A_209 = tpu.memref_slice %arg18[%dma_wait3A_207, %dma_wait3A_208] : memref<10240x128xf32, #tpu.memory_space<vmem_shared>> -> memref<10240x128xf32, #tpu.memory_space<vmem_shared>>
        tpu.wait_indirect_dma semaphore(%run_scoped3A : memref<!tpu.dma_semaphore, #tpu.memory_space<semaphore_mem>>) src(%arg17 : memref<64x128xf32, #tpu.memory_space<vmem>>) dst(%dma_wait3A_209 : memref<10240x128xf32, #tpu.memory_space<vmem_shared>>)
        tpu.yield
      }) : () -> ()
      %scan3A_198 = arith.constant 0 : i32
      %scan3A_199 = arith.constant 0 : i32
      %scan3A_200 = arith.constant 64 : i32
      %scan3A_201 = arith.addi %scan3A_199, %scan3A_200 : i32
      %scan3A_202 = arith.constant 1 : i32
      scf.for %scan3A_204 = %scan3A_199 to %scan3A_201 step %scan3A_202  : i32 {
        %get3A_205 = arith.index_cast %scan3A_204 : i32 to index
        %get3A_206 = arith.constant 0 : index
        %get3A_207 = tpu.vector_load %arg23[%get3A_205, %get3A_206] {strides = array<i32>} : memref<64x16xf32, #tpu.memory_space<vmem>>, vector<1x16xf32>,
        %get3A_208 = vector.shape_cast %get3A_207 : vector<1x16xf32> to vector<16xf32>
        %shift_right_arithmetic3A_209 = arith.constant 4 : i32
        %shift_right_arithmetic3A_210 = arith.shrsi %scan3A_204, %shift_right_arithmetic3A_209 : i32
        %mul3A_211 = arith.constant 16 : i32
        %mul3A_212 = arith.muli %shift_right_arithmetic3A_210, %mul3A_211 : i32
        %get3A_213 = arith.index_cast %mul3A_212 : i32 to index
        %get3A_214 = tpu.vector_load %arg12[%get3A_213] {strides = array<i32>} : memref<64xi32, #tpu.memory_space<vmem>>, vector<16xi32>,
        %get3A_215 = vector.shape_cast %get3A_214 : vector<16xi32> to vector<16xi32>
        %and3A = arith.constant 15 : i32
        %and3A_216 = arith.andi %scan3A_204, %and3A : i32
        %broadcast_in_dim3A = vector.broadcast %and3A_216 : i32 to vector<16xi32>
        %lt3A_217 = arith.constant 0 : i32
        %lt3A_218 = vector.broadcast %lt3A_217 : i32 to vector<16xi32>
        %lt3A_219 = arith.cmpi slt, %broadcast_in_dim3A, %lt3A_218 : vector<16xi32>
        %add3A_220 = arith.constant 16 : i32
        %add3A_221 = vector.broadcast %add3A_220 : i32 to vector<16xi32>
        %add3A_222 = arith.addi %broadcast_in_dim3A, %add3A_221 : vector<16xi32>
        %select_n3A_223 = arith.select %lt3A_219, %add3A_222, %broadcast_in_dim3A : vector<16xi1>, vector<16xi32>
        %broadcast_in_dim3A_224 = vector.shape_cast %select_n3A_223 : vector<16xi32> to vector<16x1xi32>
        %gather3A = vector.shape_cast %broadcast_in_dim3A_224 : vector<16x1xi32> to vector<16xi32>
        %gather3A_225 = tpu.dynamic_gather %get3A_215[%gather3A] in [0] : vector<16xi32>, vector<16xi32> -> vector<16xi32>
        %and3A_226 = arith.constant 7 : i32
        %and3A_227 = vector.broadcast %and3A_226 : i32 to vector<16xi32>
        %and3A_228 = arith.andi %gather3A_225, %and3A_227 : vector<16xi32>
        %sub3A_229 = arith.constant 0 : i32
        %sub3A_230 = vector.broadcast %sub3A_229 : i32 to vector<16xi32>
        %sub3A_231 = arith.subi %and3A_228, %sub3A_230 : vector<16xi32>
        %abs3A_232 = math.absi %sub3A_231 : vector<16xi32>
        %min3A_233 = arith.constant 1 : i32
        %min3A_234 = vector.broadcast %min3A_233 : i32 to vector<16xi32>
        %min3A_235 = arith.minsi %abs3A_232, %min3A_234 : vector<16xi32>
        %sub3A_236 = arith.constant 1 : i32
        %sub3A_237 = vector.broadcast %sub3A_236 : i32 to vector<16xi32>
        %sub3A_238 = arith.subi %sub3A_237, %min3A_235 : vector<16xi32>
        %convert_element_type3A_239 = arith.sitofp %sub3A_238 : vector<16xi32> to vector<16xf32>
        %mul3A_240 = arith.mulf %get3A_208, %convert_element_type3A_239 : vector<16xf32>
        %swap3A_241 = arith.index_cast %scan3A_204 : i32 to index
        %swap3A_242 = arith.constant 0 : index
        %swap3A_243 = tpu.vector_load %arg17[%swap3A_241, %swap3A_242] {strides = array<i32>} : memref<64x128xf32, #tpu.memory_space<vmem>>, vector<1x16xf32>,
        %swap3A_244 = vector.shape_cast %swap3A_243 : vector<1x16xf32> to vector<16xf32>
        %swap3A_245 = vector.shape_cast %mul3A_240 : vector<16xf32> to vector<1x16xf32>
        tpu.vector_store %arg17[%swap3A_241, %swap3A_242], %swap3A_245 {strides = array<i32>} : memref<64x128xf32, #tpu.memory_space<vmem>>, vector<1x16xf32>,
        %sub3A_246 = arith.constant 1 : i32
        %sub3A_247 = vector.broadcast %sub3A_246 : i32 to vector<16xi32>
        %sub3A_248 = arith.subi %and3A_228, %sub3A_247 : vector<16xi32>
        %abs3A_249 = math.absi %sub3A_248 : vector<16xi32>
        %min3A_250 = arith.constant 1 : i32
        %min3A_251 = vector.broadcast %min3A_250 : i32 to vector<16xi32>
        %min3A_252 = arith.minsi %abs3A_249, %min3A_251 : vector<16xi32>
        %sub3A_253 = arith.constant 1 : i32
        %sub3A_254 = vector.broadcast %sub3A_253 : i32 to vector<16xi32>
        %sub3A_255 = arith.subi %sub3A_254, %min3A_252 : vector<16xi32>
        %convert_element_type3A_256 = arith.sitofp %sub3A_255 : vector<16xi32> to vector<16xf32>
        %mul3A_257 = arith.mulf %get3A_208, %convert_element_type3A_256 : vector<16xf32>
        %swap3A_258 = arith.index_cast %scan3A_204 : i32 to index
        %swap3A_259 = arith.constant 16 : index
        %swap3A_260 = tpu.vector_load %arg17[%swap3A_258, %swap3A_259] {strides = array<i32>} : memref<64x128xf32, #tpu.memory_space<vmem>>, vector<1x16xf32>,
        %swap3A_261 = vector.shape_cast %swap3A_260 : vector<1x16xf32> to vector<16xf32>
        %swap3A_262 = vector.shape_cast %mul3A_257 : vector<16xf32> to vector<1x16xf32>
        tpu.vector_store %arg17[%swap3A_258, %swap3A_259], %swap3A_262 {strides = array<i32>} : memref<64x128xf32, #tpu.memory_space<vmem>>, vector<1x16xf32>,
        %sub3A_263 = arith.constant 2 : i32
        %sub3A_264 = vector.broadcast %sub3A_263 : i32 to vector<16xi32>
        %sub3A_265 = arith.subi %and3A_228, %sub3A_264 : vector<16xi32>
        %abs3A_266 = math.absi %sub3A_265 : vector<16xi32>
        %min3A_267 = arith.constant 1 : i32
        %min3A_268 = vector.broadcast %min3A_267 : i32 to vector<16xi32>
        %min3A_269 = arith.minsi %abs3A_266, %min3A_268 : vector<16xi32>
        %sub3A_270 = arith.constant 1 : i32
        %sub3A_271 = vector.broadcast %sub3A_270 : i32 to vector<16xi32>
        %sub3A_272 = arith.subi %sub3A_271, %min3A_269 : vector<16xi32>
        %convert_element_type3A_273 = arith.sitofp %sub3A_272 : vector<16xi32> to vector<16xf32>
        %mul3A_274 = arith.mulf %get3A_208, %convert_element_type3A_273 : vector<16xf32>
        %swap3A_275 = arith.index_cast %scan3A_204 : i32 to index
        %swap3A_276 = arith.constant 32 : index
        %swap3A_277 = tpu.vector_load %arg17[%swap3A_275, %swap3A_276] {strides = array<i32>} : memref<64x128xf32, #tpu.memory_space<vmem>>, vector<1x16xf32>,
        %swap3A_278 = vector.shape_cast %swap3A_277 : vector<1x16xf32> to vector<16xf32>
        %swap3A_279 = vector.shape_cast %mul3A_274 : vector<16xf32> to vector<1x16xf32>
        tpu.vector_store %arg17[%swap3A_275, %swap3A_276], %swap3A_279 {strides = array<i32>} : memref<64x128xf32, #tpu.memory_space<vmem>>, vector<1x16xf32>,
        %sub3A_280 = arith.constant 3 : i32
        %sub3A_281 = vector.broadcast %sub3A_280 : i32 to vector<16xi32>
        %sub3A_282 = arith.subi %and3A_228, %sub3A_281 : vector<16xi32>
        %abs3A_283 = math.absi %sub3A_282 : vector<16xi32>
        %min3A_284 = arith.constant 1 : i32
        %min3A_285 = vector.broadcast %min3A_284 : i32 to vector<16xi32>
        %min3A_286 = arith.minsi %abs3A_283, %min3A_285 : vector<16xi32>
        %sub3A_287 = arith.constant 1 : i32
        %sub3A_288 = vector.broadcast %sub3A_287 : i32 to vector<16xi32>
        %sub3A_289 = arith.subi %sub3A_288, %min3A_286 : vector<16xi32>
        %convert_element_type3A_290 = arith.sitofp %sub3A_289 : vector<16xi32> to vector<16xf32>
        %mul3A_291 = arith.mulf %get3A_208, %convert_element_type3A_290 : vector<16xf32>
        %swap3A_292 = arith.index_cast %scan3A_204 : i32 to index
        %swap3A_293 = arith.constant 48 : index
        %swap3A_294 = tpu.vector_load %arg17[%swap3A_292, %swap3A_293] {strides = array<i32>} : memref<64x128xf32, #tpu.memory_space<vmem>>, vector<1x16xf32>,
        %swap3A_295 = vector.shape_cast %swap3A_294 : vector<1x16xf32> to vector<16xf32>
        %swap3A_296 = vector.shape_cast %mul3A_291 : vector<16xf32> to vector<1x16xf32>
        tpu.vector_store %arg17[%swap3A_292, %swap3A_293], %swap3A_296 {strides = array<i32>} : memref<64x128xf32, #tpu.memory_space<vmem>>, vector<1x16xf32>,
        %sub3A_297 = arith.constant 4 : i32
        %sub3A_298 = vector.broadcast %sub3A_297 : i32 to vector<16xi32>
        %sub3A_299 = arith.subi %and3A_228, %sub3A_298 : vector<16xi32>
        %abs3A_300 = math.absi %sub3A_299 : vector<16xi32>
        %min3A_301 = arith.constant 1 : i32
        %min3A_302 = vector.broadcast %min3A_301 : i32 to vector<16xi32>
        %min3A_303 = arith.minsi %abs3A_300, %min3A_302 : vector<16xi32>
        %sub3A_304 = arith.constant 1 : i32
        %sub3A_305 = vector.broadcast %sub3A_304 : i32 to vector<16xi32>
        %sub3A_306 = arith.subi %sub3A_305, %min3A_303 : vector<16xi32>
        %convert_element_type3A_307 = arith.sitofp %sub3A_306 : vector<16xi32> to vector<16xf32>
        %mul3A_308 = arith.mulf %get3A_208, %convert_element_type3A_307 : vector<16xf32>
        %swap3A_309 = arith.index_cast %scan3A_204 : i32 to index
        %swap3A_310 = arith.constant 64 : index
        %swap3A_311 = tpu.vector_load %arg17[%swap3A_309, %swap3A_310] {strides = array<i32>} : memref<64x128xf32, #tpu.memory_space<vmem>>, vector<1x16xf32>,
        %swap3A_312 = vector.shape_cast %swap3A_311 : vector<1x16xf32> to vector<16xf32>
        %swap3A_313 = vector.shape_cast %mul3A_308 : vector<16xf32> to vector<1x16xf32>
        tpu.vector_store %arg17[%swap3A_309, %swap3A_310], %swap3A_313 {strides = array<i32>} : memref<64x128xf32, #tpu.memory_space<vmem>>, vector<1x16xf32>,
        %sub3A_314 = arith.constant 5 : i32
        %sub3A_315 = vector.broadcast %sub3A_314 : i32 to vector<16xi32>
        %sub3A_316 = arith.subi %and3A_228, %sub3A_315 : vector<16xi32>
        %abs3A_317 = math.absi %sub3A_316 : vector<16xi32>
        %min3A_318 = arith.constant 1 : i32
        %min3A_319 = vector.broadcast %min3A_318 : i32 to vector<16xi32>
        %min3A_320 = arith.minsi %abs3A_317, %min3A_319 : vector<16xi32>
        %sub3A_321 = arith.constant 1 : i32
        %sub3A_322 = vector.broadcast %sub3A_321 : i32 to vector<16xi32>
        %sub3A_323 = arith.subi %sub3A_322, %min3A_320 : vector<16xi32>
        %convert_element_type3A_324 = arith.sitofp %sub3A_323 : vector<16xi32> to vector<16xf32>
        %mul3A_325 = arith.mulf %get3A_208, %convert_element_type3A_324 : vector<16xf32>
        %swap3A_326 = arith.index_cast %scan3A_204 : i32 to index
        %swap3A_327 = arith.constant 80 : index
        %swap3A_328 = tpu.vector_load %arg17[%swap3A_326, %swap3A_327] {strides = array<i32>} : memref<64x128xf32, #tpu.memory_space<vmem>>, vector<1x16xf32>,
        %swap3A_329 = vector.shape_cast %swap3A_328 : vector<1x16xf32> to vector<16xf32>
        %swap3A_330 = vector.shape_cast %mul3A_325 : vector<16xf32> to vector<1x16xf32>
        tpu.vector_store %arg17[%swap3A_326, %swap3A_327], %swap3A_330 {strides = array<i32>} : memref<64x128xf32, #tpu.memory_space<vmem>>, vector<1x16xf32>,
        %sub3A_331 = arith.constant 6 : i32
        %sub3A_332 = vector.broadcast %sub3A_331 : i32 to vector<16xi32>
        %sub3A_333 = arith.subi %and3A_228, %sub3A_332 : vector<16xi32>
        %abs3A_334 = math.absi %sub3A_333 : vector<16xi32>
        %min3A_335 = arith.constant 1 : i32
        %min3A_336 = vector.broadcast %min3A_335 : i32 to vector<16xi32>
        %min3A_337 = arith.minsi %abs3A_334, %min3A_336 : vector<16xi32>
        %sub3A_338 = arith.constant 1 : i32
        %sub3A_339 = vector.broadcast %sub3A_338 : i32 to vector<16xi32>
        %sub3A_340 = arith.subi %sub3A_339, %min3A_337 : vector<16xi32>
        %convert_element_type3A_341 = arith.sitofp %sub3A_340 : vector<16xi32> to vector<16xf32>
        %mul3A_342 = arith.mulf %get3A_208, %convert_element_type3A_341 : vector<16xf32>
        %swap3A_343 = arith.index_cast %scan3A_204 : i32 to index
        %swap3A_344 = arith.constant 96 : index
        %swap3A_345 = tpu.vector_load %arg17[%swap3A_343, %swap3A_344] {strides = array<i32>} : memref<64x128xf32, #tpu.memory_space<vmem>>, vector<1x16xf32>,
        %swap3A_346 = vector.shape_cast %swap3A_345 : vector<1x16xf32> to vector<16xf32>
        %swap3A_347 = vector.shape_cast %mul3A_342 : vector<16xf32> to vector<1x16xf32>
        tpu.vector_store %arg17[%swap3A_343, %swap3A_344], %swap3A_347 {strides = array<i32>} : memref<64x128xf32, #tpu.memory_space<vmem>>, vector<1x16xf32>,
        %sub3A_348 = arith.constant 7 : i32
        %sub3A_349 = vector.broadcast %sub3A_348 : i32 to vector<16xi32>
        %sub3A_350 = arith.subi %and3A_228, %sub3A_349 : vector<16xi32>
        %abs3A_351 = math.absi %sub3A_350 : vector<16xi32>
        %min3A_352 = arith.constant 1 : i32
        %min3A_353 = vector.broadcast %min3A_352 : i32 to vector<16xi32>
        %min3A_354 = arith.minsi %abs3A_351, %min3A_353 : vector<16xi32>
        %sub3A_355 = arith.constant 1 : i32
        %sub3A_356 = vector.broadcast %sub3A_355 : i32 to vector<16xi32>
        %sub3A_357 = arith.subi %sub3A_356, %min3A_354 : vector<16xi32>
        %convert_element_type3A_358 = arith.sitofp %sub3A_357 : vector<16xi32> to vector<16xf32>
        %mul3A_359 = arith.mulf %get3A_208, %convert_element_type3A_358 : vector<16xf32>
        %swap3A_360 = arith.index_cast %scan3A_204 : i32 to index
        %swap3A_361 = arith.constant 112 : index
        %swap3A_362 = tpu.vector_load %arg17[%swap3A_360, %swap3A_361] {strides = array<i32>} : memref<64x128xf32, #tpu.memory_space<vmem>>, vector<1x16xf32>,
        %swap3A_363 = vector.shape_cast %swap3A_362 : vector<1x16xf32> to vector<16xf32>
        %swap3A_364 = vector.shape_cast %mul3A_359 : vector<16xf32> to vector<1x16xf32>
        tpu.vector_store %arg17[%swap3A_360, %swap3A_361], %swap3A_364 {strides = array<i32>} : memref<64x128xf32, #tpu.memory_space<vmem>>, vector<1x16xf32>,
      }
      %scan3A_203 = arith.constant 64 : i32
      "tpu.region"() ({
        %run_scoped3A = tpu.sem_alloc : memref<!tpu.dma_semaphore, #tpu.memory_space<semaphore_mem>>
        %dma_start3A_204 = arith.constant 0 : i32
        %dma_start3A_205 = arith.constant 0 : i32
        %dma_start3A_206 = tpu.memref_slice %arg24[%dma_start3A_204, %dma_start3A_205] : memref<1280x128xf32, #tpu.memory_space<vmem_shared>> -> memref<1280x128xf32, #tpu.memory_space<vmem_shared>>
        tpu.enqueue_indirect_dma source(%arg17 : memref<64x128xf32, #tpu.memory_space<vmem>>) target(%dma_start3A_206 : memref<1280x128xf32, #tpu.memory_space<vmem_shared>>) offsets(%arg22 : memref<64xi32, #tpu.memory_space<vmem>>) semaphore(%run_scoped3A : memref<!tpu.dma_semaphore, #tpu.memory_space<semaphore_mem>>) {add = true}
        %dma_wait3A_207 = arith.constant 0 : i32
        %dma_wait3A_208 = arith.constant 0 : i32
        %dma_wait3A_209 = tpu.memref_slice %arg24[%dma_wait3A_207, %dma_wait3A_208] : memref<1280x128xf32, #tpu.memory_space<vmem_shared>> -> memref<1280x128xf32, #tpu.memory_space<vmem_shared>>
        tpu.wait_indirect_dma semaphore(%run_scoped3A : memref<!tpu.dma_semaphore, #tpu.memory_space<semaphore_mem>>) src(%arg17 : memref<64x128xf32, #tpu.memory_space<vmem>>) dst(%dma_wait3A_209 : memref<1280x128xf32, #tpu.memory_space<vmem_shared>>)
        tpu.yield
      }) : () -> ()
    }
    %barrier3A_69 = arith.constant 0 : index
    tpu.barrier barrier_id(%barrier3A_69)
    %mul3A_70 = arith.constant 640 : i32
    %mul3A_71 = arith.muli %arg1, %mul3A_70 : i32
    %mul3A_72 = arith.constant 640 : i32
    %mul3A_73 = arith.muli %arg1, %mul3A_72 : i32
    "tpu.region"() ({
      %run_scoped3A = tpu.sem_alloc : memref<!tpu.dma_semaphore, #tpu.memory_space<semaphore_mem>>
      %dma_start3A = arith.constant 0 : i32
      %dma_start3A_78 = arith.constant 0 : i32
      %dma_start3A_79 = tpu.memref_slice %arg9[%arg0, %dma_start3A, %dma_start3A_78] : memref<2x10240x128xf32, #tpu.memory_space<hbm>> -> memref<1x10240x128xf32, #tpu.memory_space<hbm>>
      %dma_start3A_80 = tpu.memref_squeeze %dma_start3A_79 : memref<1x10240x128xf32, #tpu.memory_space<hbm>> -> memref<10240x128xf32, #tpu.memory_space<hbm>>
      %dma_start3A_81 = arith.constant 0 : i32
      %dma_start3A_82 = tpu.memref_slice %dma_start3A_80[%mul3A_73, %dma_start3A_81] : memref<10240x128xf32, #tpu.memory_space<hbm>> -> memref<640x128xf32, #tpu.memory_space<hbm>>
      %dma_start3A_83 = arith.constant 0 : i32
      %dma_start3A_84 = tpu.memref_slice %arg18[%mul3A_71, %dma_start3A_83] : memref<10240x128xf32, #tpu.memory_space<vmem_shared>> -> memref<640x128xf32, #tpu.memory_space<vmem_shared>>
      tpu.enqueue_dma source(%dma_start3A_84 : memref<640x128xf32, #tpu.memory_space<vmem_shared>>) target(%dma_start3A_82 : memref<640x128xf32, #tpu.memory_space<hbm>>) target_semaphore(%run_scoped3A : memref<!tpu.dma_semaphore, #tpu.memory_space<semaphore_mem>>)
      %dma_wait3A = arith.constant 0 : i32
      %dma_wait3A_85 = arith.constant 0 : i32
      %dma_wait3A_86 = tpu.memref_slice %arg9[%arg0, %dma_wait3A, %dma_wait3A_85] : memref<2x10240x128xf32, #tpu.memory_space<hbm>> -> memref<1x10240x128xf32, #tpu.memory_space<hbm>>
      %dma_wait3A_87 = tpu.memref_squeeze %dma_wait3A_86 : memref<1x10240x128xf32, #tpu.memory_space<hbm>> -> memref<10240x128xf32, #tpu.memory_space<hbm>>
      %dma_wait3A_88 = arith.constant 0 : i32
      %dma_wait3A_89 = tpu.memref_slice %dma_wait3A_87[%mul3A_73, %dma_wait3A_88] : memref<10240x128xf32, #tpu.memory_space<hbm>> -> memref<640x128xf32, #tpu.memory_space<hbm>>
      %dma_wait3A_90 = arith.constant 0 : i32
      %dma_wait3A_91 = tpu.memref_slice %arg18[%mul3A_71, %dma_wait3A_90] : memref<10240x128xf32, #tpu.memory_space<vmem_shared>> -> memref<640x128xf32, #tpu.memory_space<vmem_shared>>
      tpu.wait_dma2 semaphore(%run_scoped3A : memref<!tpu.dma_semaphore, #tpu.memory_space<semaphore_mem>>) src(%dma_wait3A_91 : memref<640x128xf32, #tpu.memory_space<vmem_shared>>) dst(%dma_wait3A_89 : memref<640x128xf32, #tpu.memory_space<hbm>>)
      tpu.yield
    }) : () -> ()
    %mul3A_74 = arith.constant 80 : i32
    %mul3A_75 = arith.muli %arg1, %mul3A_74 : i32
    %mul3A_76 = arith.constant 80 : i32
    %mul3A_77 = arith.muli %arg1, %mul3A_76 : i32
    "tpu.region"() ({
      %run_scoped3A = tpu.sem_alloc : memref<!tpu.dma_semaphore, #tpu.memory_space<semaphore_mem>>
      %dma_start3A = arith.constant 0 : i32
      %dma_start3A_78 = arith.constant 0 : i32
      %dma_start3A_79 = tpu.memref_slice %arg10[%arg0, %dma_start3A, %dma_start3A_78] : memref<2x1280x128xf32, #tpu.memory_space<hbm>> -> memref<1x1280x128xf32, #tpu.memory_space<hbm>>
      %dma_start3A_80 = tpu.memref_squeeze %dma_start3A_79 : memref<1x1280x128xf32, #tpu.memory_space<hbm>> -> memref<1280x128xf32, #tpu.memory_space<hbm>>
      %dma_start3A_81 = arith.constant 0 : i32
      %dma_start3A_82 = tpu.memref_slice %dma_start3A_80[%mul3A_77, %dma_start3A_81] : memref<1280x128xf32, #tpu.memory_space<hbm>> -> memref<80x128xf32, #tpu.memory_space<hbm>>
      %dma_start3A_83 = arith.constant 0 : i32
      %dma_start3A_84 = tpu.memref_slice %arg24[%mul3A_75, %dma_start3A_83] : memref<1280x128xf32, #tpu.memory_space<vmem_shared>> -> memref<80x128xf32, #tpu.memory_space<vmem_shared>>
      tpu.enqueue_dma source(%dma_start3A_84 : memref<80x128xf32, #tpu.memory_space<vmem_shared>>) target(%dma_start3A_82 : memref<80x128xf32, #tpu.memory_space<hbm>>) target_semaphore(%run_scoped3A : memref<!tpu.dma_semaphore, #tpu.memory_space<semaphore_mem>>)
      %dma_wait3A = arith.constant 0 : i32
      %dma_wait3A_85 = arith.constant 0 : i32
      %dma_wait3A_86 = tpu.memref_slice %arg10[%arg0, %dma_wait3A, %dma_wait3A_85] : memref<2x1280x128xf32, #tpu.memory_space<hbm>> -> memref<1x1280x128xf32, #tpu.memory_space<hbm>>
      %dma_wait3A_87 = tpu.memref_squeeze %dma_wait3A_86 : memref<1x1280x128xf32, #tpu.memory_space<hbm>> -> memref<1280x128xf32, #tpu.memory_space<hbm>>
      %dma_wait3A_88 = arith.constant 0 : i32
      %dma_wait3A_89 = tpu.memref_slice %dma_wait3A_87[%mul3A_77, %dma_wait3A_88] : memref<1280x128xf32, #tpu.memory_space<hbm>> -> memref<80x128xf32, #tpu.memory_space<hbm>>
      %dma_wait3A_90 = arith.constant 0 : i32
      %dma_wait3A_91 = tpu.memref_slice %arg24[%mul3A_75, %dma_wait3A_90] : memref<1280x128xf32, #tpu.memory_space<vmem_shared>> -> memref<80x128xf32, #tpu.memory_space<vmem_shared>>
      tpu.wait_dma2 semaphore(%run_scoped3A : memref<!tpu.dma_semaphore, #tpu.memory_space<semaphore_mem>>) src(%dma_wait3A_91 : memref<80x128xf32, #tpu.memory_space<vmem_shared>>) dst(%dma_wait3A_89 : memref<80x128xf32, #tpu.memory_space<hbm>>)
      tpu.yield
    }) : () -> ()
    return
  }
}

#map = affine_map<(d0, d1) -> (0, 0)>
#map1 = affine_map<(d0, d1) -> (0)>
#map2 = affine_map<(d0, d1) -> (0, 0, 0)>
module attributes {stable_mosaic.version = 14 : i64} {
  func.func @edge_kernel(%arg0: i32, %arg1: i32, %arg2: memref<40000x128xf32, #tpu.memory_space<hbm>>, %arg3: memref<10000x128xf32, #tpu.memory_space<hbm>>, %arg4: memref<160000xi32, #tpu.memory_space<hbm>>, %arg5: memref<160000xi32, #tpu.memory_space<hbm>>, %arg6: memref<160000xi32, #tpu.memory_space<hbm>>, %arg7: memref<640x128xf32, #tpu.memory_space<hbm>>, %arg8: memref<2x10240x128xf32, #tpu.memory_space<hbm>>, %arg9: memref<80xi32, #tpu.memory_space<vmem>>, %arg10: memref<80xi32, #tpu.memory_space<vmem>>, %arg11: memref<80xi32, #tpu.memory_space<vmem>>, %arg12: memref<80xi32, #tpu.memory_space<vmem>>, %arg13: memref<80x128xf32, #tpu.memory_space<vmem>>, %arg14: memref<80x128xf32, #tpu.memory_space<vmem>>, %arg15: memref<80x128xf32, #tpu.memory_space<vmem>>, %arg16: memref<10240x128xf32, #tpu.memory_space<vmem_shared>>, %arg17: memref<!tpu.dma_semaphore, #tpu.memory_space<semaphore_mem>>, %arg18: memref<!tpu.dma_semaphore, #tpu.memory_space<semaphore_mem>>) attributes {dimension_semantics = [#tpu.dimension_semantics<core_parallel>, #tpu.dimension_semantics<subcore_parallel>], iteration_bounds = array<i64: 2, 16>, scalar_prefetch = 0 : i64, scratch_operands = 10 : i64, tpu.core_type = #tpu.core_type<sc_vector_subcore>, window_params = [{transform_indices = #map}, {transform_indices = #map}, {transform_indices = #map1}, {transform_indices = #map1}, {transform_indices = #map1}, {transform_indices = #map}, {transform_indices = #map2}]} {
    %mul3A = arith.constant 2 : i32
    %mul3A_0 = arith.muli %arg1, %mul3A : i32
    %add3A = arith.addi %mul3A_0, %arg0 : i32
    %mul3A_1 = arith.constant 640 : i32
    %mul3A_2 = arith.muli %arg1, %mul3A_1 : i32
    "tpu.region"() ({
      %run_scoped3A = tpu.sem_alloc : memref<!tpu.dma_semaphore, #tpu.memory_space<semaphore_mem>>
      %dma_start3A = arith.constant 0 : i32
      %dma_start3A_39 = tpu.memref_slice %arg16[%mul3A_2, %dma_start3A] : memref<10240x128xf32, #tpu.memory_space<vmem_shared>> -> memref<640x128xf32, #tpu.memory_space<vmem_shared>>
      %dma_start3A_40 = arith.constant 0 : i32
      %dma_start3A_41 = arith.constant 0 : i32
      %dma_start3A_42 = tpu.memref_slice %arg7[%dma_start3A_40, %dma_start3A_41] : memref<640x128xf32, #tpu.memory_space<hbm>> -> memref<640x128xf32, #tpu.memory_space<hbm>>
      tpu.enqueue_dma source(%dma_start3A_42 : memref<640x128xf32, #tpu.memory_space<hbm>>) target(%dma_start3A_39 : memref<640x128xf32, #tpu.memory_space<vmem_shared>>) target_semaphore(%run_scoped3A : memref<!tpu.dma_semaphore, #tpu.memory_space<semaphore_mem>>)
      %dma_wait3A = arith.constant 0 : i32
      %dma_wait3A_43 = tpu.memref_slice %arg16[%mul3A_2, %dma_wait3A] : memref<10240x128xf32, #tpu.memory_space<vmem_shared>> -> memref<640x128xf32, #tpu.memory_space<vmem_shared>>
      %dma_wait3A_44 = arith.constant 0 : i32
      %dma_wait3A_45 = arith.constant 0 : i32
      %dma_wait3A_46 = tpu.memref_slice %arg7[%dma_wait3A_44, %dma_wait3A_45] : memref<640x128xf32, #tpu.memory_space<hbm>> -> memref<640x128xf32, #tpu.memory_space<hbm>>
      tpu.wait_dma2 semaphore(%run_scoped3A : memref<!tpu.dma_semaphore, #tpu.memory_space<semaphore_mem>>) src(%dma_wait3A_46 : memref<640x128xf32, #tpu.memory_space<hbm>>) dst(%dma_wait3A_43 : memref<640x128xf32, #tpu.memory_space<vmem_shared>>)
      tpu.yield
    }) : () -> ()
    "tpu.region"() ({
      %run_scoped3A = tpu.sem_alloc : memref<!tpu.dma_semaphore, #tpu.memory_space<semaphore_mem>>
      %dma_start3A = arith.constant 0 : i32
      %dma_start3A_39 = arith.constant 0 : i32
      %dma_start3A_40 = tpu.memref_slice %arg7[%dma_start3A, %dma_start3A_39] : memref<640x128xf32, #tpu.memory_space<hbm>> -> memref<80x128xf32, #tpu.memory_space<hbm>>
      %dma_start3A_41 = arith.constant 0 : i32
      %dma_start3A_42 = arith.constant 0 : i32
      %dma_start3A_43 = tpu.memref_slice %arg7[%dma_start3A_41, %dma_start3A_42] : memref<640x128xf32, #tpu.memory_space<hbm>> -> memref<80x128xf32, #tpu.memory_space<hbm>>
      tpu.enqueue_dma source(%dma_start3A_43 : memref<80x128xf32, #tpu.memory_space<hbm>>) target(%arg15 : memref<80x128xf32, #tpu.memory_space<vmem>>) target_semaphore(%run_scoped3A : memref<!tpu.dma_semaphore, #tpu.memory_space<semaphore_mem>>)
      %dma_wait3A = arith.constant 0 : i32
      %dma_wait3A_44 = arith.constant 0 : i32
      %dma_wait3A_45 = tpu.memref_slice %arg7[%dma_wait3A, %dma_wait3A_44] : memref<640x128xf32, #tpu.memory_space<hbm>> -> memref<80x128xf32, #tpu.memory_space<hbm>>
      %dma_wait3A_46 = arith.constant 0 : i32
      %dma_wait3A_47 = arith.constant 0 : i32
      %dma_wait3A_48 = tpu.memref_slice %arg7[%dma_wait3A_46, %dma_wait3A_47] : memref<640x128xf32, #tpu.memory_space<hbm>> -> memref<80x128xf32, #tpu.memory_space<hbm>>
      tpu.wait_dma2 semaphore(%run_scoped3A : memref<!tpu.dma_semaphore, #tpu.memory_space<semaphore_mem>>) src(%dma_wait3A_48 : memref<80x128xf32, #tpu.memory_space<hbm>>) dst(%arg15 : memref<80x128xf32, #tpu.memory_space<vmem>>)
      tpu.yield
    }) : () -> ()
    %barrier3A = arith.constant 0 : index
    tpu.barrier barrier_id(%barrier3A)
    %iota3A = tpu.iota {dimensions = array<i32: 0>} : vector<16xi32>
    %xor3A = arith.constant 8 : i32
    %xor3A_3 = vector.broadcast %xor3A : i32 to vector<16xi32>
    %xor3A_4 = arith.xori %iota3A, %xor3A_3 : vector<16xi32>
    %xor3A_5 = arith.constant 4 : i32
    %xor3A_6 = vector.broadcast %xor3A_5 : i32 to vector<16xi32>
    %xor3A_7 = arith.xori %iota3A, %xor3A_6 : vector<16xi32>
    %xor3A_8 = arith.constant 2 : i32
    %xor3A_9 = vector.broadcast %xor3A_8 : i32 to vector<16xi32>
    %xor3A_10 = arith.xori %iota3A, %xor3A_9 : vector<16xi32>
    %xor3A_11 = arith.constant 1 : i32
    %xor3A_12 = vector.broadcast %xor3A_11 : i32 to vector<16xi32>
    %xor3A_13 = arith.xori %iota3A, %xor3A_12 : vector<16xi32>
    %sub3A = arith.constant 0 : i32
    %sub3A_14 = vector.broadcast %sub3A : i32 to vector<16xi32>
    %sub3A_15 = arith.subi %iota3A, %sub3A_14 : vector<16xi32>
    %abs3A = math.absi %sub3A_15 : vector<16xi32>
    %min3A = arith.constant 1 : i32
    %min3A_16 = vector.broadcast %min3A : i32 to vector<16xi32>
    %min3A_17 = arith.minsi %abs3A, %min3A_16 : vector<16xi32>
    %sub3A_18 = arith.constant 1 : i32
    %sub3A_19 = vector.broadcast %sub3A_18 : i32 to vector<16xi32>
    %sub3A_20 = arith.subi %sub3A_19, %min3A_17 : vector<16xi32>
    %convert_element_type3A = arith.sitofp %sub3A_20 : vector<16xi32> to vector<16xf32>
    %lt3A = arith.constant 16 : i32
    %lt3A_21 = arith.cmpi slt, %add3A, %lt3A : i32
    %jit3A = arith.constant 1 : i32
    %jit3A_22 = arith.constant 0 : i32
    %select_n3A = arith.select %lt3A_21, %jit3A, %jit3A_22 : i32
    %add3A_23 = arith.constant 62 : i32
    %add3A_24 = arith.addi %add3A_23, %select_n3A : i32
    %while3A = arith.constant 0 : i32
    %while3A_25 = arith.constant 0 : i32
    %while3A_26 = arith.subi %add3A_24, %while3A_25 : i32
    %while3A_27 = arith.addi %while3A_25, %while3A_26 : i32
    %while3A_28 = arith.constant 1 : i32
    %while3A_29 = arith.divsi %while3A_26, %while3A_28 : i32
    %while3A_30 = arith.muli %while3A_29, %while3A_28 : i32
    %while3A_31 = arith.addi %while3A_25, %while3A_30 : i32
    %while3A_32 = arith.constant 1 : i32
    scf.for %while3A_39 = %while3A_25 to %while3A_31 step %while3A_32  : i32 {
      %mul3A_40 = arith.constant 32 : i32
      %mul3A_41 = arith.muli %while3A_39, %mul3A_40 : i32
      %add3A_42 = arith.addi %add3A, %mul3A_41 : i32
      %mul3A_43 = arith.constant 80 : i32
      %mul3A_44 = arith.muli %add3A_42, %mul3A_43 : i32
      %multiple_of3A = tpu.assume_multiple %mul3A_44, 8 : i32
      "tpu.region"() ({
        %run_scoped3A = tpu.sem_alloc : memref<!tpu.dma_semaphore, #tpu.memory_space<semaphore_mem>>
        %dma_start3A_128 = tpu.memref_slice %arg4[%multiple_of3A] : memref<160000xi32, #tpu.memory_space<hbm>> -> memref<80xi32, #tpu.memory_space<hbm>>
        %dma_start3A_129 = tpu.memref_slice %arg4[%multiple_of3A] : memref<160000xi32, #tpu.memory_space<hbm>> -> memref<80xi32, #tpu.memory_space<hbm>>
        tpu.enqueue_dma source(%dma_start3A_129 : memref<80xi32, #tpu.memory_space<hbm>>) target(%arg9 : memref<80xi32, #tpu.memory_space<vmem>>) target_semaphore(%run_scoped3A : memref<!tpu.dma_semaphore, #tpu.memory_space<semaphore_mem>>)
        %dma_wait3A_130 = tpu.memref_slice %arg4[%multiple_of3A] : memref<160000xi32, #tpu.memory_space<hbm>> -> memref<80xi32, #tpu.memory_space<hbm>>
        %dma_wait3A_131 = tpu.memref_slice %arg4[%multiple_of3A] : memref<160000xi32, #tpu.memory_space<hbm>> -> memref<80xi32, #tpu.memory_space<hbm>>
        tpu.wait_dma2 semaphore(%run_scoped3A : memref<!tpu.dma_semaphore, #tpu.memory_space<semaphore_mem>>) src(%dma_wait3A_131 : memref<80xi32, #tpu.memory_space<hbm>>) dst(%arg9 : memref<80xi32, #tpu.memory_space<vmem>>)
        tpu.yield
      }) : () -> ()
      "tpu.region"() ({
        %run_scoped3A = tpu.sem_alloc : memref<!tpu.dma_semaphore, #tpu.memory_space<semaphore_mem>>
        %dma_start3A_128 = tpu.memref_slice %arg5[%multiple_of3A] : memref<160000xi32, #tpu.memory_space<hbm>> -> memref<80xi32, #tpu.memory_space<hbm>>
        %dma_start3A_129 = tpu.memref_slice %arg5[%multiple_of3A] : memref<160000xi32, #tpu.memory_space<hbm>> -> memref<80xi32, #tpu.memory_space<hbm>>
        tpu.enqueue_dma source(%dma_start3A_129 : memref<80xi32, #tpu.memory_space<hbm>>) target(%arg10 : memref<80xi32, #tpu.memory_space<vmem>>) target_semaphore(%run_scoped3A : memref<!tpu.dma_semaphore, #tpu.memory_space<semaphore_mem>>)
        %dma_wait3A_130 = tpu.memref_slice %arg5[%multiple_of3A] : memref<160000xi32, #tpu.memory_space<hbm>> -> memref<80xi32, #tpu.memory_space<hbm>>
        %dma_wait3A_131 = tpu.memref_slice %arg5[%multiple_of3A] : memref<160000xi32, #tpu.memory_space<hbm>> -> memref<80xi32, #tpu.memory_space<hbm>>
        tpu.wait_dma2 semaphore(%run_scoped3A : memref<!tpu.dma_semaphore, #tpu.memory_space<semaphore_mem>>) src(%dma_wait3A_131 : memref<80xi32, #tpu.memory_space<hbm>>) dst(%arg10 : memref<80xi32, #tpu.memory_space<vmem>>)
        tpu.yield
      }) : () -> ()
      "tpu.region"() ({
        %run_scoped3A = tpu.sem_alloc : memref<!tpu.dma_semaphore, #tpu.memory_space<semaphore_mem>>
        %dma_start3A_128 = tpu.memref_slice %arg6[%multiple_of3A] : memref<160000xi32, #tpu.memory_space<hbm>> -> memref<80xi32, #tpu.memory_space<hbm>>
        %dma_start3A_129 = tpu.memref_slice %arg6[%multiple_of3A] : memref<160000xi32, #tpu.memory_space<hbm>> -> memref<80xi32, #tpu.memory_space<hbm>>
        tpu.enqueue_dma source(%dma_start3A_129 : memref<80xi32, #tpu.memory_space<hbm>>) target(%arg11 : memref<80xi32, #tpu.memory_space<vmem>>) target_semaphore(%run_scoped3A : memref<!tpu.dma_semaphore, #tpu.memory_space<semaphore_mem>>)
        %dma_wait3A_130 = tpu.memref_slice %arg6[%multiple_of3A] : memref<160000xi32, #tpu.memory_space<hbm>> -> memref<80xi32, #tpu.memory_space<hbm>>
        %dma_wait3A_131 = tpu.memref_slice %arg6[%multiple_of3A] : memref<160000xi32, #tpu.memory_space<hbm>> -> memref<80xi32, #tpu.memory_space<hbm>>
        tpu.wait_dma2 semaphore(%run_scoped3A : memref<!tpu.dma_semaphore, #tpu.memory_space<semaphore_mem>>) src(%dma_wait3A_131 : memref<80xi32, #tpu.memory_space<hbm>>) dst(%arg11 : memref<80xi32, #tpu.memory_space<vmem>>)
        tpu.yield
      }) : () -> ()
      %get3A = arith.constant 0 : index
      %get3A_45 = tpu.vector_load %arg11[%get3A] {strides = array<i32>} : memref<80xi32, #tpu.memory_space<vmem>>, vector<16xi32>,
      %get3A_46 = vector.shape_cast %get3A_45 : vector<16xi32> to vector<16xi32>
      %mul3A_47 = arith.constant 10000 : i32
      %mul3A_48 = vector.broadcast %mul3A_47 : i32 to vector<16xi32>
      %mul3A_49 = arith.muli %get3A_46, %mul3A_48 : vector<16xi32>
      %get3A_50 = arith.constant 0 : index
      %get3A_51 = tpu.vector_load %arg9[%get3A_50] {strides = array<i32>} : memref<80xi32, #tpu.memory_space<vmem>>, vector<16xi32>,
      %get3A_52 = vector.shape_cast %get3A_51 : vector<16xi32> to vector<16xi32>
      %add3A_53 = arith.addi %mul3A_49, %get3A_52 : vector<16xi32>
      %swap3A = arith.constant 0 : index
      %swap3A_54 = tpu.vector_load %arg12[%swap3A] {strides = array<i32>} : memref<80xi32, #tpu.memory_space<vmem>>, vector<16xi32>,
      %swap3A_55 = vector.shape_cast %swap3A_54 : vector<16xi32> to vector<16xi32>
      %swap3A_56 = vector.shape_cast %add3A_53 : vector<16xi32> to vector<16xi32>
      tpu.vector_store %arg12[%swap3A], %swap3A_56 {strides = array<i32>} : memref<80xi32, #tpu.memory_space<vmem>>, vector<16xi32>,
      %get3A_57 = arith.constant 16 : index
      %get3A_58 = tpu.vector_load %arg11[%get3A_57] {strides = array<i32>} : memref<80xi32, #tpu.memory_space<vmem>>, vector<16xi32>,
      %get3A_59 = vector.shape_cast %get3A_58 : vector<16xi32> to vector<16xi32>
      %mul3A_60 = arith.constant 10000 : i32
      %mul3A_61 = vector.broadcast %mul3A_60 : i32 to vector<16xi32>
      %mul3A_62 = arith.muli %get3A_59, %mul3A_61 : vector<16xi32>
      %get3A_63 = arith.constant 16 : index
      %get3A_64 = tpu.vector_load %arg9[%get3A_63] {strides = array<i32>} : memref<80xi32, #tpu.memory_space<vmem>>, vector<16xi32>,
      %get3A_65 = vector.shape_cast %get3A_64 : vector<16xi32> to vector<16xi32>
      %add3A_66 = arith.addi %mul3A_62, %get3A_65 : vector<16xi32>
      %swap3A_67 = arith.constant 16 : index
      %swap3A_68 = tpu.vector_load %arg12[%swap3A_67] {strides = array<i32>} : memref<80xi32, #tpu.memory_space<vmem>>, vector<16xi32>,
      %swap3A_69 = vector.shape_cast %swap3A_68 : vector<16xi32> to vector<16xi32>
      %swap3A_70 = vector.shape_cast %add3A_66 : vector<16xi32> to vector<16xi32>
      tpu.vector_store %arg12[%swap3A_67], %swap3A_70 {strides = array<i32>} : memref<80xi32, #tpu.memory_space<vmem>>, vector<16xi32>,
      %get3A_71 = arith.constant 32 : index
      %get3A_72 = tpu.vector_load %arg11[%get3A_71] {strides = array<i32>} : memref<80xi32, #tpu.memory_space<vmem>>, vector<16xi32>,
      %get3A_73 = vector.shape_cast %get3A_72 : vector<16xi32> to vector<16xi32>
      %mul3A_74 = arith.constant 10000 : i32
      %mul3A_75 = vector.broadcast %mul3A_74 : i32 to vector<16xi32>
      %mul3A_76 = arith.muli %get3A_73, %mul3A_75 : vector<16xi32>
      %get3A_77 = arith.constant 32 : index
      %get3A_78 = tpu.vector_load %arg9[%get3A_77] {strides = array<i32>} : memref<80xi32, #tpu.memory_space<vmem>>, vector<16xi32>,
      %get3A_79 = vector.shape_cast %get3A_78 : vector<16xi32> to vector<16xi32>
      %add3A_80 = arith.addi %mul3A_76, %get3A_79 : vector<16xi32>
      %swap3A_81 = arith.constant 32 : index
      %swap3A_82 = tpu.vector_load %arg12[%swap3A_81] {strides = array<i32>} : memref<80xi32, #tpu.memory_space<vmem>>, vector<16xi32>,
      %swap3A_83 = vector.shape_cast %swap3A_82 : vector<16xi32> to vector<16xi32>
      %swap3A_84 = vector.shape_cast %add3A_80 : vector<16xi32> to vector<16xi32>
      tpu.vector_store %arg12[%swap3A_81], %swap3A_84 {strides = array<i32>} : memref<80xi32, #tpu.memory_space<vmem>>, vector<16xi32>,
      %get3A_85 = arith.constant 48 : index
      %get3A_86 = tpu.vector_load %arg11[%get3A_85] {strides = array<i32>} : memref<80xi32, #tpu.memory_space<vmem>>, vector<16xi32>,
      %get3A_87 = vector.shape_cast %get3A_86 : vector<16xi32> to vector<16xi32>
      %mul3A_88 = arith.constant 10000 : i32
      %mul3A_89 = vector.broadcast %mul3A_88 : i32 to vector<16xi32>
      %mul3A_90 = arith.muli %get3A_87, %mul3A_89 : vector<16xi32>
      %get3A_91 = arith.constant 48 : index
      %get3A_92 = tpu.vector_load %arg9[%get3A_91] {strides = array<i32>} : memref<80xi32, #tpu.memory_space<vmem>>, vector<16xi32>,
      %get3A_93 = vector.shape_cast %get3A_92 : vector<16xi32> to vector<16xi32>
      %add3A_94 = arith.addi %mul3A_90, %get3A_93 : vector<16xi32>
      %swap3A_95 = arith.constant 48 : index
      %swap3A_96 = tpu.vector_load %arg12[%swap3A_95] {strides = array<i32>} : memref<80xi32, #tpu.memory_space<vmem>>, vector<16xi32>,
      %swap3A_97 = vector.shape_cast %swap3A_96 : vector<16xi32> to vector<16xi32>
      %swap3A_98 = vector.shape_cast %add3A_94 : vector<16xi32> to vector<16xi32>
      tpu.vector_store %arg12[%swap3A_95], %swap3A_98 {strides = array<i32>} : memref<80xi32, #tpu.memory_space<vmem>>, vector<16xi32>,
      %get3A_99 = arith.constant 64 : index
      %get3A_100 = tpu.vector_load %arg11[%get3A_99] {strides = array<i32>} : memref<80xi32, #tpu.memory_space<vmem>>, vector<16xi32>,
      %get3A_101 = vector.shape_cast %get3A_100 : vector<16xi32> to vector<16xi32>
      %mul3A_102 = arith.constant 10000 : i32
      %mul3A_103 = vector.broadcast %mul3A_102 : i32 to vector<16xi32>
      %mul3A_104 = arith.muli %get3A_101, %mul3A_103 : vector<16xi32>
      %get3A_105 = arith.constant 64 : index
      %get3A_106 = tpu.vector_load %arg9[%get3A_105] {strides = array<i32>} : memref<80xi32, #tpu.memory_space<vmem>>, vector<16xi32>,
      %get3A_107 = vector.shape_cast %get3A_106 : vector<16xi32> to vector<16xi32>
      %add3A_108 = arith.addi %mul3A_104, %get3A_107 : vector<16xi32>
      %swap3A_109 = arith.constant 64 : index
      %swap3A_110 = tpu.vector_load %arg12[%swap3A_109] {strides = array<i32>} : memref<80xi32, #tpu.memory_space<vmem>>, vector<16xi32>,
      %swap3A_111 = vector.shape_cast %swap3A_110 : vector<16xi32> to vector<16xi32>
      %swap3A_112 = vector.shape_cast %add3A_108 : vector<16xi32> to vector<16xi32>
      tpu.vector_store %arg12[%swap3A_109], %swap3A_112 {strides = array<i32>} : memref<80xi32, #tpu.memory_space<vmem>>, vector<16xi32>,
      %dma_start3A = arith.constant 0 : i32
      %dma_start3A_113 = arith.constant 0 : i32
      %dma_start3A_114 = tpu.memref_slice %arg2[%dma_start3A, %dma_start3A_113] : memref<40000x128xf32, #tpu.memory_space<hbm>> -> memref<40000x128xf32, #tpu.memory_space<hbm>>
      tpu.enqueue_indirect_dma source(%dma_start3A_114 : memref<40000x128xf32, #tpu.memory_space<hbm>>) target(%arg13 : memref<80x128xf32, #tpu.memory_space<vmem>>) offsets(%arg12 : memref<80xi32, #tpu.memory_space<vmem>>) semaphore(%arg17 : memref<!tpu.dma_semaphore, #tpu.memory_space<semaphore_mem>>)
      %dma_start3A_115 = arith.constant 0 : i32
      %dma_start3A_116 = arith.constant 0 : i32
      %dma_start3A_117 = tpu.memref_slice %arg3[%dma_start3A_115, %dma_start3A_116] : memref<10000x128xf32, #tpu.memory_space<hbm>> -> memref<10000x128xf32, #tpu.memory_space<hbm>>
      tpu.enqueue_indirect_dma source(%dma_start3A_117 : memref<10000x128xf32, #tpu.memory_space<hbm>>) target(%arg14 : memref<80x128xf32, #tpu.memory_space<vmem>>) offsets(%arg10 : memref<80xi32, #tpu.memory_space<vmem>>) semaphore(%arg18 : memref<!tpu.dma_semaphore, #tpu.memory_space<semaphore_mem>>)
      %dma_wait3A = arith.constant 0 : i32
      %dma_wait3A_118 = arith.constant 0 : i32
      %dma_wait3A_119 = tpu.memref_slice %arg2[%dma_wait3A, %dma_wait3A_118] : memref<40000x128xf32, #tpu.memory_space<hbm>> -> memref<40000x128xf32, #tpu.memory_space<hbm>>
      tpu.wait_indirect_dma semaphore(%arg17 : memref<!tpu.dma_semaphore, #tpu.memory_space<semaphore_mem>>) src(%dma_wait3A_119 : memref<40000x128xf32, #tpu.memory_space<hbm>>) dst(%arg13 : memref<80x128xf32, #tpu.memory_space<vmem>>)
      %dma_wait3A_120 = arith.constant 0 : i32
      %dma_wait3A_121 = arith.constant 0 : i32
      %dma_wait3A_122 = tpu.memref_slice %arg3[%dma_wait3A_120, %dma_wait3A_121] : memref<10000x128xf32, #tpu.memory_space<hbm>> -> memref<10000x128xf32, #tpu.memory_space<hbm>>
      tpu.wait_indirect_dma semaphore(%arg18 : memref<!tpu.dma_semaphore, #tpu.memory_space<semaphore_mem>>) src(%dma_wait3A_122 : memref<10000x128xf32, #tpu.memory_space<hbm>>) dst(%arg14 : memref<80x128xf32, #tpu.memory_space<vmem>>)
      %scan3A = arith.constant 0 : i32
      %scan3A_123 = arith.constant 0 : i32
      %scan3A_124 = arith.constant 80 : i32
      %scan3A_125 = arith.addi %scan3A_123, %scan3A_124 : i32
      %scan3A_126 = arith.constant 1 : i32
      scf.for %scan3A_128 = %scan3A_123 to %scan3A_125 step %scan3A_126  : i32 {
        %get3A_129 = arith.index_cast %scan3A_128 : i32 to index
        %get3A_130 = arith.constant 0 : index
        %get3A_131 = tpu.vector_load %arg13[%get3A_129, %get3A_130] {strides = array<i32>} : memref<80x128xf32, #tpu.memory_space<vmem>>, vector<1x16xf32>,
        %get3A_132 = vector.shape_cast %get3A_131 : vector<1x16xf32> to vector<16xf32>
        %get3A_133 = arith.index_cast %scan3A_128 : i32 to index
        %get3A_134 = arith.constant 0 : index
        %get3A_135 = tpu.vector_load %arg14[%get3A_133, %get3A_134] {strides = array<i32>} : memref<80x128xf32, #tpu.memory_space<vmem>>, vector<1x16xf32>,
        %get3A_136 = vector.shape_cast %get3A_135 : vector<1x16xf32> to vector<16xf32>
        %mul3A_137 = arith.mulf %get3A_132, %get3A_136 : vector<16xf32>
        %lt3A_138 = arith.constant 0 : i32
        %lt3A_139 = vector.broadcast %lt3A_138 : i32 to vector<16xi32>
        %lt3A_140 = arith.cmpi slt, %xor3A_4, %lt3A_139 : vector<16xi32>
        %add3A_141 = arith.constant 16 : i32
        %add3A_142 = vector.broadcast %add3A_141 : i32 to vector<16xi32>
        %add3A_143 = arith.addi %xor3A_4, %add3A_142 : vector<16xi32>
        %select_n3A_144 = arith.select %lt3A_140, %add3A_143, %xor3A_4 : vector<16xi1>, vector<16xi32>
        %broadcast_in_dim3A = vector.shape_cast %select_n3A_144 : vector<16xi32> to vector<16x1xi32>
        %gather3A = vector.shape_cast %broadcast_in_dim3A : vector<16x1xi32> to vector<16xi32>
        %gather3A_145 = tpu.dynamic_gather %mul3A_137[%gather3A] in [0] : vector<16xf32>, vector<16xi32> -> vector<16xf32>
        %add3A_146 = arith.addf %mul3A_137, %gather3A_145 : vector<16xf32>
        %lt3A_147 = arith.constant 0 : i32
        %lt3A_148 = vector.broadcast %lt3A_147 : i32 to vector<16xi32>
        %lt3A_149 = arith.cmpi slt, %xor3A_7, %lt3A_148 : vector<16xi32>
        %add3A_150 = arith.constant 16 : i32
        %add3A_151 = vector.broadcast %add3A_150 : i32 to vector<16xi32>
        %add3A_152 = arith.addi %xor3A_7, %add3A_151 : vector<16xi32>
        %select_n3A_153 = arith.select %lt3A_149, %add3A_152, %xor3A_7 : vector<16xi1>, vector<16xi32>
        %broadcast_in_dim3A_154 = vector.shape_cast %select_n3A_153 : vector<16xi32> to vector<16x1xi32>
        %gather3A_155 = vector.shape_cast %broadcast_in_dim3A_154 : vector<16x1xi32> to vector<16xi32>
        %gather3A_156 = tpu.dynamic_gather %add3A_146[%gather3A_155] in [0] : vector<16xf32>, vector<16xi32> -> vector<16xf32>
        %add3A_157 = arith.addf %add3A_146, %gather3A_156 : vector<16xf32>
        %lt3A_158 = arith.constant 0 : i32
        %lt3A_159 = vector.broadcast %lt3A_158 : i32 to vector<16xi32>
        %lt3A_160 = arith.cmpi slt, %xor3A_10, %lt3A_159 : vector<16xi32>
        %add3A_161 = arith.constant 16 : i32
        %add3A_162 = vector.broadcast %add3A_161 : i32 to vector<16xi32>
        %add3A_163 = arith.addi %xor3A_10, %add3A_162 : vector<16xi32>
        %select_n3A_164 = arith.select %lt3A_160, %add3A_163, %xor3A_10 : vector<16xi1>, vector<16xi32>
        %broadcast_in_dim3A_165 = vector.shape_cast %select_n3A_164 : vector<16xi32> to vector<16x1xi32>
        %gather3A_166 = vector.shape_cast %broadcast_in_dim3A_165 : vector<16x1xi32> to vector<16xi32>
        %gather3A_167 = tpu.dynamic_gather %add3A_157[%gather3A_166] in [0] : vector<16xf32>, vector<16xi32> -> vector<16xf32>
        %add3A_168 = arith.addf %add3A_157, %gather3A_167 : vector<16xf32>
        %lt3A_169 = arith.constant 0 : i32
        %lt3A_170 = vector.broadcast %lt3A_169 : i32 to vector<16xi32>
        %lt3A_171 = arith.cmpi slt, %xor3A_13, %lt3A_170 : vector<16xi32>
        %add3A_172 = arith.constant 16 : i32
        %add3A_173 = vector.broadcast %add3A_172 : i32 to vector<16xi32>
        %add3A_174 = arith.addi %xor3A_13, %add3A_173 : vector<16xi32>
        %select_n3A_175 = arith.select %lt3A_171, %add3A_174, %xor3A_13 : vector<16xi1>, vector<16xi32>
        %broadcast_in_dim3A_176 = vector.shape_cast %select_n3A_175 : vector<16xi32> to vector<16x1xi32>
        %gather3A_177 = vector.shape_cast %broadcast_in_dim3A_176 : vector<16x1xi32> to vector<16xi32>
        %gather3A_178 = tpu.dynamic_gather %add3A_168[%gather3A_177] in [0] : vector<16xf32>, vector<16xi32> -> vector<16xf32>
        %add3A_179 = arith.addf %add3A_168, %gather3A_178 : vector<16xf32>
        %exp3A = math.exp %add3A_179 : vector<16xf32>
        %get3A_180 = arith.index_cast %scan3A_128 : i32 to index
        %get3A_181 = arith.constant 16 : index
        %get3A_182 = tpu.vector_load %arg13[%get3A_180, %get3A_181] {strides = array<i32>} : memref<80x128xf32, #tpu.memory_space<vmem>>, vector<1x16xf32>,
        %get3A_183 = vector.shape_cast %get3A_182 : vector<1x16xf32> to vector<16xf32>
        %mul3A_184 = arith.mulf %get3A_183, %exp3A : vector<16xf32>
        %swap3A_185 = arith.index_cast %scan3A_128 : i32 to index
        %swap3A_186 = arith.constant 0 : index
        %swap3A_187 = tpu.vector_load %arg15[%swap3A_185, %swap3A_186] {strides = array<i32>} : memref<80x128xf32, #tpu.memory_space<vmem>>, vector<1x16xf32>,
        %swap3A_188 = vector.shape_cast %swap3A_187 : vector<1x16xf32> to vector<16xf32>
        %swap3A_189 = vector.shape_cast %mul3A_184 : vector<16xf32> to vector<1x16xf32>
        tpu.vector_store %arg15[%swap3A_185, %swap3A_186], %swap3A_189 {strides = array<i32>} : memref<80x128xf32, #tpu.memory_space<vmem>>, vector<1x16xf32>,
        %mul3A_190 = arith.mulf %exp3A, %convert_element_type3A : vector<16xf32>
        %swap3A_191 = arith.index_cast %scan3A_128 : i32 to index
        %swap3A_192 = arith.constant 16 : index
        %swap3A_193 = tpu.vector_load %arg15[%swap3A_191, %swap3A_192] {strides = array<i32>} : memref<80x128xf32, #tpu.memory_space<vmem>>, vector<1x16xf32>,
        %swap3A_194 = vector.shape_cast %swap3A_193 : vector<1x16xf32> to vector<16xf32>
        %swap3A_195 = vector.shape_cast %mul3A_190 : vector<16xf32> to vector<1x16xf32>
        tpu.vector_store %arg15[%swap3A_191, %swap3A_192], %swap3A_195 {strides = array<i32>} : memref<80x128xf32, #tpu.memory_space<vmem>>, vector<1x16xf32>,
      }
      %scan3A_127 = arith.constant 80 : i32
      "tpu.region"() ({
        %run_scoped3A = tpu.sem_alloc : memref<!tpu.dma_semaphore, #tpu.memory_space<semaphore_mem>>
        %dma_start3A_128 = arith.constant 0 : i32
        %dma_start3A_129 = arith.constant 0 : i32
        %dma_start3A_130 = tpu.memref_slice %arg16[%dma_start3A_128, %dma_start3A_129] : memref<10240x128xf32, #tpu.memory_space<vmem_shared>> -> memref<10240x128xf32, #tpu.memory_space<vmem_shared>>
        tpu.enqueue_indirect_dma source(%arg15 : memref<80x128xf32, #tpu.memory_space<vmem>>) target(%dma_start3A_130 : memref<10240x128xf32, #tpu.memory_space<vmem_shared>>) offsets(%arg10 : memref<80xi32, #tpu.memory_space<vmem>>) semaphore(%run_scoped3A : memref<!tpu.dma_semaphore, #tpu.memory_space<semaphore_mem>>) {add = true}
        %dma_wait3A_131 = arith.constant 0 : i32
        %dma_wait3A_132 = arith.constant 0 : i32
        %dma_wait3A_133 = tpu.memref_slice %arg16[%dma_wait3A_131, %dma_wait3A_132] : memref<10240x128xf32, #tpu.memory_space<vmem_shared>> -> memref<10240x128xf32, #tpu.memory_space<vmem_shared>>
        tpu.wait_indirect_dma semaphore(%run_scoped3A : memref<!tpu.dma_semaphore, #tpu.memory_space<semaphore_mem>>) src(%arg15 : memref<80x128xf32, #tpu.memory_space<vmem>>) dst(%dma_wait3A_133 : memref<10240x128xf32, #tpu.memory_space<vmem_shared>>)
        tpu.yield
      }) : () -> ()
    }
    %while3A_33 = arith.constant 1 : i32
    scf.for %while3A_39 = %while3A_31 to %while3A_27 step %while3A_33  : i32 {
      %mul3A_40 = arith.constant 32 : i32
      %mul3A_41 = arith.muli %while3A_39, %mul3A_40 : i32
      %add3A_42 = arith.addi %add3A, %mul3A_41 : i32
      %mul3A_43 = arith.constant 80 : i32
      %mul3A_44 = arith.muli %add3A_42, %mul3A_43 : i32
      %multiple_of3A = tpu.assume_multiple %mul3A_44, 8 : i32
      "tpu.region"() ({
        %run_scoped3A = tpu.sem_alloc : memref<!tpu.dma_semaphore, #tpu.memory_space<semaphore_mem>>
        %dma_start3A_128 = tpu.memref_slice %arg4[%multiple_of3A] : memref<160000xi32, #tpu.memory_space<hbm>> -> memref<80xi32, #tpu.memory_space<hbm>>
        %dma_start3A_129 = tpu.memref_slice %arg4[%multiple_of3A] : memref<160000xi32, #tpu.memory_space<hbm>> -> memref<80xi32, #tpu.memory_space<hbm>>
        tpu.enqueue_dma source(%dma_start3A_129 : memref<80xi32, #tpu.memory_space<hbm>>) target(%arg9 : memref<80xi32, #tpu.memory_space<vmem>>) target_semaphore(%run_scoped3A : memref<!tpu.dma_semaphore, #tpu.memory_space<semaphore_mem>>)
        %dma_wait3A_130 = tpu.memref_slice %arg4[%multiple_of3A] : memref<160000xi32, #tpu.memory_space<hbm>> -> memref<80xi32, #tpu.memory_space<hbm>>
        %dma_wait3A_131 = tpu.memref_slice %arg4[%multiple_of3A] : memref<160000xi32, #tpu.memory_space<hbm>> -> memref<80xi32, #tpu.memory_space<hbm>>
        tpu.wait_dma2 semaphore(%run_scoped3A : memref<!tpu.dma_semaphore, #tpu.memory_space<semaphore_mem>>) src(%dma_wait3A_131 : memref<80xi32, #tpu.memory_space<hbm>>) dst(%arg9 : memref<80xi32, #tpu.memory_space<vmem>>)
        tpu.yield
      }) : () -> ()
      "tpu.region"() ({
        %run_scoped3A = tpu.sem_alloc : memref<!tpu.dma_semaphore, #tpu.memory_space<semaphore_mem>>
        %dma_start3A_128 = tpu.memref_slice %arg5[%multiple_of3A] : memref<160000xi32, #tpu.memory_space<hbm>> -> memref<80xi32, #tpu.memory_space<hbm>>
        %dma_start3A_129 = tpu.memref_slice %arg5[%multiple_of3A] : memref<160000xi32, #tpu.memory_space<hbm>> -> memref<80xi32, #tpu.memory_space<hbm>>
        tpu.enqueue_dma source(%dma_start3A_129 : memref<80xi32, #tpu.memory_space<hbm>>) target(%arg10 : memref<80xi32, #tpu.memory_space<vmem>>) target_semaphore(%run_scoped3A : memref<!tpu.dma_semaphore, #tpu.memory_space<semaphore_mem>>)
        %dma_wait3A_130 = tpu.memref_slice %arg5[%multiple_of3A] : memref<160000xi32, #tpu.memory_space<hbm>> -> memref<80xi32, #tpu.memory_space<hbm>>
        %dma_wait3A_131 = tpu.memref_slice %arg5[%multiple_of3A] : memref<160000xi32, #tpu.memory_space<hbm>> -> memref<80xi32, #tpu.memory_space<hbm>>
        tpu.wait_dma2 semaphore(%run_scoped3A : memref<!tpu.dma_semaphore, #tpu.memory_space<semaphore_mem>>) src(%dma_wait3A_131 : memref<80xi32, #tpu.memory_space<hbm>>) dst(%arg10 : memref<80xi32, #tpu.memory_space<vmem>>)
        tpu.yield
      }) : () -> ()
      "tpu.region"() ({
        %run_scoped3A = tpu.sem_alloc : memref<!tpu.dma_semaphore, #tpu.memory_space<semaphore_mem>>
        %dma_start3A_128 = tpu.memref_slice %arg6[%multiple_of3A] : memref<160000xi32, #tpu.memory_space<hbm>> -> memref<80xi32, #tpu.memory_space<hbm>>
        %dma_start3A_129 = tpu.memref_slice %arg6[%multiple_of3A] : memref<160000xi32, #tpu.memory_space<hbm>> -> memref<80xi32, #tpu.memory_space<hbm>>
        tpu.enqueue_dma source(%dma_start3A_129 : memref<80xi32, #tpu.memory_space<hbm>>) target(%arg11 : memref<80xi32, #tpu.memory_space<vmem>>) target_semaphore(%run_scoped3A : memref<!tpu.dma_semaphore, #tpu.memory_space<semaphore_mem>>)
        %dma_wait3A_130 = tpu.memref_slice %arg6[%multiple_of3A] : memref<160000xi32, #tpu.memory_space<hbm>> -> memref<80xi32, #tpu.memory_space<hbm>>
        %dma_wait3A_131 = tpu.memref_slice %arg6[%multiple_of3A] : memref<160000xi32, #tpu.memory_space<hbm>> -> memref<80xi32, #tpu.memory_space<hbm>>
        tpu.wait_dma2 semaphore(%run_scoped3A : memref<!tpu.dma_semaphore, #tpu.memory_space<semaphore_mem>>) src(%dma_wait3A_131 : memref<80xi32, #tpu.memory_space<hbm>>) dst(%arg11 : memref<80xi32, #tpu.memory_space<vmem>>)
        tpu.yield
      }) : () -> ()
      %get3A = arith.constant 0 : index
      %get3A_45 = tpu.vector_load %arg11[%get3A] {strides = array<i32>} : memref<80xi32, #tpu.memory_space<vmem>>, vector<16xi32>,
      %get3A_46 = vector.shape_cast %get3A_45 : vector<16xi32> to vector<16xi32>
      %mul3A_47 = arith.constant 10000 : i32
      %mul3A_48 = vector.broadcast %mul3A_47 : i32 to vector<16xi32>
      %mul3A_49 = arith.muli %get3A_46, %mul3A_48 : vector<16xi32>
      %get3A_50 = arith.constant 0 : index
      %get3A_51 = tpu.vector_load %arg9[%get3A_50] {strides = array<i32>} : memref<80xi32, #tpu.memory_space<vmem>>, vector<16xi32>,
      %get3A_52 = vector.shape_cast %get3A_51 : vector<16xi32> to vector<16xi32>
      %add3A_53 = arith.addi %mul3A_49, %get3A_52 : vector<16xi32>
      %swap3A = arith.constant 0 : index
      %swap3A_54 = tpu.vector_load %arg12[%swap3A] {strides = array<i32>} : memref<80xi32, #tpu.memory_space<vmem>>, vector<16xi32>,
      %swap3A_55 = vector.shape_cast %swap3A_54 : vector<16xi32> to vector<16xi32>
      %swap3A_56 = vector.shape_cast %add3A_53 : vector<16xi32> to vector<16xi32>
      tpu.vector_store %arg12[%swap3A], %swap3A_56 {strides = array<i32>} : memref<80xi32, #tpu.memory_space<vmem>>, vector<16xi32>,
      %get3A_57 = arith.constant 16 : index
      %get3A_58 = tpu.vector_load %arg11[%get3A_57] {strides = array<i32>} : memref<80xi32, #tpu.memory_space<vmem>>, vector<16xi32>,
      %get3A_59 = vector.shape_cast %get3A_58 : vector<16xi32> to vector<16xi32>
      %mul3A_60 = arith.constant 10000 : i32
      %mul3A_61 = vector.broadcast %mul3A_60 : i32 to vector<16xi32>
      %mul3A_62 = arith.muli %get3A_59, %mul3A_61 : vector<16xi32>
      %get3A_63 = arith.constant 16 : index
      %get3A_64 = tpu.vector_load %arg9[%get3A_63] {strides = array<i32>} : memref<80xi32, #tpu.memory_space<vmem>>, vector<16xi32>,
      %get3A_65 = vector.shape_cast %get3A_64 : vector<16xi32> to vector<16xi32>
      %add3A_66 = arith.addi %mul3A_62, %get3A_65 : vector<16xi32>
      %swap3A_67 = arith.constant 16 : index
      %swap3A_68 = tpu.vector_load %arg12[%swap3A_67] {strides = array<i32>} : memref<80xi32, #tpu.memory_space<vmem>>, vector<16xi32>,
      %swap3A_69 = vector.shape_cast %swap3A_68 : vector<16xi32> to vector<16xi32>
      %swap3A_70 = vector.shape_cast %add3A_66 : vector<16xi32> to vector<16xi32>
      tpu.vector_store %arg12[%swap3A_67], %swap3A_70 {strides = array<i32>} : memref<80xi32, #tpu.memory_space<vmem>>, vector<16xi32>,
      %get3A_71 = arith.constant 32 : index
      %get3A_72 = tpu.vector_load %arg11[%get3A_71] {strides = array<i32>} : memref<80xi32, #tpu.memory_space<vmem>>, vector<16xi32>,
      %get3A_73 = vector.shape_cast %get3A_72 : vector<16xi32> to vector<16xi32>
      %mul3A_74 = arith.constant 10000 : i32
      %mul3A_75 = vector.broadcast %mul3A_74 : i32 to vector<16xi32>
      %mul3A_76 = arith.muli %get3A_73, %mul3A_75 : vector<16xi32>
      %get3A_77 = arith.constant 32 : index
      %get3A_78 = tpu.vector_load %arg9[%get3A_77] {strides = array<i32>} : memref<80xi32, #tpu.memory_space<vmem>>, vector<16xi32>,
      %get3A_79 = vector.shape_cast %get3A_78 : vector<16xi32> to vector<16xi32>
      %add3A_80 = arith.addi %mul3A_76, %get3A_79 : vector<16xi32>
      %swap3A_81 = arith.constant 32 : index
      %swap3A_82 = tpu.vector_load %arg12[%swap3A_81] {strides = array<i32>} : memref<80xi32, #tpu.memory_space<vmem>>, vector<16xi32>,
      %swap3A_83 = vector.shape_cast %swap3A_82 : vector<16xi32> to vector<16xi32>
      %swap3A_84 = vector.shape_cast %add3A_80 : vector<16xi32> to vector<16xi32>
      tpu.vector_store %arg12[%swap3A_81], %swap3A_84 {strides = array<i32>} : memref<80xi32, #tpu.memory_space<vmem>>, vector<16xi32>,
      %get3A_85 = arith.constant 48 : index
      %get3A_86 = tpu.vector_load %arg11[%get3A_85] {strides = array<i32>} : memref<80xi32, #tpu.memory_space<vmem>>, vector<16xi32>,
      %get3A_87 = vector.shape_cast %get3A_86 : vector<16xi32> to vector<16xi32>
      %mul3A_88 = arith.constant 10000 : i32
      %mul3A_89 = vector.broadcast %mul3A_88 : i32 to vector<16xi32>
      %mul3A_90 = arith.muli %get3A_87, %mul3A_89 : vector<16xi32>
      %get3A_91 = arith.constant 48 : index
      %get3A_92 = tpu.vector_load %arg9[%get3A_91] {strides = array<i32>} : memref<80xi32, #tpu.memory_space<vmem>>, vector<16xi32>,
      %get3A_93 = vector.shape_cast %get3A_92 : vector<16xi32> to vector<16xi32>
      %add3A_94 = arith.addi %mul3A_90, %get3A_93 : vector<16xi32>
      %swap3A_95 = arith.constant 48 : index
      %swap3A_96 = tpu.vector_load %arg12[%swap3A_95] {strides = array<i32>} : memref<80xi32, #tpu.memory_space<vmem>>, vector<16xi32>,
      %swap3A_97 = vector.shape_cast %swap3A_96 : vector<16xi32> to vector<16xi32>
      %swap3A_98 = vector.shape_cast %add3A_94 : vector<16xi32> to vector<16xi32>
      tpu.vector_store %arg12[%swap3A_95], %swap3A_98 {strides = array<i32>} : memref<80xi32, #tpu.memory_space<vmem>>, vector<16xi32>,
      %get3A_99 = arith.constant 64 : index
      %get3A_100 = tpu.vector_load %arg11[%get3A_99] {strides = array<i32>} : memref<80xi32, #tpu.memory_space<vmem>>, vector<16xi32>,
      %get3A_101 = vector.shape_cast %get3A_100 : vector<16xi32> to vector<16xi32>
      %mul3A_102 = arith.constant 10000 : i32
      %mul3A_103 = vector.broadcast %mul3A_102 : i32 to vector<16xi32>
      %mul3A_104 = arith.muli %get3A_101, %mul3A_103 : vector<16xi32>
      %get3A_105 = arith.constant 64 : index
      %get3A_106 = tpu.vector_load %arg9[%get3A_105] {strides = array<i32>} : memref<80xi32, #tpu.memory_space<vmem>>, vector<16xi32>,
      %get3A_107 = vector.shape_cast %get3A_106 : vector<16xi32> to vector<16xi32>
      %add3A_108 = arith.addi %mul3A_104, %get3A_107 : vector<16xi32>
      %swap3A_109 = arith.constant 64 : index
      %swap3A_110 = tpu.vector_load %arg12[%swap3A_109] {strides = array<i32>} : memref<80xi32, #tpu.memory_space<vmem>>, vector<16xi32>,
      %swap3A_111 = vector.shape_cast %swap3A_110 : vector<16xi32> to vector<16xi32>
      %swap3A_112 = vector.shape_cast %add3A_108 : vector<16xi32> to vector<16xi32>
      tpu.vector_store %arg12[%swap3A_109], %swap3A_112 {strides = array<i32>} : memref<80xi32, #tpu.memory_space<vmem>>, vector<16xi32>,
      %dma_start3A = arith.constant 0 : i32
      %dma_start3A_113 = arith.constant 0 : i32
      %dma_start3A_114 = tpu.memref_slice %arg2[%dma_start3A, %dma_start3A_113] : memref<40000x128xf32, #tpu.memory_space<hbm>> -> memref<40000x128xf32, #tpu.memory_space<hbm>>
      tpu.enqueue_indirect_dma source(%dma_start3A_114 : memref<40000x128xf32, #tpu.memory_space<hbm>>) target(%arg13 : memref<80x128xf32, #tpu.memory_space<vmem>>) offsets(%arg12 : memref<80xi32, #tpu.memory_space<vmem>>) semaphore(%arg17 : memref<!tpu.dma_semaphore, #tpu.memory_space<semaphore_mem>>)
      %dma_start3A_115 = arith.constant 0 : i32
      %dma_start3A_116 = arith.constant 0 : i32
      %dma_start3A_117 = tpu.memref_slice %arg3[%dma_start3A_115, %dma_start3A_116] : memref<10000x128xf32, #tpu.memory_space<hbm>> -> memref<10000x128xf32, #tpu.memory_space<hbm>>
      tpu.enqueue_indirect_dma source(%dma_start3A_117 : memref<10000x128xf32, #tpu.memory_space<hbm>>) target(%arg14 : memref<80x128xf32, #tpu.memory_space<vmem>>) offsets(%arg10 : memref<80xi32, #tpu.memory_space<vmem>>) semaphore(%arg18 : memref<!tpu.dma_semaphore, #tpu.memory_space<semaphore_mem>>)
      %dma_wait3A = arith.constant 0 : i32
      %dma_wait3A_118 = arith.constant 0 : i32
      %dma_wait3A_119 = tpu.memref_slice %arg2[%dma_wait3A, %dma_wait3A_118] : memref<40000x128xf32, #tpu.memory_space<hbm>> -> memref<40000x128xf32, #tpu.memory_space<hbm>>
      tpu.wait_indirect_dma semaphore(%arg17 : memref<!tpu.dma_semaphore, #tpu.memory_space<semaphore_mem>>) src(%dma_wait3A_119 : memref<40000x128xf32, #tpu.memory_space<hbm>>) dst(%arg13 : memref<80x128xf32, #tpu.memory_space<vmem>>)
      %dma_wait3A_120 = arith.constant 0 : i32
      %dma_wait3A_121 = arith.constant 0 : i32
      %dma_wait3A_122 = tpu.memref_slice %arg3[%dma_wait3A_120, %dma_wait3A_121] : memref<10000x128xf32, #tpu.memory_space<hbm>> -> memref<10000x128xf32, #tpu.memory_space<hbm>>
      tpu.wait_indirect_dma semaphore(%arg18 : memref<!tpu.dma_semaphore, #tpu.memory_space<semaphore_mem>>) src(%dma_wait3A_122 : memref<10000x128xf32, #tpu.memory_space<hbm>>) dst(%arg14 : memref<80x128xf32, #tpu.memory_space<vmem>>)
      %scan3A = arith.constant 0 : i32
      %scan3A_123 = arith.constant 0 : i32
      %scan3A_124 = arith.constant 80 : i32
      %scan3A_125 = arith.addi %scan3A_123, %scan3A_124 : i32
      %scan3A_126 = arith.constant 1 : i32
      scf.for %scan3A_128 = %scan3A_123 to %scan3A_125 step %scan3A_126  : i32 {
        %get3A_129 = arith.index_cast %scan3A_128 : i32 to index
        %get3A_130 = arith.constant 0 : index
        %get3A_131 = tpu.vector_load %arg13[%get3A_129, %get3A_130] {strides = array<i32>} : memref<80x128xf32, #tpu.memory_space<vmem>>, vector<1x16xf32>,
        %get3A_132 = vector.shape_cast %get3A_131 : vector<1x16xf32> to vector<16xf32>
        %get3A_133 = arith.index_cast %scan3A_128 : i32 to index
        %get3A_134 = arith.constant 0 : index
        %get3A_135 = tpu.vector_load %arg14[%get3A_133, %get3A_134] {strides = array<i32>} : memref<80x128xf32, #tpu.memory_space<vmem>>, vector<1x16xf32>,
        %get3A_136 = vector.shape_cast %get3A_135 : vector<1x16xf32> to vector<16xf32>
        %mul3A_137 = arith.mulf %get3A_132, %get3A_136 : vector<16xf32>
        %lt3A_138 = arith.constant 0 : i32
        %lt3A_139 = vector.broadcast %lt3A_138 : i32 to vector<16xi32>
        %lt3A_140 = arith.cmpi slt, %xor3A_4, %lt3A_139 : vector<16xi32>
        %add3A_141 = arith.constant 16 : i32
        %add3A_142 = vector.broadcast %add3A_141 : i32 to vector<16xi32>
        %add3A_143 = arith.addi %xor3A_4, %add3A_142 : vector<16xi32>
        %select_n3A_144 = arith.select %lt3A_140, %add3A_143, %xor3A_4 : vector<16xi1>, vector<16xi32>
        %broadcast_in_dim3A = vector.shape_cast %select_n3A_144 : vector<16xi32> to vector<16x1xi32>
        %gather3A = vector.shape_cast %broadcast_in_dim3A : vector<16x1xi32> to vector<16xi32>
        %gather3A_145 = tpu.dynamic_gather %mul3A_137[%gather3A] in [0] : vector<16xf32>, vector<16xi32> -> vector<16xf32>
        %add3A_146 = arith.addf %mul3A_137, %gather3A_145 : vector<16xf32>
        %lt3A_147 = arith.constant 0 : i32
        %lt3A_148 = vector.broadcast %lt3A_147 : i32 to vector<16xi32>
        %lt3A_149 = arith.cmpi slt, %xor3A_7, %lt3A_148 : vector<16xi32>
        %add3A_150 = arith.constant 16 : i32
        %add3A_151 = vector.broadcast %add3A_150 : i32 to vector<16xi32>
        %add3A_152 = arith.addi %xor3A_7, %add3A_151 : vector<16xi32>
        %select_n3A_153 = arith.select %lt3A_149, %add3A_152, %xor3A_7 : vector<16xi1>, vector<16xi32>
        %broadcast_in_dim3A_154 = vector.shape_cast %select_n3A_153 : vector<16xi32> to vector<16x1xi32>
        %gather3A_155 = vector.shape_cast %broadcast_in_dim3A_154 : vector<16x1xi32> to vector<16xi32>
        %gather3A_156 = tpu.dynamic_gather %add3A_146[%gather3A_155] in [0] : vector<16xf32>, vector<16xi32> -> vector<16xf32>
        %add3A_157 = arith.addf %add3A_146, %gather3A_156 : vector<16xf32>
        %lt3A_158 = arith.constant 0 : i32
        %lt3A_159 = vector.broadcast %lt3A_158 : i32 to vector<16xi32>
        %lt3A_160 = arith.cmpi slt, %xor3A_10, %lt3A_159 : vector<16xi32>
        %add3A_161 = arith.constant 16 : i32
        %add3A_162 = vector.broadcast %add3A_161 : i32 to vector<16xi32>
        %add3A_163 = arith.addi %xor3A_10, %add3A_162 : vector<16xi32>
        %select_n3A_164 = arith.select %lt3A_160, %add3A_163, %xor3A_10 : vector<16xi1>, vector<16xi32>
        %broadcast_in_dim3A_165 = vector.shape_cast %select_n3A_164 : vector<16xi32> to vector<16x1xi32>
        %gather3A_166 = vector.shape_cast %broadcast_in_dim3A_165 : vector<16x1xi32> to vector<16xi32>
        %gather3A_167 = tpu.dynamic_gather %add3A_157[%gather3A_166] in [0] : vector<16xf32>, vector<16xi32> -> vector<16xf32>
        %add3A_168 = arith.addf %add3A_157, %gather3A_167 : vector<16xf32>
        %lt3A_169 = arith.constant 0 : i32
        %lt3A_170 = vector.broadcast %lt3A_169 : i32 to vector<16xi32>
        %lt3A_171 = arith.cmpi slt, %xor3A_13, %lt3A_170 : vector<16xi32>
        %add3A_172 = arith.constant 16 : i32
        %add3A_173 = vector.broadcast %add3A_172 : i32 to vector<16xi32>
        %add3A_174 = arith.addi %xor3A_13, %add3A_173 : vector<16xi32>
        %select_n3A_175 = arith.select %lt3A_171, %add3A_174, %xor3A_13 : vector<16xi1>, vector<16xi32>
        %broadcast_in_dim3A_176 = vector.shape_cast %select_n3A_175 : vector<16xi32> to vector<16x1xi32>
        %gather3A_177 = vector.shape_cast %broadcast_in_dim3A_176 : vector<16x1xi32> to vector<16xi32>
        %gather3A_178 = tpu.dynamic_gather %add3A_168[%gather3A_177] in [0] : vector<16xf32>, vector<16xi32> -> vector<16xf32>
        %add3A_179 = arith.addf %add3A_168, %gather3A_178 : vector<16xf32>
        %exp3A = math.exp %add3A_179 : vector<16xf32>
        %get3A_180 = arith.index_cast %scan3A_128 : i32 to index
        %get3A_181 = arith.constant 16 : index
        %get3A_182 = tpu.vector_load %arg13[%get3A_180, %get3A_181] {strides = array<i32>} : memref<80x128xf32, #tpu.memory_space<vmem>>, vector<1x16xf32>,
        %get3A_183 = vector.shape_cast %get3A_182 : vector<1x16xf32> to vector<16xf32>
        %mul3A_184 = arith.mulf %get3A_183, %exp3A : vector<16xf32>
        %swap3A_185 = arith.index_cast %scan3A_128 : i32 to index
        %swap3A_186 = arith.constant 0 : index
        %swap3A_187 = tpu.vector_load %arg15[%swap3A_185, %swap3A_186] {strides = array<i32>} : memref<80x128xf32, #tpu.memory_space<vmem>>, vector<1x16xf32>,
        %swap3A_188 = vector.shape_cast %swap3A_187 : vector<1x16xf32> to vector<16xf32>
        %swap3A_189 = vector.shape_cast %mul3A_184 : vector<16xf32> to vector<1x16xf32>
        tpu.vector_store %arg15[%swap3A_185, %swap3A_186], %swap3A_189 {strides = array<i32>} : memref<80x128xf32, #tpu.memory_space<vmem>>, vector<1x16xf32>,
        %mul3A_190 = arith.mulf %exp3A, %convert_element_type3A : vector<16xf32>
        %swap3A_191 = arith.index_cast %scan3A_128 : i32 to index
        %swap3A_192 = arith.constant 16 : index
        %swap3A_193 = tpu.vector_load %arg15[%swap3A_191, %swap3A_192] {strides = array<i32>} : memref<80x128xf32, #tpu.memory_space<vmem>>, vector<1x16xf32>,
        %swap3A_194 = vector.shape_cast %swap3A_193 : vector<1x16xf32> to vector<16xf32>
        %swap3A_195 = vector.shape_cast %mul3A_190 : vector<16xf32> to vector<1x16xf32>
        tpu.vector_store %arg15[%swap3A_191, %swap3A_192], %swap3A_195 {strides = array<i32>} : memref<80x128xf32, #tpu.memory_space<vmem>>, vector<1x16xf32>,
      }
      %scan3A_127 = arith.constant 80 : i32
      "tpu.region"() ({
        %run_scoped3A = tpu.sem_alloc : memref<!tpu.dma_semaphore, #tpu.memory_space<semaphore_mem>>
        %dma_start3A_128 = arith.constant 0 : i32
        %dma_start3A_129 = arith.constant 0 : i32
        %dma_start3A_130 = tpu.memref_slice %arg16[%dma_start3A_128, %dma_start3A_129] : memref<10240x128xf32, #tpu.memory_space<vmem_shared>> -> memref<10240x128xf32, #tpu.memory_space<vmem_shared>>
        tpu.enqueue_indirect_dma source(%arg15 : memref<80x128xf32, #tpu.memory_space<vmem>>) target(%dma_start3A_130 : memref<10240x128xf32, #tpu.memory_space<vmem_shared>>) offsets(%arg10 : memref<80xi32, #tpu.memory_space<vmem>>) semaphore(%run_scoped3A : memref<!tpu.dma_semaphore, #tpu.memory_space<semaphore_mem>>) {add = true}
        %dma_wait3A_131 = arith.constant 0 : i32
        %dma_wait3A_132 = arith.constant 0 : i32
        %dma_wait3A_133 = tpu.memref_slice %arg16[%dma_wait3A_131, %dma_wait3A_132] : memref<10240x128xf32, #tpu.memory_space<vmem_shared>> -> memref<10240x128xf32, #tpu.memory_space<vmem_shared>>
        tpu.wait_indirect_dma semaphore(%run_scoped3A : memref<!tpu.dma_semaphore, #tpu.memory_space<semaphore_mem>>) src(%arg15 : memref<80x128xf32, #tpu.memory_space<vmem>>) dst(%dma_wait3A_133 : memref<10240x128xf32, #tpu.memory_space<vmem_shared>>)
        tpu.yield
      }) : () -> ()
    }
    %barrier3A_34 = arith.constant 0 : index
    tpu.barrier barrier_id(%barrier3A_34)
    %mul3A_35 = arith.constant 640 : i32
    %mul3A_36 = arith.muli %arg1, %mul3A_35 : i32
    %mul3A_37 = arith.constant 640 : i32
    %mul3A_38 = arith.muli %arg1, %mul3A_37 : i32
    "tpu.region"() ({
      %run_scoped3A = tpu.sem_alloc : memref<!tpu.dma_semaphore, #tpu.memory_space<semaphore_mem>>
      %dma_start3A = arith.constant 0 : i32
      %dma_start3A_39 = arith.constant 0 : i32
      %dma_start3A_40 = tpu.memref_slice %arg8[%arg0, %dma_start3A, %dma_start3A_39] : memref<2x10240x128xf32, #tpu.memory_space<hbm>> -> memref<1x10240x128xf32, #tpu.memory_space<hbm>>
      %dma_start3A_41 = tpu.memref_squeeze %dma_start3A_40 : memref<1x10240x128xf32, #tpu.memory_space<hbm>> -> memref<10240x128xf32, #tpu.memory_space<hbm>>
      %dma_start3A_42 = arith.constant 0 : i32
      %dma_start3A_43 = tpu.memref_slice %dma_start3A_41[%mul3A_38, %dma_start3A_42] : memref<10240x128xf32, #tpu.memory_space<hbm>> -> memref<640x128xf32, #tpu.memory_space<hbm>>
      %dma_start3A_44 = arith.constant 0 : i32
      %dma_start3A_45 = tpu.memref_slice %arg16[%mul3A_36, %dma_start3A_44] : memref<10240x128xf32, #tpu.memory_space<vmem_shared>> -> memref<640x128xf32, #tpu.memory_space<vmem_shared>>
      tpu.enqueue_dma source(%dma_start3A_45 : memref<640x128xf32, #tpu.memory_space<vmem_shared>>) target(%dma_start3A_43 : memref<640x128xf32, #tpu.memory_space<hbm>>) target_semaphore(%run_scoped3A : memref<!tpu.dma_semaphore, #tpu.memory_space<semaphore_mem>>)
      %dma_wait3A = arith.constant 0 : i32
      %dma_wait3A_46 = arith.constant 0 : i32
      %dma_wait3A_47 = tpu.memref_slice %arg8[%arg0, %dma_wait3A, %dma_wait3A_46] : memref<2x10240x128xf32, #tpu.memory_space<hbm>> -> memref<1x10240x128xf32, #tpu.memory_space<hbm>>
      %dma_wait3A_48 = tpu.memref_squeeze %dma_wait3A_47 : memref<1x10240x128xf32, #tpu.memory_space<hbm>> -> memref<10240x128xf32, #tpu.memory_space<hbm>>
      %dma_wait3A_49 = arith.constant 0 : i32
      %dma_wait3A_50 = tpu.memref_slice %dma_wait3A_48[%mul3A_38, %dma_wait3A_49] : memref<10240x128xf32, #tpu.memory_space<hbm>> -> memref<640x128xf32, #tpu.memory_space<hbm>>
      %dma_wait3A_51 = arith.constant 0 : i32
      %dma_wait3A_52 = tpu.memref_slice %arg16[%mul3A_36, %dma_wait3A_51] : memref<10240x128xf32, #tpu.memory_space<vmem_shared>> -> memref<640x128xf32, #tpu.memory_space<vmem_shared>>
      tpu.wait_dma2 semaphore(%run_scoped3A : memref<!tpu.dma_semaphore, #tpu.memory_space<semaphore_mem>>) src(%dma_wait3A_52 : memref<640x128xf32, #tpu.memory_space<vmem_shared>>) dst(%dma_wait3A_50 : memref<640x128xf32, #tpu.memory_space<hbm>>)
      tpu.yield
    }) : () -> ()
    return
  }
}

module attributes {stable_mosaic.version = 14 : i64} {
  func.func @_t1_body(%arg0: i32, %arg1: memref<1000x128xf32, #tpu.memory_space<vmem>>, %arg2: memref<1000x1xi32, #tpu.memory_space<vmem>>, %arg3: memref<3x128x128xf32, #tpu.memory_space<vmem>>, %arg4: memref<3x1x128xf32, #tpu.memory_space<vmem>>, %arg5: memref<3x128x128xf32, #tpu.memory_space<vmem>>, %arg6: memref<3x1x128xf32, #tpu.memory_space<vmem>>, %arg7: memref<3x128x128xf32, #tpu.memory_space<vmem>>, %arg8: memref<3x1x128xf32, #tpu.memory_space<vmem>>, %arg9: memref<3x128x128xf32, #tpu.memory_space<vmem>>, %arg10: memref<3x1x128xf32, #tpu.memory_space<vmem>>, %arg11: memref<4x128x128xf32, #tpu.memory_space<vmem>>, %arg12: memref<4x128x128xf32, #tpu.memory_space<vmem>>, %arg13: memref<1000x128xf32, #tpu.memory_space<vmem>>, %arg14: memref<4x1000x128xf32, #tpu.memory_space<vmem>>, %arg15: memref<4x1000x128xf32, #tpu.memory_space<vmem>>, %arg16: memref<1000x128xf32, #tpu.memory_space<vmem>>) attributes {dimension_semantics = [#tpu.dimension_semantics<arbitrary>], iteration_bounds = array<i64: 10>, scalar_prefetch = 0 : i64, scratch_operands = 0 : i64, tpu.core_type = #tpu.core_type<tc>, window_params = [{transform_indices = @transform_0, window_bounds = array<i64: 1000, 128>}, {transform_indices = @transform_1, window_bounds = array<i64: 1000, 1>}, {pipeline_mode = #tpu.pipeline_mode<synchronous>, transform_indices = @transform_2, window_bounds = array<i64: 3, 128, 128>}, {pipeline_mode = #tpu.pipeline_mode<synchronous>, transform_indices = @transform_3, window_bounds = array<i64: 3, 1, 128>}, {pipeline_mode = #tpu.pipeline_mode<synchronous>, transform_indices = @transform_4, window_bounds = array<i64: 3, 128, 128>}, {pipeline_mode = #tpu.pipeline_mode<synchronous>, transform_indices = @transform_5, window_bounds = array<i64: 3, 1, 128>}, {pipeline_mode = #tpu.pipeline_mode<synchronous>, transform_indices = @transform_6, window_bounds = array<i64: 3, 128, 128>}, {pipeline_mode = #tpu.pipeline_mode<synchronous>, transform_indices = @transform_7, window_bounds = array<i64: 3, 1, 128>}, {pipeline_mode = #tpu.pipeline_mode<synchronous>, transform_indices = @transform_8, window_bounds = array<i64: 3, 128, 128>}, {pipeline_mode = #tpu.pipeline_mode<synchronous>, transform_indices = @transform_9, window_bounds = array<i64: 3, 1, 128>}, {pipeline_mode = #tpu.pipeline_mode<synchronous>, transform_indices = @transform_10, window_bounds = array<i64: 4, 128, 128>}, {pipeline_mode = #tpu.pipeline_mode<synchronous>, transform_indices = @transform_11, window_bounds = array<i64: 4, 128, 128>}, {transform_indices = @transform_12, window_bounds = array<i64: 1000, 128>}, {transform_indices = @transform_13, window_bounds = array<i64: 4, 1000, 128>}, {transform_indices = @transform_14, window_bounds = array<i64: 4, 1000, 128>}, {transform_indices = @transform_15, window_bounds = array<i64: 1000, 128>}]} {
    %get3A = arith.constant 0 : index
    %get3A_0 = arith.constant 0 : index
    %get3A_1 = vector.load %arg1[%get3A, %get3A_0] : memref<1000x128xf32, #tpu.memory_space<vmem>>, vector<1000x128xf32>
    %get3A_2 = arith.constant 0 : index
    %get3A_3 = arith.constant 0 : index
    %get3A_4 = vector.load %arg2[%get3A_2, %get3A_3] : memref<1000x1xi32, #tpu.memory_space<vmem>>, vector<1000x1xi32>
    %sub3A = arith.constant 0 : i32
    %sub3A_5 = vector.broadcast %sub3A : i32 to vector<1000x1xi32>
    %sub3A_6 = arith.subi %get3A_4, %sub3A_5 : vector<1000x1xi32>
    %abs3A = math.absi %sub3A_6 : vector<1000x1xi32>
    %min3A = arith.constant 1 : i32
    %min3A_7 = vector.broadcast %min3A : i32 to vector<1000x1xi32>
    %min3A_8 = arith.minsi %abs3A, %min3A_7 : vector<1000x1xi32>
    %sub3A_9 = arith.constant 1 : i32
    %sub3A_10 = vector.broadcast %sub3A_9 : i32 to vector<1000x1xi32>
    %sub3A_11 = arith.subi %sub3A_10, %min3A_8 : vector<1000x1xi32>
    %convert_element_type3A = arith.sitofp %sub3A_11 : vector<1000x1xi32> to vector<1000x1xf32>
    %sub3A_12 = arith.constant 1 : i32
    %sub3A_13 = vector.broadcast %sub3A_12 : i32 to vector<1000x1xi32>
    %sub3A_14 = arith.subi %get3A_4, %sub3A_13 : vector<1000x1xi32>
    %abs3A_15 = math.absi %sub3A_14 : vector<1000x1xi32>
    %min3A_16 = arith.constant 1 : i32
    %min3A_17 = vector.broadcast %min3A_16 : i32 to vector<1000x1xi32>
    %min3A_18 = arith.minsi %abs3A_15, %min3A_17 : vector<1000x1xi32>
    %sub3A_19 = arith.constant 1 : i32
    %sub3A_20 = vector.broadcast %sub3A_19 : i32 to vector<1000x1xi32>
    %sub3A_21 = arith.subi %sub3A_20, %min3A_18 : vector<1000x1xi32>
    %convert_element_type3A_22 = arith.sitofp %sub3A_21 : vector<1000x1xi32> to vector<1000x1xf32>
    %sub3A_23 = arith.constant 2 : i32
    %sub3A_24 = vector.broadcast %sub3A_23 : i32 to vector<1000x1xi32>
    %sub3A_25 = arith.subi %get3A_4, %sub3A_24 : vector<1000x1xi32>
    %abs3A_26 = math.absi %sub3A_25 : vector<1000x1xi32>
    %min3A_27 = arith.constant 1 : i32
    %min3A_28 = vector.broadcast %min3A_27 : i32 to vector<1000x1xi32>
    %min3A_29 = arith.minsi %abs3A_26, %min3A_28 : vector<1000x1xi32>
    %sub3A_30 = arith.constant 1 : i32
    %sub3A_31 = vector.broadcast %sub3A_30 : i32 to vector<1000x1xi32>
    %sub3A_32 = arith.subi %sub3A_31, %min3A_29 : vector<1000x1xi32>
    %convert_element_type3A_33 = arith.sitofp %sub3A_32 : vector<1000x1xi32> to vector<1000x1xf32>
    %mul3A = vector.broadcast %convert_element_type3A : vector<1000x1xf32> to vector<1000x128xf32>
    %mul3A_34 = arith.mulf %get3A_1, %mul3A : vector<1000x128xf32>
    %get3A_35 = arith.constant 1 : index
    %get3A_36 = arith.constant 0 : index
    %get3A_37 = arith.constant 0 : index
    %get3A_38 = vector.load %arg3[%get3A_35, %get3A_36, %get3A_37] : memref<3x128x128xf32, #tpu.memory_space<vmem>>, vector<1x128x128xf32>
    %get3A_39 = vector.shape_cast %get3A_38 : vector<1x128x128xf32> to vector<128x128xf32>
    %dot_general3A = arith.constant dense<0.000000e+00> : vector<1000x128xf32>
    %dot_general3A_40 = tpu.matmul %get3A_1, %get3A_39, %dot_general3A {dimension_numbers = #tpu.dot_dimension_numbers<[1], [0], [0], [1], [0, 0, 1, 1], [], []>, transpose_lhs_hint = false} : vector<1000x128xf32>, vector<128x128xf32>, vector<1000x128xf32> -> vector<1000x128xf32>
    %get3A_41 = arith.constant 1 : index
    %get3A_42 = arith.constant 0 : index
    %get3A_43 = arith.constant 0 : index
    %get3A_44 = vector.load %arg4[%get3A_41, %get3A_42, %get3A_43] : memref<3x1x128xf32, #tpu.memory_space<vmem>>, vector<1x1x128xf32>
    %get3A_45 = vector.shape_cast %get3A_44 : vector<1x1x128xf32> to vector<1x128xf32>
    %add3A = vector.broadcast %get3A_45 : vector<1x128xf32> to vector<1000x128xf32>
    %add3A_46 = arith.addf %dot_general3A_40, %add3A : vector<1000x128xf32>
    %mul3A_47 = vector.broadcast %convert_element_type3A_22 : vector<1000x1xf32> to vector<1000x128xf32>
    %mul3A_48 = arith.mulf %add3A_46, %mul3A_47 : vector<1000x128xf32>
    %add3A_49 = arith.addf %mul3A_34, %mul3A_48 : vector<1000x128xf32>
    %get3A_50 = arith.constant 2 : index
    %get3A_51 = arith.constant 0 : index
    %get3A_52 = arith.constant 0 : index
    %get3A_53 = vector.load %arg3[%get3A_50, %get3A_51, %get3A_52] : memref<3x128x128xf32, #tpu.memory_space<vmem>>, vector<1x128x128xf32>
    %get3A_54 = vector.shape_cast %get3A_53 : vector<1x128x128xf32> to vector<128x128xf32>
    %dot_general3A_55 = arith.constant dense<0.000000e+00> : vector<1000x128xf32>
    %dot_general3A_56 = tpu.matmul %get3A_1, %get3A_54, %dot_general3A_55 {dimension_numbers = #tpu.dot_dimension_numbers<[1], [0], [0], [1], [0, 0, 1, 1], [], []>, transpose_lhs_hint = false} : vector<1000x128xf32>, vector<128x128xf32>, vector<1000x128xf32> -> vector<1000x128xf32>
    %get3A_57 = arith.constant 2 : index
    %get3A_58 = arith.constant 0 : index
    %get3A_59 = arith.constant 0 : index
    %get3A_60 = vector.load %arg4[%get3A_57, %get3A_58, %get3A_59] : memref<3x1x128xf32, #tpu.memory_space<vmem>>, vector<1x1x128xf32>
    %get3A_61 = vector.shape_cast %get3A_60 : vector<1x1x128xf32> to vector<1x128xf32>
    %add3A_62 = vector.broadcast %get3A_61 : vector<1x128xf32> to vector<1000x128xf32>
    %add3A_63 = arith.addf %dot_general3A_56, %add3A_62 : vector<1000x128xf32>
    %mul3A_64 = vector.broadcast %convert_element_type3A_33 : vector<1000x1xf32> to vector<1000x128xf32>
    %mul3A_65 = arith.mulf %add3A_63, %mul3A_64 : vector<1000x128xf32>
    %add3A_66 = arith.addf %add3A_49, %mul3A_65 : vector<1000x128xf32>
    %swap3A = arith.constant 0 : index
    %swap3A_67 = arith.constant 0 : index
    %swap3A_68 = vector.load %arg16[%swap3A, %swap3A_67] : memref<1000x128xf32, #tpu.memory_space<vmem>>, vector<1000x128xf32>
    tpu.vector_store %arg16[%swap3A, %swap3A_67], %add3A_66 {strides = array<i32>} : memref<1000x128xf32, #tpu.memory_space<vmem>>, vector<1000x128xf32>,
    %get3A_69 = arith.constant 0 : index
    %get3A_70 = arith.constant 0 : index
    %get3A_71 = arith.constant 0 : index
    %get3A_72 = vector.load %arg5[%get3A_69, %get3A_70, %get3A_71] : memref<3x128x128xf32, #tpu.memory_space<vmem>>, vector<1x128x128xf32>
    %get3A_73 = vector.shape_cast %get3A_72 : vector<1x128x128xf32> to vector<128x128xf32>
    %dot_general3A_74 = arith.constant dense<0.000000e+00> : vector<1000x128xf32>
    %dot_general3A_75 = tpu.matmul %add3A_66, %get3A_73, %dot_general3A_74 {dimension_numbers = #tpu.dot_dimension_numbers<[1], [0], [0], [1], [0, 0, 1, 1], [], []>, transpose_lhs_hint = false} : vector<1000x128xf32>, vector<128x128xf32>, vector<1000x128xf32> -> vector<1000x128xf32>
    %get3A_76 = arith.constant 0 : index
    %get3A_77 = arith.constant 0 : index
    %get3A_78 = arith.constant 0 : index
    %get3A_79 = vector.load %arg6[%get3A_76, %get3A_77, %get3A_78] : memref<3x1x128xf32, #tpu.memory_space<vmem>>, vector<1x1x128xf32>
    %get3A_80 = vector.shape_cast %get3A_79 : vector<1x1x128xf32> to vector<1x128xf32>
    %add3A_81 = vector.broadcast %get3A_80 : vector<1x128xf32> to vector<1000x128xf32>
    %add3A_82 = arith.addf %dot_general3A_75, %add3A_81 : vector<1000x128xf32>
    %mul3A_83 = vector.broadcast %convert_element_type3A : vector<1000x1xf32> to vector<1000x128xf32>
    %mul3A_84 = arith.mulf %add3A_82, %mul3A_83 : vector<1000x128xf32>
    %get3A_85 = arith.constant 1 : index
    %get3A_86 = arith.constant 0 : index
    %get3A_87 = arith.constant 0 : index
    %get3A_88 = vector.load %arg5[%get3A_85, %get3A_86, %get3A_87] : memref<3x128x128xf32, #tpu.memory_space<vmem>>, vector<1x128x128xf32>
    %get3A_89 = vector.shape_cast %get3A_88 : vector<1x128x128xf32> to vector<128x128xf32>
    %dot_general3A_90 = arith.constant dense<0.000000e+00> : vector<1000x128xf32>
    %dot_general3A_91 = tpu.matmul %add3A_66, %get3A_89, %dot_general3A_90 {dimension_numbers = #tpu.dot_dimension_numbers<[1], [0], [0], [1], [0, 0, 1, 1], [], []>, transpose_lhs_hint = false} : vector<1000x128xf32>, vector<128x128xf32>, vector<1000x128xf32> -> vector<1000x128xf32>
    %get3A_92 = arith.constant 1 : index
    %get3A_93 = arith.constant 0 : index
    %get3A_94 = arith.constant 0 : index
    %get3A_95 = vector.load %arg6[%get3A_92, %get3A_93, %get3A_94] : memref<3x1x128xf32, #tpu.memory_space<vmem>>, vector<1x1x128xf32>
    %get3A_96 = vector.shape_cast %get3A_95 : vector<1x1x128xf32> to vector<1x128xf32>
    %add3A_97 = vector.broadcast %get3A_96 : vector<1x128xf32> to vector<1000x128xf32>
    %add3A_98 = arith.addf %dot_general3A_91, %add3A_97 : vector<1000x128xf32>
    %mul3A_99 = vector.broadcast %convert_element_type3A_22 : vector<1000x1xf32> to vector<1000x128xf32>
    %mul3A_100 = arith.mulf %add3A_98, %mul3A_99 : vector<1000x128xf32>
    %add3A_101 = arith.addf %mul3A_84, %mul3A_100 : vector<1000x128xf32>
    %get3A_102 = arith.constant 2 : index
    %get3A_103 = arith.constant 0 : index
    %get3A_104 = arith.constant 0 : index
    %get3A_105 = vector.load %arg5[%get3A_102, %get3A_103, %get3A_104] : memref<3x128x128xf32, #tpu.memory_space<vmem>>, vector<1x128x128xf32>
    %get3A_106 = vector.shape_cast %get3A_105 : vector<1x128x128xf32> to vector<128x128xf32>
    %dot_general3A_107 = arith.constant dense<0.000000e+00> : vector<1000x128xf32>
    %dot_general3A_108 = tpu.matmul %add3A_66, %get3A_106, %dot_general3A_107 {dimension_numbers = #tpu.dot_dimension_numbers<[1], [0], [0], [1], [0, 0, 1, 1], [], []>, transpose_lhs_hint = false} : vector<1000x128xf32>, vector<128x128xf32>, vector<1000x128xf32> -> vector<1000x128xf32>
    %get3A_109 = arith.constant 2 : index
    %get3A_110 = arith.constant 0 : index
    %get3A_111 = arith.constant 0 : index
    %get3A_112 = vector.load %arg6[%get3A_109, %get3A_110, %get3A_111] : memref<3x1x128xf32, #tpu.memory_space<vmem>>, vector<1x1x128xf32>
    %get3A_113 = vector.shape_cast %get3A_112 : vector<1x1x128xf32> to vector<1x128xf32>
    %add3A_114 = vector.broadcast %get3A_113 : vector<1x128xf32> to vector<1000x128xf32>
    %add3A_115 = arith.addf %dot_general3A_108, %add3A_114 : vector<1000x128xf32>
    %mul3A_116 = vector.broadcast %convert_element_type3A_33 : vector<1000x1xf32> to vector<1000x128xf32>
    %mul3A_117 = arith.mulf %add3A_115, %mul3A_116 : vector<1000x128xf32>
    %add3A_118 = arith.addf %add3A_101, %mul3A_117 : vector<1000x128xf32>
    %get3A_119 = arith.constant 0 : index
    %get3A_120 = arith.constant 0 : index
    %get3A_121 = arith.constant 0 : index
    %get3A_122 = vector.load %arg7[%get3A_119, %get3A_120, %get3A_121] : memref<3x128x128xf32, #tpu.memory_space<vmem>>, vector<1x128x128xf32>
    %get3A_123 = vector.shape_cast %get3A_122 : vector<1x128x128xf32> to vector<128x128xf32>
    %dot_general3A_124 = arith.constant dense<0.000000e+00> : vector<1000x128xf32>
    %dot_general3A_125 = tpu.matmul %add3A_66, %get3A_123, %dot_general3A_124 {dimension_numbers = #tpu.dot_dimension_numbers<[1], [0], [0], [1], [0, 0, 1, 1], [], []>, transpose_lhs_hint = false} : vector<1000x128xf32>, vector<128x128xf32>, vector<1000x128xf32> -> vector<1000x128xf32>
    %get3A_126 = arith.constant 0 : index
    %get3A_127 = arith.constant 0 : index
    %get3A_128 = arith.constant 0 : index
    %get3A_129 = vector.load %arg8[%get3A_126, %get3A_127, %get3A_128] : memref<3x1x128xf32, #tpu.memory_space<vmem>>, vector<1x1x128xf32>
    %get3A_130 = vector.shape_cast %get3A_129 : vector<1x1x128xf32> to vector<1x128xf32>
    %add3A_131 = vector.broadcast %get3A_130 : vector<1x128xf32> to vector<1000x128xf32>
    %add3A_132 = arith.addf %dot_general3A_125, %add3A_131 : vector<1000x128xf32>
    %mul3A_133 = vector.broadcast %convert_element_type3A : vector<1000x1xf32> to vector<1000x128xf32>
    %mul3A_134 = arith.mulf %add3A_132, %mul3A_133 : vector<1000x128xf32>
    %get3A_135 = arith.constant 1 : index
    %get3A_136 = arith.constant 0 : index
    %get3A_137 = arith.constant 0 : index
    %get3A_138 = vector.load %arg7[%get3A_135, %get3A_136, %get3A_137] : memref<3x128x128xf32, #tpu.memory_space<vmem>>, vector<1x128x128xf32>
    %get3A_139 = vector.shape_cast %get3A_138 : vector<1x128x128xf32> to vector<128x128xf32>
    %dot_general3A_140 = arith.constant dense<0.000000e+00> : vector<1000x128xf32>
    %dot_general3A_141 = tpu.matmul %add3A_66, %get3A_139, %dot_general3A_140 {dimension_numbers = #tpu.dot_dimension_numbers<[1], [0], [0], [1], [0, 0, 1, 1], [], []>, transpose_lhs_hint = false} : vector<1000x128xf32>, vector<128x128xf32>, vector<1000x128xf32> -> vector<1000x128xf32>
    %get3A_142 = arith.constant 1 : index
    %get3A_143 = arith.constant 0 : index
    %get3A_144 = arith.constant 0 : index
    %get3A_145 = vector.load %arg8[%get3A_142, %get3A_143, %get3A_144] : memref<3x1x128xf32, #tpu.memory_space<vmem>>, vector<1x1x128xf32>
    %get3A_146 = vector.shape_cast %get3A_145 : vector<1x1x128xf32> to vector<1x128xf32>
    %add3A_147 = vector.broadcast %get3A_146 : vector<1x128xf32> to vector<1000x128xf32>
    %add3A_148 = arith.addf %dot_general3A_141, %add3A_147 : vector<1000x128xf32>
    %mul3A_149 = vector.broadcast %convert_element_type3A_22 : vector<1000x1xf32> to vector<1000x128xf32>
    %mul3A_150 = arith.mulf %add3A_148, %mul3A_149 : vector<1000x128xf32>
    %add3A_151 = arith.addf %mul3A_134, %mul3A_150 : vector<1000x128xf32>
    %get3A_152 = arith.constant 2 : index
    %get3A_153 = arith.constant 0 : index
    %get3A_154 = arith.constant 0 : index
    %get3A_155 = vector.load %arg7[%get3A_152, %get3A_153, %get3A_154] : memref<3x128x128xf32, #tpu.memory_space<vmem>>, vector<1x128x128xf32>
    %get3A_156 = vector.shape_cast %get3A_155 : vector<1x128x128xf32> to vector<128x128xf32>
    %dot_general3A_157 = arith.constant dense<0.000000e+00> : vector<1000x128xf32>
    %dot_general3A_158 = tpu.matmul %add3A_66, %get3A_156, %dot_general3A_157 {dimension_numbers = #tpu.dot_dimension_numbers<[1], [0], [0], [1], [0, 0, 1, 1], [], []>, transpose_lhs_hint = false} : vector<1000x128xf32>, vector<128x128xf32>, vector<1000x128xf32> -> vector<1000x128xf32>
    %get3A_159 = arith.constant 2 : index
    %get3A_160 = arith.constant 0 : index
    %get3A_161 = arith.constant 0 : index
    %get3A_162 = vector.load %arg8[%get3A_159, %get3A_160, %get3A_161] : memref<3x1x128xf32, #tpu.memory_space<vmem>>, vector<1x1x128xf32>
    %get3A_163 = vector.shape_cast %get3A_162 : vector<1x1x128xf32> to vector<1x128xf32>
    %add3A_164 = vector.broadcast %get3A_163 : vector<1x128xf32> to vector<1000x128xf32>
    %add3A_165 = arith.addf %dot_general3A_158, %add3A_164 : vector<1000x128xf32>
    %mul3A_166 = vector.broadcast %convert_element_type3A_33 : vector<1000x1xf32> to vector<1000x128xf32>
    %mul3A_167 = arith.mulf %add3A_165, %mul3A_166 : vector<1000x128xf32>
    %add3A_168 = arith.addf %add3A_151, %mul3A_167 : vector<1000x128xf32>
    %get3A_169 = arith.constant 0 : index
    %get3A_170 = arith.constant 0 : index
    %get3A_171 = arith.constant 0 : index
    %get3A_172 = vector.load %arg9[%get3A_169, %get3A_170, %get3A_171] : memref<3x128x128xf32, #tpu.memory_space<vmem>>, vector<1x128x128xf32>
    %get3A_173 = vector.shape_cast %get3A_172 : vector<1x128x128xf32> to vector<128x128xf32>
    %dot_general3A_174 = arith.constant dense<0.000000e+00> : vector<1000x128xf32>
    %dot_general3A_175 = tpu.matmul %add3A_66, %get3A_173, %dot_general3A_174 {dimension_numbers = #tpu.dot_dimension_numbers<[1], [0], [0], [1], [0, 0, 1, 1], [], []>, transpose_lhs_hint = false} : vector<1000x128xf32>, vector<128x128xf32>, vector<1000x128xf32> -> vector<1000x128xf32>
    %get3A_176 = arith.constant 0 : index
    %get3A_177 = arith.constant 0 : index
    %get3A_178 = arith.constant 0 : index
    %get3A_179 = vector.load %arg10[%get3A_176, %get3A_177, %get3A_178] : memref<3x1x128xf32, #tpu.memory_space<vmem>>, vector<1x1x128xf32>
    %get3A_180 = vector.shape_cast %get3A_179 : vector<1x1x128xf32> to vector<1x128xf32>
    %add3A_181 = vector.broadcast %get3A_180 : vector<1x128xf32> to vector<1000x128xf32>
    %add3A_182 = arith.addf %dot_general3A_175, %add3A_181 : vector<1000x128xf32>
    %mul3A_183 = vector.broadcast %convert_element_type3A : vector<1000x1xf32> to vector<1000x128xf32>
    %mul3A_184 = arith.mulf %add3A_182, %mul3A_183 : vector<1000x128xf32>
    %get3A_185 = arith.constant 1 : index
    %get3A_186 = arith.constant 0 : index
    %get3A_187 = arith.constant 0 : index
    %get3A_188 = vector.load %arg9[%get3A_185, %get3A_186, %get3A_187] : memref<3x128x128xf32, #tpu.memory_space<vmem>>, vector<1x128x128xf32>
    %get3A_189 = vector.shape_cast %get3A_188 : vector<1x128x128xf32> to vector<128x128xf32>
    %dot_general3A_190 = arith.constant dense<0.000000e+00> : vector<1000x128xf32>
    %dot_general3A_191 = tpu.matmul %add3A_66, %get3A_189, %dot_general3A_190 {dimension_numbers = #tpu.dot_dimension_numbers<[1], [0], [0], [1], [0, 0, 1, 1], [], []>, transpose_lhs_hint = false} : vector<1000x128xf32>, vector<128x128xf32>, vector<1000x128xf32> -> vector<1000x128xf32>
    %get3A_192 = arith.constant 1 : index
    %get3A_193 = arith.constant 0 : index
    %get3A_194 = arith.constant 0 : index
    %get3A_195 = vector.load %arg10[%get3A_192, %get3A_193, %get3A_194] : memref<3x1x128xf32, #tpu.memory_space<vmem>>, vector<1x1x128xf32>
    %get3A_196 = vector.shape_cast %get3A_195 : vector<1x1x128xf32> to vector<1x128xf32>
    %add3A_197 = vector.broadcast %get3A_196 : vector<1x128xf32> to vector<1000x128xf32>
    %add3A_198 = arith.addf %dot_general3A_191, %add3A_197 : vector<1000x128xf32>
    %mul3A_199 = vector.broadcast %convert_element_type3A_22 : vector<1000x1xf32> to vector<1000x128xf32>
    %mul3A_200 = arith.mulf %add3A_198, %mul3A_199 : vector<1000x128xf32>
    %add3A_201 = arith.addf %mul3A_184, %mul3A_200 : vector<1000x128xf32>
    %get3A_202 = arith.constant 2 : index
    %get3A_203 = arith.constant 0 : index
    %get3A_204 = arith.constant 0 : index
    %get3A_205 = vector.load %arg9[%get3A_202, %get3A_203, %get3A_204] : memref<3x128x128xf32, #tpu.memory_space<vmem>>, vector<1x128x128xf32>
    %get3A_206 = vector.shape_cast %get3A_205 : vector<1x128x128xf32> to vector<128x128xf32>
    %dot_general3A_207 = arith.constant dense<0.000000e+00> : vector<1000x128xf32>
    %dot_general3A_208 = tpu.matmul %add3A_66, %get3A_206, %dot_general3A_207 {dimension_numbers = #tpu.dot_dimension_numbers<[1], [0], [0], [1], [0, 0, 1, 1], [], []>, transpose_lhs_hint = false} : vector<1000x128xf32>, vector<128x128xf32>, vector<1000x128xf32> -> vector<1000x128xf32>
    %get3A_209 = arith.constant 2 : index
    %get3A_210 = arith.constant 0 : index
    %get3A_211 = arith.constant 0 : index
    %get3A_212 = vector.load %arg10[%get3A_209, %get3A_210, %get3A_211] : memref<3x1x128xf32, #tpu.memory_space<vmem>>, vector<1x1x128xf32>
    %get3A_213 = vector.shape_cast %get3A_212 : vector<1x1x128xf32> to vector<1x128xf32>
    %add3A_214 = vector.broadcast %get3A_213 : vector<1x128xf32> to vector<1000x128xf32>
    %add3A_215 = arith.addf %dot_general3A_208, %add3A_214 : vector<1000x128xf32>
    %mul3A_216 = vector.broadcast %convert_element_type3A_33 : vector<1000x1xf32> to vector<1000x128xf32>
    %mul3A_217 = arith.mulf %add3A_215, %mul3A_216 : vector<1000x128xf32>
    %add3A_218 = arith.addf %add3A_201, %mul3A_217 : vector<1000x128xf32>
    %swap3A_219 = arith.constant 0 : index
    %swap3A_220 = arith.constant 0 : index
    %swap3A_221 = vector.load %arg13[%swap3A_219, %swap3A_220] : memref<1000x128xf32, #tpu.memory_space<vmem>>, vector<1000x128xf32>
    tpu.vector_store %arg13[%swap3A_219, %swap3A_220], %add3A_168 {strides = array<i32>} : memref<1000x128xf32, #tpu.memory_space<vmem>>, vector<1000x128xf32>,
    %get3A_222 = arith.constant 0 : index
    %get3A_223 = arith.constant 0 : index
    %get3A_224 = arith.constant 0 : index
    %get3A_225 = vector.load %arg11[%get3A_222, %get3A_223, %get3A_224] : memref<4x128x128xf32, #tpu.memory_space<vmem>>, vector<1x128x128xf32>
    %get3A_226 = vector.shape_cast %get3A_225 : vector<1x128x128xf32> to vector<128x128xf32>
    %dot_general3A_227 = arith.constant dense<0.000000e+00> : vector<1000x128xf32>
    %dot_general3A_228 = tpu.matmul %add3A_118, %get3A_226, %dot_general3A_227 {dimension_numbers = #tpu.dot_dimension_numbers<[1], [0], [0], [1], [0, 0, 1, 1], [], []>, transpose_lhs_hint = false} : vector<1000x128xf32>, vector<128x128xf32>, vector<1000x128xf32> -> vector<1000x128xf32>
    %swap3A_229 = arith.constant 0 : index
    %swap3A_230 = arith.constant 0 : index
    %swap3A_231 = arith.constant 0 : index
    %swap3A_232 = vector.load %arg14[%swap3A_229, %swap3A_230, %swap3A_231] : memref<4x1000x128xf32, #tpu.memory_space<vmem>>, vector<1x1000x128xf32>
    %swap3A_233 = vector.shape_cast %swap3A_232 : vector<1x1000x128xf32> to vector<1000x128xf32>
    %swap3A_234 = vector.shape_cast %dot_general3A_228 : vector<1000x128xf32> to vector<1x1000x128xf32>
    tpu.vector_store %arg14[%swap3A_229, %swap3A_230, %swap3A_231], %swap3A_234 {strides = array<i32>} : memref<4x1000x128xf32, #tpu.memory_space<vmem>>, vector<1x1000x128xf32>,
    %get3A_235 = arith.constant 0 : index
    %get3A_236 = arith.constant 0 : index
    %get3A_237 = arith.constant 0 : index
    %get3A_238 = vector.load %arg12[%get3A_235, %get3A_236, %get3A_237] : memref<4x128x128xf32, #tpu.memory_space<vmem>>, vector<1x128x128xf32>
    %get3A_239 = vector.shape_cast %get3A_238 : vector<1x128x128xf32> to vector<128x128xf32>
    %dot_general3A_240 = arith.constant dense<0.000000e+00> : vector<1000x128xf32>
    %dot_general3A_241 = tpu.matmul %add3A_218, %get3A_239, %dot_general3A_240 {dimension_numbers = #tpu.dot_dimension_numbers<[1], [0], [0], [1], [0, 0, 1, 1], [], []>, transpose_lhs_hint = false} : vector<1000x128xf32>, vector<128x128xf32>, vector<1000x128xf32> -> vector<1000x128xf32>
    %swap3A_242 = arith.constant 0 : index
    %swap3A_243 = arith.constant 0 : index
    %swap3A_244 = arith.constant 0 : index
    %swap3A_245 = vector.load %arg15[%swap3A_242, %swap3A_243, %swap3A_244] : memref<4x1000x128xf32, #tpu.memory_space<vmem>>, vector<1x1000x128xf32>
    %swap3A_246 = vector.shape_cast %swap3A_245 : vector<1x1000x128xf32> to vector<1000x128xf32>
    %swap3A_247 = vector.shape_cast %dot_general3A_241 : vector<1000x128xf32> to vector<1x1000x128xf32>
    tpu.vector_store %arg15[%swap3A_242, %swap3A_243, %swap3A_244], %swap3A_247 {strides = array<i32>} : memref<4x1000x128xf32, #tpu.memory_space<vmem>>, vector<1x1000x128xf32>,
    %get3A_248 = arith.constant 1 : index
    %get3A_249 = arith.constant 0 : index
    %get3A_250 = arith.constant 0 : index
    %get3A_251 = vector.load %arg11[%get3A_248, %get3A_249, %get3A_250] : memref<4x128x128xf32, #tpu.memory_space<vmem>>, vector<1x128x128xf32>
    %get3A_252 = vector.shape_cast %get3A_251 : vector<1x128x128xf32> to vector<128x128xf32>
    %dot_general3A_253 = arith.constant dense<0.000000e+00> : vector<1000x128xf32>
    %dot_general3A_254 = tpu.matmul %add3A_118, %get3A_252, %dot_general3A_253 {dimension_numbers = #tpu.dot_dimension_numbers<[1], [0], [0], [1], [0, 0, 1, 1], [], []>, transpose_lhs_hint = false} : vector<1000x128xf32>, vector<128x128xf32>, vector<1000x128xf32> -> vector<1000x128xf32>
    %swap3A_255 = arith.constant 1 : index
    %swap3A_256 = arith.constant 0 : index
    %swap3A_257 = arith.constant 0 : index
    %swap3A_258 = vector.load %arg14[%swap3A_255, %swap3A_256, %swap3A_257] : memref<4x1000x128xf32, #tpu.memory_space<vmem>>, vector<1x1000x128xf32>
    %swap3A_259 = vector.shape_cast %swap3A_258 : vector<1x1000x128xf32> to vector<1000x128xf32>
    %swap3A_260 = vector.shape_cast %dot_general3A_254 : vector<1000x128xf32> to vector<1x1000x128xf32>
    tpu.vector_store %arg14[%swap3A_255, %swap3A_256, %swap3A_257], %swap3A_260 {strides = array<i32>} : memref<4x1000x128xf32, #tpu.memory_space<vmem>>, vector<1x1000x128xf32>,
    %get3A_261 = arith.constant 1 : index
    %get3A_262 = arith.constant 0 : index
    %get3A_263 = arith.constant 0 : index
    %get3A_264 = vector.load %arg12[%get3A_261, %get3A_262, %get3A_263] : memref<4x128x128xf32, #tpu.memory_space<vmem>>, vector<1x128x128xf32>
    %get3A_265 = vector.shape_cast %get3A_264 : vector<1x128x128xf32> to vector<128x128xf32>
    %dot_general3A_266 = arith.constant dense<0.000000e+00> : vector<1000x128xf32>
    %dot_general3A_267 = tpu.matmul %add3A_218, %get3A_265, %dot_general3A_266 {dimension_numbers = #tpu.dot_dimension_numbers<[1], [0], [0], [1], [0, 0, 1, 1], [], []>, transpose_lhs_hint = false} : vector<1000x128xf32>, vector<128x128xf32>, vector<1000x128xf32> -> vector<1000x128xf32>
    %swap3A_268 = arith.constant 1 : index
    %swap3A_269 = arith.constant 0 : index
    %swap3A_270 = arith.constant 0 : index
    %swap3A_271 = vector.load %arg15[%swap3A_268, %swap3A_269, %swap3A_270] : memref<4x1000x128xf32, #tpu.memory_space<vmem>>, vector<1x1000x128xf32>
    %swap3A_272 = vector.shape_cast %swap3A_271 : vector<1x1000x128xf32> to vector<1000x128xf32>
    %swap3A_273 = vector.shape_cast %dot_general3A_267 : vector<1000x128xf32> to vector<1x1000x128xf32>
    tpu.vector_store %arg15[%swap3A_268, %swap3A_269, %swap3A_270], %swap3A_273 {strides = array<i32>} : memref<4x1000x128xf32, #tpu.memory_space<vmem>>, vector<1x1000x128xf32>,
    %get3A_274 = arith.constant 2 : index
    %get3A_275 = arith.constant 0 : index
    %get3A_276 = arith.constant 0 : index
    %get3A_277 = vector.load %arg11[%get3A_274, %get3A_275, %get3A_276] : memref<4x128x128xf32, #tpu.memory_space<vmem>>, vector<1x128x128xf32>
    %get3A_278 = vector.shape_cast %get3A_277 : vector<1x128x128xf32> to vector<128x128xf32>
    %dot_general3A_279 = arith.constant dense<0.000000e+00> : vector<1000x128xf32>
    %dot_general3A_280 = tpu.matmul %add3A_118, %get3A_278, %dot_general3A_279 {dimension_numbers = #tpu.dot_dimension_numbers<[1], [0], [0], [1], [0, 0, 1, 1], [], []>, transpose_lhs_hint = false} : vector<1000x128xf32>, vector<128x128xf32>, vector<1000x128xf32> -> vector<1000x128xf32>
    %swap3A_281 = arith.constant 2 : index
    %swap3A_282 = arith.constant 0 : index
    %swap3A_283 = arith.constant 0 : index
    %swap3A_284 = vector.load %arg14[%swap3A_281, %swap3A_282, %swap3A_283] : memref<4x1000x128xf32, #tpu.memory_space<vmem>>, vector<1x1000x128xf32>
    %swap3A_285 = vector.shape_cast %swap3A_284 : vector<1x1000x128xf32> to vector<1000x128xf32>
    %swap3A_286 = vector.shape_cast %dot_general3A_280 : vector<1000x128xf32> to vector<1x1000x128xf32>
    tpu.vector_store %arg14[%swap3A_281, %swap3A_282, %swap3A_283], %swap3A_286 {strides = array<i32>} : memref<4x1000x128xf32, #tpu.memory_space<vmem>>, vector<1x1000x128xf32>,
    %get3A_287 = arith.constant 2 : index
    %get3A_288 = arith.constant 0 : index
    %get3A_289 = arith.constant 0 : index
    %get3A_290 = vector.load %arg12[%get3A_287, %get3A_288, %get3A_289] : memref<4x128x128xf32, #tpu.memory_space<vmem>>, vector<1x128x128xf32>
    %get3A_291 = vector.shape_cast %get3A_290 : vector<1x128x128xf32> to vector<128x128xf32>
    %dot_general3A_292 = arith.constant dense<0.000000e+00> : vector<1000x128xf32>
    %dot_general3A_293 = tpu.matmul %add3A_218, %get3A_291, %dot_general3A_292 {dimension_numbers = #tpu.dot_dimension_numbers<[1], [0], [0], [1], [0, 0, 1, 1], [], []>, transpose_lhs_hint = false} : vector<1000x128xf32>, vector<128x128xf32>, vector<1000x128xf32> -> vector<1000x128xf32>
    %swap3A_294 = arith.constant 2 : index
    %swap3A_295 = arith.constant 0 : index
    %swap3A_296 = arith.constant 0 : index
    %swap3A_297 = vector.load %arg15[%swap3A_294, %swap3A_295, %swap3A_296] : memref<4x1000x128xf32, #tpu.memory_space<vmem>>, vector<1x1000x128xf32>
    %swap3A_298 = vector.shape_cast %swap3A_297 : vector<1x1000x128xf32> to vector<1000x128xf32>
    %swap3A_299 = vector.shape_cast %dot_general3A_293 : vector<1000x128xf32> to vector<1x1000x128xf32>
    tpu.vector_store %arg15[%swap3A_294, %swap3A_295, %swap3A_296], %swap3A_299 {strides = array<i32>} : memref<4x1000x128xf32, #tpu.memory_space<vmem>>, vector<1x1000x128xf32>,
    %get3A_300 = arith.constant 3 : index
    %get3A_301 = arith.constant 0 : index
    %get3A_302 = arith.constant 0 : index
    %get3A_303 = vector.load %arg11[%get3A_300, %get3A_301, %get3A_302] : memref<4x128x128xf32, #tpu.memory_space<vmem>>, vector<1x128x128xf32>
    %get3A_304 = vector.shape_cast %get3A_303 : vector<1x128x128xf32> to vector<128x128xf32>
    %dot_general3A_305 = arith.constant dense<0.000000e+00> : vector<1000x128xf32>
    %dot_general3A_306 = tpu.matmul %add3A_118, %get3A_304, %dot_general3A_305 {dimension_numbers = #tpu.dot_dimension_numbers<[1], [0], [0], [1], [0, 0, 1, 1], [], []>, transpose_lhs_hint = false} : vector<1000x128xf32>, vector<128x128xf32>, vector<1000x128xf32> -> vector<1000x128xf32>
    %swap3A_307 = arith.constant 3 : index
    %swap3A_308 = arith.constant 0 : index
    %swap3A_309 = arith.constant 0 : index
    %swap3A_310 = vector.load %arg14[%swap3A_307, %swap3A_308, %swap3A_309] : memref<4x1000x128xf32, #tpu.memory_space<vmem>>, vector<1x1000x128xf32>
    %swap3A_311 = vector.shape_cast %swap3A_310 : vector<1x1000x128xf32> to vector<1000x128xf32>
    %swap3A_312 = vector.shape_cast %dot_general3A_306 : vector<1000x128xf32> to vector<1x1000x128xf32>
    tpu.vector_store %arg14[%swap3A_307, %swap3A_308, %swap3A_309], %swap3A_312 {strides = array<i32>} : memref<4x1000x128xf32, #tpu.memory_space<vmem>>, vector<1x1000x128xf32>,
    %get3A_313 = arith.constant 3 : index
    %get3A_314 = arith.constant 0 : index
    %get3A_315 = arith.constant 0 : index
    %get3A_316 = vector.load %arg12[%get3A_313, %get3A_314, %get3A_315] : memref<4x128x128xf32, #tpu.memory_space<vmem>>, vector<1x128x128xf32>
    %get3A_317 = vector.shape_cast %get3A_316 : vector<1x128x128xf32> to vector<128x128xf32>
    %dot_general3A_318 = arith.constant dense<0.000000e+00> : vector<1000x128xf32>
    %dot_general3A_319 = tpu.matmul %add3A_218, %get3A_317, %dot_general3A_318 {dimension_numbers = #tpu.dot_dimension_numbers<[1], [0], [0], [1], [0, 0, 1, 1], [], []>, transpose_lhs_hint = false} : vector<1000x128xf32>, vector<128x128xf32>, vector<1000x128xf32> -> vector<1000x128xf32>
    %swap3A_320 = arith.constant 3 : index
    %swap3A_321 = arith.constant 0 : index
    %swap3A_322 = arith.constant 0 : index
    %swap3A_323 = vector.load %arg15[%swap3A_320, %swap3A_321, %swap3A_322] : memref<4x1000x128xf32, #tpu.memory_space<vmem>>, vector<1x1000x128xf32>
    %swap3A_324 = vector.shape_cast %swap3A_323 : vector<1x1000x128xf32> to vector<1000x128xf32>
    %swap3A_325 = vector.shape_cast %dot_general3A_319 : vector<1000x128xf32> to vector<1x1000x128xf32>
    tpu.vector_store %arg15[%swap3A_320, %swap3A_321, %swap3A_322], %swap3A_325 {strides = array<i32>} : memref<4x1000x128xf32, #tpu.memory_space<vmem>>, vector<1x1000x128xf32>,
    return
  }
  func.func @transform_0(%arg0: i32) -> (i32, i32) {
    %c0_i32 = arith.constant 0 : i32
    %c0_i32_0 = arith.constant 0 : i32
    return %arg0, %c0_i32 : i32, i32
  }
  func.func @transform_1(%arg0: i32) -> (i32, i32) {
    %c0_i32 = arith.constant 0 : i32
    %c0_i32_0 = arith.constant 0 : i32
    return %arg0, %c0_i32 : i32, i32
  }
  func.func @transform_2(%arg0: i32) -> (i32, i32, i32) {
    %c0_i32 = arith.constant 0 : i32
    %c0_i32_0 = arith.constant 0 : i32
    %c0_i32_1 = arith.constant 0 : i32
    %c0_i32_2 = arith.constant 0 : i32
    return %c0_i32, %c0_i32_0, %c0_i32_1 : i32, i32, i32
  }
  func.func @transform_3(%arg0: i32) -> (i32, i32, i32) {
    %c0_i32 = arith.constant 0 : i32
    %c0_i32_0 = arith.constant 0 : i32
    %c0_i32_1 = arith.constant 0 : i32
    %c0_i32_2 = arith.constant 0 : i32
    return %c0_i32, %c0_i32_0, %c0_i32_1 : i32, i32, i32
  }
  func.func @transform_4(%arg0: i32) -> (i32, i32, i32) {
    %c0_i32 = arith.constant 0 : i32
    %c0_i32_0 = arith.constant 0 : i32
    %c0_i32_1 = arith.constant 0 : i32
    %c0_i32_2 = arith.constant 0 : i32
    return %c0_i32, %c0_i32_0, %c0_i32_1 : i32, i32, i32
  }
  func.func @transform_5(%arg0: i32) -> (i32, i32, i32) {
    %c0_i32 = arith.constant 0 : i32
    %c0_i32_0 = arith.constant 0 : i32
    %c0_i32_1 = arith.constant 0 : i32
    %c0_i32_2 = arith.constant 0 : i32
    return %c0_i32, %c0_i32_0, %c0_i32_1 : i32, i32, i32
  }
  func.func @transform_6(%arg0: i32) -> (i32, i32, i32) {
    %c0_i32 = arith.constant 0 : i32
    %c0_i32_0 = arith.constant 0 : i32
    %c0_i32_1 = arith.constant 0 : i32
    %c0_i32_2 = arith.constant 0 : i32
    return %c0_i32, %c0_i32_0, %c0_i32_1 : i32, i32, i32
  }
  func.func @transform_7(%arg0: i32) -> (i32, i32, i32) {
    %c0_i32 = arith.constant 0 : i32
    %c0_i32_0 = arith.constant 0 : i32
    %c0_i32_1 = arith.constant 0 : i32
    %c0_i32_2 = arith.constant 0 : i32
    return %c0_i32, %c0_i32_0, %c0_i32_1 : i32, i32, i32
  }
  func.func @transform_8(%arg0: i32) -> (i32, i32, i32) {
    %c0_i32 = arith.constant 0 : i32
    %c0_i32_0 = arith.constant 0 : i32
    %c0_i32_1 = arith.constant 0 : i32
    %c0_i32_2 = arith.constant 0 : i32
    return %c0_i32, %c0_i32_0, %c0_i32_1 : i32, i32, i32
  }
  func.func @transform_9(%arg0: i32) -> (i32, i32, i32) {
    %c0_i32 = arith.constant 0 : i32
    %c0_i32_0 = arith.constant 0 : i32
    %c0_i32_1 = arith.constant 0 : i32
    %c0_i32_2 = arith.constant 0 : i32
    return %c0_i32, %c0_i32_0, %c0_i32_1 : i32, i32, i32
  }
  func.func @transform_10(%arg0: i32) -> (i32, i32, i32) {
    %c0_i32 = arith.constant 0 : i32
    %c0_i32_0 = arith.constant 0 : i32
    %c0_i32_1 = arith.constant 0 : i32
    %c0_i32_2 = arith.constant 0 : i32
    return %c0_i32, %c0_i32_0, %c0_i32_1 : i32, i32, i32
  }
  func.func @transform_11(%arg0: i32) -> (i32, i32, i32) {
    %c0_i32 = arith.constant 0 : i32
    %c0_i32_0 = arith.constant 0 : i32
    %c0_i32_1 = arith.constant 0 : i32
    %c0_i32_2 = arith.constant 0 : i32
    return %c0_i32, %c0_i32_0, %c0_i32_1 : i32, i32, i32
  }
  func.func @transform_12(%arg0: i32) -> (i32, i32) {
    %c0_i32 = arith.constant 0 : i32
    %c0_i32_0 = arith.constant 0 : i32
    return %arg0, %c0_i32 : i32, i32
  }
  func.func @transform_13(%arg0: i32) -> (i32, i32, i32) {
    %c0_i32 = arith.constant 0 : i32
    %c0_i32_0 = arith.constant 0 : i32
    %c0_i32_1 = arith.constant 0 : i32
    return %c0_i32, %arg0, %c0_i32_0 : i32, i32, i32
  }
  func.func @transform_14(%arg0: i32) -> (i32, i32, i32) {
    %c0_i32 = arith.constant 0 : i32
    %c0_i32_0 = arith.constant 0 : i32
    %c0_i32_1 = arith.constant 0 : i32
    return %c0_i32, %arg0, %c0_i32_0 : i32, i32, i32
  }
  func.func @transform_15(%arg0: i32) -> (i32, i32) {
    %c0_i32 = arith.constant 0 : i32
    %c0_i32_0 = arith.constant 0 : i32
    return %arg0, %c0_i32 : i32, i32
  }
}

module attributes {stable_mosaic.version = 14 : i64} {
  func.func @_t2_body(%arg0: i32, %arg1: memref<2x1000x128xf32, #tpu.memory_space<vmem>>, %arg2: memref<2x1000x16xf32, #tpu.memory_space<vmem>>, %arg3: memref<1000x128xf32, #tpu.memory_space<vmem>>, %arg4: memref<1000x1xi32, #tpu.memory_space<vmem>>, %arg5: memref<16x128xf32, #tpu.memory_space<vmem>>, %arg6: memref<3x128x128xf32, #tpu.memory_space<vmem>>, %arg7: memref<3x1x128xf32, #tpu.memory_space<vmem>>, %arg8: memref<3x1xf32, #tpu.memory_space<vmem>>, %arg9: memref<3x128x16xf32, #tpu.memory_space<vmem>>, %arg10: memref<3x1x16xf32, #tpu.memory_space<vmem>>, %arg11: memref<3x128x16xf32, #tpu.memory_space<vmem>>, %arg12: memref<3x1x16xf32, #tpu.memory_space<vmem>>, %arg13: memref<3x128x16xf32, #tpu.memory_space<vmem>>, %arg14: memref<3x1x16xf32, #tpu.memory_space<vmem>>, %arg15: memref<4x16x16xf32, #tpu.memory_space<vmem>>, %arg16: memref<4x16x16xf32, #tpu.memory_space<vmem>>, %arg17: memref<1000x128xf32, #tpu.memory_space<vmem>>, %arg18: memref<4x1000x128xf32, #tpu.memory_space<vmem>>) attributes {dimension_semantics = [#tpu.dimension_semantics<arbitrary>], iteration_bounds = array<i64: 10>, scalar_prefetch = 0 : i64, scratch_operands = 0 : i64, tpu.core_type = #tpu.core_type<tc>, window_params = [{transform_indices = @transform_0, window_bounds = array<i64: 2, 1000, 128>}, {transform_indices = @transform_1, window_bounds = array<i64: 2, 1000, 16>}, {transform_indices = @transform_2, window_bounds = array<i64: 1000, 128>}, {transform_indices = @transform_3, window_bounds = array<i64: 1000, 1>}, {pipeline_mode = #tpu.pipeline_mode<synchronous>, transform_indices = @transform_4, window_bounds = array<i64: 16, 128>}, {pipeline_mode = #tpu.pipeline_mode<synchronous>, transform_indices = @transform_5, window_bounds = array<i64: 3, 128, 128>}, {pipeline_mode = #tpu.pipeline_mode<synchronous>, transform_indices = @transform_6, window_bounds = array<i64: 3, 1, 128>}, {pipeline_mode = #tpu.pipeline_mode<synchronous>, transform_indices = @transform_7, window_bounds = array<i64: 3, 1>}, {pipeline_mode = #tpu.pipeline_mode<synchronous>, transform_indices = @transform_8, window_bounds = array<i64: 3, 128, 16>}, {pipeline_mode = #tpu.pipeline_mode<synchronous>, transform_indices = @transform_9, window_bounds = array<i64: 3, 1, 16>}, {pipeline_mode = #tpu.pipeline_mode<synchronous>, transform_indices = @transform_10, window_bounds = array<i64: 3, 128, 16>}, {pipeline_mode = #tpu.pipeline_mode<synchronous>, transform_indices = @transform_11, window_bounds = array<i64: 3, 1, 16>}, {pipeline_mode = #tpu.pipeline_mode<synchronous>, transform_indices = @transform_12, window_bounds = array<i64: 3, 128, 16>}, {pipeline_mode = #tpu.pipeline_mode<synchronous>, transform_indices = @transform_13, window_bounds = array<i64: 3, 1, 16>}, {pipeline_mode = #tpu.pipeline_mode<synchronous>, transform_indices = @transform_14, window_bounds = array<i64: 4, 16, 16>}, {pipeline_mode = #tpu.pipeline_mode<synchronous>, transform_indices = @transform_15, window_bounds = array<i64: 4, 16, 16>}, {transform_indices = @transform_16, window_bounds = array<i64: 1000, 128>}, {transform_indices = @transform_17, window_bounds = array<i64: 4, 1000, 128>}]} {
    %get3A = arith.constant 0 : index
    %get3A_0 = arith.constant 0 : index
    %get3A_1 = arith.constant 0 : index
    %get3A_2 = vector.load %arg1[%get3A, %get3A_0, %get3A_1] : memref<2x1000x128xf32, #tpu.memory_space<vmem>>, vector<1x1000x128xf32>
    %get3A_3 = vector.shape_cast %get3A_2 : vector<1x1000x128xf32> to vector<1000x128xf32>
    %get3A_4 = arith.constant 1 : index
    %get3A_5 = arith.constant 0 : index
    %get3A_6 = arith.constant 0 : index
    %get3A_7 = vector.load %arg1[%get3A_4, %get3A_5, %get3A_6] : memref<2x1000x128xf32, #tpu.memory_space<vmem>>, vector<1x1000x128xf32>
    %get3A_8 = vector.shape_cast %get3A_7 : vector<1x1000x128xf32> to vector<1000x128xf32>
    %add3A = arith.addf %get3A_3, %get3A_8 : vector<1000x128xf32>
    %get3A_9 = arith.constant 0 : index
    %get3A_10 = arith.constant 0 : index
    %get3A_11 = arith.constant 0 : index
    %get3A_12 = vector.load %arg2[%get3A_9, %get3A_10, %get3A_11] : memref<2x1000x16xf32, #tpu.memory_space<vmem>>, vector<1x1000x16xf32>
    %get3A_13 = vector.shape_cast %get3A_12 : vector<1x1000x16xf32> to vector<1000x16xf32>
    %get3A_14 = arith.constant 1 : index
    %get3A_15 = arith.constant 0 : index
    %get3A_16 = arith.constant 0 : index
    %get3A_17 = vector.load %arg2[%get3A_14, %get3A_15, %get3A_16] : memref<2x1000x16xf32, #tpu.memory_space<vmem>>, vector<1x1000x16xf32>
    %get3A_18 = vector.shape_cast %get3A_17 : vector<1x1000x16xf32> to vector<1000x16xf32>
    %add3A_19 = arith.addf %get3A_13, %get3A_18 : vector<1000x16xf32>
    %get3A_20 = arith.constant 0 : index
    %get3A_21 = arith.constant 0 : index
    %get3A_22 = vector.load %arg5[%get3A_20, %get3A_21] : memref<16x128xf32, #tpu.memory_space<vmem>>, vector<16x128xf32>
    %dot_general3A = arith.constant dense<0.000000e+00> : vector<1000x128xf32>
    %dot_general3A_23 = tpu.matmul %add3A_19, %get3A_22, %dot_general3A {dimension_numbers = #tpu.dot_dimension_numbers<[1], [0], [0], [1], [0, 0, 1, 1], [], []>, transpose_lhs_hint = false} : vector<1000x16xf32>, vector<16x128xf32>, vector<1000x128xf32> -> vector<1000x128xf32>
    %add3A_24 = arith.constant 9.99999971E-10 : f32
    %add3A_25 = vector.broadcast %add3A_24 : f32 to vector<1000x128xf32>
    %add3A_26 = arith.addf %dot_general3A_23, %add3A_25 : vector<1000x128xf32>
    %div3A = arith.divf %add3A, %add3A_26 : vector<1000x128xf32>
    %get3A_27 = arith.constant 0 : index
    %get3A_28 = arith.constant 0 : index
    %get3A_29 = vector.load %arg4[%get3A_27, %get3A_28] : memref<1000x1xi32, #tpu.memory_space<vmem>>, vector<1000x1xi32>
    %sub3A = arith.constant 0 : i32
    %sub3A_30 = vector.broadcast %sub3A : i32 to vector<1000x1xi32>
    %sub3A_31 = arith.subi %get3A_29, %sub3A_30 : vector<1000x1xi32>
    %abs3A = math.absi %sub3A_31 : vector<1000x1xi32>
    %min3A = arith.constant 1 : i32
    %min3A_32 = vector.broadcast %min3A : i32 to vector<1000x1xi32>
    %min3A_33 = arith.minsi %abs3A, %min3A_32 : vector<1000x1xi32>
    %sub3A_34 = arith.constant 1 : i32
    %sub3A_35 = vector.broadcast %sub3A_34 : i32 to vector<1000x1xi32>
    %sub3A_36 = arith.subi %sub3A_35, %min3A_33 : vector<1000x1xi32>
    %convert_element_type3A = arith.sitofp %sub3A_36 : vector<1000x1xi32> to vector<1000x1xf32>
    %sub3A_37 = arith.constant 1 : i32
    %sub3A_38 = vector.broadcast %sub3A_37 : i32 to vector<1000x1xi32>
    %sub3A_39 = arith.subi %get3A_29, %sub3A_38 : vector<1000x1xi32>
    %abs3A_40 = math.absi %sub3A_39 : vector<1000x1xi32>
    %min3A_41 = arith.constant 1 : i32
    %min3A_42 = vector.broadcast %min3A_41 : i32 to vector<1000x1xi32>
    %min3A_43 = arith.minsi %abs3A_40, %min3A_42 : vector<1000x1xi32>
    %sub3A_44 = arith.constant 1 : i32
    %sub3A_45 = vector.broadcast %sub3A_44 : i32 to vector<1000x1xi32>
    %sub3A_46 = arith.subi %sub3A_45, %min3A_43 : vector<1000x1xi32>
    %convert_element_type3A_47 = arith.sitofp %sub3A_46 : vector<1000x1xi32> to vector<1000x1xf32>
    %sub3A_48 = arith.constant 2 : i32
    %sub3A_49 = vector.broadcast %sub3A_48 : i32 to vector<1000x1xi32>
    %sub3A_50 = arith.subi %get3A_29, %sub3A_49 : vector<1000x1xi32>
    %abs3A_51 = math.absi %sub3A_50 : vector<1000x1xi32>
    %min3A_52 = arith.constant 1 : i32
    %min3A_53 = vector.broadcast %min3A_52 : i32 to vector<1000x1xi32>
    %min3A_54 = arith.minsi %abs3A_51, %min3A_53 : vector<1000x1xi32>
    %sub3A_55 = arith.constant 1 : i32
    %sub3A_56 = vector.broadcast %sub3A_55 : i32 to vector<1000x1xi32>
    %sub3A_57 = arith.subi %sub3A_56, %min3A_54 : vector<1000x1xi32>
    %convert_element_type3A_58 = arith.sitofp %sub3A_57 : vector<1000x1xi32> to vector<1000x1xf32>
    %get3A_59 = arith.constant 0 : index
    %get3A_60 = arith.constant 0 : index
    %get3A_61 = arith.constant 0 : index
    %get3A_62 = vector.load %arg6[%get3A_59, %get3A_60, %get3A_61] : memref<3x128x128xf32, #tpu.memory_space<vmem>>, vector<1x128x128xf32>
    %get3A_63 = vector.shape_cast %get3A_62 : vector<1x128x128xf32> to vector<128x128xf32>
    %dot_general3A_64 = arith.constant dense<0.000000e+00> : vector<1000x128xf32>
    %dot_general3A_65 = tpu.matmul %div3A, %get3A_63, %dot_general3A_64 {dimension_numbers = #tpu.dot_dimension_numbers<[1], [0], [0], [1], [0, 0, 1, 1], [], []>, transpose_lhs_hint = false} : vector<1000x128xf32>, vector<128x128xf32>, vector<1000x128xf32> -> vector<1000x128xf32>
    %get3A_66 = arith.constant 0 : index
    %get3A_67 = arith.constant 0 : index
    %get3A_68 = arith.constant 0 : index
    %get3A_69 = vector.load %arg7[%get3A_66, %get3A_67, %get3A_68] : memref<3x1x128xf32, #tpu.memory_space<vmem>>, vector<1x1x128xf32>
    %get3A_70 = vector.shape_cast %get3A_69 : vector<1x1x128xf32> to vector<1x128xf32>
    %add3A_71 = vector.broadcast %get3A_70 : vector<1x128xf32> to vector<1000x128xf32>
    %add3A_72 = arith.addf %dot_general3A_65, %add3A_71 : vector<1000x128xf32>
    %mul3A = vector.broadcast %convert_element_type3A : vector<1000x1xf32> to vector<1000x128xf32>
    %mul3A_73 = arith.mulf %add3A_72, %mul3A : vector<1000x128xf32>
    %get3A_74 = arith.constant 1 : index
    %get3A_75 = arith.constant 0 : index
    %get3A_76 = arith.constant 0 : index
    %get3A_77 = vector.load %arg6[%get3A_74, %get3A_75, %get3A_76] : memref<3x128x128xf32, #tpu.memory_space<vmem>>, vector<1x128x128xf32>
    %get3A_78 = vector.shape_cast %get3A_77 : vector<1x128x128xf32> to vector<128x128xf32>
    %dot_general3A_79 = arith.constant dense<0.000000e+00> : vector<1000x128xf32>
    %dot_general3A_80 = tpu.matmul %div3A, %get3A_78, %dot_general3A_79 {dimension_numbers = #tpu.dot_dimension_numbers<[1], [0], [0], [1], [0, 0, 1, 1], [], []>, transpose_lhs_hint = false} : vector<1000x128xf32>, vector<128x128xf32>, vector<1000x128xf32> -> vector<1000x128xf32>
    %get3A_81 = arith.constant 1 : index
    %get3A_82 = arith.constant 0 : index
    %get3A_83 = arith.constant 0 : index
    %get3A_84 = vector.load %arg7[%get3A_81, %get3A_82, %get3A_83] : memref<3x1x128xf32, #tpu.memory_space<vmem>>, vector<1x1x128xf32>
    %get3A_85 = vector.shape_cast %get3A_84 : vector<1x1x128xf32> to vector<1x128xf32>
    %add3A_86 = vector.broadcast %get3A_85 : vector<1x128xf32> to vector<1000x128xf32>
    %add3A_87 = arith.addf %dot_general3A_80, %add3A_86 : vector<1000x128xf32>
    %mul3A_88 = vector.broadcast %convert_element_type3A_47 : vector<1000x1xf32> to vector<1000x128xf32>
    %mul3A_89 = arith.mulf %add3A_87, %mul3A_88 : vector<1000x128xf32>
    %add3A_90 = arith.addf %mul3A_73, %mul3A_89 : vector<1000x128xf32>
    %get3A_91 = arith.constant 2 : index
    %get3A_92 = arith.constant 0 : index
    %get3A_93 = arith.constant 0 : index
    %get3A_94 = vector.load %arg6[%get3A_91, %get3A_92, %get3A_93] : memref<3x128x128xf32, #tpu.memory_space<vmem>>, vector<1x128x128xf32>
    %get3A_95 = vector.shape_cast %get3A_94 : vector<1x128x128xf32> to vector<128x128xf32>
    %dot_general3A_96 = arith.constant dense<0.000000e+00> : vector<1000x128xf32>
    %dot_general3A_97 = tpu.matmul %div3A, %get3A_95, %dot_general3A_96 {dimension_numbers = #tpu.dot_dimension_numbers<[1], [0], [0], [1], [0, 0, 1, 1], [], []>, transpose_lhs_hint = false} : vector<1000x128xf32>, vector<128x128xf32>, vector<1000x128xf32> -> vector<1000x128xf32>
    %get3A_98 = arith.constant 2 : index
    %get3A_99 = arith.constant 0 : index
    %get3A_100 = arith.constant 0 : index
    %get3A_101 = vector.load %arg7[%get3A_98, %get3A_99, %get3A_100] : memref<3x1x128xf32, #tpu.memory_space<vmem>>, vector<1x1x128xf32>
    %get3A_102 = vector.shape_cast %get3A_101 : vector<1x1x128xf32> to vector<1x128xf32>
    %add3A_103 = vector.broadcast %get3A_102 : vector<1x128xf32> to vector<1000x128xf32>
    %add3A_104 = arith.addf %dot_general3A_97, %add3A_103 : vector<1000x128xf32>
    %mul3A_105 = vector.broadcast %convert_element_type3A_58 : vector<1000x1xf32> to vector<1000x128xf32>
    %mul3A_106 = arith.mulf %add3A_104, %mul3A_105 : vector<1000x128xf32>
    %add3A_107 = arith.addf %add3A_90, %mul3A_106 : vector<1000x128xf32>
    %get3A_108 = arith.constant 0 : index
    %get3A_109 = arith.constant 0 : index
    %get3A_110 = vector.load %arg8[%get3A_108, %get3A_109] : memref<3x1xf32, #tpu.memory_space<vmem>>, vector<3x1xf32>
    %logistic3A = arith.negf %get3A_110 : vector<3x1xf32>
    %logistic3A_111 = math.exp %logistic3A : vector<3x1xf32>
    %logistic3A_112 = arith.constant 1.000000e+00 : f32
    %logistic3A_113 = vector.broadcast %logistic3A_112 : f32 to vector<3x1xf32>
    %logistic3A_114 = arith.addf %logistic3A_113, %logistic3A_111 : vector<3x1xf32>
    %logistic3A_115 = arith.divf %logistic3A_113, %logistic3A_114 : vector<3x1xf32>
    %slice3A = vector.extract_strided_slice %logistic3A_115 {offsets = [0, 0], sizes = [1, 1], strides = [1, 1]} : vector<3x1xf32> to vector<1x1xf32>
    %squeeze3A = vector.shape_cast %slice3A : vector<1x1xf32> to vector<1xf32>
    %broadcast_in_dim3A = vector.shape_cast %squeeze3A : vector<1xf32> to vector<1x1xf32>
    %mul3A_116 = vector.broadcast %broadcast_in_dim3A : vector<1x1xf32> to vector<1000x1xf32>
    %mul3A_117 = arith.mulf %convert_element_type3A, %mul3A_116 : vector<1000x1xf32>
    %slice3A_118 = vector.extract_strided_slice %logistic3A_115 {offsets = [1, 0], sizes = [1, 1], strides = [1, 1]} : vector<3x1xf32> to vector<1x1xf32>
    %squeeze3A_119 = vector.shape_cast %slice3A_118 : vector<1x1xf32> to vector<1xf32>
    %broadcast_in_dim3A_120 = vector.shape_cast %squeeze3A_119 : vector<1xf32> to vector<1x1xf32>
    %mul3A_121 = vector.broadcast %broadcast_in_dim3A_120 : vector<1x1xf32> to vector<1000x1xf32>
    %mul3A_122 = arith.mulf %convert_element_type3A_47, %mul3A_121 : vector<1000x1xf32>
    %add3A_123 = arith.addf %mul3A_117, %mul3A_122 : vector<1000x1xf32>
    %slice3A_124 = vector.extract_strided_slice %logistic3A_115 {offsets = [2, 0], sizes = [1, 1], strides = [1, 1]} : vector<3x1xf32> to vector<1x1xf32>
    %squeeze3A_125 = vector.shape_cast %slice3A_124 : vector<1x1xf32> to vector<1xf32>
    %broadcast_in_dim3A_126 = vector.shape_cast %squeeze3A_125 : vector<1xf32> to vector<1x1xf32>
    %mul3A_127 = vector.broadcast %broadcast_in_dim3A_126 : vector<1x1xf32> to vector<1000x1xf32>
    %mul3A_128 = arith.mulf %convert_element_type3A_58, %mul3A_127 : vector<1000x1xf32>
    %add3A_129 = arith.addf %add3A_123, %mul3A_128 : vector<1000x1xf32>
    %mul3A_130 = vector.broadcast %add3A_129 : vector<1000x1xf32> to vector<1000x128xf32>
    %mul3A_131 = arith.mulf %add3A_107, %mul3A_130 : vector<1000x128xf32>
    %get3A_132 = arith.constant 0 : index
    %get3A_133 = arith.constant 0 : index
    %get3A_134 = vector.load %arg3[%get3A_132, %get3A_133] : memref<1000x128xf32, #tpu.memory_space<vmem>>, vector<1000x128xf32>
    %sub3A_135 = arith.constant 1.000000e+00 : f32
    %sub3A_136 = vector.broadcast %sub3A_135 : f32 to vector<1000x1xf32>
    %sub3A_137 = arith.subf %sub3A_136, %add3A_129 : vector<1000x1xf32>
    %mul3A_138 = vector.broadcast %sub3A_137 : vector<1000x1xf32> to vector<1000x128xf32>
    %mul3A_139 = arith.mulf %get3A_134, %mul3A_138 : vector<1000x128xf32>
    %add3A_140 = arith.addf %mul3A_131, %mul3A_139 : vector<1000x128xf32>
    %get3A_141 = arith.constant 0 : index
    %get3A_142 = arith.constant 0 : index
    %get3A_143 = arith.constant 0 : index
    %get3A_144 = vector.load %arg9[%get3A_141, %get3A_142, %get3A_143] : memref<3x128x16xf32, #tpu.memory_space<vmem>>, vector<1x128x16xf32>
    %get3A_145 = vector.shape_cast %get3A_144 : vector<1x128x16xf32> to vector<128x16xf32>
    %dot_general3A_146 = arith.constant dense<0.000000e+00> : vector<1000x16xf32>
    %dot_general3A_147 = tpu.matmul %add3A_140, %get3A_145, %dot_general3A_146 {dimension_numbers = #tpu.dot_dimension_numbers<[1], [0], [0], [1], [0, 0, 1, 1], [], []>, transpose_lhs_hint = false} : vector<1000x128xf32>, vector<128x16xf32>, vector<1000x16xf32> -> vector<1000x16xf32>
    %get3A_148 = arith.constant 0 : index
    %get3A_149 = arith.constant 0 : index
    %get3A_150 = arith.constant 0 : index
    %get3A_151 = vector.load %arg10[%get3A_148, %get3A_149, %get3A_150] : memref<3x1x16xf32, #tpu.memory_space<vmem>>, vector<1x1x16xf32>
    %get3A_152 = vector.shape_cast %get3A_151 : vector<1x1x16xf32> to vector<1x16xf32>
    %add3A_153 = vector.broadcast %get3A_152 : vector<1x16xf32> to vector<1000x16xf32>
    %add3A_154 = arith.addf %dot_general3A_147, %add3A_153 : vector<1000x16xf32>
    %mul3A_155 = vector.broadcast %convert_element_type3A : vector<1000x1xf32> to vector<1000x16xf32>
    %mul3A_156 = arith.mulf %add3A_154, %mul3A_155 : vector<1000x16xf32>
    %get3A_157 = arith.constant 1 : index
    %get3A_158 = arith.constant 0 : index
    %get3A_159 = arith.constant 0 : index
    %get3A_160 = vector.load %arg9[%get3A_157, %get3A_158, %get3A_159] : memref<3x128x16xf32, #tpu.memory_space<vmem>>, vector<1x128x16xf32>
    %get3A_161 = vector.shape_cast %get3A_160 : vector<1x128x16xf32> to vector<128x16xf32>
    %dot_general3A_162 = arith.constant dense<0.000000e+00> : vector<1000x16xf32>
    %dot_general3A_163 = tpu.matmul %add3A_140, %get3A_161, %dot_general3A_162 {dimension_numbers = #tpu.dot_dimension_numbers<[1], [0], [0], [1], [0, 0, 1, 1], [], []>, transpose_lhs_hint = false} : vector<1000x128xf32>, vector<128x16xf32>, vector<1000x16xf32> -> vector<1000x16xf32>
    %get3A_164 = arith.constant 1 : index
    %get3A_165 = arith.constant 0 : index
    %get3A_166 = arith.constant 0 : index
    %get3A_167 = vector.load %arg10[%get3A_164, %get3A_165, %get3A_166] : memref<3x1x16xf32, #tpu.memory_space<vmem>>, vector<1x1x16xf32>
    %get3A_168 = vector.shape_cast %get3A_167 : vector<1x1x16xf32> to vector<1x16xf32>
    %add3A_169 = vector.broadcast %get3A_168 : vector<1x16xf32> to vector<1000x16xf32>
    %add3A_170 = arith.addf %dot_general3A_163, %add3A_169 : vector<1000x16xf32>
    %mul3A_171 = vector.broadcast %convert_element_type3A_47 : vector<1000x1xf32> to vector<1000x16xf32>
    %mul3A_172 = arith.mulf %add3A_170, %mul3A_171 : vector<1000x16xf32>
    %add3A_173 = arith.addf %mul3A_156, %mul3A_172 : vector<1000x16xf32>
    %get3A_174 = arith.constant 2 : index
    %get3A_175 = arith.constant 0 : index
    %get3A_176 = arith.constant 0 : index
    %get3A_177 = vector.load %arg9[%get3A_174, %get3A_175, %get3A_176] : memref<3x128x16xf32, #tpu.memory_space<vmem>>, vector<1x128x16xf32>
    %get3A_178 = vector.shape_cast %get3A_177 : vector<1x128x16xf32> to vector<128x16xf32>
    %dot_general3A_179 = arith.constant dense<0.000000e+00> : vector<1000x16xf32>
    %dot_general3A_180 = tpu.matmul %add3A_140, %get3A_178, %dot_general3A_179 {dimension_numbers = #tpu.dot_dimension_numbers<[1], [0], [0], [1], [0, 0, 1, 1], [], []>, transpose_lhs_hint = false} : vector<1000x128xf32>, vector<128x16xf32>, vector<1000x16xf32> -> vector<1000x16xf32>
    %get3A_181 = arith.constant 2 : index
    %get3A_182 = arith.constant 0 : index
    %get3A_183 = arith.constant 0 : index
    %get3A_184 = vector.load %arg10[%get3A_181, %get3A_182, %get3A_183] : memref<3x1x16xf32, #tpu.memory_space<vmem>>, vector<1x1x16xf32>
    %get3A_185 = vector.shape_cast %get3A_184 : vector<1x1x16xf32> to vector<1x16xf32>
    %add3A_186 = vector.broadcast %get3A_185 : vector<1x16xf32> to vector<1000x16xf32>
    %add3A_187 = arith.addf %dot_general3A_180, %add3A_186 : vector<1000x16xf32>
    %mul3A_188 = vector.broadcast %convert_element_type3A_58 : vector<1000x1xf32> to vector<1000x16xf32>
    %mul3A_189 = arith.mulf %add3A_187, %mul3A_188 : vector<1000x16xf32>
    %add3A_190 = arith.addf %add3A_173, %mul3A_189 : vector<1000x16xf32>
    %get3A_191 = arith.constant 0 : index
    %get3A_192 = arith.constant 0 : index
    %get3A_193 = arith.constant 0 : index
    %get3A_194 = vector.load %arg11[%get3A_191, %get3A_192, %get3A_193] : memref<3x128x16xf32, #tpu.memory_space<vmem>>, vector<1x128x16xf32>
    %get3A_195 = vector.shape_cast %get3A_194 : vector<1x128x16xf32> to vector<128x16xf32>
    %dot_general3A_196 = arith.constant dense<0.000000e+00> : vector<1000x16xf32>
    %dot_general3A_197 = tpu.matmul %add3A_140, %get3A_195, %dot_general3A_196 {dimension_numbers = #tpu.dot_dimension_numbers<[1], [0], [0], [1], [0, 0, 1, 1], [], []>, transpose_lhs_hint = false} : vector<1000x128xf32>, vector<128x16xf32>, vector<1000x16xf32> -> vector<1000x16xf32>
    %get3A_198 = arith.constant 0 : index
    %get3A_199 = arith.constant 0 : index
    %get3A_200 = arith.constant 0 : index
    %get3A_201 = vector.load %arg12[%get3A_198, %get3A_199, %get3A_200] : memref<3x1x16xf32, #tpu.memory_space<vmem>>, vector<1x1x16xf32>
    %get3A_202 = vector.shape_cast %get3A_201 : vector<1x1x16xf32> to vector<1x16xf32>
    %add3A_203 = vector.broadcast %get3A_202 : vector<1x16xf32> to vector<1000x16xf32>
    %add3A_204 = arith.addf %dot_general3A_197, %add3A_203 : vector<1000x16xf32>
    %mul3A_205 = vector.broadcast %convert_element_type3A : vector<1000x1xf32> to vector<1000x16xf32>
    %mul3A_206 = arith.mulf %add3A_204, %mul3A_205 : vector<1000x16xf32>
    %get3A_207 = arith.constant 1 : index
    %get3A_208 = arith.constant 0 : index
    %get3A_209 = arith.constant 0 : index
    %get3A_210 = vector.load %arg11[%get3A_207, %get3A_208, %get3A_209] : memref<3x128x16xf32, #tpu.memory_space<vmem>>, vector<1x128x16xf32>
    %get3A_211 = vector.shape_cast %get3A_210 : vector<1x128x16xf32> to vector<128x16xf32>
    %dot_general3A_212 = arith.constant dense<0.000000e+00> : vector<1000x16xf32>
    %dot_general3A_213 = tpu.matmul %add3A_140, %get3A_211, %dot_general3A_212 {dimension_numbers = #tpu.dot_dimension_numbers<[1], [0], [0], [1], [0, 0, 1, 1], [], []>, transpose_lhs_hint = false} : vector<1000x128xf32>, vector<128x16xf32>, vector<1000x16xf32> -> vector<1000x16xf32>
    %get3A_214 = arith.constant 1 : index
    %get3A_215 = arith.constant 0 : index
    %get3A_216 = arith.constant 0 : index
    %get3A_217 = vector.load %arg12[%get3A_214, %get3A_215, %get3A_216] : memref<3x1x16xf32, #tpu.memory_space<vmem>>, vector<1x1x16xf32>
    %get3A_218 = vector.shape_cast %get3A_217 : vector<1x1x16xf32> to vector<1x16xf32>
    %add3A_219 = vector.broadcast %get3A_218 : vector<1x16xf32> to vector<1000x16xf32>
    %add3A_220 = arith.addf %dot_general3A_213, %add3A_219 : vector<1000x16xf32>
    %mul3A_221 = vector.broadcast %convert_element_type3A_47 : vector<1000x1xf32> to vector<1000x16xf32>
    %mul3A_222 = arith.mulf %add3A_220, %mul3A_221 : vector<1000x16xf32>
    %add3A_223 = arith.addf %mul3A_206, %mul3A_222 : vector<1000x16xf32>
    %get3A_224 = arith.constant 2 : index
    %get3A_225 = arith.constant 0 : index
    %get3A_226 = arith.constant 0 : index
    %get3A_227 = vector.load %arg11[%get3A_224, %get3A_225, %get3A_226] : memref<3x128x16xf32, #tpu.memory_space<vmem>>, vector<1x128x16xf32>
    %get3A_228 = vector.shape_cast %get3A_227 : vector<1x128x16xf32> to vector<128x16xf32>
    %dot_general3A_229 = arith.constant dense<0.000000e+00> : vector<1000x16xf32>
    %dot_general3A_230 = tpu.matmul %add3A_140, %get3A_228, %dot_general3A_229 {dimension_numbers = #tpu.dot_dimension_numbers<[1], [0], [0], [1], [0, 0, 1, 1], [], []>, transpose_lhs_hint = false} : vector<1000x128xf32>, vector<128x16xf32>, vector<1000x16xf32> -> vector<1000x16xf32>
    %get3A_231 = arith.constant 2 : index
    %get3A_232 = arith.constant 0 : index
    %get3A_233 = arith.constant 0 : index
    %get3A_234 = vector.load %arg12[%get3A_231, %get3A_232, %get3A_233] : memref<3x1x16xf32, #tpu.memory_space<vmem>>, vector<1x1x16xf32>
    %get3A_235 = vector.shape_cast %get3A_234 : vector<1x1x16xf32> to vector<1x16xf32>
    %add3A_236 = vector.broadcast %get3A_235 : vector<1x16xf32> to vector<1000x16xf32>
    %add3A_237 = arith.addf %dot_general3A_230, %add3A_236 : vector<1000x16xf32>
    %mul3A_238 = vector.broadcast %convert_element_type3A_58 : vector<1000x1xf32> to vector<1000x16xf32>
    %mul3A_239 = arith.mulf %add3A_237, %mul3A_238 : vector<1000x16xf32>
    %add3A_240 = arith.addf %add3A_223, %mul3A_239 : vector<1000x16xf32>
    %get3A_241 = arith.constant 0 : index
    %get3A_242 = arith.constant 0 : index
    %get3A_243 = arith.constant 0 : index
    %get3A_244 = vector.load %arg13[%get3A_241, %get3A_242, %get3A_243] : memref<3x128x16xf32, #tpu.memory_space<vmem>>, vector<1x128x16xf32>
    %get3A_245 = vector.shape_cast %get3A_244 : vector<1x128x16xf32> to vector<128x16xf32>
    %dot_general3A_246 = arith.constant dense<0.000000e+00> : vector<1000x16xf32>
    %dot_general3A_247 = tpu.matmul %add3A_140, %get3A_245, %dot_general3A_246 {dimension_numbers = #tpu.dot_dimension_numbers<[1], [0], [0], [1], [0, 0, 1, 1], [], []>, transpose_lhs_hint = false} : vector<1000x128xf32>, vector<128x16xf32>, vector<1000x16xf32> -> vector<1000x16xf32>
    %get3A_248 = arith.constant 0 : index
    %get3A_249 = arith.constant 0 : index
    %get3A_250 = arith.constant 0 : index
    %get3A_251 = vector.load %arg14[%get3A_248, %get3A_249, %get3A_250] : memref<3x1x16xf32, #tpu.memory_space<vmem>>, vector<1x1x16xf32>
    %get3A_252 = vector.shape_cast %get3A_251 : vector<1x1x16xf32> to vector<1x16xf32>
    %add3A_253 = vector.broadcast %get3A_252 : vector<1x16xf32> to vector<1000x16xf32>
    %add3A_254 = arith.addf %dot_general3A_247, %add3A_253 : vector<1000x16xf32>
    %mul3A_255 = vector.broadcast %convert_element_type3A : vector<1000x1xf32> to vector<1000x16xf32>
    %mul3A_256 = arith.mulf %add3A_254, %mul3A_255 : vector<1000x16xf32>
    %get3A_257 = arith.constant 1 : index
    %get3A_258 = arith.constant 0 : index
    %get3A_259 = arith.constant 0 : index
    %get3A_260 = vector.load %arg13[%get3A_257, %get3A_258, %get3A_259] : memref<3x128x16xf32, #tpu.memory_space<vmem>>, vector<1x128x16xf32>
    %get3A_261 = vector.shape_cast %get3A_260 : vector<1x128x16xf32> to vector<128x16xf32>
    %dot_general3A_262 = arith.constant dense<0.000000e+00> : vector<1000x16xf32>
    %dot_general3A_263 = tpu.matmul %add3A_140, %get3A_261, %dot_general3A_262 {dimension_numbers = #tpu.dot_dimension_numbers<[1], [0], [0], [1], [0, 0, 1, 1], [], []>, transpose_lhs_hint = false} : vector<1000x128xf32>, vector<128x16xf32>, vector<1000x16xf32> -> vector<1000x16xf32>
    %get3A_264 = arith.constant 1 : index
    %get3A_265 = arith.constant 0 : index
    %get3A_266 = arith.constant 0 : index
    %get3A_267 = vector.load %arg14[%get3A_264, %get3A_265, %get3A_266] : memref<3x1x16xf32, #tpu.memory_space<vmem>>, vector<1x1x16xf32>
    %get3A_268 = vector.shape_cast %get3A_267 : vector<1x1x16xf32> to vector<1x16xf32>
    %add3A_269 = vector.broadcast %get3A_268 : vector<1x16xf32> to vector<1000x16xf32>
    %add3A_270 = arith.addf %dot_general3A_263, %add3A_269 : vector<1000x16xf32>
    %mul3A_271 = vector.broadcast %convert_element_type3A_47 : vector<1000x1xf32> to vector<1000x16xf32>
    %mul3A_272 = arith.mulf %add3A_270, %mul3A_271 : vector<1000x16xf32>
    %add3A_273 = arith.addf %mul3A_256, %mul3A_272 : vector<1000x16xf32>
    %get3A_274 = arith.constant 2 : index
    %get3A_275 = arith.constant 0 : index
    %get3A_276 = arith.constant 0 : index
    %get3A_277 = vector.load %arg13[%get3A_274, %get3A_275, %get3A_276] : memref<3x128x16xf32, #tpu.memory_space<vmem>>, vector<1x128x16xf32>
    %get3A_278 = vector.shape_cast %get3A_277 : vector<1x128x16xf32> to vector<128x16xf32>
    %dot_general3A_279 = arith.constant dense<0.000000e+00> : vector<1000x16xf32>
    %dot_general3A_280 = tpu.matmul %add3A_140, %get3A_278, %dot_general3A_279 {dimension_numbers = #tpu.dot_dimension_numbers<[1], [0], [0], [1], [0, 0, 1, 1], [], []>, transpose_lhs_hint = false} : vector<1000x128xf32>, vector<128x16xf32>, vector<1000x16xf32> -> vector<1000x16xf32>
    %get3A_281 = arith.constant 2 : index
    %get3A_282 = arith.constant 0 : index
    %get3A_283 = arith.constant 0 : index
    %get3A_284 = vector.load %arg14[%get3A_281, %get3A_282, %get3A_283] : memref<3x1x16xf32, #tpu.memory_space<vmem>>, vector<1x1x16xf32>
    %get3A_285 = vector.shape_cast %get3A_284 : vector<1x1x16xf32> to vector<1x16xf32>
    %add3A_286 = vector.broadcast %get3A_285 : vector<1x16xf32> to vector<1000x16xf32>
    %add3A_287 = arith.addf %dot_general3A_280, %add3A_286 : vector<1000x16xf32>
    %mul3A_288 = vector.broadcast %convert_element_type3A_58 : vector<1000x1xf32> to vector<1000x16xf32>
    %mul3A_289 = arith.mulf %add3A_287, %mul3A_288 : vector<1000x16xf32>
    %add3A_290 = arith.addf %add3A_273, %mul3A_289 : vector<1000x16xf32>
    %broadcast_in_dim3A_291 = arith.constant 0.000000e+00 : f32
    %broadcast_in_dim3A_292 = vector.broadcast %broadcast_in_dim3A_291 : f32 to vector<1000x112xf32>
    %concatenate3A = tpu.concatenate %add3A_240, %broadcast_in_dim3A_292 in 1 : vector<1000x16xf32>, vector<1000x112xf32> -> vector<1000x128xf32>
    %swap3A = arith.constant 0 : index
    %swap3A_293 = arith.constant 0 : index
    %swap3A_294 = vector.load %arg17[%swap3A, %swap3A_293] : memref<1000x128xf32, #tpu.memory_space<vmem>>, vector<1000x128xf32>
    tpu.vector_store %arg17[%swap3A, %swap3A_293], %concatenate3A {strides = array<i32>} : memref<1000x128xf32, #tpu.memory_space<vmem>>, vector<1000x128xf32>,
    %broadcast_in_dim3A_295 = arith.constant 0.000000e+00 : f32
    %broadcast_in_dim3A_296 = vector.broadcast %broadcast_in_dim3A_295 : f32 to vector<1000x96xf32>
    %get3A_297 = arith.constant 0 : index
    %get3A_298 = arith.constant 0 : index
    %get3A_299 = arith.constant 0 : index
    %get3A_300 = vector.load %arg15[%get3A_297, %get3A_298, %get3A_299] : memref<4x16x16xf32, #tpu.memory_space<vmem>>, vector<1x16x16xf32>
    %get3A_301 = vector.shape_cast %get3A_300 : vector<1x16x16xf32> to vector<16x16xf32>
    %dot_general3A_302 = arith.constant dense<0.000000e+00> : vector<1000x16xf32>
    %dot_general3A_303 = tpu.matmul %add3A_190, %get3A_301, %dot_general3A_302 {dimension_numbers = #tpu.dot_dimension_numbers<[1], [0], [0], [1], [0, 0, 1, 1], [], []>, transpose_lhs_hint = false} : vector<1000x16xf32>, vector<16x16xf32>, vector<1000x16xf32> -> vector<1000x16xf32>
    %get3A_304 = arith.constant 0 : index
    %get3A_305 = arith.constant 0 : index
    %get3A_306 = arith.constant 0 : index
    %get3A_307 = vector.load %arg16[%get3A_304, %get3A_305, %get3A_306] : memref<4x16x16xf32, #tpu.memory_space<vmem>>, vector<1x16x16xf32>
    %get3A_308 = vector.shape_cast %get3A_307 : vector<1x16x16xf32> to vector<16x16xf32>
    %dot_general3A_309 = arith.constant dense<0.000000e+00> : vector<1000x16xf32>
    %dot_general3A_310 = tpu.matmul %add3A_290, %get3A_308, %dot_general3A_309 {dimension_numbers = #tpu.dot_dimension_numbers<[1], [0], [0], [1], [0, 0, 1, 1], [], []>, transpose_lhs_hint = false} : vector<1000x16xf32>, vector<16x16xf32>, vector<1000x16xf32> -> vector<1000x16xf32>
    %concatenate3A_311 = tpu.concatenate %dot_general3A_303, %dot_general3A_310, %broadcast_in_dim3A_296 in 1 : vector<1000x16xf32>, vector<1000x16xf32>, vector<1000x96xf32> -> vector<1000x128xf32>
    %swap3A_312 = arith.constant 0 : index
    %swap3A_313 = arith.constant 0 : index
    %swap3A_314 = arith.constant 0 : index
    %swap3A_315 = vector.load %arg18[%swap3A_312, %swap3A_313, %swap3A_314] : memref<4x1000x128xf32, #tpu.memory_space<vmem>>, vector<1x1000x128xf32>
    %swap3A_316 = vector.shape_cast %swap3A_315 : vector<1x1000x128xf32> to vector<1000x128xf32>
    %swap3A_317 = vector.shape_cast %concatenate3A_311 : vector<1000x128xf32> to vector<1x1000x128xf32>
    tpu.vector_store %arg18[%swap3A_312, %swap3A_313, %swap3A_314], %swap3A_317 {strides = array<i32>} : memref<4x1000x128xf32, #tpu.memory_space<vmem>>, vector<1x1000x128xf32>,
    %get3A_318 = arith.constant 1 : index
    %get3A_319 = arith.constant 0 : index
    %get3A_320 = arith.constant 0 : index
    %get3A_321 = vector.load %arg15[%get3A_318, %get3A_319, %get3A_320] : memref<4x16x16xf32, #tpu.memory_space<vmem>>, vector<1x16x16xf32>
    %get3A_322 = vector.shape_cast %get3A_321 : vector<1x16x16xf32> to vector<16x16xf32>
    %dot_general3A_323 = arith.constant dense<0.000000e+00> : vector<1000x16xf32>
    %dot_general3A_324 = tpu.matmul %add3A_190, %get3A_322, %dot_general3A_323 {dimension_numbers = #tpu.dot_dimension_numbers<[1], [0], [0], [1], [0, 0, 1, 1], [], []>, transpose_lhs_hint = false} : vector<1000x16xf32>, vector<16x16xf32>, vector<1000x16xf32> -> vector<1000x16xf32>
    %get3A_325 = arith.constant 1 : index
    %get3A_326 = arith.constant 0 : index
    %get3A_327 = arith.constant 0 : index
    %get3A_328 = vector.load %arg16[%get3A_325, %get3A_326, %get3A_327] : memref<4x16x16xf32, #tpu.memory_space<vmem>>, vector<1x16x16xf32>
    %get3A_329 = vector.shape_cast %get3A_328 : vector<1x16x16xf32> to vector<16x16xf32>
    %dot_general3A_330 = arith.constant dense<0.000000e+00> : vector<1000x16xf32>
    %dot_general3A_331 = tpu.matmul %add3A_290, %get3A_329, %dot_general3A_330 {dimension_numbers = #tpu.dot_dimension_numbers<[1], [0], [0], [1], [0, 0, 1, 1], [], []>, transpose_lhs_hint = false} : vector<1000x16xf32>, vector<16x16xf32>, vector<1000x16xf32> -> vector<1000x16xf32>
    %concatenate3A_332 = tpu.concatenate %dot_general3A_324, %dot_general3A_331, %broadcast_in_dim3A_296 in 1 : vector<1000x16xf32>, vector<1000x16xf32>, vector<1000x96xf32> -> vector<1000x128xf32>
    %swap3A_333 = arith.constant 1 : index
    %swap3A_334 = arith.constant 0 : index
    %swap3A_335 = arith.constant 0 : index
    %swap3A_336 = vector.load %arg18[%swap3A_333, %swap3A_334, %swap3A_335] : memref<4x1000x128xf32, #tpu.memory_space<vmem>>, vector<1x1000x128xf32>
    %swap3A_337 = vector.shape_cast %swap3A_336 : vector<1x1000x128xf32> to vector<1000x128xf32>
    %swap3A_338 = vector.shape_cast %concatenate3A_332 : vector<1000x128xf32> to vector<1x1000x128xf32>
    tpu.vector_store %arg18[%swap3A_333, %swap3A_334, %swap3A_335], %swap3A_338 {strides = array<i32>} : memref<4x1000x128xf32, #tpu.memory_space<vmem>>, vector<1x1000x128xf32>,
    %get3A_339 = arith.constant 2 : index
    %get3A_340 = arith.constant 0 : index
    %get3A_341 = arith.constant 0 : index
    %get3A_342 = vector.load %arg15[%get3A_339, %get3A_340, %get3A_341] : memref<4x16x16xf32, #tpu.memory_space<vmem>>, vector<1x16x16xf32>
    %get3A_343 = vector.shape_cast %get3A_342 : vector<1x16x16xf32> to vector<16x16xf32>
    %dot_general3A_344 = arith.constant dense<0.000000e+00> : vector<1000x16xf32>
    %dot_general3A_345 = tpu.matmul %add3A_190, %get3A_343, %dot_general3A_344 {dimension_numbers = #tpu.dot_dimension_numbers<[1], [0], [0], [1], [0, 0, 1, 1], [], []>, transpose_lhs_hint = false} : vector<1000x16xf32>, vector<16x16xf32>, vector<1000x16xf32> -> vector<1000x16xf32>
    %get3A_346 = arith.constant 2 : index
    %get3A_347 = arith.constant 0 : index
    %get3A_348 = arith.constant 0 : index
    %get3A_349 = vector.load %arg16[%get3A_346, %get3A_347, %get3A_348] : memref<4x16x16xf32, #tpu.memory_space<vmem>>, vector<1x16x16xf32>
    %get3A_350 = vector.shape_cast %get3A_349 : vector<1x16x16xf32> to vector<16x16xf32>
    %dot_general3A_351 = arith.constant dense<0.000000e+00> : vector<1000x16xf32>
    %dot_general3A_352 = tpu.matmul %add3A_290, %get3A_350, %dot_general3A_351 {dimension_numbers = #tpu.dot_dimension_numbers<[1], [0], [0], [1], [0, 0, 1, 1], [], []>, transpose_lhs_hint = false} : vector<1000x16xf32>, vector<16x16xf32>, vector<1000x16xf32> -> vector<1000x16xf32>
    %concatenate3A_353 = tpu.concatenate %dot_general3A_345, %dot_general3A_352, %broadcast_in_dim3A_296 in 1 : vector<1000x16xf32>, vector<1000x16xf32>, vector<1000x96xf32> -> vector<1000x128xf32>
    %swap3A_354 = arith.constant 2 : index
    %swap3A_355 = arith.constant 0 : index
    %swap3A_356 = arith.constant 0 : index
    %swap3A_357 = vector.load %arg18[%swap3A_354, %swap3A_355, %swap3A_356] : memref<4x1000x128xf32, #tpu.memory_space<vmem>>, vector<1x1000x128xf32>
    %swap3A_358 = vector.shape_cast %swap3A_357 : vector<1x1000x128xf32> to vector<1000x128xf32>
    %swap3A_359 = vector.shape_cast %concatenate3A_353 : vector<1000x128xf32> to vector<1x1000x128xf32>
    tpu.vector_store %arg18[%swap3A_354, %swap3A_355, %swap3A_356], %swap3A_359 {strides = array<i32>} : memref<4x1000x128xf32, #tpu.memory_space<vmem>>, vector<1x1000x128xf32>,
    %get3A_360 = arith.constant 3 : index
    %get3A_361 = arith.constant 0 : index
    %get3A_362 = arith.constant 0 : index
    %get3A_363 = vector.load %arg15[%get3A_360, %get3A_361, %get3A_362] : memref<4x16x16xf32, #tpu.memory_space<vmem>>, vector<1x16x16xf32>
    %get3A_364 = vector.shape_cast %get3A_363 : vector<1x16x16xf32> to vector<16x16xf32>
    %dot_general3A_365 = arith.constant dense<0.000000e+00> : vector<1000x16xf32>
    %dot_general3A_366 = tpu.matmul %add3A_190, %get3A_364, %dot_general3A_365 {dimension_numbers = #tpu.dot_dimension_numbers<[1], [0], [0], [1], [0, 0, 1, 1], [], []>, transpose_lhs_hint = false} : vector<1000x16xf32>, vector<16x16xf32>, vector<1000x16xf32> -> vector<1000x16xf32>
    %get3A_367 = arith.constant 3 : index
    %get3A_368 = arith.constant 0 : index
    %get3A_369 = arith.constant 0 : index
    %get3A_370 = vector.load %arg16[%get3A_367, %get3A_368, %get3A_369] : memref<4x16x16xf32, #tpu.memory_space<vmem>>, vector<1x16x16xf32>
    %get3A_371 = vector.shape_cast %get3A_370 : vector<1x16x16xf32> to vector<16x16xf32>
    %dot_general3A_372 = arith.constant dense<0.000000e+00> : vector<1000x16xf32>
    %dot_general3A_373 = tpu.matmul %add3A_290, %get3A_371, %dot_general3A_372 {dimension_numbers = #tpu.dot_dimension_numbers<[1], [0], [0], [1], [0, 0, 1, 1], [], []>, transpose_lhs_hint = false} : vector<1000x16xf32>, vector<16x16xf32>, vector<1000x16xf32> -> vector<1000x16xf32>
    %concatenate3A_374 = tpu.concatenate %dot_general3A_366, %dot_general3A_373, %broadcast_in_dim3A_296 in 1 : vector<1000x16xf32>, vector<1000x16xf32>, vector<1000x96xf32> -> vector<1000x128xf32>
    %swap3A_375 = arith.constant 3 : index
    %swap3A_376 = arith.constant 0 : index
    %swap3A_377 = arith.constant 0 : index
    %swap3A_378 = vector.load %arg18[%swap3A_375, %swap3A_376, %swap3A_377] : memref<4x1000x128xf32, #tpu.memory_space<vmem>>, vector<1x1000x128xf32>
    %swap3A_379 = vector.shape_cast %swap3A_378 : vector<1x1000x128xf32> to vector<1000x128xf32>
    %swap3A_380 = vector.shape_cast %concatenate3A_374 : vector<1000x128xf32> to vector<1x1000x128xf32>
    tpu.vector_store %arg18[%swap3A_375, %swap3A_376, %swap3A_377], %swap3A_380 {strides = array<i32>} : memref<4x1000x128xf32, #tpu.memory_space<vmem>>, vector<1x1000x128xf32>,
    return
  }
  func.func @transform_0(%arg0: i32) -> (i32, i32, i32) {
    %c0_i32 = arith.constant 0 : i32
    %c0_i32_0 = arith.constant 0 : i32
    %c0_i32_1 = arith.constant 0 : i32
    return %c0_i32, %arg0, %c0_i32_0 : i32, i32, i32
  }
  func.func @transform_1(%arg0: i32) -> (i32, i32, i32) {
    %c0_i32 = arith.constant 0 : i32
    %c0_i32_0 = arith.constant 0 : i32
    %c0_i32_1 = arith.constant 0 : i32
    return %c0_i32, %arg0, %c0_i32_0 : i32, i32, i32
  }
  func.func @transform_2(%arg0: i32) -> (i32, i32) {
    %c0_i32 = arith.constant 0 : i32
    %c0_i32_0 = arith.constant 0 : i32
    return %arg0, %c0_i32 : i32, i32
  }
  func.func @transform_3(%arg0: i32) -> (i32, i32) {
    %c0_i32 = arith.constant 0 : i32
    %c0_i32_0 = arith.constant 0 : i32
    return %arg0, %c0_i32 : i32, i32
  }
  func.func @transform_4(%arg0: i32) -> (i32, i32) {
    %c0_i32 = arith.constant 0 : i32
    %c0_i32_0 = arith.constant 0 : i32
    %c0_i32_1 = arith.constant 0 : i32
    return %c0_i32, %c0_i32_0 : i32, i32
  }
  func.func @transform_5(%arg0: i32) -> (i32, i32, i32) {
    %c0_i32 = arith.constant 0 : i32
    %c0_i32_0 = arith.constant 0 : i32
    %c0_i32_1 = arith.constant 0 : i32
    %c0_i32_2 = arith.constant 0 : i32
    return %c0_i32, %c0_i32_0, %c0_i32_1 : i32, i32, i32
  }
  func.func @transform_6(%arg0: i32) -> (i32, i32, i32) {
    %c0_i32 = arith.constant 0 : i32
    %c0_i32_0 = arith.constant 0 : i32
    %c0_i32_1 = arith.constant 0 : i32
    %c0_i32_2 = arith.constant 0 : i32
    return %c0_i32, %c0_i32_0, %c0_i32_1 : i32, i32, i32
  }
  func.func @transform_7(%arg0: i32) -> (i32, i32) {
    %c0_i32 = arith.constant 0 : i32
    %c0_i32_0 = arith.constant 0 : i32
    %c0_i32_1 = arith.constant 0 : i32
    return %c0_i32, %c0_i32_0 : i32, i32
  }
  func.func @transform_8(%arg0: i32) -> (i32, i32, i32) {
    %c0_i32 = arith.constant 0 : i32
    %c0_i32_0 = arith.constant 0 : i32
    %c0_i32_1 = arith.constant 0 : i32
    %c0_i32_2 = arith.constant 0 : i32
    return %c0_i32, %c0_i32_0, %c0_i32_1 : i32, i32, i32
  }
  func.func @transform_9(%arg0: i32) -> (i32, i32, i32) {
    %c0_i32 = arith.constant 0 : i32
    %c0_i32_0 = arith.constant 0 : i32
    %c0_i32_1 = arith.constant 0 : i32
    %c0_i32_2 = arith.constant 0 : i32
    return %c0_i32, %c0_i32_0, %c0_i32_1 : i32, i32, i32
  }
  func.func @transform_10(%arg0: i32) -> (i32, i32, i32) {
    %c0_i32 = arith.constant 0 : i32
    %c0_i32_0 = arith.constant 0 : i32
    %c0_i32_1 = arith.constant 0 : i32
    %c0_i32_2 = arith.constant 0 : i32
    return %c0_i32, %c0_i32_0, %c0_i32_1 : i32, i32, i32
  }
  func.func @transform_11(%arg0: i32) -> (i32, i32, i32) {
    %c0_i32 = arith.constant 0 : i32
    %c0_i32_0 = arith.constant 0 : i32
    %c0_i32_1 = arith.constant 0 : i32
    %c0_i32_2 = arith.constant 0 : i32
    return %c0_i32, %c0_i32_0, %c0_i32_1 : i32, i32, i32
  }
  func.func @transform_12(%arg0: i32) -> (i32, i32, i32) {
    %c0_i32 = arith.constant 0 : i32
    %c0_i32_0 = arith.constant 0 : i32
    %c0_i32_1 = arith.constant 0 : i32
    %c0_i32_2 = arith.constant 0 : i32
    return %c0_i32, %c0_i32_0, %c0_i32_1 : i32, i32, i32
  }
  func.func @transform_13(%arg0: i32) -> (i32, i32, i32) {
    %c0_i32 = arith.constant 0 : i32
    %c0_i32_0 = arith.constant 0 : i32
    %c0_i32_1 = arith.constant 0 : i32
    %c0_i32_2 = arith.constant 0 : i32
    return %c0_i32, %c0_i32_0, %c0_i32_1 : i32, i32, i32
  }
  func.func @transform_14(%arg0: i32) -> (i32, i32, i32) {
    %c0_i32 = arith.constant 0 : i32
    %c0_i32_0 = arith.constant 0 : i32
    %c0_i32_1 = arith.constant 0 : i32
    %c0_i32_2 = arith.constant 0 : i32
    return %c0_i32, %c0_i32_0, %c0_i32_1 : i32, i32, i32
  }
  func.func @transform_15(%arg0: i32) -> (i32, i32, i32) {
    %c0_i32 = arith.constant 0 : i32
    %c0_i32_0 = arith.constant 0 : i32
    %c0_i32_1 = arith.constant 0 : i32
    %c0_i32_2 = arith.constant 0 : i32
    return %c0_i32, %c0_i32_0, %c0_i32_1 : i32, i32, i32
  }
  func.func @transform_16(%arg0: i32) -> (i32, i32) {
    %c0_i32 = arith.constant 0 : i32
    %c0_i32_0 = arith.constant 0 : i32
    return %arg0, %c0_i32 : i32, i32
  }
  func.func @transform_17(%arg0: i32) -> (i32, i32, i32) {
    %c0_i32 = arith.constant 0 : i32
    %c0_i32_0 = arith.constant 0 : i32
    %c0_i32_1 = arith.constant 0 : i32
    return %c0_i32, %arg0, %c0_i32_0 : i32, i32, i32
  }
}

module attributes {stable_mosaic.version = 14 : i64} {
  func.func @_t3_body(%arg0: i32, %arg1: memref<2x1000x128xf32, #tpu.memory_space<vmem>>, %arg2: memref<1000x1xi32, #tpu.memory_space<vmem>>, %arg3: memref<128x16xf32, #tpu.memory_space<vmem>>, %arg4: memref<3x16x16xf32, #tpu.memory_space<vmem>>, %arg5: memref<3x1x16xf32, #tpu.memory_space<vmem>>, %arg6: memref<1000x16xf32, #tpu.memory_space<vmem>>) attributes {dimension_semantics = [#tpu.dimension_semantics<arbitrary>], iteration_bounds = array<i64: 10>, scalar_prefetch = 0 : i64, scratch_operands = 0 : i64, tpu.core_type = #tpu.core_type<tc>, window_params = [{transform_indices = @transform_0, window_bounds = array<i64: 2, 1000, 128>}, {transform_indices = @transform_1, window_bounds = array<i64: 1000, 1>}, {pipeline_mode = #tpu.pipeline_mode<synchronous>, transform_indices = @transform_2, window_bounds = array<i64: 128, 16>}, {pipeline_mode = #tpu.pipeline_mode<synchronous>, transform_indices = @transform_3, window_bounds = array<i64: 3, 16, 16>}, {pipeline_mode = #tpu.pipeline_mode<synchronous>, transform_indices = @transform_4, window_bounds = array<i64: 3, 1, 16>}, {transform_indices = @transform_5, window_bounds = array<i64: 1000, 16>}]} {
    %get3A = arith.constant 0 : index
    %get3A_0 = arith.constant 0 : index
    %get3A_1 = arith.constant 0 : index
    %get3A_2 = vector.load %arg1[%get3A, %get3A_0, %get3A_1] : memref<2x1000x128xf32, #tpu.memory_space<vmem>>, vector<1x1000x128xf32>
    %get3A_3 = vector.shape_cast %get3A_2 : vector<1x1000x128xf32> to vector<1000x128xf32>
    %get3A_4 = arith.constant 1 : index
    %get3A_5 = arith.constant 0 : index
    %get3A_6 = arith.constant 0 : index
    %get3A_7 = vector.load %arg1[%get3A_4, %get3A_5, %get3A_6] : memref<2x1000x128xf32, #tpu.memory_space<vmem>>, vector<1x1000x128xf32>
    %get3A_8 = vector.shape_cast %get3A_7 : vector<1x1000x128xf32> to vector<1000x128xf32>
    %add3A = arith.addf %get3A_3, %get3A_8 : vector<1000x128xf32>
    %get3A_9 = arith.constant 0 : index
    %get3A_10 = arith.constant 0 : index
    %get3A_11 = vector.load %arg3[%get3A_9, %get3A_10] : memref<128x16xf32, #tpu.memory_space<vmem>>, vector<128x16xf32>
    %dot_general3A = arith.constant dense<0.000000e+00> : vector<1000x16xf32>
    %dot_general3A_12 = tpu.matmul %add3A, %get3A_11, %dot_general3A {dimension_numbers = #tpu.dot_dimension_numbers<[1], [0], [0], [1], [0, 0, 1, 1], [], []>, transpose_lhs_hint = false} : vector<1000x128xf32>, vector<128x16xf32>, vector<1000x16xf32> -> vector<1000x16xf32>
    %add3A_13 = arith.constant 9.99999971E-10 : f32
    %add3A_14 = vector.broadcast %add3A_13 : f32 to vector<1000x16xf32>
    %add3A_15 = arith.addf %dot_general3A_12, %add3A_14 : vector<1000x16xf32>
    %slice3A = vector.extract_strided_slice %add3A {offsets = [0, 0], sizes = [1000, 16], strides = [1, 1]} : vector<1000x128xf32> to vector<1000x16xf32>
    %div3A = arith.divf %slice3A, %add3A_15 : vector<1000x16xf32>
    %get3A_16 = arith.constant 0 : index
    %get3A_17 = arith.constant 0 : index
    %get3A_18 = vector.load %arg2[%get3A_16, %get3A_17] : memref<1000x1xi32, #tpu.memory_space<vmem>>, vector<1000x1xi32>
    %sub3A = arith.constant 0 : i32
    %sub3A_19 = vector.broadcast %sub3A : i32 to vector<1000x1xi32>
    %sub3A_20 = arith.subi %get3A_18, %sub3A_19 : vector<1000x1xi32>
    %abs3A = math.absi %sub3A_20 : vector<1000x1xi32>
    %min3A = arith.constant 1 : i32
    %min3A_21 = vector.broadcast %min3A : i32 to vector<1000x1xi32>
    %min3A_22 = arith.minsi %abs3A, %min3A_21 : vector<1000x1xi32>
    %sub3A_23 = arith.constant 1 : i32
    %sub3A_24 = vector.broadcast %sub3A_23 : i32 to vector<1000x1xi32>
    %sub3A_25 = arith.subi %sub3A_24, %min3A_22 : vector<1000x1xi32>
    %convert_element_type3A = arith.sitofp %sub3A_25 : vector<1000x1xi32> to vector<1000x1xf32>
    %get3A_26 = arith.constant 0 : index
    %get3A_27 = arith.constant 0 : index
    %get3A_28 = arith.constant 0 : index
    %get3A_29 = vector.load %arg4[%get3A_26, %get3A_27, %get3A_28] : memref<3x16x16xf32, #tpu.memory_space<vmem>>, vector<1x16x16xf32>
    %get3A_30 = vector.shape_cast %get3A_29 : vector<1x16x16xf32> to vector<16x16xf32>
    %dot_general3A_31 = arith.constant dense<0.000000e+00> : vector<1000x16xf32>
    %dot_general3A_32 = tpu.matmul %div3A, %get3A_30, %dot_general3A_31 {dimension_numbers = #tpu.dot_dimension_numbers<[1], [0], [0], [1], [0, 0, 1, 1], [], []>, transpose_lhs_hint = false} : vector<1000x16xf32>, vector<16x16xf32>, vector<1000x16xf32> -> vector<1000x16xf32>
    %get3A_33 = arith.constant 0 : index
    %get3A_34 = arith.constant 0 : index
    %get3A_35 = arith.constant 0 : index
    %get3A_36 = vector.load %arg5[%get3A_33, %get3A_34, %get3A_35] : memref<3x1x16xf32, #tpu.memory_space<vmem>>, vector<1x1x16xf32>
    %get3A_37 = vector.shape_cast %get3A_36 : vector<1x1x16xf32> to vector<1x16xf32>
    %add3A_38 = vector.broadcast %get3A_37 : vector<1x16xf32> to vector<1000x16xf32>
    %add3A_39 = arith.addf %dot_general3A_32, %add3A_38 : vector<1000x16xf32>
    %mul3A = vector.broadcast %convert_element_type3A : vector<1000x1xf32> to vector<1000x16xf32>
    %mul3A_40 = arith.mulf %add3A_39, %mul3A : vector<1000x16xf32>
    %sub3A_41 = arith.constant 1 : i32
    %sub3A_42 = vector.broadcast %sub3A_41 : i32 to vector<1000x1xi32>
    %sub3A_43 = arith.subi %get3A_18, %sub3A_42 : vector<1000x1xi32>
    %abs3A_44 = math.absi %sub3A_43 : vector<1000x1xi32>
    %min3A_45 = arith.constant 1 : i32
    %min3A_46 = vector.broadcast %min3A_45 : i32 to vector<1000x1xi32>
    %min3A_47 = arith.minsi %abs3A_44, %min3A_46 : vector<1000x1xi32>
    %sub3A_48 = arith.constant 1 : i32
    %sub3A_49 = vector.broadcast %sub3A_48 : i32 to vector<1000x1xi32>
    %sub3A_50 = arith.subi %sub3A_49, %min3A_47 : vector<1000x1xi32>
    %convert_element_type3A_51 = arith.sitofp %sub3A_50 : vector<1000x1xi32> to vector<1000x1xf32>
    %get3A_52 = arith.constant 1 : index
    %get3A_53 = arith.constant 0 : index
    %get3A_54 = arith.constant 0 : index
    %get3A_55 = vector.load %arg4[%get3A_52, %get3A_53, %get3A_54] : memref<3x16x16xf32, #tpu.memory_space<vmem>>, vector<1x16x16xf32>
    %get3A_56 = vector.shape_cast %get3A_55 : vector<1x16x16xf32> to vector<16x16xf32>
    %dot_general3A_57 = arith.constant dense<0.000000e+00> : vector<1000x16xf32>
    %dot_general3A_58 = tpu.matmul %div3A, %get3A_56, %dot_general3A_57 {dimension_numbers = #tpu.dot_dimension_numbers<[1], [0], [0], [1], [0, 0, 1, 1], [], []>, transpose_lhs_hint = false} : vector<1000x16xf32>, vector<16x16xf32>, vector<1000x16xf32> -> vector<1000x16xf32>
    %get3A_59 = arith.constant 1 : index
    %get3A_60 = arith.constant 0 : index
    %get3A_61 = arith.constant 0 : index
    %get3A_62 = vector.load %arg5[%get3A_59, %get3A_60, %get3A_61] : memref<3x1x16xf32, #tpu.memory_space<vmem>>, vector<1x1x16xf32>
    %get3A_63 = vector.shape_cast %get3A_62 : vector<1x1x16xf32> to vector<1x16xf32>
    %add3A_64 = vector.broadcast %get3A_63 : vector<1x16xf32> to vector<1000x16xf32>
    %add3A_65 = arith.addf %dot_general3A_58, %add3A_64 : vector<1000x16xf32>
    %mul3A_66 = vector.broadcast %convert_element_type3A_51 : vector<1000x1xf32> to vector<1000x16xf32>
    %mul3A_67 = arith.mulf %add3A_65, %mul3A_66 : vector<1000x16xf32>
    %add3A_68 = arith.addf %mul3A_40, %mul3A_67 : vector<1000x16xf32>
    %sub3A_69 = arith.constant 2 : i32
    %sub3A_70 = vector.broadcast %sub3A_69 : i32 to vector<1000x1xi32>
    %sub3A_71 = arith.subi %get3A_18, %sub3A_70 : vector<1000x1xi32>
    %abs3A_72 = math.absi %sub3A_71 : vector<1000x1xi32>
    %min3A_73 = arith.constant 1 : i32
    %min3A_74 = vector.broadcast %min3A_73 : i32 to vector<1000x1xi32>
    %min3A_75 = arith.minsi %abs3A_72, %min3A_74 : vector<1000x1xi32>
    %sub3A_76 = arith.constant 1 : i32
    %sub3A_77 = vector.broadcast %sub3A_76 : i32 to vector<1000x1xi32>
    %sub3A_78 = arith.subi %sub3A_77, %min3A_75 : vector<1000x1xi32>
    %convert_element_type3A_79 = arith.sitofp %sub3A_78 : vector<1000x1xi32> to vector<1000x1xf32>
    %get3A_80 = arith.constant 2 : index
    %get3A_81 = arith.constant 0 : index
    %get3A_82 = arith.constant 0 : index
    %get3A_83 = vector.load %arg4[%get3A_80, %get3A_81, %get3A_82] : memref<3x16x16xf32, #tpu.memory_space<vmem>>, vector<1x16x16xf32>
    %get3A_84 = vector.shape_cast %get3A_83 : vector<1x16x16xf32> to vector<16x16xf32>
    %dot_general3A_85 = arith.constant dense<0.000000e+00> : vector<1000x16xf32>
    %dot_general3A_86 = tpu.matmul %div3A, %get3A_84, %dot_general3A_85 {dimension_numbers = #tpu.dot_dimension_numbers<[1], [0], [0], [1], [0, 0, 1, 1], [], []>, transpose_lhs_hint = false} : vector<1000x16xf32>, vector<16x16xf32>, vector<1000x16xf32> -> vector<1000x16xf32>
    %get3A_87 = arith.constant 2 : index
    %get3A_88 = arith.constant 0 : index
    %get3A_89 = arith.constant 0 : index
    %get3A_90 = vector.load %arg5[%get3A_87, %get3A_88, %get3A_89] : memref<3x1x16xf32, #tpu.memory_space<vmem>>, vector<1x1x16xf32>
    %get3A_91 = vector.shape_cast %get3A_90 : vector<1x1x16xf32> to vector<1x16xf32>
    %add3A_92 = vector.broadcast %get3A_91 : vector<1x16xf32> to vector<1000x16xf32>
    %add3A_93 = arith.addf %dot_general3A_86, %add3A_92 : vector<1000x16xf32>
    %mul3A_94 = vector.broadcast %convert_element_type3A_79 : vector<1000x1xf32> to vector<1000x16xf32>
    %mul3A_95 = arith.mulf %add3A_93, %mul3A_94 : vector<1000x16xf32>
    %add3A_96 = arith.addf %add3A_68, %mul3A_95 : vector<1000x16xf32>
    %swap3A = arith.constant 0 : index
    %swap3A_97 = arith.constant 0 : index
    %swap3A_98 = vector.load %arg6[%swap3A, %swap3A_97] : memref<1000x16xf32, #tpu.memory_space<vmem>>, vector<1000x16xf32>
    tpu.vector_store %arg6[%swap3A, %swap3A_97], %add3A_96 {strides = array<i32>} : memref<1000x16xf32, #tpu.memory_space<vmem>>, vector<1000x16xf32>,
    return
  }
  func.func @transform_0(%arg0: i32) -> (i32, i32, i32) {
    %c0_i32 = arith.constant 0 : i32
    %c0_i32_0 = arith.constant 0 : i32
    %c0_i32_1 = arith.constant 0 : i32
    return %c0_i32, %arg0, %c0_i32_0 : i32, i32, i32
  }
  func.func @transform_1(%arg0: i32) -> (i32, i32) {
    %c0_i32 = arith.constant 0 : i32
    %c0_i32_0 = arith.constant 0 : i32
    return %arg0, %c0_i32 : i32, i32
  }
  func.func @transform_2(%arg0: i32) -> (i32, i32) {
    %c0_i32 = arith.constant 0 : i32
    %c0_i32_0 = arith.constant 0 : i32
    %c0_i32_1 = arith.constant 0 : i32
    return %c0_i32, %c0_i32_0 : i32, i32
  }
  func.func @transform_3(%arg0: i32) -> (i32, i32, i32) {
    %c0_i32 = arith.constant 0 : i32
    %c0_i32_0 = arith.constant 0 : i32
    %c0_i32_1 = arith.constant 0 : i32
    %c0_i32_2 = arith.constant 0 : i32
    return %c0_i32, %c0_i32_0, %c0_i32_1 : i32, i32, i32
  }
  func.func @transform_4(%arg0: i32) -> (i32, i32, i32) {
    %c0_i32 = arith.constant 0 : i32
    %c0_i32_0 = arith.constant 0 : i32
    %c0_i32_1 = arith.constant 0 : i32
    %c0_i32_2 = arith.constant 0 : i32
    return %c0_i32, %c0_i32_0, %c0_i32_1 : i32, i32, i32
  }
  func.func @transform_5(%arg0: i32) -> (i32, i32) {
    %c0_i32 = arith.constant 0 : i32
    %c0_i32_0 = arith.constant 0 : i32
    return %arg0, %c0_i32 : i32, i32
  }
}

</mosaic_0001>

<sc_bundles>
// kernel: kernel.10.cloned.1.call-start
scs
__scs_entry_jumppad:
0x0: {  	(pc) =	sbr.rel $0x88, $3  }
0x1: {  	(tag) =	ssettag $0x0;
	lr =	simm.s32 $0x1  }
0x2: {  	[smem:$0x3F84] =	sst lr;
	_ =	strace $0xD0000000  }
0x3: {  	_ = 	snop  }
0x4: {  	_ = 	snop  }
0x5: {  	_ = 	snop  }
0x6: {  	_ = 	snop  }
0x7: {  	_ = 	snop  }
__scs_overlays_trampoline_lowered:
0x8: {  	[smem:$0x3F93] =	sst s0  }
0x9: {  	[smem:$0x3F94] =	sst s1  }
0xa: {  	[smem:$0x3F95] =	sst s2  }
0xb: {  	[smem:$0x3F96] =	sst s3  }
0xc: {  	[smem:$0x3F97] =	sst s4  }
0xd: {  	[smem:$0x3F98] =	sst s5  }
0xe: {  	[smem:$0x3F99] =	sst s6  }
0xf: {  	[smem:$0x3F9A] =	sst s7  }
0x10: {  	[smem:$0x3F9B] =	sst s8  }
0x11: {  	[smem:$0x3F9C] =	sst s9;
	s0 =	simm.s32 @!p0 $0x0  }
0x12: {  	s1 =	sld [smem:$0x3F82];
	s0 =	simm.s32 @p0 $0x1  }
0x13: {  	[smem:$0x3F9D] =	sst s0;
	s0 =	simm.s32 @!p1 $0x0  }
0x14: {  	s2 =	sld [smem:$0x3F81];
	s0 =	simm.s32 @p1 $0x1  }
0x15: {  	[smem:$0x3F9E] =	sst s0;
	s0 =	simm.s32 @!p2 $0x0  }
0x16: {  	s3 =	sld [smem:$0x3FDB];
	s0 =	simm.s32 @p2 $0x1  }
0x17: {  	s4 =	simm.s32 $0x1BF5;
	[smem:$0x3FA0] =	sst s0  }
0x18: {  	s0 =	sld [smem:$0x3F83];
	_ =	swait.ge [sflag:s4], $0x0  }
0x19: {  	s7 =	sld [smem:$0x3F84]  }
0x1a: {  	s8 =	sadd.s32 $0xFFFFE003, lr  }
0x1b: {  	s9 =	sadd.s32 $0xFFFFFEF7, lr;
	s5 =	simm.s32 $0xFFFFFFFF;
	p2 =	slt.u32 s8, $0xFFFFF086  }
0x1c: {  	p1 =	slt.u32 s9, $0xF7A;
	s5 =	simm.s32 @!p2 $0x0  }
0x1d: {  	s5 =	simm.s32 @p1 $0x1;
	p0 =	seq.s32 s7, s2  }
0x1e: {  	s7 =	smul.u32 @!p0 $0xF7A, s2;
	p2 =	seq.s32 @!p0 s5, $0x0  }
0x1f: {  	s9 =	smul.u32 $0xF7A, s1;
	s8 =	simm.s32 @!p0 $0x1BF5;
	p2 =	por !p2, p0  }
0x20: {  	[sflag:s8] =	ssyncset.s32 @!p0 $0xFFFFF086;
	s6 =	sadd.s32 @!p0 s3, s7;
	s7 =	simm.s32 @!p0 $0x108  }
0x21: {  	s3 =	sadd.s32 s3, s9;
	s6 =	sadd.s32 @!p0 $0x88, s6;
	s7 =	simm.s32 @p2 $0x1082  }
0x22: {  	[simem:s7], [sflag:s8] =	dma.local @!p0 [hbm:s6], $0xF7A  }
0x23: {  	s9 =	sor.u32 $0xD0000000, s2;
	s6 =	simm.s32 $0x108;
	_ =	swait.ge @!p0 [sflag:s8], $0x0  }
0x24: {  	s3 =	sadd.s32 $0x88, s3;
	s6 =	simm.s32 @!p1 $0x1082;
	[sflag:s4] =	ssyncset.s32 $0xFFFFF086  }
0x25: {  	[simem:s6], [sflag:s4] =	dma.local [hbm:s3], $0xF7A  }
0x26: {  	[smem:$0x3F84] =	sst s1;
	(tag) =	ssettag s2;
	_ =	strace s9  }
0x27: {  	s1 =	sld [smem:$0x3F94]  }
0x28: {  	s2 =	sld [smem:$0x3F95]  }
0x29: {  	s4 =	sld [smem:$0x3F97]  }
0x2a: {  	p0 =	seq.s32 s5, $0x0;
	s5 =	sld [smem:$0x3F98]  }
0x2b: {  	s6 =	sld [smem:$0x3F99]  }
0x2c: {  	s7 =	sld [smem:$0x3F9A]  }
0x2d: {  	s3 =	simm.s32 $0x108;
	s8 =	sld [smem:$0x3F9B]  }
0x2e: {  	s3 =	simm.s32 @!p0 $0x1082;
	s9 =	sld [smem:$0x3F9C]  }
0x2f: {  	lr =	sadd.s32 s0, s3;
	s0 =	sld [smem:$0x3F93]  }
0x30: {  	s3 =	sld [smem:$0x3F96]  }
0x31: {  	[smem:$0x3F9F] =	sst s10  }
0x32: {  	s10 =	sld [smem:$0x3F9D];
	_ =	sdelay $0x3  }
0x33: {  	p0 =	seq.s32 s10, $0x1;
	s10 =	sld [smem:$0x3F9F];
	_ =	sdelay $0x3  }
0x34: {  	[smem:$0x3F9F] =	sst s10  }
0x35: {  	s10 =	sld [smem:$0x3F9E];
	_ =	sdelay $0x3  }
0x36: {  	p1 =	seq.s32 s10, $0x1;
	s10 =	sld [smem:$0x3F9F];
	_ =	sdelay $0x3  }
0x37: {  	[smem:$0x3F9F] =	sst s10  }
0x38: {  	s10 =	sld [smem:$0x3FA0]  }
0x39: {  	_ = 	snop;
	(pc) =	sbr.ind lr, $3  }
0x3a: {  	_ = 	snop  }
0x3b: {  	_ = 	snop  }
0x3c: {  	p2 =	seq.s32 s10, $0x1;
	s10 =	sld [smem:$0x3F9F]  }
0x3d: {  	_ =	shalt  }
0x3e: {  	_ =	shalt  }
0x3f: {  	_ =	shalt  }
0x40: {  	_ =	shalt  }
0x41: {  	_ =	shalt  }
0x42: {  	_ =	shalt  }
0x43: {  	_ =	shalt  }
0x44: {  	_ =	shalt  }
0x45: {  	_ =	shalt  }
0x46: {  	_ =	shalt  }
0x47: {  	_ =	shalt  }
0x48: {  	_ =	shalt  }
0x49: {  	_ =	shalt  }
0x4a: {  	_ =	shalt  }
0x4b: {  	_ =	shalt  }
0x4c: {  	_ =	shalt  }
0x4d: {  	_ =	shalt  }
0x4e: {  	_ =	shalt  }
0x4f: {  	_ =	shalt  }
0x50: {  	_ =	shalt  }
0x51: {  	_ =	shalt  }
0x52: {  	_ =	shalt  }
0x53: {  	_ =	shalt  }
0x54: {  	_ =	shalt  }
0x55: {  	_ =	shalt  }
0x56: {  	_ =	shalt  }
0x57: {  	_ =	shalt  }
0x58: {  	_ =	shalt  }
0x59: {  	_ =	shalt  }
0x5a: {  	_ =	shalt  }
0x5b: {  	_ =	shalt  }
0x5c: {  	_ =	shalt  }
0x5d: {  	_ =	shalt  }
0x5e: {  	_ =	shalt  }
0x5f: {  	_ =	shalt  }
0x60: {  	_ =	shalt  }
0x61: {  	_ =	shalt  }
0x62: {  	_ =	shalt  }
0x63: {  	_ =	shalt  }
0x64: {  	_ =	shalt  }
0x65: {  	_ =	shalt  }
0x66: {  	_ =	shalt  }
0x67: {  	_ =	shalt  }
0x68: {  	_ =	shalt  }
0x69: {  	_ =	shalt  }
0x6a: {  	_ =	shalt  }
0x6b: {  	_ =	shalt  }
0x6c: {  	_ =	shalt  }
0x6d: {  	_ =	shalt  }
0x6e: {  	_ =	shalt  }
0x6f: {  	_ =	shalt  }
0x70: {  	_ =	shalt  }
0x71: {  	_ =	shalt  }
0x72: {  	_ =	shalt  }
0x73: {  	_ =	shalt  }
0x74: {  	_ =	shalt  }
0x75: {  	_ =	shalt  }
0x76: {  	_ =	shalt  }
0x77: {  	_ =	shalt  }
0x78: {  	_ =	shalt  }
0x79: {  	_ =	shalt  }
0x7a: {  	_ =	shalt  }
0x7b: {  	_ =	shalt  }
0x7c: {  	_ =	shalt  }
0x7d: {  	_ =	shalt  }
0x7e: {  	_ =	shalt  }
0x7f: {  	_ =	shalt  }
0x80: {  	_ =	shalt  }
0x81: {  	_ =	shalt  }
0x82: {  	_ =	shalt  }
0x83: {  	_ =	shalt  }
0x84: {  	_ =	shalt  }
0x85: {  	_ =	shalt  }
0x86: {  	_ =	shalt  }
0x87: {  	_ =	shalt  }
.Lfunc_end0:
.L_simem_size_0:
called_computation.1_lowered:
.L_overlay_start_0:
0x88: {  	s2 =	sld [smem:$0x3FD9]  }
0x89: {  	s3 =	sld [smem:$0x3FFE];
	_ =	sdelay $0x1  }
0x8a: {  	s1 =	srdreg.scid  }
0x8b: {  	s0 =	sand.u32 $0x1, s1  }
0x8c: {  	s17 =	sshll.u32 s0, $0xA;
	s2 =	sadd.s32 s3, s2  }
0x8d: {  	s2 =	sadd.s32 s2, s17  }
0x8e: {  	[smem:$0x3FAB] =	sst s2  }
0x8f: {  	_ = 	snop  }
0x90: {  	s2 =	sld [smem:$0x3FC6]  }
0x91: {  	s18 =	sld [smem:$0x3FD0];
	(tm) =	ssettm $0x1  }
0x92: {  	s4 =	sld [smem:$0x3FFB];
	_ =	sdelay $0x3  }
0x93: {  	_ =	strace s4  }
0x94: {  	s4 =	sld [smem:$0x3FFC];
	_ =	sdelay $0x3  }
0x95: {  	_ =	strace s4  }
0x96: {  	s4 =	sld [smem:$0x3FFD];
	_ =	sdelay $0x3  }
0x97: {  	_ =	strace s4  }
0x98: {  	_ =	strace $0x8FFFFFFF  }
0x99: {  	s19 =	sld [smem:$0x3FDB];
	_ =	sdelay $0x1  }
0x9a: {  	s5 =	simm.s32 $_scs_section_size  }
0x9b: {  	s6 =	simm.s32 $_size__tile_overlayer_lowered;
	s7 =	simm.s32 $_tile_overlayer_lowered  }
0x9c: {  	s22 =	simm.s32 $0x1BFF;
	s21 =	sshll.u32 s7, $0x1;
	s4 =	sadd.s32 s5, s19  }
0x9d: {  	s8 =	simm.s32 $0x0;
	s20 =	sshll.u32 s6, $0x1;
	s6 =	sadd.s32 s21, s4  }
0x9e: {  	[timem:s8], [sflag:s22] =	dma.local [hbm:s6], s20  }
0x9f: {  	_ =	swait.ge [sflag:s22], s20  }
0xa0: {  	s5 =	ssub.s32 $0x0, s20;
	[sflag:s22] =	ssyncset.done $0x0  }
0xa1: {  	[sflag:s22] =	ssyncadd.s32 s5;
	_ =	sdelay $0x1  }
0xa2: {  	s23 =	simm.s32 $0x1B8B  }
0xa3: {  	_ =	swait.ge [sflag:s23], $0x1  }
0xa4: {  	[sflag:s23] =	ssyncset.done $0x0  }
0xa5: {  	s25 =	simm.s32 $0x1B8E;
	s24 =	sld [smem:$0x3FFE];
	[sflag:s23] =	ssyncadd.s32 $0xFFFFFFFF  }
0xa6: {  	s26 =	simm.s32 $execute0_lowered;
	[smem:$0x3FD2] =	sst s25  }
0xa7: {  	s6 =	sshll.u32 s26, $0x1;
	_ =	strace $0x80000049;
	[dreg:$0x1] =	wrdreg $0xFFFFFFFF  }
0xa8: {  	s28 =	simm.s32 $_size_execute0_lowered;
	s4 =	sadd.s32 s4, s6;
	[dreg:$0x0] =	wrdreg $0x0  }
0xa9: {  	s6 =	sshll.u32 s28, $0x1;
	[dreg:$0x2] =	wrdreg s4  }
0xaa: {  	[dreg:$0x3] =	wrdreg s6  }
0xab: {  	[dreg:$0x4] =	wrdreg $0xC0  }
0xac: {  	_ =	task [dreg:s8], $0x5FFFF  }
0xad: {  	[dreg:$0x1] =	wrdreg $0xFFFFFFFF  }
0xae: {  	[dreg:$0x0] =	wrdreg $0x60  }
0xaf: {  	[dreg:$0x2] =	wrdreg s24  }
0xb0: {  	[dreg:$0x3] =	wrdreg s18  }
0xb1: {  	[dreg:$0x4] =	wrdreg s2  }
0xb2: {  	[dreg:$0x5] =	wrdreg $0x7A000  }
0xb3: {  	[dreg:$0x6] =	wrdreg $0x9  }
0xb4: {  	_ =	task.clear_ibuf [dreg:s8], $0x7FFFF;
	_ =	strace $0x90000049  }
0xb5: {  	s29 =	simm.s32 $0x9;
	_ =	strace $0x8000004B  }
0xb6: {  	_ =	swait.ge [sflag:s29], $0x1  }
0xb7: {  	[sflag:s29] =	ssyncadd.s32 $0xFFFFFFFF  }
0xb8: {  	_ =	strace $0x9000004B  }
0xb9: {  	_ =	sfence  }
0xba: {  	s30 =	sld [smem:$0x0];
	_ =	sdelay $0x2  }
0xbb: {  	s31 =	sshll.u32 s1, $0xD;
	s1 =	sshrl.u32 s1, $0x2  }
0xbc: {  	s3 =	sand.u32 $0x4000, s31;
	s1 =	sadd.s32 s1, s30  }
0xbd: {  	s0 =	sor.u32 s3, s0;
	s1 =	sshll.u32 s1, $0x11  }
0xbe: {  	s0 =	sor.u32 s1, s0  }
0xbf: {  	s0 =	sadd.s32 $0x8F2B, s0  }
0xc0: {  	[sflag:s0] =	ssyncadd.remote.s32 $0x1  }
0xc1: {  	_ =	sfence.sel $0xFFFF  }
0xc2: {  	[dreg:$0x0] =	wrdreg $0xFFFFFFFF;
	(pc) =	sbr.abs _section_cstart, $3  }
0xc3: {  	[dreg:$0x1] =	wrdreg $0xFFFFFFFF  }
0xc4: {  	_ =	task.clear_ibuf [dreg:s8], $0x2FFFF;
	_ =	strace $0x9FFFFFFF  }
0xc5: {  	(tm) =	ssettm $0x7FFFFFFF  }
tec
execute0_lowered:
.L_overlay_start_1:
0x0: {  	(tag) =	ssettag $0x1  }
0x1: {  	s0 =	rddreg [dreg:$0x0]  }
0x2: {  	s1 =	rddreg [dreg:$0x1]  }
0x3: {  	s2 =	rddreg [dreg:$0x2]  }
0x4: {  	s3 =	rddreg [dreg:$0x3];
	s4 =	simm.s32 $0x0;
	s26 =	srdreg.scid  }
0x5: {  	s10 =	stileid.u32;
	s16 =	simm.s32 $0x3;
	s17 =	simm.s32 $0x5200  }
0x6: {  	v0 =	vimm.s32 $0xFEDCBA98;
	s18 =	simm.s32 $0x80;
	s19 =	simm.s32 $0x100;
	s20 =	simm.s32 $0x50  }
0x7: {  	v1 =	vimm.s32 $0x76543210;
	s21 =	simm.s32 $0x180;
	s22 =	simm.s32 $0x200;
	s23 =	simm.s32 $0x2A00;
	v0 =	vunpack.c.l.s4.s8 v0  }
0x8: {  	v2 =	vimm.s32 $0x32107654;
	v3 =	vimm.s32 $0xDCFE98BA;
	s25 =	simm.s32 $0x1;
	s28 =	simm.s32 $0x0;
	[smem:$0x7FF] =	sst s4;
	v1 =	vunpack.c.l.s4.s8 v1  }
0x9: {  	v4 =	vimm.s32 $0x54761032;
	s5 =	sadd.s32 $0xA6400, s0;
	s6 =	sadd.s32 $0x142800, s0;
	s8 =	sand.u32 $0x1, s26;
	v0 =	vunpack.c.0.s8.s32 v0  }
0xa: {  	v5 =	vimm.s32 $0xEFCDAB89;
	v6 =	vimm.s32 $0x67452301;
	s9 =	sadd.s32 $0x5000, s0;
	s12 =	smul.u32 $0x50000, s10;
	s11 =	sshll.u32 s10, $0x6;
	v1 =	vunpack.c.0.s8.s32 v1  }
0xb: {  	s13 =	sadd.s32 $0x169A00, s0;
	p0 =	slt.u32 s10, $0x8;
	s14 =	smul.u32 $0x2800, s10;
	v0 =	vand.u32 $0xF, v0  }
0xc: {  	s26 =	simm.s32 $0x2;
	_ =	strace $0x8000004A;
	s4 =	smul.u32 $0x28000, s8;
	v0 =	vcombine.low v0, v1;
	v1 =	vimm.s32 $0xBA98FEDC  }
0xd: {  	v2 =	vunpack.c.l.s4.s8 v2;
	v3 =	vunpack.c.l.s4.s8 v3;
	s7 =	ssub.s32 $0x2, s8;
	[dreg:$0x5] =	wrdreg s13;
	s11 =	sor.u32 $0x1C03, s11;
	v1 =	vunpack.c.l.s4.s8 v1  }
0xe: {  	v4 =	vunpack.c.l.s4.s8 v4;
	v5 =	vunpack.c.l.s4.s8 v5;
	v6 =	vunpack.c.l.s4.s8 v6;
	s13 =	sshll.u32 s10, $0x1;
	s29 =	sshrl.u32 s7, $0x1;
	s31 =	sshrl.u32 s12, $0x2  }
0xf: {  	s12 =	simm.s32 $0x3F;
	v2 =	vunpack.c.0.s8.s32 v2;
	v3 =	vunpack.c.0.s8.s32 v3;
	s0 =	sadd.s32 s4, s0;
	s30 =	ssub.s32 s7, s29;
	v1 =	vunpack.c.0.s8.s32 v1  }
0x10: {  	v4 =	vunpack.c.0.s8.s32 v4;
	v5 =	vunpack.c.0.s8.s32 v5;
	v6 =	vunpack.c.0.s8.s32 v6;
	[dreg:$0x7] =	wrdreg s11;
	s0 =	sadd.s32 $0xA000, s0;
	s4 =	smax.u32 s30, $0x1  }
0x11: {  	v7 =	vimm.f32 $0.0e+00;
	vm0 =	vcmask $0x300;
	s7 =	sadd.s32 s31, s3;
	[dreg:$0x6] =	wrdreg s4;
	s0 =	sadd.s32 s14, s0;
	v1 =	vcombine.low v2, v1  }
0x12: {  	s12 =	simm.s32 @!p0 $0x3E;
	s7 =	sshrl.u32 s7, $0x3;
	[dreg:$0x8] =	wrdreg s0;
	v2 =	vcombine.low v4, v3;
	v3 =	vcombine.low v6, v5;
	v4 =	vsel vm0, $0x3F800000, v7  }
.LBB2_1:
0x13: {  	s4 =	rddreg [dreg:$0x5]  }
0x14: {  	[spmem:s7], [sflag:s11] =	dma.local [hbm:s4], $0x2800  }
0x15: {  	_ =	swait.ge [sflag:s16], $0x2800  }
0x16: {  	[sflag:s16] =	ssyncset.done $0x0  }
0x17: {  	s0 =	simm.s32 $0x0;
	[sflag:s16] =	ssyncadd.s32 $0xFFFFD800  }
0x18: {  	[tilespmem:s17], [sflag:$0x3] =	stream.linear.gather [hbm4b:s4+s0], $0x2800, $0x38;
	[tilespmem:$0x1BA00] =	vst v63  }
0x19: {  	_ =	swait.ge [sflag:s16], $0x2800  }
0x1a: {  	[sflag:s16] =	ssyncset.done $0x0  }
0x1b: {  	[sflag:s16] =	ssyncadd.s32 $0xFFFFD800  }
0x1c: {  	s15 =	smov.u32 s7;
	s29 =	simm.s32 $0x0;
	[bflag:$0x0] =	sbarrier.arrive $0xFFFF  }
.LBB2_2:
0x1d: {  	s0 =	sshll.u32 s29, $0x5  }
0x1e: {  	s0 =	sor.u32 s0, s13  }
0x1f: {  	s0 =	sor.u32 s8, s0  }
0x20: {  	s0 =	smul.u32 $0x50, s0;
	_ =	sdelay $0x1  }
0x21: {  	s0 =	sshrl.u32 s0, $0x3  }
0x22: {  	s7 =	simm.s32 $0x0;
	s4 =	sadd.s32 s9, s0  }
0x23: {  	[tilespmem:s7], [sflag:$0x3] =	stream.linear.gather [hbm4b:s4+s7], $0x50, $0x38;
	[tilespmem:$0x1BA00] =	vst v63  }
0x24: {  	_ =	swait.ge [sflag:s16], $0x50  }
0x25: {  	[sflag:s16] =	ssyncset.done $0x0  }
0x26: {  	s24 =	sadd.s32 s1, s0;
	[sflag:s16] =	ssyncadd.s32 $0xFFFFFFB0  }
0x27: {  	[tilespmem:s18], [sflag:$0x3] =	stream.linear.gather [hbm4b:s24+s7], $0x50, $0x38;
	[tilespmem:$0x1BA00] =	vst v63  }
0x28: {  	_ =	swait.ge [sflag:s16], $0x50  }
0x29: {  	[sflag:s16] =	ssyncset.done $0x0  }
0x2a: {  	s0 =	sadd.s32 s2, s0;
	[sflag:s16] =	ssyncadd.s32 $0xFFFFFFB0  }
0x2b: {  	[tilespmem:s19], [sflag:$0x3] =	stream.linear.gather [hbm4b:s0+s7], $0x50, $0x38;
	[tilespmem:$0x1BA00] =	vst v63  }
0x2c: {  	_ =	swait.ge [sflag:s16], $0x50  }
0x2d: {  	[sflag:s16] =	ssyncset.done $0x0  }
0x2e: {  	[sflag:s16] =	ssyncadd.s32 $0xFFFFFFB0  }
0x2f: {  	v5 =	vld [tilespmem:$0x100]  }
0x30: {  	v6 =	vld [tilespmem:$0x0]  }
0x31: {  	v7 =	vld [tilespmem:$0x110]  }
0x32: {  	v8 =	vld [tilespmem:$0x10]  }
0x33: {  	v9 =	vld [tilespmem:$0x120]  }
0x34: {  	v10 =	vld [tilespmem:$0x20]  }
0x35: {  	v11 =	vld [tilespmem:$0x130]  }
0x36: {  	v12 =	vld [tilespmem:$0x140]  }
0x37: {  	v13 =	vld [tilespmem:$0x30];
	v5 =	vmul.u32 $0x2710, v5  }
0x38: {  	v14 =	vld [tilespmem:$0x40];
	v7 =	vmul.u32 $0x2710, v7  }
0x39: {  	v5 =	vadd.s32 v6, v5;
	v6 =	vmul.u32 $0x2710, v9  }
0x3a: {  	[tilespmem:$0x180] =	vst v5;
	v5 =	vadd.s32 v8, v7;
	v7 =	vmul.u32 $0x2710, v11  }
0x3b: {  	[tilespmem:$0x190] =	vst v5;
	v5 =	vadd.s32 v10, v6;
	v6 =	vmul.u32 $0x2710, v12  }
0x3c: {  	[tilespmem:$0x1A0] =	vst v5;
	v5 =	vadd.s32 v13, v7  }
0x3d: {  	[tilespmem:$0x1B0] =	vst v5;
	v5 =	vadd.s32 v14, v6  }
0x3e: {  	[tilespmem:$0x1C0] =	vst v5  }
0x3f: {  	[tilespmem:s22], [sflag:$0x1] =	stream.indirect.gather [hbm4b:s5+s20], $0x80, s21, s20, $0xb8;
	[tilespmem:$0x1BA00] =	vst v63  }
0x40: {  	_ = 	snop  }
0x41: {  	[tilespmem:s23], [sflag:$0x2] =	stream.indirect.gather [hbm4b:s6+s20], $0x80, s18, s20, $0xb8;
	[tilespmem:$0x1BA00] =	vst v63  }
0x42: {  	_ =	swait.ge [sflag:s25], $0x2800  }
0x43: {  	[sflag:s25] =	ssyncset.done $0x0  }
0x44: {  	[sflag:s25] =	ssyncadd.s32 $0xFFFFD800  }
0x45: {  	_ =	swait.ge [sflag:s26], $0x2800  }
0x46: {  	[sflag:s26] =	ssyncset.done $0x0  }
0x47: {  	s7 =	simm.s32 $0x0;
	[sflag:s26] =	ssyncadd.s32 $0xFFFFD800  }
0x48: {  	v5 =	vld [tilespmem:s7+$0x200]  }
0x49: {  	s30 =	simm.s32 $0x80;
	v6 =	vld [tilespmem:s7+$0x2A00]  }
0x4a: {  	v7 =	vld [tilespmem:s30+$0x200]  }
0x4b: {  	v8 =	vld [tilespmem:s30+$0x2A00];
	_ =	sdelay $0x2  }
0x4c: {  	v5 =	vmul.f32 v6, v5  }
0x4d: {  	s31 =	simm.s32 $0x100  }
0x4e: {  	v9 =	vld [tilespmem:s31+$0x2A00];
	v7 =	vmul.f32 v8, v7;
	v8 =	vperm.xlane v5, v0  }
0x4f: {  	v6 =	vld [tilespmem:s31+$0x200]  }
0x50: {  	v10 =	vperm.xlane v7, v0;
	v5 =	vadd.f32 v8, v5;
	_ =	sdelay $0x1  }
0x51: {  	s0 =	simm.s32 $0x180;
	v7 =	vadd.f32 v10, v7;
	v8 =	vperm.xlane v5, v1  }
0x52: {  	v11 =	vld [tilespmem:s0+$0x2A00]  }
0x53: {  	v10 =	vld [tilespmem:s0+$0x200];
	v6 =	vmul.f32 v9, v6;
	v9 =	vperm.xlane v7, v1;
	v5 =	vadd.f32 v8, v5;
	_ =	sdelay $0x1  }
0x54: {  	v7 =	vadd.f32 v9, v7;
	v9 =	vperm.xlane v5, v2  }
0x55: {  	s4 =	simm.s32 $0x200;
	v8 =	vperm.xlane v6, v0  }
0x56: {  	v13 =	vld [tilespmem:s4+$0x200];
	v9 =	vadd.f32 v9, v5  }
0x57: {  	v10 =	vmul.f32 v11, v10;
	v11 =	vld [tilespmem:s4+$0x2A00];
	v12 =	vadd.f32 v8, v6;
	v6 =	vperm.xlane v7, v2  }
0x58: {  	v14 =	vperm.xlane v9, v3  }
0x59: {  	v7 =	vadd.f32 v6, v7  }
0x5a: {  	v5 =	vperm.xlane v12, v1;
	v14 =	vadd.f32 v14, v9  }
0x5b: {  	v15 =	vperm.xlane v10, v0;
	v16 =	vperm.xlane v7, v3  }
0x5c: {  	v12 =	vadd.f32 v5, v12;
	v17 =	vmul.f32 v11, v13;
	v13 =	vmul.f32 $1.442695020e+00, v14  }
0x5d: {  	v8 =	vld [tilespmem:s7+$0x210];
	v10 =	vadd.f32 v15, v10  }
0x5e: {  	v6 =	vld [tilespmem:s30+$0x210];
	v15 =	vperm.xlane v12, v2;
	v16 =	vadd.f32 v16, v7;
	(erf) = vpow2.f32 v13  }
0x5f: {  	s14 =	simm.s32 $0x280;
	v5 =	vld [tilespmem:s31+$0x210]  }
0x60: {  	v11 =	vld [tilespmem:s14+$0x200];
	v12 =	vadd.f32 v15, v12;
	v15 =	vmul.f32 $1.442695020e+00, v16  }
0x61: {  	v18 =	vperm.xlane v10, v1;
	v9 =	vld [tilespmem:s0+$0x210]  }
0x62: {  	v19 =	vperm.xlane v17, v0;
	v14 =	vld [tilespmem:s14+$0x2A00];
	(erf) = vpow2.f32 v15  }
0x63: {  	v13 =	vadd.f32 v18, v10;
	v10 =	vld [tilespmem:s14+$0x210]  }
0x64: {  	s24 =	simm.s32 $0xC00;
	v7 =	vld [tilespmem:s4+$0x210];
	v16 =	vperm.xlane v12, v3;
	v15 =	vadd.f32 v19, v17  }
.LBB2_3:
0x65: {  	s10 =	sshra.s32 s24, $0x2  }
0x66: {  	v17 =	vperm.xlane v13, v2;
	v16 =	vadd.f32 v16, v12;
	s11 =	smov.u32 s0;
	s0 =	smov.u32 s4;
	p0 =	sne.s32 s24, $0x9E00  }
.Ltmp0:
0x67: {  	s4 =	smov.u32 s14;
	v18 =	vmul.f32 v14, v11;
	v11 =	vld [tilespmem:s10+$0x200];
	v19 =	vperm.xlane v15, v1;
	v20 =	vpop (erf);
	s14 =	smov.u32 s10;
	(pc) =	sbr.rel @p0 .LBB2_3-.Ltmp0, $4  }
0x68: {  	s24 =	sadd.s32 $0x200, s24;
	v14 =	vld [tilespmem:s14+$0x2A00];
	v12 =	vadd.f32 v17, v13;
	v17 =	vmul.f32 $1.442695020e+00, v16;
	v21 =	vmul.f32 v4, v20;
	v22 =	vmovc v10  }
0x69: {  	v20 =	vmul.f32 v20, v8;
	v8 =	vmovc v6;
	v6 =	vmovc v5;
	v5 =	vmov v9;
	v10 =	vld [tilespmem:s14+$0x210];
	v23 =	vperm.xlane v18, v0  }
0x6a: {  	v9 =	vmovc v7;
	v13 =	vadd.f32 v19, v15;
	v16 =	vperm.xlane v12, v3;
	(erf) = vpow2.f32 v17;
	[tilespmem:s7+$0x5210] =	vst v21  }
0x6b: {  	v7 =	vmov v22;
	v15 =	vadd.f32 v23, v18;
	[tilespmem:s7+$0x5200] =	vst v20;
	s7 =	smov.u32 s30;
	s30 =	smov.u32 s31;
	s31 =	smov.u32 s11  }
0x6c: {  	_ = 	snop  }
0x6d: {  	v11 =	vmul.f32 v14, v11;
	_ =	sdelay $0x1  }
0x6e: {  	v14 =	vperm.xlane v11, v0;
	_ =	sdelay $0x1  }
0x6f: {  	v17 =	vperm.xlane v15, v1;
	v11 =	vadd.f32 v14, v11;
	_ =	sdelay $0x1  }
0x70: {  	v46 =	vperm.xlane v13, v2;
	v15 =	vadd.f32 v17, v15;
	v47 =	vperm.xlane v11, v1;
	_ =	sdelay $0x1  }
0x71: {  	v13 =	vadd.f32 v46, v13;
	v48 =	vperm.xlane v15, v2;
	v11 =	vadd.f32 v47, v11  }
0x72: {  	v12 =	vadd.f32 v16, v12  }
0x73: {  	v49 =	vperm.xlane v13, v3;
	v14 =	vadd.f32 v48, v15;
	v50 =	vperm.xlane v11, v2  }
0x74: {  	v12 =	vmul.f32 $1.442695020e+00, v12  }
0x75: {  	v13 =	vadd.f32 v49, v13;
	v51 =	vperm.xlane v14, v3;
	v11 =	vadd.f32 v50, v11  }
0x76: {  	(erf) = vpow2.f32 v12  }
0x77: {  	v52 =	vmul.f32 $1.442695020e+00, v13;
	v53 =	vadd.f32 v51, v14;
	v54 =	vperm.xlane v11, v3;
	_ =	sdelay $0x1  }
0x78: {  	(erf) = vpow2.f32 v52;
	v55 =	vmul.f32 $1.442695020e+00, v53;
	v11 =	vadd.f32 v54, v11;
	_ =	sdelay $0x1  }
0x79: {  	(erf) = vpow2.f32 v55;
	v11 =	vmul.f32 $1.442695020e+00, v11  }
0x7a: {  	v56 =	vpop (erf)  }
0x7b: {  	v57 =	vmul.f32 v4, v56;
	(erf) = vpow2.f32 v11  }
0x7c: {  	v8 =	vmul.f32 v56, v8;
	v58 =	vpop (erf)  }
0x7d: {  	[tilespmem:s7+$0x5210] =	vst v57;
	v59 =	vmul.f32 v4, v58  }
0x7e: {  	[tilespmem:s7+$0x5200] =	vst v8;
	v6 =	vmul.f32 v58, v6;
	v60 =	vpop (erf)  }
0x7f: {  	[tilespmem:s30+$0x5210] =	vst v59;
	v61 =	vmul.f32 v4, v60  }
0x80: {  	[tilespmem:s30+$0x5200] =	vst v6;
	v5 =	vmul.f32 v60, v5;
	v62 =	vpop (erf)  }
0x81: {  	[tilespmem:s31+$0x5210] =	vst v61;
	v6 =	vmul.f32 v4, v62  }
0x82: {  	[tilespmem:s31+$0x5200] =	vst v5;
	v5 =	vmul.f32 v62, v9;
	v63 =	vpop (erf)  }
0x83: {  	[tilespmem:s0+$0x5210] =	vst v6;
	v6 =	vmul.f32 v4, v63  }
0x84: {  	[tilespmem:s0+$0x5200] =	vst v5;
	v5 =	vmul.f32 v63, v7;
	v7 =	vpop (erf)  }
0x85: {  	[tilespmem:s4+$0x5210] =	vst v6;
	v6 =	vmul.f32 v4, v7  }
0x86: {  	s29 =	sadd.s32 $0x1, s29;
	[tilespmem:s4+$0x5200] =	vst v5;
	v5 =	vmul.f32 v7, v10  }
0x87: {  	p0 =	sne.s32 s29, s12;
	[tilespmem:s14+$0x5210] =	vst v6  }
.Ltmp1:
0x88: {  	[tilespmem:s14+$0x5200] =	vst v5;
	(pc) =	sbr.rel @p0 .LBB2_2-.Ltmp1, $4  }
0x89: {  	[spmem:s3] =	stream.indirect.scatter.add.f32 [tilespmem:s17], [sflag:$0x3], $0x80, s18, s20, $0xb8;
	[tilespmem:$0x1BA00] =	vst v63  }
0x8a: {  	_ =	swait.ge [sflag:s16], $0x2800  }
0x8b: {  	[sflag:s16] =	ssyncset.done $0x0  }
0x8c: {  	[sflag:s16] =	ssyncadd.s32 $0xFFFFD800  }
0x8d: {  	[bflag:$0x0] =	sbarrier.arrive $0xFFFF  }
0x8e: {  	s11 =	rddreg [dreg:$0x7]  }
0x8f: {  	s0 =	rddreg [dreg:$0x8]  }
0x90: {  	[hbm:s0], [sflag:s11] =	dma.local [spmem:s15], $0x2800  }
0x91: {  	_ =	swait.ge [sflag:s16], $0x2800  }
0x92: {  	s28 =	sadd.s32 $0x1, s28;
	s31 =	rddreg [dreg:$0x6]  }
0x93: {  	p0 =	sne.s32 s28, s31  }
.Ltmp2:
0x94: {  	_ = 	snop;
	(pc) =	sbr.rel @p0 .LBB2_1-.Ltmp2, $3  }
0x95: {  	_ =	sdelay $0x1  }
0x96: {  	[sflag:s16] =	ssyncset.done $0x0  }
0x97: {  	s7 =	smov.u32 s15;
	[sflag:s16] =	ssyncadd.s32 $0xFFFFD800  }
0x98: {  	_ =	sfence.sel $0x180000  }
0x99: {  	[bflag:$0x0] =	sbarrier.arrive $0xFFFF  }
0x9a: {  	_ =	strace $0x9000004A  }
0x9b: {  	s0 =	stileid.u32;
	[bflag:$0x2] =	sbarrier.arrive $0xFFFF  }
0x9c: {  	p0 =	sne.s32 s0, $0x0;
	s0 =	rddreg [dreg:$0x4]  }
0x9d: {  	s0 =	sadd.s32 @!p0 $0x100000, s0  }
0x9e: {  	[sflag:s0] =	ssyncadd.tile.s32 @!p0 $0x1;
	_ =	shalt  }
.Lfunc_end2:
_tile_overlayer_lowered:
.L_overlay_start_2:
0x9f: {  	(tag) =	ssettag $0x2  }
0xa0: {  	s0 =	rddreg [dreg:$0x0];
	s2 =	stileid.u32  }
0xa1: {  	s1 =	rddreg [dreg:$0x1];
	p0 =	sne.s32 s2, $0x0  }
0xa2: {  	s3 =	rddreg [dreg:$0x2];
	[bflag:$0x3] =	sbarrier.arrive $0xFFFF;
	s2 =	simm.s32 @!p0 $0x1C03  }
0xa3: {  	[timem:s3], [sflag:s2] =	dma.local @!p0 [hbm:s0], s1  }
0xa4: {  	s0 =	simm.s32 @!p0 $0x3  }
0xa5: {  	_ =	swait.ge @!p0 [sflag:s0], s1  }
0xa6: {  	s1 =	ssub.s32 @!p0 $0x0, s1;
	[sflag:s0] =	ssyncset.done @!p0 $0x0  }
0xa7: {  	[sflag:s0] =	ssyncadd.s32 @!p0 s1  }
0xa8: {  	[bflag:$0x3] =	sbarrier.arrive $0xFFFF  }
0xa9: {  	_ =	shalt  }

// kernel: kernel.7.cloned.1.call-start
scs
__scs_entry_jumppad:
0x0: {  	(pc) =	sbr.rel $0x88, $3  }
0x1: {  	(tag) =	ssettag $0x0;
	lr =	simm.s32 $0x1  }
0x2: {  	[smem:$0x3F84] =	sst lr;
	_ =	strace $0xD0000000  }
0x3: {  	_ = 	snop  }
0x4: {  	_ = 	snop  }
0x5: {  	_ = 	snop  }
0x6: {  	_ = 	snop  }
0x7: {  	_ = 	snop  }
__scs_overlays_trampoline_lowered:
0x8: {  	[smem:$0x3F93] =	sst s0  }
0x9: {  	[smem:$0x3F94] =	sst s1  }
0xa: {  	[smem:$0x3F95] =	sst s2  }
0xb: {  	[smem:$0x3F96] =	sst s3  }
0xc: {  	[smem:$0x3F97] =	sst s4  }
0xd: {  	[smem:$0x3F98] =	sst s5  }
0xe: {  	[smem:$0x3F99] =	sst s6  }
0xf: {  	[smem:$0x3F9A] =	sst s7  }
0x10: {  	[smem:$0x3F9B] =	sst s8  }
0x11: {  	[smem:$0x3F9C] =	sst s9;
	s0 =	simm.s32 @!p0 $0x0  }
0x12: {  	s1 =	sld [smem:$0x3F82];
	s0 =	simm.s32 @p0 $0x1  }
0x13: {  	[smem:$0x3F9D] =	sst s0;
	s0 =	simm.s32 @!p1 $0x0  }
0x14: {  	s2 =	sld [smem:$0x3F81];
	s0 =	simm.s32 @p1 $0x1  }
0x15: {  	[smem:$0x3F9E] =	sst s0;
	s0 =	simm.s32 @!p2 $0x0  }
0x16: {  	s3 =	sld [smem:$0x3FDB];
	s0 =	simm.s32 @p2 $0x1  }
0x17: {  	s4 =	simm.s32 $0x1BF5;
	[smem:$0x3FA0] =	sst s0  }
0x18: {  	s0 =	sld [smem:$0x3F83];
	_ =	swait.ge [sflag:s4], $0x0  }
0x19: {  	s7 =	sld [smem:$0x3F84]  }
0x1a: {  	s8 =	sadd.s32 $0xFFFFE003, lr  }
0x1b: {  	s9 =	sadd.s32 $0xFFFFFEF7, lr;
	s5 =	simm.s32 $0xFFFFFFFF;
	p2 =	slt.u32 s8, $0xFFFFF086  }
0x1c: {  	p1 =	slt.u32 s9, $0xF7A;
	s5 =	simm.s32 @!p2 $0x0  }
0x1d: {  	s5 =	simm.s32 @p1 $0x1;
	p0 =	seq.s32 s7, s2  }
0x1e: {  	s7 =	smul.u32 @!p0 $0xF7A, s2;
	p2 =	seq.s32 @!p0 s5, $0x0  }
0x1f: {  	s9 =	smul.u32 $0xF7A, s1;
	s8 =	simm.s32 @!p0 $0x1BF5;
	p2 =	por !p2, p0  }
0x20: {  	[sflag:s8] =	ssyncset.s32 @!p0 $0xFFFFF086;
	s6 =	sadd.s32 @!p0 s3, s7;
	s7 =	simm.s32 @!p0 $0x108  }
0x21: {  	s3 =	sadd.s32 s3, s9;
	s6 =	sadd.s32 @!p0 $0x88, s6;
	s7 =	simm.s32 @p2 $0x1082  }
0x22: {  	[simem:s7], [sflag:s8] =	dma.local @!p0 [hbm:s6], $0xF7A  }
0x23: {  	s9 =	sor.u32 $0xD0000000, s2;
	s6 =	simm.s32 $0x108;
	_ =	swait.ge @!p0 [sflag:s8], $0x0  }
0x24: {  	s3 =	sadd.s32 $0x88, s3;
	s6 =	simm.s32 @!p1 $0x1082;
	[sflag:s4] =	ssyncset.s32 $0xFFFFF086  }
0x25: {  	[simem:s6], [sflag:s4] =	dma.local [hbm:s3], $0xF7A  }
0x26: {  	[smem:$0x3F84] =	sst s1;
	(tag) =	ssettag s2;
	_ =	strace s9  }
0x27: {  	s1 =	sld [smem:$0x3F94]  }
0x28: {  	s2 =	sld [smem:$0x3F95]  }
0x29: {  	s4 =	sld [smem:$0x3F97]  }
0x2a: {  	p0 =	seq.s32 s5, $0x0;
	s5 =	sld [smem:$0x3F98]  }
0x2b: {  	s6 =	sld [smem:$0x3F99]  }
0x2c: {  	s7 =	sld [smem:$0x3F9A]  }
0x2d: {  	s3 =	simm.s32 $0x108;
	s8 =	sld [smem:$0x3F9B]  }
0x2e: {  	s3 =	simm.s32 @!p0 $0x1082;
	s9 =	sld [smem:$0x3F9C]  }
0x2f: {  	lr =	sadd.s32 s0, s3;
	s0 =	sld [smem:$0x3F93]  }
0x30: {  	s3 =	sld [smem:$0x3F96]  }
0x31: {  	[smem:$0x3F9F] =	sst s10  }
0x32: {  	s10 =	sld [smem:$0x3F9D];
	_ =	sdelay $0x3  }
0x33: {  	p0 =	seq.s32 s10, $0x1;
	s10 =	sld [smem:$0x3F9F];
	_ =	sdelay $0x3  }
0x34: {  	[smem:$0x3F9F] =	sst s10  }
0x35: {  	s10 =	sld [smem:$0x3F9E];
	_ =	sdelay $0x3  }
0x36: {  	p1 =	seq.s32 s10, $0x1;
	s10 =	sld [smem:$0x3F9F];
	_ =	sdelay $0x3  }
0x37: {  	[smem:$0x3F9F] =	sst s10  }
0x38: {  	s10 =	sld [smem:$0x3FA0]  }
0x39: {  	_ = 	snop;
	(pc) =	sbr.ind lr, $3  }
0x3a: {  	_ = 	snop  }
0x3b: {  	_ = 	snop  }
0x3c: {  	p2 =	seq.s32 s10, $0x1;
	s10 =	sld [smem:$0x3F9F]  }
0x3d: {  	_ =	shalt  }
0x3e: {  	_ =	shalt  }
0x3f: {  	_ =	shalt  }
0x40: {  	_ =	shalt  }
0x41: {  	_ =	shalt  }
0x42: {  	_ =	shalt  }
0x43: {  	_ =	shalt  }
0x44: {  	_ =	shalt  }
0x45: {  	_ =	shalt  }
0x46: {  	_ =	shalt  }
0x47: {  	_ =	shalt  }
0x48: {  	_ =	shalt  }
0x49: {  	_ =	shalt  }
0x4a: {  	_ =	shalt  }
0x4b: {  	_ =	shalt  }
0x4c: {  	_ =	shalt  }
0x4d: {  	_ =	shalt  }
0x4e: {  	_ =	shalt  }
0x4f: {  	_ =	shalt  }
0x50: {  	_ =	shalt  }
0x51: {  	_ =	shalt  }
0x52: {  	_ =	shalt  }
0x53: {  	_ =	shalt  }
0x54: {  	_ =	shalt  }
0x55: {  	_ =	shalt  }
0x56: {  	_ =	shalt  }
0x57: {  	_ =	shalt  }
0x58: {  	_ =	shalt  }
0x59: {  	_ =	shalt  }
0x5a: {  	_ =	shalt  }
0x5b: {  	_ =	shalt  }
0x5c: {  	_ =	shalt  }
0x5d: {  	_ =	shalt  }
0x5e: {  	_ =	shalt  }
0x5f: {  	_ =	shalt  }
0x60: {  	_ =	shalt  }
0x61: {  	_ =	shalt  }
0x62: {  	_ =	shalt  }
0x63: {  	_ =	shalt  }
0x64: {  	_ =	shalt  }
0x65: {  	_ =	shalt  }
0x66: {  	_ =	shalt  }
0x67: {  	_ =	shalt  }
0x68: {  	_ =	shalt  }
0x69: {  	_ =	shalt  }
0x6a: {  	_ =	shalt  }
0x6b: {  	_ =	shalt  }
0x6c: {  	_ =	shalt  }
0x6d: {  	_ =	shalt  }
0x6e: {  	_ =	shalt  }
0x6f: {  	_ =	shalt  }
0x70: {  	_ =	shalt  }
0x71: {  	_ =	shalt  }
0x72: {  	_ =	shalt  }
0x73: {  	_ =	shalt  }
0x74: {  	_ =	shalt  }
0x75: {  	_ =	shalt  }
0x76: {  	_ =	shalt  }
0x77: {  	_ =	shalt  }
0x78: {  	_ =	shalt  }
0x79: {  	_ =	shalt  }
0x7a: {  	_ =	shalt  }
0x7b: {  	_ =	shalt  }
0x7c: {  	_ =	shalt  }
0x7d: {  	_ =	shalt  }
0x7e: {  	_ =	shalt  }
0x7f: {  	_ =	shalt  }
0x80: {  	_ =	shalt  }
0x81: {  	_ =	shalt  }
0x82: {  	_ =	shalt  }
0x83: {  	_ =	shalt  }
0x84: {  	_ =	shalt  }
0x85: {  	_ =	shalt  }
0x86: {  	_ =	shalt  }
0x87: {  	_ =	shalt  }
.Lfunc_end0:
.L_simem_size_0:
called_computation_lowered:
.L_overlay_start_0:
0x88: {  	s2 =	sld [smem:$0x3FD9]  }
0x89: {  	s3 =	sld [smem:$0x3FFE];
	_ =	sdelay $0x1  }
0x8a: {  	s1 =	srdreg.scid  }
0x8b: {  	s0 =	sand.u32 $0x1, s1  }
0x8c: {  	s17 =	sshll.u32 s0, $0xA;
	s2 =	sadd.s32 s3, s2  }
0x8d: {  	s2 =	sadd.s32 s2, s17  }
0x8e: {  	[smem:$0x3FAB] =	sst s2  }
0x8f: {  	_ = 	snop  }
0x90: {  	s2 =	sld [smem:$0x3FC6]  }
0x91: {  	s18 =	sld [smem:$0x3FD0];
	(tm) =	ssettm $0x1  }
0x92: {  	s4 =	sld [smem:$0x3FFB];
	_ =	sdelay $0x3  }
0x93: {  	_ =	strace s4  }
0x94: {  	s4 =	sld [smem:$0x3FFC];
	_ =	sdelay $0x3  }
0x95: {  	_ =	strace s4  }
0x96: {  	s4 =	sld [smem:$0x3FFD];
	_ =	sdelay $0x3  }
0x97: {  	_ =	strace s4  }
0x98: {  	_ =	strace $0x8FFFFFFF  }
0x99: {  	s19 =	sld [smem:$0x3FDB];
	_ =	sdelay $0x1  }
0x9a: {  	s5 =	simm.s32 $_scs_section_size  }
0x9b: {  	s6 =	simm.s32 $_size__tile_overlayer_lowered;
	s7 =	simm.s32 $_tile_overlayer_lowered  }
0x9c: {  	s22 =	simm.s32 $0x1BFF;
	s21 =	sshll.u32 s7, $0x1;
	s4 =	sadd.s32 s5, s19  }
0x9d: {  	s8 =	simm.s32 $0x0;
	s20 =	sshll.u32 s6, $0x1;
	s6 =	sadd.s32 s21, s4  }
0x9e: {  	[timem:s8], [sflag:s22] =	dma.local [hbm:s6], s20  }
0x9f: {  	_ =	swait.ge [sflag:s22], s20  }
0xa0: {  	s5 =	ssub.s32 $0x0, s20;
	[sflag:s22] =	ssyncset.done $0x0  }
0xa1: {  	[sflag:s22] =	ssyncadd.s32 s5;
	_ =	sdelay $0x1  }
0xa2: {  	s23 =	simm.s32 $0x1B8B  }
0xa3: {  	_ =	swait.ge [sflag:s23], $0x1  }
0xa4: {  	[sflag:s23] =	ssyncset.done $0x0  }
0xa5: {  	s25 =	simm.s32 $0x1B8E;
	s24 =	sld [smem:$0x3FFE];
	[sflag:s23] =	ssyncadd.s32 $0xFFFFFFFF  }
0xa6: {  	s26 =	simm.s32 $execute0_lowered;
	[smem:$0x3FD2] =	sst s25  }
0xa7: {  	s6 =	sshll.u32 s26, $0x1;
	_ =	strace $0x80000046;
	[dreg:$0x1] =	wrdreg $0xFFFFFFFF  }
0xa8: {  	s28 =	simm.s32 $_size_execute0_lowered;
	s4 =	sadd.s32 s4, s6;
	[dreg:$0x0] =	wrdreg $0x0  }
0xa9: {  	s6 =	sshll.u32 s28, $0x1;
	[dreg:$0x2] =	wrdreg s4  }
0xaa: {  	[dreg:$0x3] =	wrdreg s6  }
0xab: {  	[dreg:$0x4] =	wrdreg $0xC0  }
0xac: {  	_ =	task [dreg:s8], $0x5FFFF  }
0xad: {  	[dreg:$0x1] =	wrdreg $0xFFFFFFFF  }
0xae: {  	[dreg:$0x0] =	wrdreg $0x60  }
0xaf: {  	[dreg:$0x2] =	wrdreg s24  }
0xb0: {  	[dreg:$0x3] =	wrdreg s18  }
0xb1: {  	[dreg:$0x4] =	wrdreg s2  }
0xb2: {  	[dreg:$0x5] =	wrdreg $0x62000  }
0xb3: {  	[dreg:$0x6] =	wrdreg $0x1C2800  }
0xb4: {  	[dreg:$0x7] =	wrdreg $0x9  }
0xb5: {  	_ =	task.clear_ibuf [dreg:s8], $0x8FFFF;
	_ =	strace $0x90000046  }
0xb6: {  	s29 =	simm.s32 $0x9;
	_ =	strace $0x80000048  }
0xb7: {  	_ =	swait.ge [sflag:s29], $0x1  }
0xb8: {  	[sflag:s29] =	ssyncadd.s32 $0xFFFFFFFF  }
0xb9: {  	_ =	strace $0x90000048  }
0xba: {  	_ =	sfence  }
0xbb: {  	s30 =	sld [smem:$0x0];
	_ =	sdelay $0x2  }
0xbc: {  	s31 =	sshll.u32 s1, $0xD;
	s1 =	sshrl.u32 s1, $0x2  }
0xbd: {  	s3 =	sand.u32 $0x4000, s31;
	s1 =	sadd.s32 s1, s30  }
0xbe: {  	s0 =	sor.u32 s3, s0;
	s1 =	sshll.u32 s1, $0x11  }
0xbf: {  	s0 =	sor.u32 s1, s0  }
0xc0: {  	s0 =	sadd.s32 $0x8F2B, s0  }
0xc1: {  	[sflag:s0] =	ssyncadd.remote.s32 $0x1  }
0xc2: {  	_ =	sfence.sel $0xFFFF  }
0xc3: {  	[dreg:$0x0] =	wrdreg $0xFFFFFFFF;
	(pc) =	sbr.abs _section_cstart, $3  }
0xc4: {  	[dreg:$0x1] =	wrdreg $0xFFFFFFFF  }
0xc5: {  	_ =	task.clear_ibuf [dreg:s8], $0x2FFFF;
	_ =	strace $0x9FFFFFFF  }
0xc6: {  	(tm) =	ssettm $0x7FFFFFFF  }
0xc7: {  	_ =	shalt  }
tec
execute0_lowered:
.L_overlay_start_1:
0x0: {  	(tag) =	ssettag $0x1  }
0x1: {  	s0 =	rddreg [dreg:$0x0]  }
0x2: {  	s1 =	rddreg [dreg:$0x1]  }
0x3: {  	s2 =	rddreg [dreg:$0x2]  }
0x4: {  	s3 =	rddreg [dreg:$0x3]  }
0x5: {  	s4 =	rddreg [dreg:$0x4];
	s5 =	simm.s32 $0x0  }
0x6: {  	s6 =	srdreg.scid;
	s18 =	stileid.u32;
	s19 =	simm.s32 $0x80  }
0x7: {  	s20 =	simm.s32 $0x100;
	s28 =	simm.s32 $0x4200;
	s29 =	simm.s32 $0x1  }
0x8: {  	s30 =	simm.s32 $0x2;
	s31 =	simm.s32 $0x3;
	[smem:$0x7FF] =	sst s5  }
0x9: {  	v0 =	vimm.s32 $0x76543210;
	v1 =	vimm.s32 $0xFEDCBA98;
	s7 =	sand.u32 $0x1, s6;
	s6 =	sadd.s32 $0xA000, s0;
	s21 =	smul.u32 $0x50000, s18  }
0xa: {  	v2 =	vimm.s32 $0xBA98FEDC;
	s8 =	sadd.s32 $0xA6400, s0;
	s9 =	sadd.s32 $0x142800, s0;
	s15 =	smul.u32 $0xA000, s18  }
0xb: {  	v3 =	vimm.s32 $0x32107654;
	s10 =	sadd.s32 $0x5000, s0;
	s13 =	sadd.s32 $0x169A00, s0;
	s26 =	smul.u32 $0x2800, s18  }
0xc: {  	v4 =	vimm.s32 $0x54761032;
	v2 =	vunpack.c.l.s4.s8 v2;
	v3 =	vunpack.c.l.s4.s8 v3;
	s23 =	sshll.u32 s18, $0x6;
	p0 =	slt.u32 s18, $0x2;
	s11 =	smul.u32 $0x28000, s7  }
0xd: {  	v5 =	vimm.s32 $0xEFCDAB89;
	v1 =	vunpack.c.l.s4.s8 v1;
	s25 =	sshll.u32 s18, $0x7;
	_ =	strace $0x80000047;
	s12 =	smul.u32 $0x5000, s7  }
0xe: {  	v0 =	vunpack.c.l.s4.s8 v0;
	[dreg:$0x6] =	wrdreg s13;
	s22 =	ssub.s32 $0x2, s7;
	s7 =	sshll.u32 s7, $0x6;
	v2 =	vunpack.c.0.s8.s32 v2;
	v3 =	vunpack.c.0.s8.s32 v3  }
0xf: {  	v6 =	vimm.s32 $0x67452301;
	v4 =	vunpack.c.l.s4.s8 v4;
	s14 =	sshrl.u32 s22, $0x1;
	s13 =	sshrl.u32 s21, $0x2;
	v1 =	vunpack.c.0.s8.s32 v1;
	s24 =	sshrl.u32 s15, $0x2  }
0x10: {  	v0 =	vunpack.c.0.s8.s32 v0;
	s21 =	simm.s32 $0x40;
	s11 =	sadd.s32 s11, s0;
	s0 =	sadd.s32 s12, s0;
	v2 =	vcombine.low v3, v2;
	v3 =	vimm.s32 $0xDCFE98BA  }
0x11: {  	v5 =	vunpack.c.l.s4.s8 v5;
	s16 =	ssub.s32 s22, s14;
	s17 =	sadd.s32 s13, s3;
	s12 =	simm.s32 $0x4F;
	v1 =	vand.u32 $0xF, v1;
	v3 =	vunpack.c.l.s4.s8 v3  }
0x12: {  	s13 =	sor.u32 $0x1C04, s23;
	s15 =	sadd.s32 s24, s4;
	s14 =	sor.u32 s7, s25;
	v0 =	vcombine.low v1, v0;
	v1 =	vand.u32 $0xF, v2;
	v2 =	vunpack.c.l.s4.s8 v6  }
0x13: {  	vm0 =	vcmask $0x300;
	v7 =	vimm.f32 $0.0e+00;
	v4 =	vunpack.c.0.s8.s32 v4;
	s22 =	smul.u32 $0x500, s18;
	s23 =	simm.s32 $0x180;
	s25 =	simm.s32 $0x200  }
0x14: {  	v5 =	vunpack.c.0.s8.s32 v5;
	s12 =	simm.s32 @!p0 $0x4E;
	s11 =	sadd.s32 $0x176200, s11;
	s16 =	smax.u32 s16, $0x1;
	v3 =	vunpack.c.0.s8.s32 v3;
	v6 =	vunpack.c.0.s8.s32 v2  }
0x15: {  	vm13 =	vcmask $0x704;
	vm14 =	vcmask $0xB08;
	vm15 =	vcmask $0xF0C;
	s0 =	sadd.s32 $0x16C200, s0;
	s15 =	sshrl.u32 s15, $0x3;
	[dreg:$0x7] =	wrdreg s16  }
0x16: {  	v8 =	vimm.s32 $0x0;
	s16 =	sshrl.u32 s17, $0x3;
	s7 =	sadd.s32 s26, s11;
	[dreg:$0x8] =	wrdreg s15;
	v4 =	vcombine.low v4, v3;
	v6 =	vcombine.low v6, v5  }
0x17: {  	s17 =	simm.s32 $0x4;
	s0 =	sadd.s32 s22, s0;
	[dreg:$0x9] =	wrdreg s7;
	v2 =	vsel vm0, $0x3F800000, v7;
	v3 =	vsel vm13, $0x3F800000, v7;
	v5 =	vsel vm14, $0x3F800000, v7  }
0x18: {  	s26 =	simm.s32 $0x2200;
	[dreg:$0xa] =	wrdreg s0;
	s0 =	simm.s32 $0x1A200;
	v7 =	vsel vm15, $0x3F800000, v7;
	v4 =	vand.u32 $0xF, v4;
	v6 =	vand.u32 $0xF, v6  }
.LBB2_1:
0x19: {  	s7 =	rddreg [dreg:$0x6]  }
0x1a: {  	[spmem:s16], [sflag:s13] =	dma.local [hbm:s7], $0x2800  }
0x1b: {  	_ =	swait.ge [sflag:s17], $0x2800  }
0x1c: {  	[sflag:s17] =	ssyncset.done $0x0  }
0x1d: {  	[sflag:s17] =	ssyncadd.s32 $0xFFFFD800  }
0x1e: {  	[spmem:s15], [sflag:s13] =	dma.local [hbm:s7], $0x500  }
0x1f: {  	_ =	swait.ge [sflag:s17], $0x500  }
0x20: {  	[sflag:s17] =	ssyncset.done $0x0  }
0x21: {  	[sflag:s17] =	ssyncadd.s32 $0xFFFFFB00  }
0x22: {  	s18 =	smov.u32 s16;
	s7 =	simm.s32 $0x0;
	[bflag:$0x0] =	sbarrier.arrive $0xFFFF  }
.LBB2_2:
0x23: {  	s11 =	sshll.u32 s7, $0xB  }
0x24: {  	s11 =	sor.u32 s14, s11  }
0x25: {  	s11 =	sshrl.u32 s11, $0x3  }
0x26: {  	s16 =	simm.s32 $0x0;
	s15 =	sadd.s32 s10, s11  }
0x27: {  	[tilespmem:s16], [sflag:$0x4] =	stream.linear.gather [hbm4b:s15+s16], $0x40, $0x38;
	[tilespmem:$0x1EA80] =	vst v63  }
0x28: {  	_ =	swait.ge [sflag:s17], $0x40  }
0x29: {  	[sflag:s17] =	ssyncset.done $0x0  }
0x2a: {  	s24 =	sadd.s32 s1, s11;
	[sflag:s17] =	ssyncadd.s32 $0xFFFFFFC0  }
0x2b: {  	[tilespmem:s19], [sflag:$0x4] =	stream.linear.gather [hbm4b:s24+s16], $0x40, $0x38;
	[tilespmem:$0x1EA80] =	vst v63  }
0x2c: {  	_ =	swait.ge [sflag:s17], $0x40  }
0x2d: {  	[sflag:s17] =	ssyncset.done $0x0  }
0x2e: {  	s11 =	sadd.s32 s2, s11;
	[sflag:s17] =	ssyncadd.s32 $0xFFFFFFC0  }
0x2f: {  	[tilespmem:s20], [sflag:$0x4] =	stream.linear.gather [hbm4b:s11+s16], $0x40, $0x38;
	[tilespmem:$0x1EA80] =	vst v63  }
0x30: {  	_ =	swait.ge [sflag:s17], $0x40  }
0x31: {  	[sflag:s17] =	ssyncset.done $0x0  }
0x32: {  	[sflag:s17] =	ssyncadd.s32 $0xFFFFFFC0  }
0x33: {  	v9 =	vld [tilespmem:$0x100]  }
0x34: {  	v10 =	vld [tilespmem:$0x0]  }
0x35: {  	v11 =	vld [tilespmem:$0x80]  }
0x36: {  	v12 =	vld [tilespmem:$0x110]  }
0x37: {  	v13 =	vld [tilespmem:$0x10]  }
0x38: {  	v14 =	vld [tilespmem:$0x90]  }
0x39: {  	v15 =	vld [tilespmem:$0x120]  }
0x3a: {  	v16 =	vld [tilespmem:$0x20];
	v9 =	vmul.u32 $0x2710, v9  }
0x3b: {  	v17 =	vld [tilespmem:$0x130]  }
0x3c: {  	v9 =	vadd.s32 v10, v9;
	v10 =	vmul.u32 $0x2710, v12;
	v12 =	vld [tilespmem:$0xA0]  }
0x3d: {  	[tilespmem:$0x180] =	vst v9;
	v9 =	vshra.s32 v11, $0x3;
	v11 =	vld [tilespmem:$0x30]  }
0x3e: {  	[tilespmem:$0x1A200] =	vst v9;
	v9 =	vadd.s32 v13, v10;
	v10 =	vmul.u32 $0x2710, v15;
	v13 =	vld [tilespmem:$0xB0]  }
0x3f: {  	[tilespmem:$0x190] =	vst v9;
	v9 =	vshra.s32 v14, $0x3  }
0x40: {  	[tilespmem:$0x1A210] =	vst v9;
	v9 =	vadd.s32 v16, v10;
	v10 =	vmul.u32 $0x2710, v17  }
0x41: {  	[tilespmem:$0x1A0] =	vst v9;
	v9 =	vshra.s32 v12, $0x3  }
0x42: {  	[tilespmem:$0x1A220] =	vst v9;
	v9 =	vadd.s32 v11, v10  }
0x43: {  	[tilespmem:$0x1B0] =	vst v9;
	v9 =	vshra.s32 v13, $0x3  }
0x44: {  	[tilespmem:$0x1A230] =	vst v9  }
0x45: {  	[tilespmem:s25], [sflag:$0x1] =	stream.indirect.gather [hbm4b:s6+s21], $0x80, s23, s21, $0xb8;
	[tilespmem:$0x1EA80] =	vst v63  }
0x46: {  	_ = 	snop  }
0x47: {  	[tilespmem:s26], [sflag:$0x2] =	stream.indirect.gather [hbm4b:s9+s21], $0x80, s19, s21, $0xb8;
	[tilespmem:$0x1EA80] =	vst v63  }
0x48: {  	_ = 	snop  }
0x49: {  	[tilespmem:s28], [sflag:$0x3] =	stream.indirect.gather [hbm4b:s8+s21], $0x80, s23, s21, $0xb8;
	[tilespmem:$0x1EA80] =	vst v63  }
0x4a: {  	_ =	swait.ge [sflag:s29], $0x2000  }
0x4b: {  	[sflag:s29] =	ssyncset.done $0x0  }
0x4c: {  	[sflag:s29] =	ssyncadd.s32 $0xFFFFE000  }
0x4d: {  	_ =	swait.ge [sflag:s30], $0x2000  }
0x4e: {  	[sflag:s30] =	ssyncset.done $0x0  }
0x4f: {  	[sflag:s30] =	ssyncadd.s32 $0xFFFFE000  }
0x50: {  	_ =	swait.ge [sflag:s31], $0x2000  }
0x51: {  	[sflag:s31] =	ssyncset.done $0x0  }
0x52: {  	s24 =	simm.s32 $0x0;
	[sflag:s31] =	ssyncadd.s32 $0xFFFFE000  }
0x53: {  	v9 =	vld [tilespmem:s24+$0x200]  }
0x54: {  	v10 =	vld [tilespmem:s24+$0x2200]  }
0x55: {  	v11 =	vld [tilespmem:s24+$0x210]  }
0x56: {  	v12 =	vld [tilespmem:s24+$0x2210]  }
0x57: {  	v14 =	vld [tilespmem:s24+$0x220]  }
0x58: {  	v15 =	vld [tilespmem:s24+$0x2220]  }
0x59: {  	v16 =	vld [tilespmem:s24+$0x230]  }
0x5a: {  	v17 =	vld [tilespmem:s24+$0x2230]  }
0x5b: {  	v18 =	vld [tilespmem:s24+$0x2250]  }
0x5c: {  	v9 =	vmul.f32 v10, v9;
	v10 =	vmul.f32 v12, v11;
	v11 =	vld [tilespmem:s24+$0x240]  }
0x5d: {  	v12 =	vld [tilespmem:s24+$0x2240]  }
0x5e: {  	v9 =	vadd.f32 v10, v9;
	v10 =	vld [tilespmem:s24+$0x250]  }
0x5f: {  	v13 =	vld [tilespmem:s24+$0x260];
	v14 =	vmul.f32 v15, v14  }
0x60: {  	v20 =	vld [tilespmem:s24+$0x2260];
	v15 =	vmul.f32 v17, v16;
	v19 =	vperm.xlane v9, v0  }
0x61: {  	v16 =	vld [tilespmem:s24+$0x270]  }
0x62: {  	v17 =	vld [tilespmem:s24+$0x2270];
	v14 =	vadd.f32 v15, v14;
	v9 =	vadd.f32 v9, v19  }
0x63: {  	v11 =	vmul.f32 v12, v11;
	v10 =	vmul.f32 v18, v10  }
0x64: {  	v18 =	vperm.xlane v14, v0;
	v12 =	vperm.xlane v9, v1  }
0x65: {  	v10 =	vadd.f32 v10, v11  }
0x66: {  	v11 =	vmul.f32 v20, v13;
	v9 =	vadd.f32 v9, v12;
	v12 =	vadd.f32 v14, v18  }
0x67: {  	s15 =	simm.s32 $0x80;
	v14 =	vmul.f32 v17, v16;
	v18 =	vperm.xlane v10, v0  }
0x68: {  	v21 =	vld [tilespmem:s15+$0x200];
	v17 =	vperm.xlane v9, v4;
	v20 =	vperm.xlane v12, v1  }
0x69: {  	v25 =	vld [tilespmem:s15+$0x220];
	v11 =	vadd.f32 v14, v11;
	v10 =	vadd.f32 v10, v18  }
0x6a: {  	v28 =	vld [tilespmem:s15+$0x250];
	v9 =	vadd.f32 v9, v17;
	v12 =	vadd.f32 v12, v20  }
0x6b: {  	v29 =	vld [tilespmem:s15+$0x2270];
	v18 =	vperm.xlane v11, v0;
	v23 =	vperm.xlane v10, v1  }
0x6c: {  	v60 =	vld [tilespmem:s24+$0x4210];
	v22 =	vperm.xlane v9, v6;
	v24 =	vperm.xlane v12, v4  }
0x6d: {  	v15 =	vld [tilespmem:s15+$0x260];
	v11 =	vadd.f32 v11, v18;
	v10 =	vadd.f32 v10, v23  }
0x6e: {  	v19 =	vld [tilespmem:s15+$0x2260];
	v9 =	vadd.f32 v9, v22;
	v12 =	vadd.f32 v12, v24  }
0x6f: {  	v13 =	vld [tilespmem:s15+$0x240];
	v23 =	vperm.xlane v11, v1;
	v26 =	vperm.xlane v10, v4  }
0x70: {  	v16 =	vld [tilespmem:s15+$0x2240];
	v9 =	vmul.f32 $1.442695020e+00, v9;
	v27 =	vperm.xlane v12, v6  }
0x71: {  	v14 =	vld [tilespmem:s15+$0x2200];
	v11 =	vadd.f32 v11, v23  }
0x72: {  	v17 =	vld [tilespmem:s15+$0x210];
	v26 =	vadd.f32 v10, v26;
	(erf) = vpow2.f32 v9;
	v9 =	vadd.f32 v12, v27  }
0x73: {  	v18 =	vld [tilespmem:s15+$0x2220];
	v27 =	vperm.xlane v11, v4  }
0x74: {  	v22 =	vld [tilespmem:s15+$0x230];
	v30 =	vperm.xlane v26, v6;
	v31 =	vmul.f32 $1.442695020e+00, v9  }
0x75: {  	v24 =	vld [tilespmem:s15+$0x2230]  }
0x76: {  	v20 =	vld [tilespmem:s15+$0x2210];
	v11 =	vadd.f32 v11, v27;
	v26 =	vadd.f32 v26, v30;
	(erf) = vpow2.f32 v31  }
0x77: {  	v23 =	vld [tilespmem:s15+$0x2250]  }
0x78: {  	v27 =	vld [tilespmem:s24+$0x4200];
	v61 =	vperm.xlane v11, v6;
	v26 =	vmul.f32 $1.442695020e+00, v26  }
0x79: {  	v32 =	vld [tilespmem:s24+$0x4220];
	v13 =	vmul.f32 v16, v13;
	v14 =	vmul.f32 v14, v21  }
0x7a: {  	v21 =	vld [tilespmem:s24+$0x4230];
	v18 =	vmul.f32 v18, v25;
	v22 =	vmul.f32 v24, v22;
	v11 =	vadd.f32 v11, v61  }
0x7b: {  	v17 =	vmul.f32 v20, v17;
	v12 =	vld [tilespmem:s15+$0x270];
	(erf) = vpow2.f32 v26  }
0x7c: {  	s22 =	simm.s32 $0x100;
	v20 =	vld [tilespmem:s24+$0x4240];
	v16 =	vmul.f32 v23, v28;
	v18 =	vadd.f32 v22, v18;
	v11 =	vmul.f32 $1.442695020e+00, v11;
	v26 =	vpop (erf)  }
0x7d: {  	v15 =	vmul.f32 v19, v15;
	v10 =	vld [tilespmem:s22+$0x2260];
	v14 =	vadd.f32 v17, v14;
	v25 =	vmul.f32 v27, v26  }
0x7e: {  	v24 =	vld [tilespmem:s24+$0x4260];
	v16 =	vadd.f32 v16, v13;
	v13 =	vperm.xlane v18, v0;
	(erf) = vpow2.f32 v11  }
0x7f: {  	v9 =	vld [tilespmem:s22+$0x260];
	v17 =	vmul.f32 v60, v26;
	[tilespmem:s24+$0x4200] =	vst v25;
	v25 =	vperm.xlane v14, v0;
	v19 =	vpop (erf)  }
0x80: {  	v22 =	vmul.f32 v29, v12;
	v18 =	vadd.f32 v18, v13;
	v27 =	vld [tilespmem:s24+$0x4250];
	v28 =	vmul.f32 v32, v19  }
0x81: {  	v11 =	vld [tilespmem:s22+$0x240];
	[tilespmem:s24+$0x4210] =	vst v17;
	v14 =	vadd.f32 v14, v25;
	v17 =	vmul.f32 v21, v19;
	v21 =	vperm.xlane v16, v0  }
0x82: {  	v15 =	vadd.f32 v22, v15;
	v12 =	vld [tilespmem:s22+$0x2240];
	[tilespmem:s24+$0x4220] =	vst v28  }
0x83: {  	v22 =	vperm.xlane v14, v1;
	v13 =	vld [tilespmem:s22+$0x200];
	[tilespmem:s24+$0x4230] =	vst v17;
	v17 =	vadd.f32 v16, v21;
	v16 =	vperm.xlane v18, v1  }
0x84: {  	v25 =	vperm.xlane v15, v0;
	v28 =	vpop (erf)  }
0x85: {  	v23 =	vld [tilespmem:s24+$0x4270];
	v21 =	vadd.f32 v14, v22;
	v20 =	vmul.f32 v20, v28  }
0x86: {  	v22 =	vadd.f32 v15, v25;
	v25 =	vmul.f32 v27, v28  }
0x87: {  	v14 =	vld [tilespmem:s22+$0x2200];
	v29 =	vadd.f32 v18, v16;
	v27 =	vperm.xlane v21, v4;
	[tilespmem:s24+$0x4240] =	vst v20;
	v20 =	vperm.xlane v17, v1;
	v16 =	vpop (erf)  }
0x88: {  	v62 =	vperm.xlane v22, v1;
	v24 =	vmul.f32 v24, v16  }
0x89: {  	v21 =	vadd.f32 v21, v27;
	v20 =	vadd.f32 v17, v20;
	v17 =	vperm.xlane v29, v4  }
0x8a: {  	v26 =	vmul.f32 v2, v26;
	v15 =	vld [tilespmem:s22+$0x210];
	[tilespmem:s24+$0x4250] =	vst v25;
	v27 =	vadd.f32 v22, v62;
	v23 =	vmul.f32 v23, v16  }
0x8b: {  	v18 =	vld [tilespmem:s22+$0x2210];
	[tilespmem:s24+$0x4260] =	vst v24;
	v24 =	vperm.xlane v21, v6;
	v22 =	vadd.f32 v29, v17;
	v29 =	vperm.xlane v20, v4  }
0x8c: {  	v63 =	vmul.f32 v3, v19;
	v30 =	vperm.xlane v27, v4;
	v17 =	vld [tilespmem:s22+$0x220];
	[tilespmem:s24+$0x4270] =	vst v23  }
0x8d: {  	v19 =	vld [tilespmem:s22+$0x2220];
	v24 =	vadd.f32 v21, v24;
	v25 =	vperm.xlane v22, v6;
	v23 =	vadd.f32 v20, v29  }
0x8e: {  	s11 =	simm.s32 $0x600;
	v26 =	vadd.f32 v63, v26;
	v21 =	vadd.f32 v27, v30;
	v27 =	vmul.f32 v5, v28;
	v20 =	vld [tilespmem:s22+$0x230]  }
.LBB2_3:
0x8f: {  	p0 =	sne.s32 s11, $0x7E00;
	v28 =	vld [tilespmem:s22+$0x2230];
	v24 =	vmul.f32 $1.442695020e+00, v24;
	v22 =	vadd.f32 v22, v25;
	v25 =	vperm.xlane v23, v6  }
0x90: {  	v16 =	vmul.f32 v7, v16;
	v29 =	vld [tilespmem:s22+$0x250];
	v30 =	vperm.xlane v21, v6;
	v26 =	vadd.f32 v27, v26  }
0x91: {  	v27 =	vld [tilespmem:s22+$0x2250];
	v22 =	vmul.f32 $1.442695020e+00, v22;
	v23 =	vadd.f32 v23, v25;
	(erf) = vpow2.f32 v24  }
0x92: {  	v13 =	vmul.f32 v14, v13;
	v14 =	vmul.f32 v18, v15;
	v15 =	vld [tilespmem:s22+$0x270];
	v16 =	vadd.f32 v16, v26  }
0x93: {  	s16 =	sshra.s32 s11, $0x2;
	v21 =	vadd.f32 v21, v30;
	v18 =	vld [tilespmem:s22+$0x2270];
	v23 =	vmul.f32 $1.442695020e+00, v23;
	(erf) = vpow2.f32 v22  }
0x94: {  	v17 =	vmul.f32 v19, v17;
	v22 =	vld [tilespmem:s16+$0x260];
	v19 =	vmul.f32 v28, v20;
	[tilespmem:s24+$0x1A280] =	vst v16;
	s24 =	smov.u32 s15;
	s15 =	smov.u32 s22;
	s22 =	smov.u32 s16  }
0x95: {  	v13 =	vadd.f32 v14, v13;
	v14 =	vmul.f32 $1.442695020e+00, v21;
	v16 =	vld [tilespmem:s22+$0x2260];
	(erf) = vpow2.f32 v23  }
0x96: {  	v11 =	vmul.f32 v12, v11;
	v12 =	vmul.f32 v27, v29;
	v20 =	vld [tilespmem:s24+$0x4200]  }
0x97: {  	v21 =	vperm.xlane v13, v0;
	v17 =	vadd.f32 v19, v17;
	v19 =	vld [tilespmem:s24+$0x4210];
	(erf) = vpow2.f32 v14  }
0x98: {  	v24 =	vmul.f32 v10, v9;
	v11 =	vadd.f32 v12, v11;
	v12 =	vmul.f32 v18, v15;
	v14 =	vld [tilespmem:s24+$0x4220]  }
0x99: {  	v13 =	vadd.f32 v13, v21;
	v15 =	vperm.xlane v17, v0;
	v18 =	vld [tilespmem:s24+$0x4230];
	v9 =	vmov v22  }
0x9a: {  	v21 =	vperm.xlane v11, v0;
	v12 =	vadd.f32 v12, v24;
	v22 =	vld [tilespmem:s24+$0x4240];
	v23 =	vpop (erf);
	v10 =	vmov v16  }
0x9b: {  	v16 =	vperm.xlane v13, v1;
	v15 =	vadd.f32 v17, v15;
	v17 =	vmul.f32 v20, v23;
	v20 =	vld [tilespmem:s24+$0x4250]  }
0x9c: {  	v21 =	vadd.f32 v11, v21;
	v24 =	vperm.xlane v12, v0;
	v19 =	vmul.f32 v19, v23;
	v25 =	vld [tilespmem:s24+$0x4260];
	v26 =	vpop (erf)  }
0x9d: {  	v27 =	vadd.f32 v13, v16;
	v13 =	vperm.xlane v15, v1;
	[tilespmem:s24+$0x4200] =	vst v17;
	v14 =	vmul.f32 v14, v26;
	v17 =	vld [tilespmem:s24+$0x4270]  }
0x9e: {  	v11 =	vld [tilespmem:s22+$0x240];
	v30 =	vperm.xlane v21, v1;
	v24 =	vadd.f32 v12, v24;
	[tilespmem:s24+$0x4210] =	vst v19;
	v18 =	vmul.f32 v18, v26;
	v28 =	vpop (erf)  }
0x9f: {  	v19 =	vperm.xlane v27, v4;
	v29 =	vadd.f32 v15, v13;
	v12 =	vld [tilespmem:s22+$0x2240];
	[tilespmem:s24+$0x4220] =	vst v14;
	v15 =	vmul.f32 v22, v28  }
0xa0: {  	v13 =	vld [tilespmem:s22+$0x200];
	v21 =	vadd.f32 v21, v30;
	v22 =	vperm.xlane v24, v1;
	[tilespmem:s24+$0x4230] =	vst v18;
	v18 =	vmul.f32 v20, v28;
	v16 =	vpop (erf)  }
0xa1: {  	v20 =	vadd.f32 v27, v19;
	v19 =	vperm.xlane v29, v4;
	v14 =	vld [tilespmem:s22+$0x2200];
	[tilespmem:s24+$0x4240] =	vst v15;
	v25 =	vmul.f32 v25, v16  }
.Ltmp0:
0xa2: {  	v30 =	vmul.f32 v2, v23;
	v15 =	vld [tilespmem:s22+$0x210];
	v27 =	vadd.f32 v24, v22;
	[tilespmem:s24+$0x4250] =	vst v18;
	v24 =	vmul.f32 v17, v16;
	(pc) =	sbr.rel @p0 .LBB2_3-.Ltmp0, $4  }
0xa3: {  	v23 =	vperm.xlane v20, v6;
	v22 =	vadd.f32 v29, v19;
	v29 =	vperm.xlane v21, v4;
	v18 =	vld [tilespmem:s22+$0x2210];
	[tilespmem:s24+$0x4260] =	vst v25  }
0xa4: {  	v26 =	vmul.f32 v3, v26;
	v17 =	vld [tilespmem:s22+$0x220];
	v31 =	vperm.xlane v27, v4;
	[tilespmem:s24+$0x4270] =	vst v24  }
0xa5: {  	v24 =	vadd.f32 v20, v23;
	v25 =	vperm.xlane v22, v6;
	v23 =	vadd.f32 v21, v29;
	v19 =	vld [tilespmem:s22+$0x2220]  }
0xa6: {  	s11 =	sadd.s32 $0x200, s11;
	v26 =	vadd.f32 v26, v30;
	v20 =	vld [tilespmem:s22+$0x230];
	v21 =	vadd.f32 v27, v31;
	v27 =	vmul.f32 v5, v28  }
0xa7: {  	v28 =	vld [tilespmem:s22+$0x2230]  }
0xa8: {  	v24 =	vmul.f32 $1.442695020e+00, v24;
	v41 =	vperm.xlane v23, v6;
	v42 =	vld [tilespmem:s22+$0x250]  }
0xa9: {  	v22 =	vadd.f32 v22, v25;
	v16 =	vmul.f32 v7, v16;
	v43 =	vld [tilespmem:s22+$0x2250];
	v13 =	vmul.f32 v14, v13  }
0xaa: {  	v45 =	vld [tilespmem:s22+$0x270];
	v11 =	vmul.f32 v12, v11;
	v9 =	vmul.f32 v10, v9;
	v26 =	vadd.f32 v27, v26  }
0xab: {  	v47 =	vld [tilespmem:s22+$0x2270];
	v44 =	vmul.f32 v18, v15;
	v23 =	vadd.f32 v23, v41;
	(erf) = vpow2.f32 v24  }
0xac: {  	v29 =	vperm.xlane v21, v6;
	v22 =	vmul.f32 $1.442695020e+00, v22;
	v16 =	vadd.f32 v16, v26  }
0xad: {  	v17 =	vmul.f32 v19, v17;
	v13 =	vadd.f32 v44, v13;
	v46 =	vmul.f32 $1.442695020e+00, v23  }
0xae: {  	(erf) = vpow2.f32 v22;
	v48 =	vmul.f32 v28, v20  }
0xaf: {  	[tilespmem:s24+$0x1A280] =	vst v16;
	v50 =	vperm.xlane v13, v0;
	v51 =	vmul.f32 v43, v42  }
0xb0: {  	v49 =	vadd.f32 v21, v29;
	v10 =	vmul.f32 v47, v45;
	v52 =	vld [tilespmem:s15+$0x4200];
	v17 =	vadd.f32 v48, v17  }
0xb1: {  	(erf) = vpow2.f32 v46;
	v53 =	vld [tilespmem:s15+$0x4210];
	v13 =	vadd.f32 v13, v50;
	v11 =	vadd.f32 v51, v11  }
0xb2: {  	v14 =	vmul.f32 $1.442695020e+00, v49;
	v9 =	vadd.f32 v10, v9;
	v54 =	vperm.xlane v17, v0  }
0xb3: {  	v55 =	vld [tilespmem:s15+$0x4220];
	v57 =	vperm.xlane v13, v1;
	v58 =	vperm.xlane v11, v0  }
0xb4: {  	v56 =	vld [tilespmem:s15+$0x4230];
	(erf) = vpow2.f32 v14;
	v62 =	vperm.xlane v9, v0;
	v16 =	vadd.f32 v17, v54;
	v59 =	vpop (erf)  }
0xb5: {  	v13 =	vadd.f32 v13, v57;
	v11 =	vadd.f32 v11, v58;
	v18 =	vmul.f32 v52, v59  }
0xb6: {  	v10 =	vld [tilespmem:s15+$0x4240];
	v9 =	vadd.f32 v9, v62;
	v19 =	vmul.f32 v53, v59;
	v61 =	vperm.xlane v16, v1  }
0xb7: {  	v20 =	vmul.f32 v2, v59;
	v28 =	vperm.xlane v13, v4  }
0xb8: {  	v60 =	vld [tilespmem:s15+$0x4250];
	v63 =	vpop (erf);
	v30 =	vperm.xlane v11, v1;
	v33 =	vperm.xlane v9, v1;
	v15 =	vadd.f32 v16, v61  }
0xb9: {  	v12 =	vmul.f32 v55, v63;
	v14 =	vmul.f32 v56, v63  }
0xba: {  	v29 =	vld [tilespmem:s15+$0x4260];
	v31 =	vpop (erf);
	v13 =	vadd.f32 v13, v28;
	v11 =	vadd.f32 v11, v30;
	v32 =	vperm.xlane v15, v4  }
0xbb: {  	v22 =	vmul.f32 v3, v63;
	v9 =	vadd.f32 v9, v33;
	v10 =	vmul.f32 v10, v31  }
0xbc: {  	v34 =	vperm.xlane v13, v6;
	v36 =	vperm.xlane v11, v4;
	v15 =	vadd.f32 v15, v32  }
0xbd: {  	v21 =	vmul.f32 v60, v31;
	v20 =	vadd.f32 v22, v20;
	v39 =	vperm.xlane v9, v4  }
0xbe: {  	v37 =	vld [tilespmem:s15+$0x4270];
	[tilespmem:s15+$0x4200] =	vst v18;
	v35 =	vpop (erf);
	v13 =	vadd.f32 v13, v34;
	v11 =	vadd.f32 v11, v36;
	v38 =	vperm.xlane v15, v6  }
0xbf: {  	[tilespmem:s15+$0x4210] =	vst v19;
	v40 =	vmul.f32 v5, v31;
	v16 =	vmul.f32 v29, v35;
	v9 =	vadd.f32 v9, v39  }
0xc0: {  	[tilespmem:s15+$0x4220] =	vst v12;
	v13 =	vmul.f32 $1.442695020e+00, v13;
	v41 =	vperm.xlane v11, v6;
	v15 =	vadd.f32 v15, v38  }
0xc1: {  	v42 =	vmul.f32 v7, v35;
	[tilespmem:s15+$0x4240] =	vst v10;
	v10 =	vadd.f32 v40, v20;
	v45 =	vperm.xlane v9, v6  }
0xc2: {  	[tilespmem:s15+$0x4230] =	vst v14;
	(erf) = vpow2.f32 v13;
	v11 =	vadd.f32 v11, v41;
	v43 =	vmul.f32 $1.442695020e+00, v15  }
0xc3: {  	v44 =	vmul.f32 v37, v35;
	[tilespmem:s15+$0x4250] =	vst v21;
	v10 =	vadd.f32 v42, v10  }
0xc4: {  	[tilespmem:s15+$0x4260] =	vst v16;
	v9 =	vadd.f32 v9, v45;
	v11 =	vmul.f32 $1.442695020e+00, v11;
	(erf) = vpow2.f32 v43  }
0xc5: {  	[tilespmem:s15+$0x4270] =	vst v44  }
0xc6: {  	[tilespmem:s15+$0x1A280] =	vst v10;
	v9 =	vmul.f32 $1.442695020e+00, v9;
	(erf) = vpow2.f32 v11  }
0xc7: {  	v10 =	vld [tilespmem:s22+$0x4200]  }
0xc8: {  	v11 =	vld [tilespmem:s22+$0x4210];
	(erf) = vpow2.f32 v9  }
0xc9: {  	v9 =	vld [tilespmem:s22+$0x4220]  }
0xca: {  	v46 =	vld [tilespmem:s22+$0x4230]  }
0xcb: {  	v13 =	vld [tilespmem:s22+$0x4240];
	v47 =	vpop (erf)  }
0xcc: {  	v48 =	vld [tilespmem:s22+$0x4250];
	v10 =	vmul.f32 v10, v47  }
0xcd: {  	v16 =	vld [tilespmem:s22+$0x4260];
	v11 =	vmul.f32 v11, v47;
	v14 =	vmul.f32 v2, v47;
	v49 =	vpop (erf)  }
0xce: {  	[tilespmem:s22+$0x4200] =	vst v10;
	v10 =	vld [tilespmem:s22+$0x4270];
	v9 =	vmul.f32 v9, v49;
	v50 =	vmul.f32 v3, v49  }
0xcf: {  	[tilespmem:s22+$0x4210] =	vst v11;
	v11 =	vmul.f32 v46, v49;
	v51 =	vpop (erf)  }
0xd0: {  	v53 =	vmul.f32 v5, v51;
	[tilespmem:s22+$0x4220] =	vst v9;
	v9 =	vmul.f32 v13, v51;
	v52 =	vadd.f32 v50, v14  }
0xd1: {  	v54 =	vpop (erf);
	[tilespmem:s22+$0x4230] =	vst v11;
	v11 =	vmul.f32 v48, v51  }
0xd2: {  	v55 =	vmul.f32 v7, v54;
	[tilespmem:s22+$0x4240] =	vst v9;
	v9 =	vmul.f32 v16, v54;
	v13 =	vadd.f32 v53, v52  }
0xd3: {  	v10 =	vmul.f32 v10, v54;
	[tilespmem:s22+$0x4250] =	vst v11  }
0xd4: {  	[tilespmem:s22+$0x4260] =	vst v9;
	v9 =	vadd.f32 v55, v13  }
0xd5: {  	[tilespmem:s22+$0x4270] =	vst v10  }
0xd6: {  	[tilespmem:s22+$0x1A280] =	vst v9  }
0xd7: {  	[spmem:s3] =	stream.indirect.scatter.add.f32 [tilespmem:s28], [sflag:$0x4], $0x80, s19, s21, $0xb8;
	[tilespmem:$0x1EA80] =	vst v63  }
0xd8: {  	_ =	swait.ge [sflag:s17], $0x2000  }
0xd9: {  	s11 =	simm.s32 $0x0;
	[sflag:s17] =	ssyncset.done $0x0  }
0xda: {  	s24 =	sand.u32 $0x30, s11;
	[sflag:s17] =	ssyncadd.s32 $0xFFFFE000  }
0xdb: {  	v9 =	vld [tilespmem:s24+$0x80];
	_ =	sdelay $0x3  }
0xdc: {  	s15 =	simm.s32 $0x1A280;
	v10 =	vmov s11  }
0xdd: {  	v11 =	vld [tilespmem:s15+$0x0];
	v9 =	vperm.xlane v9, v10;
	_ =	sdelay $0x1  }
0xde: {  	v9 =	vand.u32 $0x7, v9  }
0xdf: {  	vm0 =	veq.s32 v9, $0x1  }
0xe0: {  	vm1 =	veq.s32 v9, $0x0;
	v10 =	vsel vm0, $0x3F800000, v8  }
0xe1: {  	vm10 =	veq.s32 v9, $0x2;
	v56 =	vsel vm1, $0x3F800000, v8;
	v10 =	vmul.f32 v10, v11  }
0xe2: {  	s11 =	simm.s32 $0x4240;
	vm12 =	veq.s32 v9, $0x4;
	v57 =	vsel vm10, $0x3F800000, v8;
	v12 =	vmul.f32 v56, v11  }
0xe3: {  	vm11 =	veq.s32 v9, $0x3;
	v59 =	vsel vm12, $0x3F800000, v8;
	v13 =	vmul.f32 v57, v11;
	[tilespmem:s11+$0xFFFFFFD0] =	vst v10  }
0xe4: {  	vm13 =	veq.s32 v9, $0x5;
	v58 =	vsel vm11, $0x3F800000, v8;
	v60 =	vmul.f32 v59, v11;
	[tilespmem:s11+$0xFFFFFFC0] =	vst v12  }
0xe5: {  	vm14 =	veq.s32 v9, $0x6;
	v61 =	vsel vm13, $0x3F800000, v8;
	v10 =	vmul.f32 v58, v11;
	[tilespmem:s11+$0xFFFFFFE0] =	vst v13  }
0xe6: {  	vm15 =	veq.s32 v9, $0x7;
	v63 =	vsel vm14, $0x3F800000, v8;
	v62 =	vmul.f32 v61, v11;
	[tilespmem:s11+$0x0] =	vst v60  }
0xe7: {  	v9 =	vmul.f32 v63, v11;
	[tilespmem:s11+$0xFFFFFFF0] =	vst v10;
	v10 =	vsel vm15, $0x3F800000, v8  }
0xe8: {  	[tilespmem:s11+$0x10] =	vst v62;
	v10 =	vmul.f32 v10, v11  }
0xe9: {  	s22 =	simm.s32 $0x1;
	[tilespmem:s11+$0x20] =	vst v9  }
0xea: {  	s16 =	sand.u32 $0x30, s22;
	s24 =	simm.s32 $0x2;
	[tilespmem:s11+$0x30] =	vst v10  }
.LBB2_5:
0xeb: {  	p0 =	sne.s32 s24, $0x3F;
	v9 =	vld [tilespmem:s16+$0x80];
	_ =	sdelay $0x3  }
0xec: {  	v10 =	vmov s22;
	s15 =	sadd.s32 $0x80, s15;
	s22 =	smov.u32 s24  }
0xed: {  	v11 =	vld [tilespmem:s15+$0x0];
	v9 =	vperm.xlane v9, v10;
	_ =	sdelay $0x1  }
0xee: {  	v9 =	vand.u32 $0x7, v9  }
0xef: {  	vm0 =	veq.s32 v9, $0x0;
	vm1 =	veq.s32 v9, $0x1;
	vm2 =	veq.s32 v9, $0x2  }
0xf0: {  	v10 =	vsel vm0, $0x3F800000, v8;
	v12 =	vsel vm1, $0x3F800000, v8;
	v13 =	vsel vm2, $0x3F800000, v8  }
0xf1: {  	vm0 =	veq.s32 v9, $0x3;
	v10 =	vmul.f32 v10, v11;
	v12 =	vmul.f32 v12, v11  }
0xf2: {  	s11 =	sadd.s32 $0x80, s11;
	v13 =	vmul.f32 v13, v11;
	v14 =	vsel vm0, $0x3F800000, v8;
	vm0 =	veq.s32 v9, $0x4  }
0xf3: {  	[tilespmem:s11+$0xFFFFFFD0] =	vst v12;
	v12 =	vmul.f32 v14, v11;
	v14 =	vsel vm0, $0x3F800000, v8;
	vm0 =	veq.s32 v9, $0x5  }
0xf4: {  	[tilespmem:s11+$0xFFFFFFC0] =	vst v10;
	v10 =	vmul.f32 v14, v11;
	v14 =	vsel vm0, $0x3F800000, v8;
	vm0 =	veq.s32 v9, $0x6  }
0xf5: {  	[tilespmem:s11+$0xFFFFFFE0] =	vst v13;
	v13 =	vmul.f32 v14, v11;
	v14 =	vsel vm0, $0x3F800000, v8;
	vm0 =	veq.s32 v9, $0x7  }
.Ltmp1:
0xf6: {  	[tilespmem:s11+$0xFFFFFFF0] =	vst v12;
	v9 =	vmul.f32 v14, v11;
	v12 =	vsel vm0, $0x3F800000, v8;
	(pc) =	sbr.rel @p0 .LBB2_5-.Ltmp1, $4  }
0xf7: {  	[tilespmem:s11+$0x0] =	vst v10;
	v10 =	vmul.f32 v12, v11  }
0xf8: {  	[tilespmem:s11+$0x10] =	vst v13  }
0xf9: {  	[tilespmem:s11+$0x20] =	vst v9  }
0xfa: {  	s24 =	sadd.s32 $0x1, s24;
	s16 =	sand.u32 $0x30, s22;
	[tilespmem:s11+$0x30] =	vst v10  }
0xfb: {  	v9 =	vld [tilespmem:s16+$0x80];
	_ =	sdelay $0x3  }
0xfc: {  	v10 =	vmov s22;
	s15 =	sadd.s32 $0x80, s15  }
0xfd: {  	v11 =	vld [tilespmem:s15+$0x0];
	v9 =	vperm.xlane v9, v10;
	_ =	sdelay $0x1  }
0xfe: {  	v9 =	vand.u32 $0x7, v9  }
0xff: {  	vm0 =	veq.s32 v9, $0x1  }
0x100: {  	vm1 =	veq.s32 v9, $0x0;
	v10 =	vsel vm0, $0x3F800000, v8  }
0x101: {  	vm10 =	veq.s32 v9, $0x2;
	v12 =	vsel vm1, $0x3F800000, v8;
	v10 =	vmul.f32 v10, v11  }
0x102: {  	s11 =	sadd.s32 $0x80, s11;
	vm12 =	veq.s32 v9, $0x4;
	v13 =	vsel vm10, $0x3F800000, v8;
	v12 =	vmul.f32 v12, v11  }
0x103: {  	vm11 =	veq.s32 v9, $0x3;
	v59 =	vsel vm12, $0x3F800000, v8;
	v13 =	vmul.f32 v13, v11;
	[tilespmem:s11+$0xFFFFFFD0] =	vst v10  }
0x104: {  	vm13 =	veq.s32 v9, $0x5;
	v14 =	vsel vm11, $0x3F800000, v8;
	v60 =	vmul.f32 v59, v11;
	[tilespmem:s11+$0xFFFFFFC0] =	vst v12  }
0x105: {  	vm14 =	veq.s32 v9, $0x6;
	v61 =	vsel vm13, $0x3F800000, v8;
	v10 =	vmul.f32 v14, v11;
	[tilespmem:s11+$0xFFFFFFE0] =	vst v13  }
0x106: {  	vm15 =	veq.s32 v9, $0x7;
	v63 =	vsel vm14, $0x3F800000, v8;
	v62 =	vmul.f32 v61, v11;
	[tilespmem:s11+$0x0] =	vst v60  }
0x107: {  	v9 =	vmul.f32 v63, v11;
	[tilespmem:s11+$0xFFFFFFF0] =	vst v10;
	v10 =	vsel vm15, $0x3F800000, v8  }
0x108: {  	s7 =	sadd.s32 $0x1, s7;
	[tilespmem:s11+$0x10] =	vst v62;
	v10 =	vmul.f32 v10, v11  }
0x109: {  	p0 =	sne.s32 s7, s12;
	[tilespmem:s11+$0x20] =	vst v9  }
.Ltmp2:
0x10a: {  	[tilespmem:s11+$0x30] =	vst v10;
	(pc) =	sbr.rel @p0 .LBB2_2-.Ltmp2, $4  }
0x10b: {  	[spmem:s4] =	stream.indirect.scatter.add.f32 [tilespmem:s28], [sflag:$0x4], $0x80, s0, s21, $0xb8;
	[tilespmem:$0x1EA80] =	vst v63  }
0x10c: {  	_ =	swait.ge [sflag:s17], $0x2000  }
0x10d: {  	[sflag:s17] =	ssyncset.done $0x0  }
0x10e: {  	[sflag:s17] =	ssyncadd.s32 $0xFFFFE000  }
0x10f: {  	[bflag:$0x0] =	sbarrier.arrive $0xFFFF  }
0x110: {  	s7 =	rddreg [dreg:$0x9]  }
0x111: {  	[hbm:s7], [sflag:s13] =	dma.local [spmem:s18], $0x2800  }
0x112: {  	_ =	swait.ge [sflag:s17], $0x2800  }
0x113: {  	[sflag:s17] =	ssyncset.done $0x0;
	s15 =	rddreg [dreg:$0x8]  }
0x114: {  	s22 =	rddreg [dreg:$0xa];
	[sflag:s17] =	ssyncadd.s32 $0xFFFFD800  }
0x115: {  	[hbm:s22], [sflag:s13] =	dma.local [spmem:s15], $0x500  }
0x116: {  	_ =	swait.ge [sflag:s17], $0x500  }
0x117: {  	s5 =	sadd.s32 $0x1, s5;
	s24 =	rddreg [dreg:$0x7]  }
0x118: {  	p0 =	sne.s32 s5, s24  }
.Ltmp3:
0x119: {  	_ = 	snop;
	(pc) =	sbr.rel @p0 .LBB2_1-.Ltmp3, $3  }
0x11a: {  	_ =	sdelay $0x1  }
0x11b: {  	[sflag:s17] =	ssyncset.done $0x0  }
0x11c: {  	s16 =	smov.u32 s18;
	[sflag:s17] =	ssyncadd.s32 $0xFFFFFB00  }
0x11d: {  	_ =	sfence.sel $0x180000  }
0x11e: {  	[bflag:$0x0] =	sbarrier.arrive $0xFFFF  }
0x11f: {  	_ =	strace $0x90000047  }
0x120: {  	s0 =	stileid.u32;
	[bflag:$0x2] =	sbarrier.arrive $0xFFFF  }
0x121: {  	p0 =	sne.s32 s0, $0x0;
	s0 =	rddreg [dreg:$0x5]  }
0x122: {  	s0 =	sadd.s32 @!p0 $0x100000, s0  }
0x123: {  	[sflag:s0] =	ssyncadd.tile.s32 @!p0 $0x1;
	_ =	shalt  }
.Lfunc_end2:
_tile_overlayer_lowered:
.L_overlay_start_2:
0x124: {  	(tag) =	ssettag $0x2  }
0x125: {  	s0 =	rddreg [dreg:$0x0];
	s2 =	stileid.u32  }
0x126: {  	s1 =	rddreg [dreg:$0x1];
	p0 =	sne.s32 s2, $0x0  }
0x127: {  	s3 =	rddreg [dreg:$0x2];
	[bflag:$0x3] =	sbarrier.arrive $0xFFFF;
	s2 =	simm.s32 @!p0 $0x1C04  }
0x128: {  	[timem:s3], [sflag:s2] =	dma.local @!p0 [hbm:s0], s1  }
0x129: {  	s0 =	simm.s32 @!p0 $0x4  }
0x12a: {  	_ =	swait.ge @!p0 [sflag:s0], s1  }
0x12b: {  	s1 =	ssub.s32 @!p0 $0x0, s1;
	[sflag:s0] =	ssyncset.done @!p0 $0x0  }
0x12c: {  	[sflag:s0] =	ssyncadd.s32 @!p0 s1  }
0x12d: {  	[bflag:$0x3] =	sbarrier.arrive $0xFFFF  }
0x12e: {  	_ =	shalt  }

</sc_bundles>
